<compile_context>
chip_gen: v7x
topology: tpu7x:2x2x1
jax: 0.10.2.dev20260603
libtpu: 0.0.44.dev20260713+nightly
codegen_flags: <defaults>
</compile_context>

<pallas_src>
import functools

import jax
import jax.numpy as jnp
from jax import lax
from jax.experimental import pallas as pl
from jax.experimental.pallas import tpu as pltpu
from jax.experimental.pallas import tpu_sc as plsc

X0 = 0.0
Y0 = -39.68
VOX = 0.16
GW = 432
GH = 496
HWC = GH * GW
EPS = 1e-5
NB = 2048


def _aug_block(p):
    x = p[0:1]
    y = p[1:2]
    xi = ((x - X0) / VOX).astype(jnp.int32)
    yi = ((y - Y0) / VOX).astype(jnp.int32)
    in_m = (xi >= 0) & (xi < GW) & (yi >= 0) & (yi < GH)
    w = in_m.astype(jnp.float32)
    x_c = xi.astype(jnp.float32) * VOX + X0 + VOX / 2
    y_c = yi.astype(jnp.float32) * VOX + Y0 + VOX / 2
    dx = x - x_c
    dy = y - y_c
    aug = jnp.concatenate([p[0:5], dx, dy, jnp.zeros_like(dx)], axis=0)
    idx = jnp.where(in_m, yi * GW + xi, HWC)
    return aug, w, idx


def _affine(stats_blk, g, bt):
    s = stats_blk[:, 0:1]
    q = stats_blk[:, 1:2]
    cnt = stats_blk[:, 2:3]
    m = s / cnt
    v = q / cnt - m * m
    inv = g / jnp.sqrt(v + EPS)
    return inv, bt - m * inv


def _p1_body(pts_ref, w1_ref, p1_ref, stats_out, idx_out, acc):
    i = pl.program_id(1)
    aug, w, idx = _aug_block(pts_ref[0])
    h1 = jnp.dot(w1_ref[...], aug, preferred_element_type=jnp.float32) + p1_ref[:, 0:1]

    @pl.when(i == 0)
    def _():
        acc[...] = jnp.zeros_like(acc)

    acc[:, 0:1] += jnp.sum(h1 * w, axis=1, keepdims=True)
    acc[:, 1:2] += jnp.sum(h1 * h1 * w, axis=1, keepdims=True)
    acc[:, 2:3] += jnp.sum(w) * jnp.ones((64, 1), jnp.float32)
    stats_out[...] = acc[...][None]
    idx_out[...] = idx[None]


def _p2_body(pts_ref, w1_ref, w2_ref, p1_ref, st1_ref, stats_out, acc):
    i = pl.program_id(1)
    aug, w, _ = _aug_block(pts_ref[0])
    h1 = jnp.dot(w1_ref[...], aug, preferred_element_type=jnp.float32) + p1_ref[:, 0:1]
    sc1, sh1 = _affine(st1_ref[0], p1_ref[:, 1:2], p1_ref[:, 2:3])
    a1 = jax.nn.relu(h1 * sc1 + sh1)
    h2 = jnp.dot(w2_ref[...], a1, preferred_element_type=jnp.float32) + p1_ref[:, 3:4]

    @pl.when(i == 0)
    def _():
        acc[...] = jnp.zeros_like(acc)

    acc[:, 0:1] += jnp.sum(h2 * w, axis=1, keepdims=True)
    acc[:, 1:2] += jnp.sum(h2 * h2 * w, axis=1, keepdims=True)
    acc[:, 2:3] += jnp.sum(w) * jnp.ones((64, 1), jnp.float32)
    stats_out[...] = acc[...][None]


def _p3_body(N, pts_ref, w1_ref, w2_ref, w3_ref, p1_ref, p3_ref, st1_ref,
             st2_ref, feat_out):
    i = pl.program_id(1)
    aug, _, _ = _aug_block(pts_ref[0])
    h1 = jnp.dot(w1_ref[...], aug, preferred_element_type=jnp.float32) + p1_ref[:, 0:1]
    sc1, sh1 = _affine(st1_ref[0], p1_ref[:, 1:2], p1_ref[:, 2:3])
    a1 = jax.nn.relu(h1 * sc1 + sh1)
    h2 = jnp.dot(w2_ref[...], a1, preferred_element_type=jnp.float32) + p1_ref[:, 3:4]
    sc2, sh2 = _affine(st2_ref[0], p1_ref[:, 4:5], p1_ref[:, 5:6])
    a2 = jax.nn.relu(h2 * sc2 + sh2)
    feat = jnp.dot(w3_ref[...], a2, preferred_element_type=jnp.float32) + p3_ref[:, 0:1]
    fb = feat.astype(jnp.bfloat16)
    bits = lax.bitcast_convert_type(fb, jnp.uint16)
    packed = (bits[64:128].astype(jnp.uint32) << 16) | bits[0:64].astype(jnp.uint32)
    pos = i * NB + lax.broadcasted_iota(jnp.int32, (1, NB), 1)
    packed = jnp.where(pos < N, packed, jnp.uint32(0))
    feat_out[...] = lax.bitcast_convert_type(packed, jnp.int32)[None]


def _mlp_feat(ptsT, W1, W2, W3, P1, P3, B, NP, N):
    nblk = NP // NB
    grid = (B, nblk)
    pts_spec = pl.BlockSpec((1, 8, NB), lambda b, i: (b, 0, i))
    full = lambda shape: pl.BlockSpec(shape, lambda b, i: (0,) * len(shape))
    st_spec = pl.BlockSpec((1, 64, 8), lambda b, i: (b, 0, 0))

    stats1, idx = pl.pallas_call(
        _p1_body,
        grid=grid,
        in_specs=[pts_spec, full((64, 8)), full((64, 8))],
        out_specs=[st_spec, pl.BlockSpec((1, 1, NB), lambda b, i: (b, 0, i))],
        out_shape=[
            jax.ShapeDtypeStruct((B, 64, 8), jnp.float32),
            jax.ShapeDtypeStruct((B, 1, NP), jnp.int32),
        ],
        scratch_shapes=[pltpu.VMEM((64, 8), jnp.float32)],
        compiler_params=pltpu.CompilerParams(
            dimension_semantics=("arbitrary", "arbitrary")),
    )(ptsT, W1, P1)

    stats2 = pl.pallas_call(
        _p2_body,
        grid=grid,
        in_specs=[pts_spec, full((64, 8)), full((64, 64)), full((64, 8)), st_spec],
        out_specs=st_spec,
        out_shape=jax.ShapeDtypeStruct((B, 64, 8), jnp.float32),
        scratch_shapes=[pltpu.VMEM((64, 8), jnp.float32)],
        compiler_params=pltpu.CompilerParams(
            dimension_semantics=("arbitrary", "arbitrary")),
    )(ptsT, W1, W2, P1, stats1)

    featP = pl.pallas_call(
        functools.partial(_p3_body, N),
        grid=grid,
        in_specs=[pts_spec, full((64, 8)), full((64, 64)), full((128, 64)),
                  full((64, 8)), full((128, 8)), st_spec, st_spec],
        out_specs=pl.BlockSpec((1, 64, NB), lambda b, i: (b, 0, i)),
        out_shape=jax.ShapeDtypeStruct((B, 64, NP), jnp.int32),
        compiler_params=pltpu.CompilerParams(
            dimension_semantics=("arbitrary", "arbitrary")),
    )(ptsT, W1, W2, W3, P1, P3, stats1, stats2)

    return featP, idx



NC, NS = 2, 16
NWORK = NC * NS
RPW = 6704
WPAD = NWORK * RPW
SCH = 1024
CC = 1728


def _winner_body(B, NP, N, idx_hbm, win_hbm, ibuf0, ibuf1, win_buf, sem0,
                 sem1):
    wid = lax.axis_index("s") * NC + lax.axis_index("c")
    lo = wid * RPW
    lane = lax.iota(jnp.int32, 16)
    empty = jnp.full((16,), N, jnp.int32)
    NCH = NP // SCH
    bufs = ((ibuf0, sem0), (ibuf1, sem1))

    for b in range(B):
        def init_body(i, _):
            win_buf[pl.ds(i * 16, 16)] = empty
            return 0
        lax.fori_loop(0, RPW // 16, init_body, 0, unroll=8)

        base = b * NP
        pltpu.async_copy(idx_hbm.at[pl.ds(base, SCH)], ibuf0, sem0)
        pltpu.async_copy(idx_hbm.at[pl.ds(base + SCH, SCH)], ibuf1, sem1)

        def pair_body(g, _):
            for par, (buf, sem) in enumerate(bufs):
                ci = 2 * g + par
                pltpu.make_async_copy(
                    idx_hbm.at[pl.ds(base, SCH)], buf, sem).wait()

                def j_body(j, _):
                    cs = [buf[pl.ds((j * 8 + k) * 16, 16)] for k in range(8)]
                    lasts = [plsc.scan_count(c)[1] for c in cs]
                    for k in range(8):
                        cells = cs[k]
                        n = (ci * SCH + (j * 8 + k) * 16) + lane
                        off = cells - lo
                        m = lasts[k] & (off.astype(jnp.uint32)
                                        < jnp.uint32(RPW))
                        plsc.store_scatter(win_buf, [off], n, mask=m)
                    return 0

                lax.fori_loop(0, SCH // 128, j_body, 0)

                @pl.when(ci + 2 < NCH)
                def _():
                    pltpu.async_copy(
                        idx_hbm.at[pl.ds(base + (ci + 2) * SCH, SCH)],
                        buf, sem)
            return 0

        lax.fori_loop(0, NCH // 2, pair_body, 0)
        pltpu.sync_copy(win_buf, win_hbm.at[pl.ds(b * WPAD + lo, RPW)])


def _gather_groups(plane_buf, wbuf, olo, ohi, offs):
    ws = [wbuf[pl.ds(o, 16)] for o in offs]
    gs = [plsc.load_gather(plane_buf, [w]) for w in ws]
    for o, g in zip(offs, gs):
        olo[pl.ds(o, 16)] = plsc.bitcast(g << 16, jnp.float32)
        ohi[pl.ds(o, 16)] = plsc.bitcast(g & jnp.int32(-65536), jnp.float32)


def _gather_body(B, NP, N, feat_hbm, win_hbm, out_hbm, plane_buf,
                 wbuf0, wbuf1, olo0, olo1, ohi0, ohi1,
                 wsem0, wsem1, lsem0, lsem1, hsem0, hsem1):
    wid = lax.axis_index("s") * NC + lax.axis_index("c")
    NCC = HWC // CC
    bufs = ((wbuf0, wsem0, olo0, lsem0, ohi0, hsem0),
            (wbuf1, wsem1, olo1, lsem1, ohi1, hsem1))

    for b in range(B):
        wbase = b * WPAD
        for p in range(2):
            row = wid * 2 + p
            PL = min(N + 16, NP)
            pltpu.sync_copy(feat_hbm.at[pl.ds((b * 64 + row) * NP, PL)],
                            plane_buf.at[pl.ds(0, PL)])
            lobase = (b * 128 + row) * HWC
            hibase = (b * 128 + row + 64) * HWC

            pltpu.async_copy(win_hbm.at[pl.ds(wbase, CC)], wbuf0, wsem0)
            pltpu.async_copy(win_hbm.at[pl.ds(wbase + CC, CC)], wbuf1, wsem1)

            def pair_body(g, _):
                for par, (wbuf, wsem, olo, lsem, ohi, hsem) in enumerate(bufs):
                    ci = 2 * g + par
                    pltpu.make_async_copy(
                        win_hbm.at[pl.ds(wbase, CC)], wbuf, wsem).wait()

                    @pl.when(ci >= 2)
                    def _():
                        pltpu.make_async_copy(
                            olo, out_hbm.at[pl.ds(lobase, CC)], lsem).wait()
                        pltpu.make_async_copy(
                            ohi, out_hbm.at[pl.ds(hibase, CC)], hsem).wait()

                    def j_batch(j, _):
                        base = j * 144
                        _gather_groups(
                            plane_buf, wbuf, olo, ohi,
                            [base + k * 16 for k in range(9)])
                        return 0

                    lax.fori_loop(0, 12, j_batch, 0)

                    pltpu.async_copy(
                        olo, out_hbm.at[pl.ds(lobase + ci * CC, CC)], lsem)
                    pltpu.async_copy(
                        ohi, out_hbm.at[pl.ds(hibase + ci * CC, CC)], hsem)

                    @pl.when(ci + 2 < NCC)
                    def _():
                        pltpu.async_copy(
                            win_hbm.at[pl.ds(wbase + (ci + 2) * CC, CC)],
                            wbuf, wsem)
                return 0

            lax.fori_loop(0, NCC // 2, pair_body, 0)
            for buf, base_, sem in ((olo0, lobase, lsem0), (olo1, lobase, lsem1),
                                    (ohi0, hibase, hsem0), (ohi1, hibase, hsem1)):
                pltpu.make_async_copy(
                    buf, out_hbm.at[pl.ds(base_, CC)], sem).wait()


def _sc_scatter(featP, idx, NP, N):
    mesh = plsc.VectorSubcoreMesh(core_axis_name="c", subcore_axis_name="s",
                                  num_cores=NC, num_subcores=NS)
    winner = pl.kernel(
        functools.partial(_winner_body, 1, NP, N),
        out_type=jax.ShapeDtypeStruct((WPAD,), jnp.int32),
        mesh=mesh,
        scratch_types=[
            pltpu.VMEM((SCH,), jnp.int32),
            pltpu.VMEM((SCH,), jnp.int32),
            pltpu.VMEM((RPW,), jnp.int32),
            pltpu.SemaphoreType.DMA,
            pltpu.SemaphoreType.DMA,
        ],
        compiler_params=pltpu.CompilerParams(needs_layout_passes=False),
    )(idx)

    canvas = pl.kernel(
        functools.partial(_gather_body, 1, NP, N),
        out_type=jax.ShapeDtypeStruct((128 * HWC,), jnp.float32),
        mesh=mesh,
        scratch_types=[
            pltpu.VMEM((N + 16,), jnp.int32),
            pltpu.VMEM((CC,), jnp.int32),
            pltpu.VMEM((CC,), jnp.int32),
            pltpu.VMEM((CC,), jnp.float32),
            pltpu.VMEM((CC,), jnp.float32),
            pltpu.VMEM((CC,), jnp.float32),
            pltpu.VMEM((CC,), jnp.float32),
            pltpu.SemaphoreType.DMA,
            pltpu.SemaphoreType.DMA,
            pltpu.SemaphoreType.DMA,
            pltpu.SemaphoreType.DMA,
            pltpu.SemaphoreType.DMA,
            pltpu.SemaphoreType.DMA,
        ],
        compiler_params=pltpu.CompilerParams(needs_layout_passes=False),
    )(featP, winner)
    return canvas


def kernel(points_list, W1, b1, g1, bt1, W2, b2, g2, bt2, W3, b3):
    B, N, _ = points_list.shape
    NP = ((N + NB - 1) // NB) * NB
    if NP == N:
        NP += NB
    pts = jnp.pad(points_list, ((0, 0), (0, NP - N), (0, 0)),
                  constant_values=-1e4)
    ptsT = jnp.swapaxes(pts, 1, 2)
    ptsT = jnp.pad(ptsT, ((0, 0), (0, 3), (0, 0)))
    P1 = jnp.stack([b1, g1, bt1, b2, g2, bt2, b1, b1], axis=1)
    P3 = jnp.pad(b3[:, None], ((0, 0), (0, 7)))

    feats = [_mlp_feat(ptsT[b:b + 1], W1, W2, W3, P1, P3, 1, NP, N)
             for b in range(B)]
    outs = []
    for b in range(B):
        featP, idx = feats[b]
        canvas = _sc_scatter(featP.reshape(-1), idx.reshape(-1), NP, N)
        outs.append(canvas.reshape(128, GH, GW))
    return jnp.stack(outs)

# --- scband reference (transcript-rebuilt; emitter-appended) ---
"""Pipeline reference for scband-pillar-encoder-90649579749550 (READ-ONLY COPY).

The authoritative reference and input builder live on the scoring server;
editing this copy changes nothing except your own understanding.
"""

import jax, jax.numpy as jnp
import numpy as np

X_RANGE = (0.0, 69.12)
Y_RANGE = (-39.68, 39.68)
VOXEL_SIZE = 0.16
GRID_W = 432
GRID_H = 496
EPS = 1e-5


def _bn(x, g, b):
    m = jnp.mean(x, axis=0)
    v = jnp.var(x, axis=0)
    return (x - m) / jnp.sqrt(v + EPS) * g + b


def _pfn(x, W1, b1, g1, bt1, W2, b2, g2, bt2, W3, b3):
    h = x @ W1.T + b1
    h = jax.nn.relu(_bn(h, g1, bt1))
    h = h @ W2.T + b2
    h = jax.nn.relu(_bn(h, g2, bt2))
    return h @ W3.T + b3


def _bn_m(x, g, b, w, cnt):
    m = jnp.sum(x * w, axis=0) / cnt
    v = jnp.sum(((x - m) ** 2) * w, axis=0) / cnt
    return (x - m) / jnp.sqrt(v + EPS) * g + b


def _pfn_m(x, W1, b1, g1, bt1, W2, b2, g2, bt2, W3, b3, w, cnt):
    h = x @ W1.T + b1
    h = jax.nn.relu(_bn_m(h, g1, bt1, w, cnt))
    h = h @ W2.T + b2
    h = jax.nn.relu(_bn_m(h, g2, bt2, w, cnt))
    return h @ W3.T + b3


def setup_inputs(seed: int = 0) -> dict:
    key = jax.random.key(seed)
    ks = jax.random.split(key, 8)
    B, N = 2, 120000
    u = jax.random.uniform(ks[0], (B, N, 5))
    x = u[..., 0] * (X_RANGE[1] - X_RANGE[0]) + X_RANGE[0]
    y = u[..., 1] * (Y_RANGE[1] - Y_RANGE[0]) + Y_RANGE[0]
    z = u[..., 2] * 4.0 - 3.0
    rest = u[..., 3:]
    points = jnp.concatenate([x[..., None], y[..., None], z[..., None], rest], axis=-1).astype(jnp.float32)
    in_dim = 5 + 3
    W1 = (jax.random.normal(ks[1], (64, in_dim)) * 0.05).astype(jnp.float32)
    b1 = jnp.zeros((64,), jnp.float32)
    g1 = jnp.ones((64,), jnp.float32)
    bt1 = jnp.zeros((64,), jnp.float32)
    W2 = (jax.random.normal(ks[2], (64, 64)) * 0.05).astype(jnp.float32)
    b2 = jnp.zeros((64,), jnp.float32)
    g2 = jnp.ones((64,), jnp.float32)
    bt2 = jnp.zeros((64,), jnp.float32)
    W3 = (jax.random.normal(ks[3], (128, 64)) * 0.05).astype(jnp.float32)
    b3 = jnp.zeros((128,), jnp.float32)
    return {"points_list": points, "W1": W1, "b1": b1, "g1": g1, "bt1": bt1,
            "W2": W2, "b2": b2, "g2": g2, "bt2": bt2, "W3": W3, "b3": b3}


def reference(points_list, W1, b1, g1, bt1, W2, b2, g2, bt2, W3, b3):
    B = points_list.shape[0]
    outs = []
    for bidx in range(B):
        pts = points_list[bidx]
        x_idx = ((pts[:, 0] - X_RANGE[0]) / VOXEL_SIZE).astype(jnp.int32)
        y_idx = ((pts[:, 1] - Y_RANGE[0]) / VOXEL_SIZE).astype(jnp.int32)
        mask = (x_idx >= 0) & (x_idx < GRID_W) & (y_idx >= 0) & (y_idx < GRID_H)
        w = mask.astype(jnp.float32)[:, None]
        cnt = jnp.sum(w)
        xi = x_idx
        yi = y_idx
        x_c = xi.astype(jnp.float32) * VOXEL_SIZE + X_RANGE[0] + VOXEL_SIZE / 2
        y_c = yi.astype(jnp.float32) * VOXEL_SIZE + Y_RANGE[0] + VOXEL_SIZE / 2
        z_c = pts[:, 2]
        pts_aug = jnp.concatenate([pts,
                                   (pts[:, 0] - x_c)[:, None],
                                   (pts[:, 1] - y_c)[:, None],
                                   (pts[:, 2] - z_c)[:, None]], axis=1)
        feat = _pfn_m(pts_aug, W1, b1, g1, bt1, W2, b2, g2, bt2, W3, b3, w, cnt)
        indices = jnp.where(mask, yi * GRID_W + xi, GRID_H * GRID_W)
        canvas = jnp.zeros((128, GRID_H * GRID_W), dtype=jnp.float32)
        canvas = canvas.at[:, indices].set(feat.T, mode='drop')
        outs.append(canvas.reshape(128, GRID_H, GRID_W))
    return jnp.stack(outs)

if __name__ == "__main__":
    import jax
    _d = setup_inputs()
    print(jax.jit(kernel)(*tuple(_d.values())))

</pallas_src>

<mosaic_0001>
#map = affine_map<(d0, d1) -> (0)>
module attributes {stable_mosaic.version = 14 : i64} {
  func.func @_winner_body(%arg0: i32, %arg1: i32, %arg2: memref<120832xi32, #tpu.memory_space<hbm>>, %arg3: memref<214528xi32, #tpu.memory_space<hbm>>, %arg4: memref<1024xi32, #tpu.memory_space<vmem>>, %arg5: memref<1024xi32, #tpu.memory_space<vmem>>, %arg6: memref<6704xi32, #tpu.memory_space<vmem>>, %arg7: memref<!tpu.dma_semaphore, #tpu.memory_space<semaphore_mem>>, %arg8: memref<!tpu.dma_semaphore, #tpu.memory_space<semaphore_mem>>) attributes {dimension_semantics = [#tpu.dimension_semantics<core_parallel>, #tpu.dimension_semantics<subcore_parallel>], iteration_bounds = array<i64: 2, 16>, scalar_prefetch = 0 : i64, scratch_operands = 5 : i64, tpu.core_type = #tpu.core_type<sc_vector_subcore>, window_params = [{transform_indices = #map}, {transform_indices = #map}]} {
    %mul3A = arith.constant 2 : i32
    %mul3A_0 = arith.muli %arg1, %mul3A : i32
    %add3A = arith.addi %mul3A_0, %arg0 : i32
    %mul3A_1 = arith.constant 6704 : i32
    %mul3A_2 = arith.muli %add3A, %mul3A_1 : i32
    %iota3A = tpu.iota {dimensions = array<i32: 0>} : vector<16xi32>
    %broadcast_in_dim3A = arith.constant 120000 : i32
    %broadcast_in_dim3A_3 = vector.broadcast %broadcast_in_dim3A : i32 to vector<16xi32>
    %scan3A = arith.constant 0 : i32
    %scan3A_4 = arith.constant 0 : i32
    %scan3A_5 = arith.constant 416 : i32
    %scan3A_6 = arith.addi %scan3A_4, %scan3A_5 : i32
    %scan3A_7 = arith.constant 8 : i32
    %scan3A_8 = scf.for %scan3A_46 = %scan3A_4 to %scan3A_6 step %scan3A_7 iter_args(%scan3A_47 = %scan3A) -> (i32)  : i32 {
      %mul3A_48 = arith.constant 16 : i32
      %mul3A_49 = arith.muli %scan3A_46, %mul3A_48 : i32
      %swap3A_50 = arith.index_cast %mul3A_49 : i32 to index
      %swap3A_51 = tpu.vector_load %arg6[%swap3A_50] {strides = array<i32>} : memref<6704xi32, #tpu.memory_space<vmem>>, vector<16xi32>,
      tpu.vector_store %arg6[%swap3A_50], %broadcast_in_dim3A_3 {strides = array<i32>} : memref<6704xi32, #tpu.memory_space<vmem>>, vector<16xi32>,
      %scan3A_52 = arith.constant 0 : i32
      %scan3A_53 = arith.constant 1 : i32
      %scan3A_54 = arith.addi %scan3A_46, %scan3A_53 : i32
      %mul3A_55 = arith.constant 16 : i32
      %mul3A_56 = arith.muli %scan3A_54, %mul3A_55 : i32
      %swap3A_57 = arith.index_cast %mul3A_56 : i32 to index
      %swap3A_58 = tpu.vector_load %arg6[%swap3A_57] {strides = array<i32>} : memref<6704xi32, #tpu.memory_space<vmem>>, vector<16xi32>,
      tpu.vector_store %arg6[%swap3A_57], %broadcast_in_dim3A_3 {strides = array<i32>} : memref<6704xi32, #tpu.memory_space<vmem>>, vector<16xi32>,
      %scan3A_59 = arith.constant 0 : i32
      %scan3A_60 = arith.constant 2 : i32
      %scan3A_61 = arith.addi %scan3A_46, %scan3A_60 : i32
      %mul3A_62 = arith.constant 16 : i32
      %mul3A_63 = arith.muli %scan3A_61, %mul3A_62 : i32
      %swap3A_64 = arith.index_cast %mul3A_63 : i32 to index
      %swap3A_65 = tpu.vector_load %arg6[%swap3A_64] {strides = array<i32>} : memref<6704xi32, #tpu.memory_space<vmem>>, vector<16xi32>,
      tpu.vector_store %arg6[%swap3A_64], %broadcast_in_dim3A_3 {strides = array<i32>} : memref<6704xi32, #tpu.memory_space<vmem>>, vector<16xi32>,
      %scan3A_66 = arith.constant 0 : i32
      %scan3A_67 = arith.constant 3 : i32
      %scan3A_68 = arith.addi %scan3A_46, %scan3A_67 : i32
      %mul3A_69 = arith.constant 16 : i32
      %mul3A_70 = arith.muli %scan3A_68, %mul3A_69 : i32
      %swap3A_71 = arith.index_cast %mul3A_70 : i32 to index
      %swap3A_72 = tpu.vector_load %arg6[%swap3A_71] {strides = array<i32>} : memref<6704xi32, #tpu.memory_space<vmem>>, vector<16xi32>,
      tpu.vector_store %arg6[%swap3A_71], %broadcast_in_dim3A_3 {strides = array<i32>} : memref<6704xi32, #tpu.memory_space<vmem>>, vector<16xi32>,
      %scan3A_73 = arith.constant 0 : i32
      %scan3A_74 = arith.constant 4 : i32
      %scan3A_75 = arith.addi %scan3A_46, %scan3A_74 : i32
      %mul3A_76 = arith.constant 16 : i32
      %mul3A_77 = arith.muli %scan3A_75, %mul3A_76 : i32
      %swap3A_78 = arith.index_cast %mul3A_77 : i32 to index
      %swap3A_79 = tpu.vector_load %arg6[%swap3A_78] {strides = array<i32>} : memref<6704xi32, #tpu.memory_space<vmem>>, vector<16xi32>,
      tpu.vector_store %arg6[%swap3A_78], %broadcast_in_dim3A_3 {strides = array<i32>} : memref<6704xi32, #tpu.memory_space<vmem>>, vector<16xi32>,
      %scan3A_80 = arith.constant 0 : i32
      %scan3A_81 = arith.constant 5 : i32
      %scan3A_82 = arith.addi %scan3A_46, %scan3A_81 : i32
      %mul3A_83 = arith.constant 16 : i32
      %mul3A_84 = arith.muli %scan3A_82, %mul3A_83 : i32
      %swap3A_85 = arith.index_cast %mul3A_84 : i32 to index
      %swap3A_86 = tpu.vector_load %arg6[%swap3A_85] {strides = array<i32>} : memref<6704xi32, #tpu.memory_space<vmem>>, vector<16xi32>,
      tpu.vector_store %arg6[%swap3A_85], %broadcast_in_dim3A_3 {strides = array<i32>} : memref<6704xi32, #tpu.memory_space<vmem>>, vector<16xi32>,
      %scan3A_87 = arith.constant 0 : i32
      %scan3A_88 = arith.constant 6 : i32
      %scan3A_89 = arith.addi %scan3A_46, %scan3A_88 : i32
      %mul3A_90 = arith.constant 16 : i32
      %mul3A_91 = arith.muli %scan3A_89, %mul3A_90 : i32
      %swap3A_92 = arith.index_cast %mul3A_91 : i32 to index
      %swap3A_93 = tpu.vector_load %arg6[%swap3A_92] {strides = array<i32>} : memref<6704xi32, #tpu.memory_space<vmem>>, vector<16xi32>,
      tpu.vector_store %arg6[%swap3A_92], %broadcast_in_dim3A_3 {strides = array<i32>} : memref<6704xi32, #tpu.memory_space<vmem>>, vector<16xi32>,
      %scan3A_94 = arith.constant 0 : i32
      %scan3A_95 = arith.constant 7 : i32
      %scan3A_96 = arith.addi %scan3A_46, %scan3A_95 : i32
      %mul3A_97 = arith.constant 16 : i32
      %mul3A_98 = arith.muli %scan3A_96, %mul3A_97 : i32
      %swap3A_99 = arith.index_cast %mul3A_98 : i32 to index
      %swap3A_100 = tpu.vector_load %arg6[%swap3A_99] {strides = array<i32>} : memref<6704xi32, #tpu.memory_space<vmem>>, vector<16xi32>,
      tpu.vector_store %arg6[%swap3A_99], %broadcast_in_dim3A_3 {strides = array<i32>} : memref<6704xi32, #tpu.memory_space<vmem>>, vector<16xi32>,
      %scan3A_101 = arith.constant 0 : i32
      scf.yield %scan3A_101 : i32
    }
    %scan3A_9 = arith.constant 416 : i32
    %scan3A_10 = arith.addi %scan3A_4, %scan3A_9 : i32
    %mul3A_11 = arith.constant 16 : i32
    %mul3A_12 = arith.muli %scan3A_10, %mul3A_11 : i32
    %swap3A = arith.index_cast %mul3A_12 : i32 to index
    %swap3A_13 = tpu.vector_load %arg6[%swap3A] {strides = array<i32>} : memref<6704xi32, #tpu.memory_space<vmem>>, vector<16xi32>,
    tpu.vector_store %arg6[%swap3A], %broadcast_in_dim3A_3 {strides = array<i32>} : memref<6704xi32, #tpu.memory_space<vmem>>, vector<16xi32>,
    %scan3A_14 = arith.constant 0 : i32
    %scan3A_15 = arith.constant 417 : i32
    %scan3A_16 = arith.addi %scan3A_4, %scan3A_15 : i32
    %mul3A_17 = arith.constant 16 : i32
    %mul3A_18 = arith.muli %scan3A_16, %mul3A_17 : i32
    %swap3A_19 = arith.index_cast %mul3A_18 : i32 to index
    %swap3A_20 = tpu.vector_load %arg6[%swap3A_19] {strides = array<i32>} : memref<6704xi32, #tpu.memory_space<vmem>>, vector<16xi32>,
    tpu.vector_store %arg6[%swap3A_19], %broadcast_in_dim3A_3 {strides = array<i32>} : memref<6704xi32, #tpu.memory_space<vmem>>, vector<16xi32>,
    %scan3A_21 = arith.constant 0 : i32
    %scan3A_22 = arith.constant 418 : i32
    %scan3A_23 = arith.addi %scan3A_4, %scan3A_22 : i32
    %mul3A_24 = arith.constant 16 : i32
    %mul3A_25 = arith.muli %scan3A_23, %mul3A_24 : i32
    %swap3A_26 = arith.index_cast %mul3A_25 : i32 to index
    %swap3A_27 = tpu.vector_load %arg6[%swap3A_26] {strides = array<i32>} : memref<6704xi32, #tpu.memory_space<vmem>>, vector<16xi32>,
    tpu.vector_store %arg6[%swap3A_26], %broadcast_in_dim3A_3 {strides = array<i32>} : memref<6704xi32, #tpu.memory_space<vmem>>, vector<16xi32>,
    %scan3A_28 = arith.constant 0 : i32
    %scan3A_29 = arith.constant 419 : i32
    %dma_start3A = arith.constant 0 : i32
    %dma_start3A_30 = tpu.memref_slice %arg2[%dma_start3A] : memref<120832xi32, #tpu.memory_space<hbm>> -> memref<1024xi32, #tpu.memory_space<hbm>>
    %dma_start3A_31 = arith.constant 0 : i32
    %dma_start3A_32 = tpu.memref_slice %arg2[%dma_start3A_31] : memref<120832xi32, #tpu.memory_space<hbm>> -> memref<1024xi32, #tpu.memory_space<hbm>>
    tpu.enqueue_dma source(%dma_start3A_32 : memref<1024xi32, #tpu.memory_space<hbm>>) target(%arg4 : memref<1024xi32, #tpu.memory_space<vmem>>) target_semaphore(%arg7 : memref<!tpu.dma_semaphore, #tpu.memory_space<semaphore_mem>>)
    %dma_start3A_33 = arith.constant 1024 : i32
    %dma_start3A_34 = tpu.memref_slice %arg2[%dma_start3A_33] : memref<120832xi32, #tpu.memory_space<hbm>> -> memref<1024xi32, #tpu.memory_space<hbm>>
    %dma_start3A_35 = arith.constant 1024 : i32
    %dma_start3A_36 = tpu.memref_slice %arg2[%dma_start3A_35] : memref<120832xi32, #tpu.memory_space<hbm>> -> memref<1024xi32, #tpu.memory_space<hbm>>
    tpu.enqueue_dma source(%dma_start3A_36 : memref<1024xi32, #tpu.memory_space<hbm>>) target(%arg5 : memref<1024xi32, #tpu.memory_space<vmem>>) target_semaphore(%arg8 : memref<!tpu.dma_semaphore, #tpu.memory_space<semaphore_mem>>)
    %scan3A_37 = arith.constant 0 : i32
    %scan3A_38 = arith.constant 0 : i32
    %scan3A_39 = arith.constant 59 : i32
    %scan3A_40 = arith.addi %scan3A_38, %scan3A_39 : i32
    %scan3A_41 = arith.constant 1 : i32
    %scan3A_42 = scf.for %scan3A_46 = %scan3A_38 to %scan3A_40 step %scan3A_41 iter_args(%scan3A_47 = %scan3A_37) -> (i32)  : i32 {
      %mul3A_48 = arith.constant 2 : i32
      %mul3A_49 = arith.muli %mul3A_48, %scan3A_46 : i32
      %add3A_50 = arith.constant 0 : i32
      %add3A_51 = arith.addi %mul3A_49, %add3A_50 : i32
      %dma_wait3A = arith.constant 0 : i32
      %dma_wait3A_52 = tpu.memref_slice %arg2[%dma_wait3A] : memref<120832xi32, #tpu.memory_space<hbm>> -> memref<1024xi32, #tpu.memory_space<hbm>>
      %dma_wait3A_53 = arith.constant 0 : i32
      %dma_wait3A_54 = tpu.memref_slice %arg2[%dma_wait3A_53] : memref<120832xi32, #tpu.memory_space<hbm>> -> memref<1024xi32, #tpu.memory_space<hbm>>
      tpu.wait_dma2 semaphore(%arg7 : memref<!tpu.dma_semaphore, #tpu.memory_space<semaphore_mem>>) src(%dma_wait3A_54 : memref<1024xi32, #tpu.memory_space<hbm>>) dst(%arg4 : memref<1024xi32, #tpu.memory_space<vmem>>)
      %scan3A_55 = arith.constant 0 : i32
      %scan3A_56 = arith.constant 0 : i32
      %scan3A_57 = arith.constant 8 : i32
      %scan3A_58 = arith.addi %scan3A_56, %scan3A_57 : i32
      %scan3A_59 = arith.constant 1 : i32
      %scan3A_60 = scf.for %scan3A_89 = %scan3A_56 to %scan3A_58 step %scan3A_59 iter_args(%scan3A_90 = %scan3A_55) -> (i32)  : i32 {
        %mul3A_91 = arith.constant 8 : i32
        %mul3A_92 = arith.muli %scan3A_89, %mul3A_91 : i32
        %add3A_93 = arith.constant 0 : i32
        %add3A_94 = arith.addi %mul3A_92, %add3A_93 : i32
        %mul3A_95 = arith.constant 16 : i32
        %mul3A_96 = arith.muli %add3A_94, %mul3A_95 : i32
        %get3A = arith.index_cast %mul3A_96 : i32 to index
        %get3A_97 = tpu.vector_load %arg4[%get3A] {strides = array<i32>} : memref<1024xi32, #tpu.memory_space<vmem>>, vector<16xi32>,
        %mul3A_98 = arith.constant 8 : i32
        %mul3A_99 = arith.muli %scan3A_89, %mul3A_98 : i32
        %add3A_100 = arith.constant 1 : i32
        %add3A_101 = arith.addi %mul3A_99, %add3A_100 : i32
        %mul3A_102 = arith.constant 16 : i32
        %mul3A_103 = arith.muli %add3A_101, %mul3A_102 : i32
        %get3A_104 = arith.index_cast %mul3A_103 : i32 to index
        %get3A_105 = tpu.vector_load %arg4[%get3A_104] {strides = array<i32>} : memref<1024xi32, #tpu.memory_space<vmem>>, vector<16xi32>,
        %mul3A_106 = arith.constant 8 : i32
        %mul3A_107 = arith.muli %scan3A_89, %mul3A_106 : i32
        %add3A_108 = arith.constant 2 : i32
        %add3A_109 = arith.addi %mul3A_107, %add3A_108 : i32
        %mul3A_110 = arith.constant 16 : i32
        %mul3A_111 = arith.muli %add3A_109, %mul3A_110 : i32
        %get3A_112 = arith.index_cast %mul3A_111 : i32 to index
        %get3A_113 = tpu.vector_load %arg4[%get3A_112] {strides = array<i32>} : memref<1024xi32, #tpu.memory_space<vmem>>, vector<16xi32>,
        %mul3A_114 = arith.constant 8 : i32
        %mul3A_115 = arith.muli %scan3A_89, %mul3A_114 : i32
        %add3A_116 = arith.constant 3 : i32
        %add3A_117 = arith.addi %mul3A_115, %add3A_116 : i32
        %mul3A_118 = arith.constant 16 : i32
        %mul3A_119 = arith.muli %add3A_117, %mul3A_118 : i32
        %get3A_120 = arith.index_cast %mul3A_119 : i32 to index
        %get3A_121 = tpu.vector_load %arg4[%get3A_120] {strides = array<i32>} : memref<1024xi32, #tpu.memory_space<vmem>>, vector<16xi32>,
        %mul3A_122 = arith.constant 8 : i32
        %mul3A_123 = arith.muli %scan3A_89, %mul3A_122 : i32
        %add3A_124 = arith.constant 4 : i32
        %add3A_125 = arith.addi %mul3A_123, %add3A_124 : i32
        %mul3A_126 = arith.constant 16 : i32
        %mul3A_127 = arith.muli %add3A_125, %mul3A_126 : i32
        %get3A_128 = arith.index_cast %mul3A_127 : i32 to index
        %get3A_129 = tpu.vector_load %arg4[%get3A_128] {strides = array<i32>} : memref<1024xi32, #tpu.memory_space<vmem>>, vector<16xi32>,
        %mul3A_130 = arith.constant 8 : i32
        %mul3A_131 = arith.muli %scan3A_89, %mul3A_130 : i32
        %add3A_132 = arith.constant 5 : i32
        %add3A_133 = arith.addi %mul3A_131, %add3A_132 : i32
        %mul3A_134 = arith.constant 16 : i32
        %mul3A_135 = arith.muli %add3A_133, %mul3A_134 : i32
        %get3A_136 = arith.index_cast %mul3A_135 : i32 to index
        %get3A_137 = tpu.vector_load %arg4[%get3A_136] {strides = array<i32>} : memref<1024xi32, #tpu.memory_space<vmem>>, vector<16xi32>,
        %mul3A_138 = arith.constant 8 : i32
        %mul3A_139 = arith.muli %scan3A_89, %mul3A_138 : i32
        %add3A_140 = arith.constant 6 : i32
        %add3A_141 = arith.addi %mul3A_139, %add3A_140 : i32
        %mul3A_142 = arith.constant 16 : i32
        %mul3A_143 = arith.muli %add3A_141, %mul3A_142 : i32
        %get3A_144 = arith.index_cast %mul3A_143 : i32 to index
        %get3A_145 = tpu.vector_load %arg4[%get3A_144] {strides = array<i32>} : memref<1024xi32, #tpu.memory_space<vmem>>, vector<16xi32>,
        %mul3A_146 = arith.constant 8 : i32
        %mul3A_147 = arith.muli %scan3A_89, %mul3A_146 : i32
        %add3A_148 = arith.constant 7 : i32
        %add3A_149 = arith.addi %mul3A_147, %add3A_148 : i32
        %mul3A_150 = arith.constant 16 : i32
        %mul3A_151 = arith.muli %add3A_149, %mul3A_150 : i32
        %get3A_152 = arith.index_cast %mul3A_151 : i32 to index
        %get3A_153 = tpu.vector_load %arg4[%get3A_152] {strides = array<i32>} : memref<1024xi32, #tpu.memory_space<vmem>>, vector<16xi32>,
        %broadcast_in_dim3A_154 = arith.constant true
        %broadcast_in_dim3A_155 = vector.broadcast %broadcast_in_dim3A_154 : i1 to vector<16xi1>
        %unique3A, %unique3A_156 = tpu.scan_count mask(%broadcast_in_dim3A_155 : vector<16xi1>) value(%get3A_97 : vector<16xi32>) : vector<16xi1>, vector<16xi32>
        %broadcast_in_dim3A_157 = arith.constant true
        %broadcast_in_dim3A_158 = vector.broadcast %broadcast_in_dim3A_157 : i1 to vector<16xi1>
        %unique3A_159, %unique3A_160 = tpu.scan_count mask(%broadcast_in_dim3A_158 : vector<16xi1>) value(%get3A_105 : vector<16xi32>) : vector<16xi1>, vector<16xi32>
        %broadcast_in_dim3A_161 = arith.constant true
        %broadcast_in_dim3A_162 = vector.broadcast %broadcast_in_dim3A_161 : i1 to vector<16xi1>
        %unique3A_163, %unique3A_164 = tpu.scan_count mask(%broadcast_in_dim3A_162 : vector<16xi1>) value(%get3A_113 : vector<16xi32>) : vector<16xi1>, vector<16xi32>
        %broadcast_in_dim3A_165 = arith.constant true
        %broadcast_in_dim3A_166 = vector.broadcast %broadcast_in_dim3A_165 : i1 to vector<16xi1>
        %unique3A_167, %unique3A_168 = tpu.scan_count mask(%broadcast_in_dim3A_166 : vector<16xi1>) value(%get3A_121 : vector<16xi32>) : vector<16xi1>, vector<16xi32>
        %broadcast_in_dim3A_169 = arith.constant true
        %broadcast_in_dim3A_170 = vector.broadcast %broadcast_in_dim3A_169 : i1 to vector<16xi1>
        %unique3A_171, %unique3A_172 = tpu.scan_count mask(%broadcast_in_dim3A_170 : vector<16xi1>) value(%get3A_129 : vector<16xi32>) : vector<16xi1>, vector<16xi32>
        %broadcast_in_dim3A_173 = arith.constant true
        %broadcast_in_dim3A_174 = vector.broadcast %broadcast_in_dim3A_173 : i1 to vector<16xi1>
        %unique3A_175, %unique3A_176 = tpu.scan_count mask(%broadcast_in_dim3A_174 : vector<16xi1>) value(%get3A_137 : vector<16xi32>) : vector<16xi1>, vector<16xi32>
        %broadcast_in_dim3A_177 = arith.constant true
        %broadcast_in_dim3A_178 = vector.broadcast %broadcast_in_dim3A_177 : i1 to vector<16xi1>
        %unique3A_179, %unique3A_180 = tpu.scan_count mask(%broadcast_in_dim3A_178 : vector<16xi1>) value(%get3A_145 : vector<16xi32>) : vector<16xi1>, vector<16xi32>
        %broadcast_in_dim3A_181 = arith.constant true
        %broadcast_in_dim3A_182 = vector.broadcast %broadcast_in_dim3A_181 : i1 to vector<16xi1>
        %unique3A_183, %unique3A_184 = tpu.scan_count mask(%broadcast_in_dim3A_182 : vector<16xi1>) value(%get3A_153 : vector<16xi32>) : vector<16xi1>, vector<16xi32>
        %mul3A_185 = arith.constant 1024 : i32
        %mul3A_186 = arith.muli %add3A_51, %mul3A_185 : i32
        %mul3A_187 = arith.constant 8 : i32
        %mul3A_188 = arith.muli %scan3A_89, %mul3A_187 : i32
        %add3A_189 = arith.constant 0 : i32
        %add3A_190 = arith.addi %mul3A_188, %add3A_189 : i32
        %mul3A_191 = arith.constant 16 : i32
        %mul3A_192 = arith.muli %add3A_190, %mul3A_191 : i32
        %add3A_193 = arith.addi %mul3A_186, %mul3A_192 : i32
        %add3A_194 = vector.broadcast %add3A_193 : i32 to vector<16xi32>
        %add3A_195 = arith.addi %add3A_194, %iota3A : vector<16xi32>
        %sub3A = vector.broadcast %mul3A_2 : i32 to vector<16xi32>
        %sub3A_196 = arith.subi %get3A_97, %sub3A : vector<16xi32>
        %lt3A_197 = arith.constant 6704 : i32
        %lt3A_198 = vector.broadcast %lt3A_197 : i32 to vector<16xi32>
        %lt3A_199 = arith.cmpi ult, %sub3A_196, %lt3A_198 : vector<16xi32>
        %and3A = arith.andi %unique3A, %lt3A_199 : vector<16xi1>
        tpu.vector_store_idx %arg6[%sub3A_196], %add3A_195 masked %and3A : memref<6704xi32, #tpu.memory_space<vmem>>[vector<16xi32>], vector<16xi32>, vector<16xi1>
        %mul3A_200 = arith.constant 1024 : i32
        %mul3A_201 = arith.muli %add3A_51, %mul3A_200 : i32
        %mul3A_202 = arith.constant 8 : i32
        %mul3A_203 = arith.muli %scan3A_89, %mul3A_202 : i32
        %add3A_204 = arith.constant 1 : i32
        %add3A_205 = arith.addi %mul3A_203, %add3A_204 : i32
        %mul3A_206 = arith.constant 16 : i32
        %mul3A_207 = arith.muli %add3A_205, %mul3A_206 : i32
        %add3A_208 = arith.addi %mul3A_201, %mul3A_207 : i32
        %add3A_209 = vector.broadcast %add3A_208 : i32 to vector<16xi32>
        %add3A_210 = arith.addi %add3A_209, %iota3A : vector<16xi32>
        %sub3A_211 = vector.broadcast %mul3A_2 : i32 to vector<16xi32>
        %sub3A_212 = arith.subi %get3A_105, %sub3A_211 : vector<16xi32>
        %lt3A_213 = arith.constant 6704 : i32
        %lt3A_214 = vector.broadcast %lt3A_213 : i32 to vector<16xi32>
        %lt3A_215 = arith.cmpi ult, %sub3A_212, %lt3A_214 : vector<16xi32>
        %and3A_216 = arith.andi %unique3A_159, %lt3A_215 : vector<16xi1>
        tpu.vector_store_idx %arg6[%sub3A_212], %add3A_210 masked %and3A_216 : memref<6704xi32, #tpu.memory_space<vmem>>[vector<16xi32>], vector<16xi32>, vector<16xi1>
        %mul3A_217 = arith.constant 1024 : i32
        %mul3A_218 = arith.muli %add3A_51, %mul3A_217 : i32
        %mul3A_219 = arith.constant 8 : i32
        %mul3A_220 = arith.muli %scan3A_89, %mul3A_219 : i32
        %add3A_221 = arith.constant 2 : i32
        %add3A_222 = arith.addi %mul3A_220, %add3A_221 : i32
        %mul3A_223 = arith.constant 16 : i32
        %mul3A_224 = arith.muli %add3A_222, %mul3A_223 : i32
        %add3A_225 = arith.addi %mul3A_218, %mul3A_224 : i32
        %add3A_226 = vector.broadcast %add3A_225 : i32 to vector<16xi32>
        %add3A_227 = arith.addi %add3A_226, %iota3A : vector<16xi32>
        %sub3A_228 = vector.broadcast %mul3A_2 : i32 to vector<16xi32>
        %sub3A_229 = arith.subi %get3A_113, %sub3A_228 : vector<16xi32>
        %lt3A_230 = arith.constant 6704 : i32
        %lt3A_231 = vector.broadcast %lt3A_230 : i32 to vector<16xi32>
        %lt3A_232 = arith.cmpi ult, %sub3A_229, %lt3A_231 : vector<16xi32>
        %and3A_233 = arith.andi %unique3A_163, %lt3A_232 : vector<16xi1>
        tpu.vector_store_idx %arg6[%sub3A_229], %add3A_227 masked %and3A_233 : memref<6704xi32, #tpu.memory_space<vmem>>[vector<16xi32>], vector<16xi32>, vector<16xi1>
        %mul3A_234 = arith.constant 1024 : i32
        %mul3A_235 = arith.muli %add3A_51, %mul3A_234 : i32
        %mul3A_236 = arith.constant 8 : i32
        %mul3A_237 = arith.muli %scan3A_89, %mul3A_236 : i32
        %add3A_238 = arith.constant 3 : i32
        %add3A_239 = arith.addi %mul3A_237, %add3A_238 : i32
        %mul3A_240 = arith.constant 16 : i32
        %mul3A_241 = arith.muli %add3A_239, %mul3A_240 : i32
        %add3A_242 = arith.addi %mul3A_235, %mul3A_241 : i32
        %add3A_243 = vector.broadcast %add3A_242 : i32 to vector<16xi32>
        %add3A_244 = arith.addi %add3A_243, %iota3A : vector<16xi32>
        %sub3A_245 = vector.broadcast %mul3A_2 : i32 to vector<16xi32>
        %sub3A_246 = arith.subi %get3A_121, %sub3A_245 : vector<16xi32>
        %lt3A_247 = arith.constant 6704 : i32
        %lt3A_248 = vector.broadcast %lt3A_247 : i32 to vector<16xi32>
        %lt3A_249 = arith.cmpi ult, %sub3A_246, %lt3A_248 : vector<16xi32>
        %and3A_250 = arith.andi %unique3A_167, %lt3A_249 : vector<16xi1>
        tpu.vector_store_idx %arg6[%sub3A_246], %add3A_244 masked %and3A_250 : memref<6704xi32, #tpu.memory_space<vmem>>[vector<16xi32>], vector<16xi32>, vector<16xi1>
        %mul3A_251 = arith.constant 1024 : i32
        %mul3A_252 = arith.muli %add3A_51, %mul3A_251 : i32
        %mul3A_253 = arith.constant 8 : i32
        %mul3A_254 = arith.muli %scan3A_89, %mul3A_253 : i32
        %add3A_255 = arith.constant 4 : i32
        %add3A_256 = arith.addi %mul3A_254, %add3A_255 : i32
        %mul3A_257 = arith.constant 16 : i32
        %mul3A_258 = arith.muli %add3A_256, %mul3A_257 : i32
        %add3A_259 = arith.addi %mul3A_252, %mul3A_258 : i32
        %add3A_260 = vector.broadcast %add3A_259 : i32 to vector<16xi32>
        %add3A_261 = arith.addi %add3A_260, %iota3A : vector<16xi32>
        %sub3A_262 = vector.broadcast %mul3A_2 : i32 to vector<16xi32>
        %sub3A_263 = arith.subi %get3A_129, %sub3A_262 : vector<16xi32>
        %lt3A_264 = arith.constant 6704 : i32
        %lt3A_265 = vector.broadcast %lt3A_264 : i32 to vector<16xi32>
        %lt3A_266 = arith.cmpi ult, %sub3A_263, %lt3A_265 : vector<16xi32>
        %and3A_267 = arith.andi %unique3A_171, %lt3A_266 : vector<16xi1>
        tpu.vector_store_idx %arg6[%sub3A_263], %add3A_261 masked %and3A_267 : memref<6704xi32, #tpu.memory_space<vmem>>[vector<16xi32>], vector<16xi32>, vector<16xi1>
        %mul3A_268 = arith.constant 1024 : i32
        %mul3A_269 = arith.muli %add3A_51, %mul3A_268 : i32
        %mul3A_270 = arith.constant 8 : i32
        %mul3A_271 = arith.muli %scan3A_89, %mul3A_270 : i32
        %add3A_272 = arith.constant 5 : i32
        %add3A_273 = arith.addi %mul3A_271, %add3A_272 : i32
        %mul3A_274 = arith.constant 16 : i32
        %mul3A_275 = arith.muli %add3A_273, %mul3A_274 : i32
        %add3A_276 = arith.addi %mul3A_269, %mul3A_275 : i32
        %add3A_277 = vector.broadcast %add3A_276 : i32 to vector<16xi32>
        %add3A_278 = arith.addi %add3A_277, %iota3A : vector<16xi32>
        %sub3A_279 = vector.broadcast %mul3A_2 : i32 to vector<16xi32>
        %sub3A_280 = arith.subi %get3A_137, %sub3A_279 : vector<16xi32>
        %lt3A_281 = arith.constant 6704 : i32
        %lt3A_282 = vector.broadcast %lt3A_281 : i32 to vector<16xi32>
        %lt3A_283 = arith.cmpi ult, %sub3A_280, %lt3A_282 : vector<16xi32>
        %and3A_284 = arith.andi %unique3A_175, %lt3A_283 : vector<16xi1>
        tpu.vector_store_idx %arg6[%sub3A_280], %add3A_278 masked %and3A_284 : memref<6704xi32, #tpu.memory_space<vmem>>[vector<16xi32>], vector<16xi32>, vector<16xi1>
        %mul3A_285 = arith.constant 1024 : i32
        %mul3A_286 = arith.muli %add3A_51, %mul3A_285 : i32
        %mul3A_287 = arith.constant 8 : i32
        %mul3A_288 = arith.muli %scan3A_89, %mul3A_287 : i32
        %add3A_289 = arith.constant 6 : i32
        %add3A_290 = arith.addi %mul3A_288, %add3A_289 : i32
        %mul3A_291 = arith.constant 16 : i32
        %mul3A_292 = arith.muli %add3A_290, %mul3A_291 : i32
        %add3A_293 = arith.addi %mul3A_286, %mul3A_292 : i32
        %add3A_294 = vector.broadcast %add3A_293 : i32 to vector<16xi32>
        %add3A_295 = arith.addi %add3A_294, %iota3A : vector<16xi32>
        %sub3A_296 = vector.broadcast %mul3A_2 : i32 to vector<16xi32>
        %sub3A_297 = arith.subi %get3A_145, %sub3A_296 : vector<16xi32>
        %lt3A_298 = arith.constant 6704 : i32
        %lt3A_299 = vector.broadcast %lt3A_298 : i32 to vector<16xi32>
        %lt3A_300 = arith.cmpi ult, %sub3A_297, %lt3A_299 : vector<16xi32>
        %and3A_301 = arith.andi %unique3A_179, %lt3A_300 : vector<16xi1>
        tpu.vector_store_idx %arg6[%sub3A_297], %add3A_295 masked %and3A_301 : memref<6704xi32, #tpu.memory_space<vmem>>[vector<16xi32>], vector<16xi32>, vector<16xi1>
        %mul3A_302 = arith.constant 1024 : i32
        %mul3A_303 = arith.muli %add3A_51, %mul3A_302 : i32
        %mul3A_304 = arith.constant 8 : i32
        %mul3A_305 = arith.muli %scan3A_89, %mul3A_304 : i32
        %add3A_306 = arith.constant 7 : i32
        %add3A_307 = arith.addi %mul3A_305, %add3A_306 : i32
        %mul3A_308 = arith.constant 16 : i32
        %mul3A_309 = arith.muli %add3A_307, %mul3A_308 : i32
        %add3A_310 = arith.addi %mul3A_303, %mul3A_309 : i32
        %add3A_311 = vector.broadcast %add3A_310 : i32 to vector<16xi32>
        %add3A_312 = arith.addi %add3A_311, %iota3A : vector<16xi32>
        %sub3A_313 = vector.broadcast %mul3A_2 : i32 to vector<16xi32>
        %sub3A_314 = arith.subi %get3A_153, %sub3A_313 : vector<16xi32>
        %lt3A_315 = arith.constant 6704 : i32
        %lt3A_316 = vector.broadcast %lt3A_315 : i32 to vector<16xi32>
        %lt3A_317 = arith.cmpi ult, %sub3A_314, %lt3A_316 : vector<16xi32>
        %and3A_318 = arith.andi %unique3A_183, %lt3A_317 : vector<16xi1>
        tpu.vector_store_idx %arg6[%sub3A_314], %add3A_312 masked %and3A_318 : memref<6704xi32, #tpu.memory_space<vmem>>[vector<16xi32>], vector<16xi32>, vector<16xi1>
        %scan3A_319 = arith.constant 0 : i32
        scf.yield %scan3A_319 : i32
      }
      %scan3A_61 = arith.constant 8 : i32
      %add3A_62 = arith.constant 2 : i32
      %add3A_63 = arith.addi %add3A_51, %add3A_62 : i32
      %lt3A = arith.constant 118 : i32
      %lt3A_64 = arith.cmpi slt, %add3A_63, %lt3A : i32
      %convert_element_type3A = arith.extui %lt3A_64 : i1 to i32
      %cond3A = arith.constant 0 : i32
      %cond3A_65 = arith.cmpi ne, %convert_element_type3A, %cond3A : i32
      scf.if %cond3A_65 {
        %add3A_89 = arith.constant 2 : i32
        %add3A_90 = arith.addi %add3A_51, %add3A_89 : i32
        %mul3A_91 = arith.constant 1024 : i32
        %mul3A_92 = arith.muli %add3A_90, %mul3A_91 : i32
        %add3A_93 = arith.constant 0 : i32
        %add3A_94 = arith.addi %add3A_93, %mul3A_92 : i32
        %dma_start3A_95 = tpu.memref_slice %arg2[%add3A_94] : memref<120832xi32, #tpu.memory_space<hbm>> -> memref<1024xi32, #tpu.memory_space<hbm>>
        %dma_start3A_96 = tpu.memref_slice %arg2[%add3A_94] : memref<120832xi32, #tpu.memory_space<hbm>> -> memref<1024xi32, #tpu.memory_space<hbm>>
        tpu.enqueue_dma source(%dma_start3A_96 : memref<1024xi32, #tpu.memory_space<hbm>>) target(%arg4 : memref<1024xi32, #tpu.memory_space<vmem>>) target_semaphore(%arg7 : memref<!tpu.dma_semaphore, #tpu.memory_space<semaphore_mem>>)
      } else {
      }
      %mul3A_66 = arith.constant 2 : i32
      %mul3A_67 = arith.muli %mul3A_66, %scan3A_46 : i32
      %add3A_68 = arith.constant 1 : i32
      %add3A_69 = arith.addi %mul3A_67, %add3A_68 : i32
      %dma_wait3A_70 = arith.constant 0 : i32
      %dma_wait3A_71 = tpu.memref_slice %arg2[%dma_wait3A_70] : memref<120832xi32, #tpu.memory_space<hbm>> -> memref<1024xi32, #tpu.memory_space<hbm>>
      %dma_wait3A_72 = arith.constant 0 : i32
      %dma_wait3A_73 = tpu.memref_slice %arg2[%dma_wait3A_72] : memref<120832xi32, #tpu.memory_space<hbm>> -> memref<1024xi32, #tpu.memory_space<hbm>>
      tpu.wait_dma2 semaphore(%arg8 : memref<!tpu.dma_semaphore, #tpu.memory_space<semaphore_mem>>) src(%dma_wait3A_73 : memref<1024xi32, #tpu.memory_space<hbm>>) dst(%arg5 : memref<1024xi32, #tpu.memory_space<vmem>>)
      %scan3A_74 = arith.constant 0 : i32
      %scan3A_75 = arith.constant 0 : i32
      %scan3A_76 = arith.constant 8 : i32
      %scan3A_77 = arith.addi %scan3A_75, %scan3A_76 : i32
      %scan3A_78 = arith.constant 1 : i32
      %scan3A_79 = scf.for %scan3A_89 = %scan3A_75 to %scan3A_77 step %scan3A_78 iter_args(%scan3A_90 = %scan3A_74) -> (i32)  : i32 {
        %mul3A_91 = arith.constant 8 : i32
        %mul3A_92 = arith.muli %scan3A_89, %mul3A_91 : i32
        %add3A_93 = arith.constant 0 : i32
        %add3A_94 = arith.addi %mul3A_92, %add3A_93 : i32
        %mul3A_95 = arith.constant 16 : i32
        %mul3A_96 = arith.muli %add3A_94, %mul3A_95 : i32
        %get3A = arith.index_cast %mul3A_96 : i32 to index
        %get3A_97 = tpu.vector_load %arg5[%get3A] {strides = array<i32>} : memref<1024xi32, #tpu.memory_space<vmem>>, vector<16xi32>,
        %mul3A_98 = arith.constant 8 : i32
        %mul3A_99 = arith.muli %scan3A_89, %mul3A_98 : i32
        %add3A_100 = arith.constant 1 : i32
        %add3A_101 = arith.addi %mul3A_99, %add3A_100 : i32
        %mul3A_102 = arith.constant 16 : i32
        %mul3A_103 = arith.muli %add3A_101, %mul3A_102 : i32
        %get3A_104 = arith.index_cast %mul3A_103 : i32 to index
        %get3A_105 = tpu.vector_load %arg5[%get3A_104] {strides = array<i32>} : memref<1024xi32, #tpu.memory_space<vmem>>, vector<16xi32>,
        %mul3A_106 = arith.constant 8 : i32
        %mul3A_107 = arith.muli %scan3A_89, %mul3A_106 : i32
        %add3A_108 = arith.constant 2 : i32
        %add3A_109 = arith.addi %mul3A_107, %add3A_108 : i32
        %mul3A_110 = arith.constant 16 : i32
        %mul3A_111 = arith.muli %add3A_109, %mul3A_110 : i32
        %get3A_112 = arith.index_cast %mul3A_111 : i32 to index
        %get3A_113 = tpu.vector_load %arg5[%get3A_112] {strides = array<i32>} : memref<1024xi32, #tpu.memory_space<vmem>>, vector<16xi32>,
        %mul3A_114 = arith.constant 8 : i32
        %mul3A_115 = arith.muli %scan3A_89, %mul3A_114 : i32
        %add3A_116 = arith.constant 3 : i32
        %add3A_117 = arith.addi %mul3A_115, %add3A_116 : i32
        %mul3A_118 = arith.constant 16 : i32
        %mul3A_119 = arith.muli %add3A_117, %mul3A_118 : i32
        %get3A_120 = arith.index_cast %mul3A_119 : i32 to index
        %get3A_121 = tpu.vector_load %arg5[%get3A_120] {strides = array<i32>} : memref<1024xi32, #tpu.memory_space<vmem>>, vector<16xi32>,
        %mul3A_122 = arith.constant 8 : i32
        %mul3A_123 = arith.muli %scan3A_89, %mul3A_122 : i32
        %add3A_124 = arith.constant 4 : i32
        %add3A_125 = arith.addi %mul3A_123, %add3A_124 : i32
        %mul3A_126 = arith.constant 16 : i32
        %mul3A_127 = arith.muli %add3A_125, %mul3A_126 : i32
        %get3A_128 = arith.index_cast %mul3A_127 : i32 to index
        %get3A_129 = tpu.vector_load %arg5[%get3A_128] {strides = array<i32>} : memref<1024xi32, #tpu.memory_space<vmem>>, vector<16xi32>,
        %mul3A_130 = arith.constant 8 : i32
        %mul3A_131 = arith.muli %scan3A_89, %mul3A_130 : i32
        %add3A_132 = arith.constant 5 : i32
        %add3A_133 = arith.addi %mul3A_131, %add3A_132 : i32
        %mul3A_134 = arith.constant 16 : i32
        %mul3A_135 = arith.muli %add3A_133, %mul3A_134 : i32
        %get3A_136 = arith.index_cast %mul3A_135 : i32 to index
        %get3A_137 = tpu.vector_load %arg5[%get3A_136] {strides = array<i32>} : memref<1024xi32, #tpu.memory_space<vmem>>, vector<16xi32>,
        %mul3A_138 = arith.constant 8 : i32
        %mul3A_139 = arith.muli %scan3A_89, %mul3A_138 : i32
        %add3A_140 = arith.constant 6 : i32
        %add3A_141 = arith.addi %mul3A_139, %add3A_140 : i32
        %mul3A_142 = arith.constant 16 : i32
        %mul3A_143 = arith.muli %add3A_141, %mul3A_142 : i32
        %get3A_144 = arith.index_cast %mul3A_143 : i32 to index
        %get3A_145 = tpu.vector_load %arg5[%get3A_144] {strides = array<i32>} : memref<1024xi32, #tpu.memory_space<vmem>>, vector<16xi32>,
        %mul3A_146 = arith.constant 8 : i32
        %mul3A_147 = arith.muli %scan3A_89, %mul3A_146 : i32
        %add3A_148 = arith.constant 7 : i32
        %add3A_149 = arith.addi %mul3A_147, %add3A_148 : i32
        %mul3A_150 = arith.constant 16 : i32
        %mul3A_151 = arith.muli %add3A_149, %mul3A_150 : i32
        %get3A_152 = arith.index_cast %mul3A_151 : i32 to index
        %get3A_153 = tpu.vector_load %arg5[%get3A_152] {strides = array<i32>} : memref<1024xi32, #tpu.memory_space<vmem>>, vector<16xi32>,
        %broadcast_in_dim3A_154 = arith.constant true
        %broadcast_in_dim3A_155 = vector.broadcast %broadcast_in_dim3A_154 : i1 to vector<16xi1>
        %unique3A, %unique3A_156 = tpu.scan_count mask(%broadcast_in_dim3A_155 : vector<16xi1>) value(%get3A_97 : vector<16xi32>) : vector<16xi1>, vector<16xi32>
        %broadcast_in_dim3A_157 = arith.constant true
        %broadcast_in_dim3A_158 = vector.broadcast %broadcast_in_dim3A_157 : i1 to vector<16xi1>
        %unique3A_159, %unique3A_160 = tpu.scan_count mask(%broadcast_in_dim3A_158 : vector<16xi1>) value(%get3A_105 : vector<16xi32>) : vector<16xi1>, vector<16xi32>
        %broadcast_in_dim3A_161 = arith.constant true
        %broadcast_in_dim3A_162 = vector.broadcast %broadcast_in_dim3A_161 : i1 to vector<16xi1>
        %unique3A_163, %unique3A_164 = tpu.scan_count mask(%broadcast_in_dim3A_162 : vector<16xi1>) value(%get3A_113 : vector<16xi32>) : vector<16xi1>, vector<16xi32>
        %broadcast_in_dim3A_165 = arith.constant true
        %broadcast_in_dim3A_166 = vector.broadcast %broadcast_in_dim3A_165 : i1 to vector<16xi1>
        %unique3A_167, %unique3A_168 = tpu.scan_count mask(%broadcast_in_dim3A_166 : vector<16xi1>) value(%get3A_121 : vector<16xi32>) : vector<16xi1>, vector<16xi32>
        %broadcast_in_dim3A_169 = arith.constant true
        %broadcast_in_dim3A_170 = vector.broadcast %broadcast_in_dim3A_169 : i1 to vector<16xi1>
        %unique3A_171, %unique3A_172 = tpu.scan_count mask(%broadcast_in_dim3A_170 : vector<16xi1>) value(%get3A_129 : vector<16xi32>) : vector<16xi1>, vector<16xi32>
        %broadcast_in_dim3A_173 = arith.constant true
        %broadcast_in_dim3A_174 = vector.broadcast %broadcast_in_dim3A_173 : i1 to vector<16xi1>
        %unique3A_175, %unique3A_176 = tpu.scan_count mask(%broadcast_in_dim3A_174 : vector<16xi1>) value(%get3A_137 : vector<16xi32>) : vector<16xi1>, vector<16xi32>
        %broadcast_in_dim3A_177 = arith.constant true
        %broadcast_in_dim3A_178 = vector.broadcast %broadcast_in_dim3A_177 : i1 to vector<16xi1>
        %unique3A_179, %unique3A_180 = tpu.scan_count mask(%broadcast_in_dim3A_178 : vector<16xi1>) value(%get3A_145 : vector<16xi32>) : vector<16xi1>, vector<16xi32>
        %broadcast_in_dim3A_181 = arith.constant true
        %broadcast_in_dim3A_182 = vector.broadcast %broadcast_in_dim3A_181 : i1 to vector<16xi1>
        %unique3A_183, %unique3A_184 = tpu.scan_count mask(%broadcast_in_dim3A_182 : vector<16xi1>) value(%get3A_153 : vector<16xi32>) : vector<16xi1>, vector<16xi32>
        %mul3A_185 = arith.constant 1024 : i32
        %mul3A_186 = arith.muli %add3A_69, %mul3A_185 : i32
        %mul3A_187 = arith.constant 8 : i32
        %mul3A_188 = arith.muli %scan3A_89, %mul3A_187 : i32
        %add3A_189 = arith.constant 0 : i32
        %add3A_190 = arith.addi %mul3A_188, %add3A_189 : i32
        %mul3A_191 = arith.constant 16 : i32
        %mul3A_192 = arith.muli %add3A_190, %mul3A_191 : i32
        %add3A_193 = arith.addi %mul3A_186, %mul3A_192 : i32
        %add3A_194 = vector.broadcast %add3A_193 : i32 to vector<16xi32>
        %add3A_195 = arith.addi %add3A_194, %iota3A : vector<16xi32>
        %sub3A = vector.broadcast %mul3A_2 : i32 to vector<16xi32>
        %sub3A_196 = arith.subi %get3A_97, %sub3A : vector<16xi32>
        %lt3A_197 = arith.constant 6704 : i32
        %lt3A_198 = vector.broadcast %lt3A_197 : i32 to vector<16xi32>
        %lt3A_199 = arith.cmpi ult, %sub3A_196, %lt3A_198 : vector<16xi32>
        %and3A = arith.andi %unique3A, %lt3A_199 : vector<16xi1>
        tpu.vector_store_idx %arg6[%sub3A_196], %add3A_195 masked %and3A : memref<6704xi32, #tpu.memory_space<vmem>>[vector<16xi32>], vector<16xi32>, vector<16xi1>
        %mul3A_200 = arith.constant 1024 : i32
        %mul3A_201 = arith.muli %add3A_69, %mul3A_200 : i32
        %mul3A_202 = arith.constant 8 : i32
        %mul3A_203 = arith.muli %scan3A_89, %mul3A_202 : i32
        %add3A_204 = arith.constant 1 : i32
        %add3A_205 = arith.addi %mul3A_203, %add3A_204 : i32
        %mul3A_206 = arith.constant 16 : i32
        %mul3A_207 = arith.muli %add3A_205, %mul3A_206 : i32
        %add3A_208 = arith.addi %mul3A_201, %mul3A_207 : i32
        %add3A_209 = vector.broadcast %add3A_208 : i32 to vector<16xi32>
        %add3A_210 = arith.addi %add3A_209, %iota3A : vector<16xi32>
        %sub3A_211 = vector.broadcast %mul3A_2 : i32 to vector<16xi32>
        %sub3A_212 = arith.subi %get3A_105, %sub3A_211 : vector<16xi32>
        %lt3A_213 = arith.constant 6704 : i32
        %lt3A_214 = vector.broadcast %lt3A_213 : i32 to vector<16xi32>
        %lt3A_215 = arith.cmpi ult, %sub3A_212, %lt3A_214 : vector<16xi32>
        %and3A_216 = arith.andi %unique3A_159, %lt3A_215 : vector<16xi1>
        tpu.vector_store_idx %arg6[%sub3A_212], %add3A_210 masked %and3A_216 : memref<6704xi32, #tpu.memory_space<vmem>>[vector<16xi32>], vector<16xi32>, vector<16xi1>
        %mul3A_217 = arith.constant 1024 : i32
        %mul3A_218 = arith.muli %add3A_69, %mul3A_217 : i32
        %mul3A_219 = arith.constant 8 : i32
        %mul3A_220 = arith.muli %scan3A_89, %mul3A_219 : i32
        %add3A_221 = arith.constant 2 : i32
        %add3A_222 = arith.addi %mul3A_220, %add3A_221 : i32
        %mul3A_223 = arith.constant 16 : i32
        %mul3A_224 = arith.muli %add3A_222, %mul3A_223 : i32
        %add3A_225 = arith.addi %mul3A_218, %mul3A_224 : i32
        %add3A_226 = vector.broadcast %add3A_225 : i32 to vector<16xi32>
        %add3A_227 = arith.addi %add3A_226, %iota3A : vector<16xi32>
        %sub3A_228 = vector.broadcast %mul3A_2 : i32 to vector<16xi32>
        %sub3A_229 = arith.subi %get3A_113, %sub3A_228 : vector<16xi32>
        %lt3A_230 = arith.constant 6704 : i32
        %lt3A_231 = vector.broadcast %lt3A_230 : i32 to vector<16xi32>
        %lt3A_232 = arith.cmpi ult, %sub3A_229, %lt3A_231 : vector<16xi32>
        %and3A_233 = arith.andi %unique3A_163, %lt3A_232 : vector<16xi1>
        tpu.vector_store_idx %arg6[%sub3A_229], %add3A_227 masked %and3A_233 : memref<6704xi32, #tpu.memory_space<vmem>>[vector<16xi32>], vector<16xi32>, vector<16xi1>
        %mul3A_234 = arith.constant 1024 : i32
        %mul3A_235 = arith.muli %add3A_69, %mul3A_234 : i32
        %mul3A_236 = arith.constant 8 : i32
        %mul3A_237 = arith.muli %scan3A_89, %mul3A_236 : i32
        %add3A_238 = arith.constant 3 : i32
        %add3A_239 = arith.addi %mul3A_237, %add3A_238 : i32
        %mul3A_240 = arith.constant 16 : i32
        %mul3A_241 = arith.muli %add3A_239, %mul3A_240 : i32
        %add3A_242 = arith.addi %mul3A_235, %mul3A_241 : i32
        %add3A_243 = vector.broadcast %add3A_242 : i32 to vector<16xi32>
        %add3A_244 = arith.addi %add3A_243, %iota3A : vector<16xi32>
        %sub3A_245 = vector.broadcast %mul3A_2 : i32 to vector<16xi32>
        %sub3A_246 = arith.subi %get3A_121, %sub3A_245 : vector<16xi32>
        %lt3A_247 = arith.constant 6704 : i32
        %lt3A_248 = vector.broadcast %lt3A_247 : i32 to vector<16xi32>
        %lt3A_249 = arith.cmpi ult, %sub3A_246, %lt3A_248 : vector<16xi32>
        %and3A_250 = arith.andi %unique3A_167, %lt3A_249 : vector<16xi1>
        tpu.vector_store_idx %arg6[%sub3A_246], %add3A_244 masked %and3A_250 : memref<6704xi32, #tpu.memory_space<vmem>>[vector<16xi32>], vector<16xi32>, vector<16xi1>
        %mul3A_251 = arith.constant 1024 : i32
        %mul3A_252 = arith.muli %add3A_69, %mul3A_251 : i32
        %mul3A_253 = arith.constant 8 : i32
        %mul3A_254 = arith.muli %scan3A_89, %mul3A_253 : i32
        %add3A_255 = arith.constant 4 : i32
        %add3A_256 = arith.addi %mul3A_254, %add3A_255 : i32
        %mul3A_257 = arith.constant 16 : i32
        %mul3A_258 = arith.muli %add3A_256, %mul3A_257 : i32
        %add3A_259 = arith.addi %mul3A_252, %mul3A_258 : i32
        %add3A_260 = vector.broadcast %add3A_259 : i32 to vector<16xi32>
        %add3A_261 = arith.addi %add3A_260, %iota3A : vector<16xi32>
        %sub3A_262 = vector.broadcast %mul3A_2 : i32 to vector<16xi32>
        %sub3A_263 = arith.subi %get3A_129, %sub3A_262 : vector<16xi32>
        %lt3A_264 = arith.constant 6704 : i32
        %lt3A_265 = vector.broadcast %lt3A_264 : i32 to vector<16xi32>
        %lt3A_266 = arith.cmpi ult, %sub3A_263, %lt3A_265 : vector<16xi32>
        %and3A_267 = arith.andi %unique3A_171, %lt3A_266 : vector<16xi1>
        tpu.vector_store_idx %arg6[%sub3A_263], %add3A_261 masked %and3A_267 : memref<6704xi32, #tpu.memory_space<vmem>>[vector<16xi32>], vector<16xi32>, vector<16xi1>
        %mul3A_268 = arith.constant 1024 : i32
        %mul3A_269 = arith.muli %add3A_69, %mul3A_268 : i32
        %mul3A_270 = arith.constant 8 : i32
        %mul3A_271 = arith.muli %scan3A_89, %mul3A_270 : i32
        %add3A_272 = arith.constant 5 : i32
        %add3A_273 = arith.addi %mul3A_271, %add3A_272 : i32
        %mul3A_274 = arith.constant 16 : i32
        %mul3A_275 = arith.muli %add3A_273, %mul3A_274 : i32
        %add3A_276 = arith.addi %mul3A_269, %mul3A_275 : i32
        %add3A_277 = vector.broadcast %add3A_276 : i32 to vector<16xi32>
        %add3A_278 = arith.addi %add3A_277, %iota3A : vector<16xi32>
        %sub3A_279 = vector.broadcast %mul3A_2 : i32 to vector<16xi32>
        %sub3A_280 = arith.subi %get3A_137, %sub3A_279 : vector<16xi32>
        %lt3A_281 = arith.constant 6704 : i32
        %lt3A_282 = vector.broadcast %lt3A_281 : i32 to vector<16xi32>
        %lt3A_283 = arith.cmpi ult, %sub3A_280, %lt3A_282 : vector<16xi32>
        %and3A_284 = arith.andi %unique3A_175, %lt3A_283 : vector<16xi1>
        tpu.vector_store_idx %arg6[%sub3A_280], %add3A_278 masked %and3A_284 : memref<6704xi32, #tpu.memory_space<vmem>>[vector<16xi32>], vector<16xi32>, vector<16xi1>
        %mul3A_285 = arith.constant 1024 : i32
        %mul3A_286 = arith.muli %add3A_69, %mul3A_285 : i32
        %mul3A_287 = arith.constant 8 : i32
        %mul3A_288 = arith.muli %scan3A_89, %mul3A_287 : i32
        %add3A_289 = arith.constant 6 : i32
        %add3A_290 = arith.addi %mul3A_288, %add3A_289 : i32
        %mul3A_291 = arith.constant 16 : i32
        %mul3A_292 = arith.muli %add3A_290, %mul3A_291 : i32
        %add3A_293 = arith.addi %mul3A_286, %mul3A_292 : i32
        %add3A_294 = vector.broadcast %add3A_293 : i32 to vector<16xi32>
        %add3A_295 = arith.addi %add3A_294, %iota3A : vector<16xi32>
        %sub3A_296 = vector.broadcast %mul3A_2 : i32 to vector<16xi32>
        %sub3A_297 = arith.subi %get3A_145, %sub3A_296 : vector<16xi32>
        %lt3A_298 = arith.constant 6704 : i32
        %lt3A_299 = vector.broadcast %lt3A_298 : i32 to vector<16xi32>
        %lt3A_300 = arith.cmpi ult, %sub3A_297, %lt3A_299 : vector<16xi32>
        %and3A_301 = arith.andi %unique3A_179, %lt3A_300 : vector<16xi1>
        tpu.vector_store_idx %arg6[%sub3A_297], %add3A_295 masked %and3A_301 : memref<6704xi32, #tpu.memory_space<vmem>>[vector<16xi32>], vector<16xi32>, vector<16xi1>
        %mul3A_302 = arith.constant 1024 : i32
        %mul3A_303 = arith.muli %add3A_69, %mul3A_302 : i32
        %mul3A_304 = arith.constant 8 : i32
        %mul3A_305 = arith.muli %scan3A_89, %mul3A_304 : i32
        %add3A_306 = arith.constant 7 : i32
        %add3A_307 = arith.addi %mul3A_305, %add3A_306 : i32
        %mul3A_308 = arith.constant 16 : i32
        %mul3A_309 = arith.muli %add3A_307, %mul3A_308 : i32
        %add3A_310 = arith.addi %mul3A_303, %mul3A_309 : i32
        %add3A_311 = vector.broadcast %add3A_310 : i32 to vector<16xi32>
        %add3A_312 = arith.addi %add3A_311, %iota3A : vector<16xi32>
        %sub3A_313 = vector.broadcast %mul3A_2 : i32 to vector<16xi32>
        %sub3A_314 = arith.subi %get3A_153, %sub3A_313 : vector<16xi32>
        %lt3A_315 = arith.constant 6704 : i32
        %lt3A_316 = vector.broadcast %lt3A_315 : i32 to vector<16xi32>
        %lt3A_317 = arith.cmpi ult, %sub3A_314, %lt3A_316 : vector<16xi32>
        %and3A_318 = arith.andi %unique3A_183, %lt3A_317 : vector<16xi1>
        tpu.vector_store_idx %arg6[%sub3A_314], %add3A_312 masked %and3A_318 : memref<6704xi32, #tpu.memory_space<vmem>>[vector<16xi32>], vector<16xi32>, vector<16xi1>
        %scan3A_319 = arith.constant 0 : i32
        scf.yield %scan3A_319 : i32
      }
      %scan3A_80 = arith.constant 8 : i32
      %add3A_81 = arith.constant 2 : i32
      %add3A_82 = arith.addi %add3A_69, %add3A_81 : i32
      %lt3A_83 = arith.constant 118 : i32
      %lt3A_84 = arith.cmpi slt, %add3A_82, %lt3A_83 : i32
      %convert_element_type3A_85 = arith.extui %lt3A_84 : i1 to i32
      %cond3A_86 = arith.constant 0 : i32
      %cond3A_87 = arith.cmpi ne, %convert_element_type3A_85, %cond3A_86 : i32
      scf.if %cond3A_87 {
        %add3A_89 = arith.constant 2 : i32
        %add3A_90 = arith.addi %add3A_69, %add3A_89 : i32
        %mul3A_91 = arith.constant 1024 : i32
        %mul3A_92 = arith.muli %add3A_90, %mul3A_91 : i32
        %add3A_93 = arith.constant 0 : i32
        %add3A_94 = arith.addi %add3A_93, %mul3A_92 : i32
        %dma_start3A_95 = tpu.memref_slice %arg2[%add3A_94] : memref<120832xi32, #tpu.memory_space<hbm>> -> memref<1024xi32, #tpu.memory_space<hbm>>
        %dma_start3A_96 = tpu.memref_slice %arg2[%add3A_94] : memref<120832xi32, #tpu.memory_space<hbm>> -> memref<1024xi32, #tpu.memory_space<hbm>>
        tpu.enqueue_dma source(%dma_start3A_96 : memref<1024xi32, #tpu.memory_space<hbm>>) target(%arg5 : memref<1024xi32, #tpu.memory_space<vmem>>) target_semaphore(%arg8 : memref<!tpu.dma_semaphore, #tpu.memory_space<semaphore_mem>>)
      } else {
      }
      %scan3A_88 = arith.constant 0 : i32
      scf.yield %scan3A_88 : i32
    }
    %scan3A_43 = arith.constant 59 : i32
    %add3A_44 = arith.constant 0 : i32
    %add3A_45 = arith.addi %add3A_44, %mul3A_2 : i32
    "tpu.region"() ({
      %run_scoped3A = tpu.sem_alloc : memref<!tpu.dma_semaphore, #tpu.memory_space<semaphore_mem>>
      %dma_start3A_46 = tpu.memref_slice %arg3[%add3A_45] : memref<214528xi32, #tpu.memory_space<hbm>> -> memref<6704xi32, #tpu.memory_space<hbm>>
      %dma_start3A_47 = tpu.memref_slice %arg3[%add3A_45] : memref<214528xi32, #tpu.memory_space<hbm>> -> memref<6704xi32, #tpu.memory_space<hbm>>
      tpu.enqueue_dma source(%arg6 : memref<6704xi32, #tpu.memory_space<vmem>>) target(%dma_start3A_47 : memref<6704xi32, #tpu.memory_space<hbm>>) target_semaphore(%run_scoped3A : memref<!tpu.dma_semaphore, #tpu.memory_space<semaphore_mem>>)
      %dma_wait3A = tpu.memref_slice %arg3[%add3A_45] : memref<214528xi32, #tpu.memory_space<hbm>> -> memref<6704xi32, #tpu.memory_space<hbm>>
      %dma_wait3A_48 = tpu.memref_slice %arg3[%add3A_45] : memref<214528xi32, #tpu.memory_space<hbm>> -> memref<6704xi32, #tpu.memory_space<hbm>>
      tpu.wait_dma2 semaphore(%run_scoped3A : memref<!tpu.dma_semaphore, #tpu.memory_space<semaphore_mem>>) src(%arg6 : memref<6704xi32, #tpu.memory_space<vmem>>) dst(%dma_wait3A_48 : memref<6704xi32, #tpu.memory_space<hbm>>)
      tpu.yield
    }) : () -> ()
    return
  }
}

#map = affine_map<(d0, d1) -> (0)>
module attributes {stable_mosaic.version = 14 : i64} {
  func.func @_gather_body(%arg0: i32, %arg1: i32, %arg2: memref<7733248xi32, #tpu.memory_space<hbm>>, %arg3: memref<214528xi32, #tpu.memory_space<hbm>>, %arg4: memref<27426816xf32, #tpu.memory_space<hbm>>, %arg5: memref<120016xi32, #tpu.memory_space<vmem>>, %arg6: memref<1728xi32, #tpu.memory_space<vmem>>, %arg7: memref<1728xi32, #tpu.memory_space<vmem>>, %arg8: memref<1728xf32, #tpu.memory_space<vmem>>, %arg9: memref<1728xf32, #tpu.memory_space<vmem>>, %arg10: memref<1728xf32, #tpu.memory_space<vmem>>, %arg11: memref<1728xf32, #tpu.memory_space<vmem>>, %arg12: memref<!tpu.dma_semaphore, #tpu.memory_space<semaphore_mem>>, %arg13: memref<!tpu.dma_semaphore, #tpu.memory_space<semaphore_mem>>, %arg14: memref<!tpu.dma_semaphore, #tpu.memory_space<semaphore_mem>>, %arg15: memref<!tpu.dma_semaphore, #tpu.memory_space<semaphore_mem>>, %arg16: memref<!tpu.dma_semaphore, #tpu.memory_space<semaphore_mem>>, %arg17: memref<!tpu.dma_semaphore, #tpu.memory_space<semaphore_mem>>) attributes {dimension_semantics = [#tpu.dimension_semantics<core_parallel>, #tpu.dimension_semantics<subcore_parallel>], iteration_bounds = array<i64: 2, 16>, scalar_prefetch = 0 : i64, scratch_operands = 13 : i64, tpu.core_type = #tpu.core_type<sc_vector_subcore>, window_params = [{transform_indices = #map}, {transform_indices = #map}, {transform_indices = #map}]} {
    %mul3A = arith.constant 2 : i32
    %mul3A_0 = arith.muli %arg1, %mul3A : i32
    %add3A = arith.addi %mul3A_0, %arg0 : i32
    %mul3A_1 = arith.constant 2 : i32
    %mul3A_2 = arith.muli %add3A, %mul3A_1 : i32
    %add3A_3 = arith.constant 0 : i32
    %add3A_4 = arith.addi %mul3A_2, %add3A_3 : i32
    %add3A_5 = arith.constant 0 : i32
    %add3A_6 = arith.addi %add3A_5, %add3A_4 : i32
    %mul3A_7 = arith.constant 120832 : i32
    %mul3A_8 = arith.muli %add3A_6, %mul3A_7 : i32
    "tpu.region"() ({
      %run_scoped3A = tpu.sem_alloc : memref<!tpu.dma_semaphore, #tpu.memory_space<semaphore_mem>>
      %dma_start3A_80 = arith.constant 0 : i32
      %dma_start3A_81 = tpu.memref_slice %arg5[%dma_start3A_80] : memref<120016xi32, #tpu.memory_space<vmem>> -> memref<120016xi32, #tpu.memory_space<vmem>>
      %dma_start3A_82 = tpu.memref_slice %arg2[%mul3A_8] : memref<7733248xi32, #tpu.memory_space<hbm>> -> memref<120016xi32, #tpu.memory_space<hbm>>
      %dma_start3A_83 = arith.constant 0 : i32
      %dma_start3A_84 = tpu.memref_slice %arg5[%dma_start3A_83] : memref<120016xi32, #tpu.memory_space<vmem>> -> memref<120016xi32, #tpu.memory_space<vmem>>
      %dma_start3A_85 = tpu.memref_slice %arg2[%mul3A_8] : memref<7733248xi32, #tpu.memory_space<hbm>> -> memref<120016xi32, #tpu.memory_space<hbm>>
      tpu.enqueue_dma source(%dma_start3A_85 : memref<120016xi32, #tpu.memory_space<hbm>>) target(%dma_start3A_84 : memref<120016xi32, #tpu.memory_space<vmem>>) target_semaphore(%run_scoped3A : memref<!tpu.dma_semaphore, #tpu.memory_space<semaphore_mem>>)
      %dma_wait3A_86 = arith.constant 0 : i32
      %dma_wait3A_87 = tpu.memref_slice %arg5[%dma_wait3A_86] : memref<120016xi32, #tpu.memory_space<vmem>> -> memref<120016xi32, #tpu.memory_space<vmem>>
      %dma_wait3A_88 = tpu.memref_slice %arg2[%mul3A_8] : memref<7733248xi32, #tpu.memory_space<hbm>> -> memref<120016xi32, #tpu.memory_space<hbm>>
      %dma_wait3A_89 = arith.constant 0 : i32
      %dma_wait3A_90 = tpu.memref_slice %arg5[%dma_wait3A_89] : memref<120016xi32, #tpu.memory_space<vmem>> -> memref<120016xi32, #tpu.memory_space<vmem>>
      %dma_wait3A_91 = tpu.memref_slice %arg2[%mul3A_8] : memref<7733248xi32, #tpu.memory_space<hbm>> -> memref<120016xi32, #tpu.memory_space<hbm>>
      tpu.wait_dma2 semaphore(%run_scoped3A : memref<!tpu.dma_semaphore, #tpu.memory_space<semaphore_mem>>) src(%dma_wait3A_91 : memref<120016xi32, #tpu.memory_space<hbm>>) dst(%dma_wait3A_90 : memref<120016xi32, #tpu.memory_space<vmem>>)
      tpu.yield
    }) : () -> ()
    %add3A_9 = arith.constant 0 : i32
    %add3A_10 = arith.addi %add3A_9, %add3A_4 : i32
    %mul3A_11 = arith.constant 214272 : i32
    %mul3A_12 = arith.muli %add3A_10, %mul3A_11 : i32
    %add3A_13 = arith.constant 0 : i32
    %add3A_14 = arith.addi %add3A_13, %add3A_4 : i32
    %add3A_15 = arith.constant 64 : i32
    %add3A_16 = arith.addi %add3A_14, %add3A_15 : i32
    %mul3A_17 = arith.constant 214272 : i32
    %mul3A_18 = arith.muli %add3A_16, %mul3A_17 : i32
    %dma_start3A = arith.constant 0 : i32
    %dma_start3A_19 = tpu.memref_slice %arg3[%dma_start3A] : memref<214528xi32, #tpu.memory_space<hbm>> -> memref<1728xi32, #tpu.memory_space<hbm>>
    %dma_start3A_20 = arith.constant 0 : i32
    %dma_start3A_21 = tpu.memref_slice %arg3[%dma_start3A_20] : memref<214528xi32, #tpu.memory_space<hbm>> -> memref<1728xi32, #tpu.memory_space<hbm>>
    tpu.enqueue_dma source(%dma_start3A_21 : memref<1728xi32, #tpu.memory_space<hbm>>) target(%arg6 : memref<1728xi32, #tpu.memory_space<vmem>>) target_semaphore(%arg12 : memref<!tpu.dma_semaphore, #tpu.memory_space<semaphore_mem>>)
    %dma_start3A_22 = arith.constant 1728 : i32
    %dma_start3A_23 = tpu.memref_slice %arg3[%dma_start3A_22] : memref<214528xi32, #tpu.memory_space<hbm>> -> memref<1728xi32, #tpu.memory_space<hbm>>
    %dma_start3A_24 = arith.constant 1728 : i32
    %dma_start3A_25 = tpu.memref_slice %arg3[%dma_start3A_24] : memref<214528xi32, #tpu.memory_space<hbm>> -> memref<1728xi32, #tpu.memory_space<hbm>>
    tpu.enqueue_dma source(%dma_start3A_25 : memref<1728xi32, #tpu.memory_space<hbm>>) target(%arg7 : memref<1728xi32, #tpu.memory_space<vmem>>) target_semaphore(%arg13 : memref<!tpu.dma_semaphore, #tpu.memory_space<semaphore_mem>>)
    %scan3A = arith.constant 0 : i32
    %scan3A_26 = arith.constant 0 : i32
    %scan3A_27 = arith.constant 62 : i32
    %scan3A_28 = arith.addi %scan3A_26, %scan3A_27 : i32
    %scan3A_29 = arith.constant 1 : i32
    %scan3A_30 = scf.for %scan3A_80 = %scan3A_26 to %scan3A_28 step %scan3A_29 iter_args(%scan3A_81 = %scan3A) -> (i32)  : i32 {
      %mul3A_82 = arith.constant 2 : i32
      %mul3A_83 = arith.muli %mul3A_82, %scan3A_80 : i32
      %add3A_84 = arith.constant 0 : i32
      %add3A_85 = arith.addi %mul3A_83, %add3A_84 : i32
      %dma_wait3A_86 = arith.constant 0 : i32
      %dma_wait3A_87 = tpu.memref_slice %arg3[%dma_wait3A_86] : memref<214528xi32, #tpu.memory_space<hbm>> -> memref<1728xi32, #tpu.memory_space<hbm>>
      %dma_wait3A_88 = arith.constant 0 : i32
      %dma_wait3A_89 = tpu.memref_slice %arg3[%dma_wait3A_88] : memref<214528xi32, #tpu.memory_space<hbm>> -> memref<1728xi32, #tpu.memory_space<hbm>>
      tpu.wait_dma2 semaphore(%arg12 : memref<!tpu.dma_semaphore, #tpu.memory_space<semaphore_mem>>) src(%dma_wait3A_89 : memref<1728xi32, #tpu.memory_space<hbm>>) dst(%arg6 : memref<1728xi32, #tpu.memory_space<vmem>>)
      %ge3A = arith.constant 2 : i32
      %ge3A_90 = arith.cmpi sge, %add3A_85, %ge3A : i32
      %convert_element_type3A = arith.extui %ge3A_90 : i1 to i32
      %cond3A = arith.constant 0 : i32
      %cond3A_91 = arith.cmpi ne, %convert_element_type3A, %cond3A : i32
      scf.if %cond3A_91 {
        %dma_wait3A_153 = tpu.memref_slice %arg4[%mul3A_12] : memref<27426816xf32, #tpu.memory_space<hbm>> -> memref<1728xf32, #tpu.memory_space<hbm>>
        %dma_wait3A_154 = tpu.memref_slice %arg4[%mul3A_12] : memref<27426816xf32, #tpu.memory_space<hbm>> -> memref<1728xf32, #tpu.memory_space<hbm>>
        tpu.wait_dma2 semaphore(%arg14 : memref<!tpu.dma_semaphore, #tpu.memory_space<semaphore_mem>>) src(%arg8 : memref<1728xf32, #tpu.memory_space<vmem>>) dst(%dma_wait3A_154 : memref<1728xf32, #tpu.memory_space<hbm>>)
        %dma_wait3A_155 = tpu.memref_slice %arg4[%mul3A_18] : memref<27426816xf32, #tpu.memory_space<hbm>> -> memref<1728xf32, #tpu.memory_space<hbm>>
        %dma_wait3A_156 = tpu.memref_slice %arg4[%mul3A_18] : memref<27426816xf32, #tpu.memory_space<hbm>> -> memref<1728xf32, #tpu.memory_space<hbm>>
        tpu.wait_dma2 semaphore(%arg16 : memref<!tpu.dma_semaphore, #tpu.memory_space<semaphore_mem>>) src(%arg10 : memref<1728xf32, #tpu.memory_space<vmem>>) dst(%dma_wait3A_156 : memref<1728xf32, #tpu.memory_space<hbm>>)
      } else {
      }
      %scan3A_92 = arith.constant 0 : i32
      %scan3A_93 = arith.constant 0 : i32
      %scan3A_94 = arith.constant 12 : i32
      %scan3A_95 = arith.addi %scan3A_93, %scan3A_94 : i32
      %scan3A_96 = arith.constant 1 : i32
      %scan3A_97 = scf.for %scan3A_153 = %scan3A_93 to %scan3A_95 step %scan3A_96 iter_args(%scan3A_154 = %scan3A_92) -> (i32)  : i32 {
        %mul3A_155 = arith.constant 144 : i32
        %mul3A_156 = arith.muli %scan3A_153, %mul3A_155 : i32
        %add3A_157 = arith.constant 0 : i32
        %add3A_158 = arith.addi %mul3A_156, %add3A_157 : i32
        %add3A_159 = arith.constant 16 : i32
        %add3A_160 = arith.addi %mul3A_156, %add3A_159 : i32
        %add3A_161 = arith.constant 32 : i32
        %add3A_162 = arith.addi %mul3A_156, %add3A_161 : i32
        %add3A_163 = arith.constant 48 : i32
        %add3A_164 = arith.addi %mul3A_156, %add3A_163 : i32
        %add3A_165 = arith.constant 64 : i32
        %add3A_166 = arith.addi %mul3A_156, %add3A_165 : i32
        %add3A_167 = arith.constant 80 : i32
        %add3A_168 = arith.addi %mul3A_156, %add3A_167 : i32
        %add3A_169 = arith.constant 96 : i32
        %add3A_170 = arith.addi %mul3A_156, %add3A_169 : i32
        %add3A_171 = arith.constant 112 : i32
        %add3A_172 = arith.addi %mul3A_156, %add3A_171 : i32
        %add3A_173 = arith.constant 128 : i32
        %add3A_174 = arith.addi %mul3A_156, %add3A_173 : i32
        %get3A = arith.index_cast %add3A_158 : i32 to index
        %get3A_175 = tpu.vector_load %arg6[%get3A] {strides = array<i32>} : memref<1728xi32, #tpu.memory_space<vmem>>, vector<16xi32>,
        %get3A_176 = arith.index_cast %add3A_160 : i32 to index
        %get3A_177 = tpu.vector_load %arg6[%get3A_176] {strides = array<i32>} : memref<1728xi32, #tpu.memory_space<vmem>>, vector<16xi32>,
        %get3A_178 = arith.index_cast %add3A_162 : i32 to index
        %get3A_179 = tpu.vector_load %arg6[%get3A_178] {strides = array<i32>} : memref<1728xi32, #tpu.memory_space<vmem>>, vector<16xi32>,
        %get3A_180 = arith.index_cast %add3A_164 : i32 to index
        %get3A_181 = tpu.vector_load %arg6[%get3A_180] {strides = array<i32>} : memref<1728xi32, #tpu.memory_space<vmem>>, vector<16xi32>,
        %get3A_182 = arith.index_cast %add3A_166 : i32 to index
        %get3A_183 = tpu.vector_load %arg6[%get3A_182] {strides = array<i32>} : memref<1728xi32, #tpu.memory_space<vmem>>, vector<16xi32>,
        %get3A_184 = arith.index_cast %add3A_168 : i32 to index
        %get3A_185 = tpu.vector_load %arg6[%get3A_184] {strides = array<i32>} : memref<1728xi32, #tpu.memory_space<vmem>>, vector<16xi32>,
        %get3A_186 = arith.index_cast %add3A_170 : i32 to index
        %get3A_187 = tpu.vector_load %arg6[%get3A_186] {strides = array<i32>} : memref<1728xi32, #tpu.memory_space<vmem>>, vector<16xi32>,
        %get3A_188 = arith.index_cast %add3A_172 : i32 to index
        %get3A_189 = tpu.vector_load %arg6[%get3A_188] {strides = array<i32>} : memref<1728xi32, #tpu.memory_space<vmem>>, vector<16xi32>,
        %get3A_190 = arith.index_cast %add3A_174 : i32 to index
        %get3A_191 = tpu.vector_load %arg6[%get3A_190] {strides = array<i32>} : memref<1728xi32, #tpu.memory_space<vmem>>, vector<16xi32>,
        %gather3A = tpu.vector_load_idx %arg5[%get3A_175] : memref<120016xi32, #tpu.memory_space<vmem>>[vector<16xi32>], vector<16xi32>,
        %gather3A_192 = tpu.vector_load_idx %arg5[%get3A_177] : memref<120016xi32, #tpu.memory_space<vmem>>[vector<16xi32>], vector<16xi32>,
        %gather3A_193 = tpu.vector_load_idx %arg5[%get3A_179] : memref<120016xi32, #tpu.memory_space<vmem>>[vector<16xi32>], vector<16xi32>,
        %gather3A_194 = tpu.vector_load_idx %arg5[%get3A_181] : memref<120016xi32, #tpu.memory_space<vmem>>[vector<16xi32>], vector<16xi32>,
        %gather3A_195 = tpu.vector_load_idx %arg5[%get3A_183] : memref<120016xi32, #tpu.memory_space<vmem>>[vector<16xi32>], vector<16xi32>,
        %gather3A_196 = tpu.vector_load_idx %arg5[%get3A_185] : memref<120016xi32, #tpu.memory_space<vmem>>[vector<16xi32>], vector<16xi32>,
        %gather3A_197 = tpu.vector_load_idx %arg5[%get3A_187] : memref<120016xi32, #tpu.memory_space<vmem>>[vector<16xi32>], vector<16xi32>,
        %gather3A_198 = tpu.vector_load_idx %arg5[%get3A_189] : memref<120016xi32, #tpu.memory_space<vmem>>[vector<16xi32>], vector<16xi32>,
        %gather3A_199 = tpu.vector_load_idx %arg5[%get3A_191] : memref<120016xi32, #tpu.memory_space<vmem>>[vector<16xi32>], vector<16xi32>,
        %shift_left3A = arith.constant 16 : i32
        %shift_left3A_200 = vector.broadcast %shift_left3A : i32 to vector<16xi32>
        %shift_left3A_201 = arith.shli %gather3A, %shift_left3A_200 : vector<16xi32>
        %bitcast3A = vector.bitcast %shift_left3A_201 : vector<16xi32> to vector<16xf32>
        %swap3A = arith.index_cast %add3A_158 : i32 to index
        %swap3A_202 = tpu.vector_load %arg8[%swap3A] {strides = array<i32>} : memref<1728xf32, #tpu.memory_space<vmem>>, vector<16xf32>,
        tpu.vector_store %arg8[%swap3A], %bitcast3A {strides = array<i32>} : memref<1728xf32, #tpu.memory_space<vmem>>, vector<16xf32>,
        %and3A = arith.constant -65536 : i32
        %and3A_203 = vector.broadcast %and3A : i32 to vector<16xi32>
        %and3A_204 = arith.andi %gather3A, %and3A_203 : vector<16xi32>
        %bitcast3A_205 = vector.bitcast %and3A_204 : vector<16xi32> to vector<16xf32>
        %swap3A_206 = arith.index_cast %add3A_158 : i32 to index
        %swap3A_207 = tpu.vector_load %arg10[%swap3A_206] {strides = array<i32>} : memref<1728xf32, #tpu.memory_space<vmem>>, vector<16xf32>,
        tpu.vector_store %arg10[%swap3A_206], %bitcast3A_205 {strides = array<i32>} : memref<1728xf32, #tpu.memory_space<vmem>>, vector<16xf32>,
        %shift_left3A_208 = arith.constant 16 : i32
        %shift_left3A_209 = vector.broadcast %shift_left3A_208 : i32 to vector<16xi32>
        %shift_left3A_210 = arith.shli %gather3A_192, %shift_left3A_209 : vector<16xi32>
        %bitcast3A_211 = vector.bitcast %shift_left3A_210 : vector<16xi32> to vector<16xf32>
        %swap3A_212 = arith.index_cast %add3A_160 : i32 to index
        %swap3A_213 = tpu.vector_load %arg8[%swap3A_212] {strides = array<i32>} : memref<1728xf32, #tpu.memory_space<vmem>>, vector<16xf32>,
        tpu.vector_store %arg8[%swap3A_212], %bitcast3A_211 {strides = array<i32>} : memref<1728xf32, #tpu.memory_space<vmem>>, vector<16xf32>,
        %and3A_214 = arith.constant -65536 : i32
        %and3A_215 = vector.broadcast %and3A_214 : i32 to vector<16xi32>
        %and3A_216 = arith.andi %gather3A_192, %and3A_215 : vector<16xi32>
        %bitcast3A_217 = vector.bitcast %and3A_216 : vector<16xi32> to vector<16xf32>
        %swap3A_218 = arith.index_cast %add3A_160 : i32 to index
        %swap3A_219 = tpu.vector_load %arg10[%swap3A_218] {strides = array<i32>} : memref<1728xf32, #tpu.memory_space<vmem>>, vector<16xf32>,
        tpu.vector_store %arg10[%swap3A_218], %bitcast3A_217 {strides = array<i32>} : memref<1728xf32, #tpu.memory_space<vmem>>, vector<16xf32>,
        %shift_left3A_220 = arith.constant 16 : i32
        %shift_left3A_221 = vector.broadcast %shift_left3A_220 : i32 to vector<16xi32>
        %shift_left3A_222 = arith.shli %gather3A_193, %shift_left3A_221 : vector<16xi32>
        %bitcast3A_223 = vector.bitcast %shift_left3A_222 : vector<16xi32> to vector<16xf32>
        %swap3A_224 = arith.index_cast %add3A_162 : i32 to index
        %swap3A_225 = tpu.vector_load %arg8[%swap3A_224] {strides = array<i32>} : memref<1728xf32, #tpu.memory_space<vmem>>, vector<16xf32>,
        tpu.vector_store %arg8[%swap3A_224], %bitcast3A_223 {strides = array<i32>} : memref<1728xf32, #tpu.memory_space<vmem>>, vector<16xf32>,
        %and3A_226 = arith.constant -65536 : i32
        %and3A_227 = vector.broadcast %and3A_226 : i32 to vector<16xi32>
        %and3A_228 = arith.andi %gather3A_193, %and3A_227 : vector<16xi32>
        %bitcast3A_229 = vector.bitcast %and3A_228 : vector<16xi32> to vector<16xf32>
        %swap3A_230 = arith.index_cast %add3A_162 : i32 to index
        %swap3A_231 = tpu.vector_load %arg10[%swap3A_230] {strides = array<i32>} : memref<1728xf32, #tpu.memory_space<vmem>>, vector<16xf32>,
        tpu.vector_store %arg10[%swap3A_230], %bitcast3A_229 {strides = array<i32>} : memref<1728xf32, #tpu.memory_space<vmem>>, vector<16xf32>,
        %shift_left3A_232 = arith.constant 16 : i32
        %shift_left3A_233 = vector.broadcast %shift_left3A_232 : i32 to vector<16xi32>
        %shift_left3A_234 = arith.shli %gather3A_194, %shift_left3A_233 : vector<16xi32>
        %bitcast3A_235 = vector.bitcast %shift_left3A_234 : vector<16xi32> to vector<16xf32>
        %swap3A_236 = arith.index_cast %add3A_164 : i32 to index
        %swap3A_237 = tpu.vector_load %arg8[%swap3A_236] {strides = array<i32>} : memref<1728xf32, #tpu.memory_space<vmem>>, vector<16xf32>,
        tpu.vector_store %arg8[%swap3A_236], %bitcast3A_235 {strides = array<i32>} : memref<1728xf32, #tpu.memory_space<vmem>>, vector<16xf32>,
        %and3A_238 = arith.constant -65536 : i32
        %and3A_239 = vector.broadcast %and3A_238 : i32 to vector<16xi32>
        %and3A_240 = arith.andi %gather3A_194, %and3A_239 : vector<16xi32>
        %bitcast3A_241 = vector.bitcast %and3A_240 : vector<16xi32> to vector<16xf32>
        %swap3A_242 = arith.index_cast %add3A_164 : i32 to index
        %swap3A_243 = tpu.vector_load %arg10[%swap3A_242] {strides = array<i32>} : memref<1728xf32, #tpu.memory_space<vmem>>, vector<16xf32>,
        tpu.vector_store %arg10[%swap3A_242], %bitcast3A_241 {strides = array<i32>} : memref<1728xf32, #tpu.memory_space<vmem>>, vector<16xf32>,
        %shift_left3A_244 = arith.constant 16 : i32
        %shift_left3A_245 = vector.broadcast %shift_left3A_244 : i32 to vector<16xi32>
        %shift_left3A_246 = arith.shli %gather3A_195, %shift_left3A_245 : vector<16xi32>
        %bitcast3A_247 = vector.bitcast %shift_left3A_246 : vector<16xi32> to vector<16xf32>
        %swap3A_248 = arith.index_cast %add3A_166 : i32 to index
        %swap3A_249 = tpu.vector_load %arg8[%swap3A_248] {strides = array<i32>} : memref<1728xf32, #tpu.memory_space<vmem>>, vector<16xf32>,
        tpu.vector_store %arg8[%swap3A_248], %bitcast3A_247 {strides = array<i32>} : memref<1728xf32, #tpu.memory_space<vmem>>, vector<16xf32>,
        %and3A_250 = arith.constant -65536 : i32
        %and3A_251 = vector.broadcast %and3A_250 : i32 to vector<16xi32>
        %and3A_252 = arith.andi %gather3A_195, %and3A_251 : vector<16xi32>
        %bitcast3A_253 = vector.bitcast %and3A_252 : vector<16xi32> to vector<16xf32>
        %swap3A_254 = arith.index_cast %add3A_166 : i32 to index
        %swap3A_255 = tpu.vector_load %arg10[%swap3A_254] {strides = array<i32>} : memref<1728xf32, #tpu.memory_space<vmem>>, vector<16xf32>,
        tpu.vector_store %arg10[%swap3A_254], %bitcast3A_253 {strides = array<i32>} : memref<1728xf32, #tpu.memory_space<vmem>>, vector<16xf32>,
        %shift_left3A_256 = arith.constant 16 : i32
        %shift_left3A_257 = vector.broadcast %shift_left3A_256 : i32 to vector<16xi32>
        %shift_left3A_258 = arith.shli %gather3A_196, %shift_left3A_257 : vector<16xi32>
        %bitcast3A_259 = vector.bitcast %shift_left3A_258 : vector<16xi32> to vector<16xf32>
        %swap3A_260 = arith.index_cast %add3A_168 : i32 to index
        %swap3A_261 = tpu.vector_load %arg8[%swap3A_260] {strides = array<i32>} : memref<1728xf32, #tpu.memory_space<vmem>>, vector<16xf32>,
        tpu.vector_store %arg8[%swap3A_260], %bitcast3A_259 {strides = array<i32>} : memref<1728xf32, #tpu.memory_space<vmem>>, vector<16xf32>,
        %and3A_262 = arith.constant -65536 : i32
        %and3A_263 = vector.broadcast %and3A_262 : i32 to vector<16xi32>
        %and3A_264 = arith.andi %gather3A_196, %and3A_263 : vector<16xi32>
        %bitcast3A_265 = vector.bitcast %and3A_264 : vector<16xi32> to vector<16xf32>
        %swap3A_266 = arith.index_cast %add3A_168 : i32 to index
        %swap3A_267 = tpu.vector_load %arg10[%swap3A_266] {strides = array<i32>} : memref<1728xf32, #tpu.memory_space<vmem>>, vector<16xf32>,
        tpu.vector_store %arg10[%swap3A_266], %bitcast3A_265 {strides = array<i32>} : memref<1728xf32, #tpu.memory_space<vmem>>, vector<16xf32>,
        %shift_left3A_268 = arith.constant 16 : i32
        %shift_left3A_269 = vector.broadcast %shift_left3A_268 : i32 to vector<16xi32>
        %shift_left3A_270 = arith.shli %gather3A_197, %shift_left3A_269 : vector<16xi32>
        %bitcast3A_271 = vector.bitcast %shift_left3A_270 : vector<16xi32> to vector<16xf32>
        %swap3A_272 = arith.index_cast %add3A_170 : i32 to index
        %swap3A_273 = tpu.vector_load %arg8[%swap3A_272] {strides = array<i32>} : memref<1728xf32, #tpu.memory_space<vmem>>, vector<16xf32>,
        tpu.vector_store %arg8[%swap3A_272], %bitcast3A_271 {strides = array<i32>} : memref<1728xf32, #tpu.memory_space<vmem>>, vector<16xf32>,
        %and3A_274 = arith.constant -65536 : i32
        %and3A_275 = vector.broadcast %and3A_274 : i32 to vector<16xi32>
        %and3A_276 = arith.andi %gather3A_197, %and3A_275 : vector<16xi32>
        %bitcast3A_277 = vector.bitcast %and3A_276 : vector<16xi32> to vector<16xf32>
        %swap3A_278 = arith.index_cast %add3A_170 : i32 to index
        %swap3A_279 = tpu.vector_load %arg10[%swap3A_278] {strides = array<i32>} : memref<1728xf32, #tpu.memory_space<vmem>>, vector<16xf32>,
        tpu.vector_store %arg10[%swap3A_278], %bitcast3A_277 {strides = array<i32>} : memref<1728xf32, #tpu.memory_space<vmem>>, vector<16xf32>,
        %shift_left3A_280 = arith.constant 16 : i32
        %shift_left3A_281 = vector.broadcast %shift_left3A_280 : i32 to vector<16xi32>
        %shift_left3A_282 = arith.shli %gather3A_198, %shift_left3A_281 : vector<16xi32>
        %bitcast3A_283 = vector.bitcast %shift_left3A_282 : vector<16xi32> to vector<16xf32>
        %swap3A_284 = arith.index_cast %add3A_172 : i32 to index
        %swap3A_285 = tpu.vector_load %arg8[%swap3A_284] {strides = array<i32>} : memref<1728xf32, #tpu.memory_space<vmem>>, vector<16xf32>,
        tpu.vector_store %arg8[%swap3A_284], %bitcast3A_283 {strides = array<i32>} : memref<1728xf32, #tpu.memory_space<vmem>>, vector<16xf32>,
        %and3A_286 = arith.constant -65536 : i32
        %and3A_287 = vector.broadcast %and3A_286 : i32 to vector<16xi32>
        %and3A_288 = arith.andi %gather3A_198, %and3A_287 : vector<16xi32>
        %bitcast3A_289 = vector.bitcast %and3A_288 : vector<16xi32> to vector<16xf32>
        %swap3A_290 = arith.index_cast %add3A_172 : i32 to index
        %swap3A_291 = tpu.vector_load %arg10[%swap3A_290] {strides = array<i32>} : memref<1728xf32, #tpu.memory_space<vmem>>, vector<16xf32>,
        tpu.vector_store %arg10[%swap3A_290], %bitcast3A_289 {strides = array<i32>} : memref<1728xf32, #tpu.memory_space<vmem>>, vector<16xf32>,
        %shift_left3A_292 = arith.constant 16 : i32
        %shift_left3A_293 = vector.broadcast %shift_left3A_292 : i32 to vector<16xi32>
        %shift_left3A_294 = arith.shli %gather3A_199, %shift_left3A_293 : vector<16xi32>
        %bitcast3A_295 = vector.bitcast %shift_left3A_294 : vector<16xi32> to vector<16xf32>
        %swap3A_296 = arith.index_cast %add3A_174 : i32 to index
        %swap3A_297 = tpu.vector_load %arg8[%swap3A_296] {strides = array<i32>} : memref<1728xf32, #tpu.memory_space<vmem>>, vector<16xf32>,
        tpu.vector_store %arg8[%swap3A_296], %bitcast3A_295 {strides = array<i32>} : memref<1728xf32, #tpu.memory_space<vmem>>, vector<16xf32>,
        %and3A_298 = arith.constant -65536 : i32
        %and3A_299 = vector.broadcast %and3A_298 : i32 to vector<16xi32>
        %and3A_300 = arith.andi %gather3A_199, %and3A_299 : vector<16xi32>
        %bitcast3A_301 = vector.bitcast %and3A_300 : vector<16xi32> to vector<16xf32>
        %swap3A_302 = arith.index_cast %add3A_174 : i32 to index
        %swap3A_303 = tpu.vector_load %arg10[%swap3A_302] {strides = array<i32>} : memref<1728xf32, #tpu.memory_space<vmem>>, vector<16xf32>,
        tpu.vector_store %arg10[%swap3A_302], %bitcast3A_301 {strides = array<i32>} : memref<1728xf32, #tpu.memory_space<vmem>>, vector<16xf32>,
        %scan3A_304 = arith.constant 0 : i32
        scf.yield %scan3A_304 : i32
      }
      %scan3A_98 = arith.constant 12 : i32
      %mul3A_99 = arith.constant 1728 : i32
      %mul3A_100 = arith.muli %add3A_85, %mul3A_99 : i32
      %add3A_101 = arith.addi %mul3A_12, %mul3A_100 : i32
      %dma_start3A_102 = tpu.memref_slice %arg4[%add3A_101] : memref<27426816xf32, #tpu.memory_space<hbm>> -> memref<1728xf32, #tpu.memory_space<hbm>>
      %dma_start3A_103 = tpu.memref_slice %arg4[%add3A_101] : memref<27426816xf32, #tpu.memory_space<hbm>> -> memref<1728xf32, #tpu.memory_space<hbm>>
      tpu.enqueue_dma source(%arg8 : memref<1728xf32, #tpu.memory_space<vmem>>) target(%dma_start3A_103 : memref<1728xf32, #tpu.memory_space<hbm>>) target_semaphore(%arg14 : memref<!tpu.dma_semaphore, #tpu.memory_space<semaphore_mem>>)
      %mul3A_104 = arith.constant 1728 : i32
      %mul3A_105 = arith.muli %add3A_85, %mul3A_104 : i32
      %add3A_106 = arith.addi %mul3A_18, %mul3A_105 : i32
      %dma_start3A_107 = tpu.memref_slice %arg4[%add3A_106] : memref<27426816xf32, #tpu.memory_space<hbm>> -> memref<1728xf32, #tpu.memory_space<hbm>>
      %dma_start3A_108 = tpu.memref_slice %arg4[%add3A_106] : memref<27426816xf32, #tpu.memory_space<hbm>> -> memref<1728xf32, #tpu.memory_space<hbm>>
      tpu.enqueue_dma source(%arg10 : memref<1728xf32, #tpu.memory_space<vmem>>) target(%dma_start3A_108 : memref<1728xf32, #tpu.memory_space<hbm>>) target_semaphore(%arg16 : memref<!tpu.dma_semaphore, #tpu.memory_space<semaphore_mem>>)
      %add3A_109 = arith.constant 2 : i32
      %add3A_110 = arith.addi %add3A_85, %add3A_109 : i32
      %lt3A = arith.constant 124 : i32
      %lt3A_111 = arith.cmpi slt, %add3A_110, %lt3A : i32
      %convert_element_type3A_112 = arith.extui %lt3A_111 : i1 to i32
      %cond3A_113 = arith.constant 0 : i32
      %cond3A_114 = arith.cmpi ne, %convert_element_type3A_112, %cond3A_113 : i32
      scf.if %cond3A_114 {
        %add3A_153 = arith.constant 2 : i32
        %add3A_154 = arith.addi %add3A_85, %add3A_153 : i32
        %mul3A_155 = arith.constant 1728 : i32
        %mul3A_156 = arith.muli %add3A_154, %mul3A_155 : i32
        %add3A_157 = arith.constant 0 : i32
        %add3A_158 = arith.addi %add3A_157, %mul3A_156 : i32
        %dma_start3A_159 = tpu.memref_slice %arg3[%add3A_158] : memref<214528xi32, #tpu.memory_space<hbm>> -> memref<1728xi32, #tpu.memory_space<hbm>>
        %dma_start3A_160 = tpu.memref_slice %arg3[%add3A_158] : memref<214528xi32, #tpu.memory_space<hbm>> -> memref<1728xi32, #tpu.memory_space<hbm>>
        tpu.enqueue_dma source(%dma_start3A_160 : memref<1728xi32, #tpu.memory_space<hbm>>) target(%arg6 : memref<1728xi32, #tpu.memory_space<vmem>>) target_semaphore(%arg12 : memref<!tpu.dma_semaphore, #tpu.memory_space<semaphore_mem>>)
      } else {
      }
      %mul3A_115 = arith.constant 2 : i32
      %mul3A_116 = arith.muli %mul3A_115, %scan3A_80 : i32
      %add3A_117 = arith.constant 1 : i32
      %add3A_118 = arith.addi %mul3A_116, %add3A_117 : i32
      %dma_wait3A_119 = arith.constant 0 : i32
      %dma_wait3A_120 = tpu.memref_slice %arg3[%dma_wait3A_119] : memref<214528xi32, #tpu.memory_space<hbm>> -> memref<1728xi32, #tpu.memory_space<hbm>>
      %dma_wait3A_121 = arith.constant 0 : i32
      %dma_wait3A_122 = tpu.memref_slice %arg3[%dma_wait3A_121] : memref<214528xi32, #tpu.memory_space<hbm>> -> memref<1728xi32, #tpu.memory_space<hbm>>
      tpu.wait_dma2 semaphore(%arg13 : memref<!tpu.dma_semaphore, #tpu.memory_space<semaphore_mem>>) src(%dma_wait3A_122 : memref<1728xi32, #tpu.memory_space<hbm>>) dst(%arg7 : memref<1728xi32, #tpu.memory_space<vmem>>)
      %ge3A_123 = arith.constant 2 : i32
      %ge3A_124 = arith.cmpi sge, %add3A_118, %ge3A_123 : i32
      %convert_element_type3A_125 = arith.extui %ge3A_124 : i1 to i32
      %cond3A_126 = arith.constant 0 : i32
      %cond3A_127 = arith.cmpi ne, %convert_element_type3A_125, %cond3A_126 : i32
      scf.if %cond3A_127 {
        %dma_wait3A_153 = tpu.memref_slice %arg4[%mul3A_12] : memref<27426816xf32, #tpu.memory_space<hbm>> -> memref<1728xf32, #tpu.memory_space<hbm>>
        %dma_wait3A_154 = tpu.memref_slice %arg4[%mul3A_12] : memref<27426816xf32, #tpu.memory_space<hbm>> -> memref<1728xf32, #tpu.memory_space<hbm>>
        tpu.wait_dma2 semaphore(%arg15 : memref<!tpu.dma_semaphore, #tpu.memory_space<semaphore_mem>>) src(%arg9 : memref<1728xf32, #tpu.memory_space<vmem>>) dst(%dma_wait3A_154 : memref<1728xf32, #tpu.memory_space<hbm>>)
        %dma_wait3A_155 = tpu.memref_slice %arg4[%mul3A_18] : memref<27426816xf32, #tpu.memory_space<hbm>> -> memref<1728xf32, #tpu.memory_space<hbm>>
        %dma_wait3A_156 = tpu.memref_slice %arg4[%mul3A_18] : memref<27426816xf32, #tpu.memory_space<hbm>> -> memref<1728xf32, #tpu.memory_space<hbm>>
        tpu.wait_dma2 semaphore(%arg17 : memref<!tpu.dma_semaphore, #tpu.memory_space<semaphore_mem>>) src(%arg11 : memref<1728xf32, #tpu.memory_space<vmem>>) dst(%dma_wait3A_156 : memref<1728xf32, #tpu.memory_space<hbm>>)
      } else {
      }
      %scan3A_128 = arith.constant 0 : i32
      %scan3A_129 = arith.constant 0 : i32
      %scan3A_130 = arith.constant 12 : i32
      %scan3A_131 = arith.addi %scan3A_129, %scan3A_130 : i32
      %scan3A_132 = arith.constant 1 : i32
      %scan3A_133 = scf.for %scan3A_153 = %scan3A_129 to %scan3A_131 step %scan3A_132 iter_args(%scan3A_154 = %scan3A_128) -> (i32)  : i32 {
        %mul3A_155 = arith.constant 144 : i32
        %mul3A_156 = arith.muli %scan3A_153, %mul3A_155 : i32
        %add3A_157 = arith.constant 0 : i32
        %add3A_158 = arith.addi %mul3A_156, %add3A_157 : i32
        %add3A_159 = arith.constant 16 : i32
        %add3A_160 = arith.addi %mul3A_156, %add3A_159 : i32
        %add3A_161 = arith.constant 32 : i32
        %add3A_162 = arith.addi %mul3A_156, %add3A_161 : i32
        %add3A_163 = arith.constant 48 : i32
        %add3A_164 = arith.addi %mul3A_156, %add3A_163 : i32
        %add3A_165 = arith.constant 64 : i32
        %add3A_166 = arith.addi %mul3A_156, %add3A_165 : i32
        %add3A_167 = arith.constant 80 : i32
        %add3A_168 = arith.addi %mul3A_156, %add3A_167 : i32
        %add3A_169 = arith.constant 96 : i32
        %add3A_170 = arith.addi %mul3A_156, %add3A_169 : i32
        %add3A_171 = arith.constant 112 : i32
        %add3A_172 = arith.addi %mul3A_156, %add3A_171 : i32
        %add3A_173 = arith.constant 128 : i32
        %add3A_174 = arith.addi %mul3A_156, %add3A_173 : i32
        %get3A = arith.index_cast %add3A_158 : i32 to index
        %get3A_175 = tpu.vector_load %arg7[%get3A] {strides = array<i32>} : memref<1728xi32, #tpu.memory_space<vmem>>, vector<16xi32>,
        %get3A_176 = arith.index_cast %add3A_160 : i32 to index
        %get3A_177 = tpu.vector_load %arg7[%get3A_176] {strides = array<i32>} : memref<1728xi32, #tpu.memory_space<vmem>>, vector<16xi32>,
        %get3A_178 = arith.index_cast %add3A_162 : i32 to index
        %get3A_179 = tpu.vector_load %arg7[%get3A_178] {strides = array<i32>} : memref<1728xi32, #tpu.memory_space<vmem>>, vector<16xi32>,
        %get3A_180 = arith.index_cast %add3A_164 : i32 to index
        %get3A_181 = tpu.vector_load %arg7[%get3A_180] {strides = array<i32>} : memref<1728xi32, #tpu.memory_space<vmem>>, vector<16xi32>,
        %get3A_182 = arith.index_cast %add3A_166 : i32 to index
        %get3A_183 = tpu.vector_load %arg7[%get3A_182] {strides = array<i32>} : memref<1728xi32, #tpu.memory_space<vmem>>, vector<16xi32>,
        %get3A_184 = arith.index_cast %add3A_168 : i32 to index
        %get3A_185 = tpu.vector_load %arg7[%get3A_184] {strides = array<i32>} : memref<1728xi32, #tpu.memory_space<vmem>>, vector<16xi32>,
        %get3A_186 = arith.index_cast %add3A_170 : i32 to index
        %get3A_187 = tpu.vector_load %arg7[%get3A_186] {strides = array<i32>} : memref<1728xi32, #tpu.memory_space<vmem>>, vector<16xi32>,
        %get3A_188 = arith.index_cast %add3A_172 : i32 to index
        %get3A_189 = tpu.vector_load %arg7[%get3A_188] {strides = array<i32>} : memref<1728xi32, #tpu.memory_space<vmem>>, vector<16xi32>,
        %get3A_190 = arith.index_cast %add3A_174 : i32 to index
        %get3A_191 = tpu.vector_load %arg7[%get3A_190] {strides = array<i32>} : memref<1728xi32, #tpu.memory_space<vmem>>, vector<16xi32>,
        %gather3A = tpu.vector_load_idx %arg5[%get3A_175] : memref<120016xi32, #tpu.memory_space<vmem>>[vector<16xi32>], vector<16xi32>,
        %gather3A_192 = tpu.vector_load_idx %arg5[%get3A_177] : memref<120016xi32, #tpu.memory_space<vmem>>[vector<16xi32>], vector<16xi32>,
        %gather3A_193 = tpu.vector_load_idx %arg5[%get3A_179] : memref<120016xi32, #tpu.memory_space<vmem>>[vector<16xi32>], vector<16xi32>,
        %gather3A_194 = tpu.vector_load_idx %arg5[%get3A_181] : memref<120016xi32, #tpu.memory_space<vmem>>[vector<16xi32>], vector<16xi32>,
        %gather3A_195 = tpu.vector_load_idx %arg5[%get3A_183] : memref<120016xi32, #tpu.memory_space<vmem>>[vector<16xi32>], vector<16xi32>,
        %gather3A_196 = tpu.vector_load_idx %arg5[%get3A_185] : memref<120016xi32, #tpu.memory_space<vmem>>[vector<16xi32>], vector<16xi32>,
        %gather3A_197 = tpu.vector_load_idx %arg5[%get3A_187] : memref<120016xi32, #tpu.memory_space<vmem>>[vector<16xi32>], vector<16xi32>,
        %gather3A_198 = tpu.vector_load_idx %arg5[%get3A_189] : memref<120016xi32, #tpu.memory_space<vmem>>[vector<16xi32>], vector<16xi32>,
        %gather3A_199 = tpu.vector_load_idx %arg5[%get3A_191] : memref<120016xi32, #tpu.memory_space<vmem>>[vector<16xi32>], vector<16xi32>,
        %shift_left3A = arith.constant 16 : i32
        %shift_left3A_200 = vector.broadcast %shift_left3A : i32 to vector<16xi32>
        %shift_left3A_201 = arith.shli %gather3A, %shift_left3A_200 : vector<16xi32>
        %bitcast3A = vector.bitcast %shift_left3A_201 : vector<16xi32> to vector<16xf32>
        %swap3A = arith.index_cast %add3A_158 : i32 to index
        %swap3A_202 = tpu.vector_load %arg9[%swap3A] {strides = array<i32>} : memref<1728xf32, #tpu.memory_space<vmem>>, vector<16xf32>,
        tpu.vector_store %arg9[%swap3A], %bitcast3A {strides = array<i32>} : memref<1728xf32, #tpu.memory_space<vmem>>, vector<16xf32>,
        %and3A = arith.constant -65536 : i32
        %and3A_203 = vector.broadcast %and3A : i32 to vector<16xi32>
        %and3A_204 = arith.andi %gather3A, %and3A_203 : vector<16xi32>
        %bitcast3A_205 = vector.bitcast %and3A_204 : vector<16xi32> to vector<16xf32>
        %swap3A_206 = arith.index_cast %add3A_158 : i32 to index
        %swap3A_207 = tpu.vector_load %arg11[%swap3A_206] {strides = array<i32>} : memref<1728xf32, #tpu.memory_space<vmem>>, vector<16xf32>,
        tpu.vector_store %arg11[%swap3A_206], %bitcast3A_205 {strides = array<i32>} : memref<1728xf32, #tpu.memory_space<vmem>>, vector<16xf32>,
        %shift_left3A_208 = arith.constant 16 : i32
        %shift_left3A_209 = vector.broadcast %shift_left3A_208 : i32 to vector<16xi32>
        %shift_left3A_210 = arith.shli %gather3A_192, %shift_left3A_209 : vector<16xi32>
        %bitcast3A_211 = vector.bitcast %shift_left3A_210 : vector<16xi32> to vector<16xf32>
        %swap3A_212 = arith.index_cast %add3A_160 : i32 to index
        %swap3A_213 = tpu.vector_load %arg9[%swap3A_212] {strides = array<i32>} : memref<1728xf32, #tpu.memory_space<vmem>>, vector<16xf32>,
        tpu.vector_store %arg9[%swap3A_212], %bitcast3A_211 {strides = array<i32>} : memref<1728xf32, #tpu.memory_space<vmem>>, vector<16xf32>,
        %and3A_214 = arith.constant -65536 : i32
        %and3A_215 = vector.broadcast %and3A_214 : i32 to vector<16xi32>
        %and3A_216 = arith.andi %gather3A_192, %and3A_215 : vector<16xi32>
        %bitcast3A_217 = vector.bitcast %and3A_216 : vector<16xi32> to vector<16xf32>
        %swap3A_218 = arith.index_cast %add3A_160 : i32 to index
        %swap3A_219 = tpu.vector_load %arg11[%swap3A_218] {strides = array<i32>} : memref<1728xf32, #tpu.memory_space<vmem>>, vector<16xf32>,
        tpu.vector_store %arg11[%swap3A_218], %bitcast3A_217 {strides = array<i32>} : memref<1728xf32, #tpu.memory_space<vmem>>, vector<16xf32>,
        %shift_left3A_220 = arith.constant 16 : i32
        %shift_left3A_221 = vector.broadcast %shift_left3A_220 : i32 to vector<16xi32>
        %shift_left3A_222 = arith.shli %gather3A_193, %shift_left3A_221 : vector<16xi32>
        %bitcast3A_223 = vector.bitcast %shift_left3A_222 : vector<16xi32> to vector<16xf32>
        %swap3A_224 = arith.index_cast %add3A_162 : i32 to index
        %swap3A_225 = tpu.vector_load %arg9[%swap3A_224] {strides = array<i32>} : memref<1728xf32, #tpu.memory_space<vmem>>, vector<16xf32>,
        tpu.vector_store %arg9[%swap3A_224], %bitcast3A_223 {strides = array<i32>} : memref<1728xf32, #tpu.memory_space<vmem>>, vector<16xf32>,
        %and3A_226 = arith.constant -65536 : i32
        %and3A_227 = vector.broadcast %and3A_226 : i32 to vector<16xi32>
        %and3A_228 = arith.andi %gather3A_193, %and3A_227 : vector<16xi32>
        %bitcast3A_229 = vector.bitcast %and3A_228 : vector<16xi32> to vector<16xf32>
        %swap3A_230 = arith.index_cast %add3A_162 : i32 to index
        %swap3A_231 = tpu.vector_load %arg11[%swap3A_230] {strides = array<i32>} : memref<1728xf32, #tpu.memory_space<vmem>>, vector<16xf32>,
        tpu.vector_store %arg11[%swap3A_230], %bitcast3A_229 {strides = array<i32>} : memref<1728xf32, #tpu.memory_space<vmem>>, vector<16xf32>,
        %shift_left3A_232 = arith.constant 16 : i32
        %shift_left3A_233 = vector.broadcast %shift_left3A_232 : i32 to vector<16xi32>
        %shift_left3A_234 = arith.shli %gather3A_194, %shift_left3A_233 : vector<16xi32>
        %bitcast3A_235 = vector.bitcast %shift_left3A_234 : vector<16xi32> to vector<16xf32>
        %swap3A_236 = arith.index_cast %add3A_164 : i32 to index
        %swap3A_237 = tpu.vector_load %arg9[%swap3A_236] {strides = array<i32>} : memref<1728xf32, #tpu.memory_space<vmem>>, vector<16xf32>,
        tpu.vector_store %arg9[%swap3A_236], %bitcast3A_235 {strides = array<i32>} : memref<1728xf32, #tpu.memory_space<vmem>>, vector<16xf32>,
        %and3A_238 = arith.constant -65536 : i32
        %and3A_239 = vector.broadcast %and3A_238 : i32 to vector<16xi32>
        %and3A_240 = arith.andi %gather3A_194, %and3A_239 : vector<16xi32>
        %bitcast3A_241 = vector.bitcast %and3A_240 : vector<16xi32> to vector<16xf32>
        %swap3A_242 = arith.index_cast %add3A_164 : i32 to index
        %swap3A_243 = tpu.vector_load %arg11[%swap3A_242] {strides = array<i32>} : memref<1728xf32, #tpu.memory_space<vmem>>, vector<16xf32>,
        tpu.vector_store %arg11[%swap3A_242], %bitcast3A_241 {strides = array<i32>} : memref<1728xf32, #tpu.memory_space<vmem>>, vector<16xf32>,
        %shift_left3A_244 = arith.constant 16 : i32
        %shift_left3A_245 = vector.broadcast %shift_left3A_244 : i32 to vector<16xi32>
        %shift_left3A_246 = arith.shli %gather3A_195, %shift_left3A_245 : vector<16xi32>
        %bitcast3A_247 = vector.bitcast %shift_left3A_246 : vector<16xi32> to vector<16xf32>
        %swap3A_248 = arith.index_cast %add3A_166 : i32 to index
        %swap3A_249 = tpu.vector_load %arg9[%swap3A_248] {strides = array<i32>} : memref<1728xf32, #tpu.memory_space<vmem>>, vector<16xf32>,
        tpu.vector_store %arg9[%swap3A_248], %bitcast3A_247 {strides = array<i32>} : memref<1728xf32, #tpu.memory_space<vmem>>, vector<16xf32>,
        %and3A_250 = arith.constant -65536 : i32
        %and3A_251 = vector.broadcast %and3A_250 : i32 to vector<16xi32>
        %and3A_252 = arith.andi %gather3A_195, %and3A_251 : vector<16xi32>
        %bitcast3A_253 = vector.bitcast %and3A_252 : vector<16xi32> to vector<16xf32>
        %swap3A_254 = arith.index_cast %add3A_166 : i32 to index
        %swap3A_255 = tpu.vector_load %arg11[%swap3A_254] {strides = array<i32>} : memref<1728xf32, #tpu.memory_space<vmem>>, vector<16xf32>,
        tpu.vector_store %arg11[%swap3A_254], %bitcast3A_253 {strides = array<i32>} : memref<1728xf32, #tpu.memory_space<vmem>>, vector<16xf32>,
        %shift_left3A_256 = arith.constant 16 : i32
        %shift_left3A_257 = vector.broadcast %shift_left3A_256 : i32 to vector<16xi32>
        %shift_left3A_258 = arith.shli %gather3A_196, %shift_left3A_257 : vector<16xi32>
        %bitcast3A_259 = vector.bitcast %shift_left3A_258 : vector<16xi32> to vector<16xf32>
        %swap3A_260 = arith.index_cast %add3A_168 : i32 to index
        %swap3A_261 = tpu.vector_load %arg9[%swap3A_260] {strides = array<i32>} : memref<1728xf32, #tpu.memory_space<vmem>>, vector<16xf32>,
        tpu.vector_store %arg9[%swap3A_260], %bitcast3A_259 {strides = array<i32>} : memref<1728xf32, #tpu.memory_space<vmem>>, vector<16xf32>,
        %and3A_262 = arith.constant -65536 : i32
        %and3A_263 = vector.broadcast %and3A_262 : i32 to vector<16xi32>
        %and3A_264 = arith.andi %gather3A_196, %and3A_263 : vector<16xi32>
        %bitcast3A_265 = vector.bitcast %and3A_264 : vector<16xi32> to vector<16xf32>
        %swap3A_266 = arith.index_cast %add3A_168 : i32 to index
        %swap3A_267 = tpu.vector_load %arg11[%swap3A_266] {strides = array<i32>} : memref<1728xf32, #tpu.memory_space<vmem>>, vector<16xf32>,
        tpu.vector_store %arg11[%swap3A_266], %bitcast3A_265 {strides = array<i32>} : memref<1728xf32, #tpu.memory_space<vmem>>, vector<16xf32>,
        %shift_left3A_268 = arith.constant 16 : i32
        %shift_left3A_269 = vector.broadcast %shift_left3A_268 : i32 to vector<16xi32>
        %shift_left3A_270 = arith.shli %gather3A_197, %shift_left3A_269 : vector<16xi32>
        %bitcast3A_271 = vector.bitcast %shift_left3A_270 : vector<16xi32> to vector<16xf32>
        %swap3A_272 = arith.index_cast %add3A_170 : i32 to index
        %swap3A_273 = tpu.vector_load %arg9[%swap3A_272] {strides = array<i32>} : memref<1728xf32, #tpu.memory_space<vmem>>, vector<16xf32>,
        tpu.vector_store %arg9[%swap3A_272], %bitcast3A_271 {strides = array<i32>} : memref<1728xf32, #tpu.memory_space<vmem>>, vector<16xf32>,
        %and3A_274 = arith.constant -65536 : i32
        %and3A_275 = vector.broadcast %and3A_274 : i32 to vector<16xi32>
        %and3A_276 = arith.andi %gather3A_197, %and3A_275 : vector<16xi32>
        %bitcast3A_277 = vector.bitcast %and3A_276 : vector<16xi32> to vector<16xf32>
        %swap3A_278 = arith.index_cast %add3A_170 : i32 to index
        %swap3A_279 = tpu.vector_load %arg11[%swap3A_278] {strides = array<i32>} : memref<1728xf32, #tpu.memory_space<vmem>>, vector<16xf32>,
        tpu.vector_store %arg11[%swap3A_278], %bitcast3A_277 {strides = array<i32>} : memref<1728xf32, #tpu.memory_space<vmem>>, vector<16xf32>,
        %shift_left3A_280 = arith.constant 16 : i32
        %shift_left3A_281 = vector.broadcast %shift_left3A_280 : i32 to vector<16xi32>
        %shift_left3A_282 = arith.shli %gather3A_198, %shift_left3A_281 : vector<16xi32>
        %bitcast3A_283 = vector.bitcast %shift_left3A_282 : vector<16xi32> to vector<16xf32>
        %swap3A_284 = arith.index_cast %add3A_172 : i32 to index
        %swap3A_285 = tpu.vector_load %arg9[%swap3A_284] {strides = array<i32>} : memref<1728xf32, #tpu.memory_space<vmem>>, vector<16xf32>,
        tpu.vector_store %arg9[%swap3A_284], %bitcast3A_283 {strides = array<i32>} : memref<1728xf32, #tpu.memory_space<vmem>>, vector<16xf32>,
        %and3A_286 = arith.constant -65536 : i32
        %and3A_287 = vector.broadcast %and3A_286 : i32 to vector<16xi32>
        %and3A_288 = arith.andi %gather3A_198, %and3A_287 : vector<16xi32>
        %bitcast3A_289 = vector.bitcast %and3A_288 : vector<16xi32> to vector<16xf32>
        %swap3A_290 = arith.index_cast %add3A_172 : i32 to index
        %swap3A_291 = tpu.vector_load %arg11[%swap3A_290] {strides = array<i32>} : memref<1728xf32, #tpu.memory_space<vmem>>, vector<16xf32>,
        tpu.vector_store %arg11[%swap3A_290], %bitcast3A_289 {strides = array<i32>} : memref<1728xf32, #tpu.memory_space<vmem>>, vector<16xf32>,
        %shift_left3A_292 = arith.constant 16 : i32
        %shift_left3A_293 = vector.broadcast %shift_left3A_292 : i32 to vector<16xi32>
        %shift_left3A_294 = arith.shli %gather3A_199, %shift_left3A_293 : vector<16xi32>
        %bitcast3A_295 = vector.bitcast %shift_left3A_294 : vector<16xi32> to vector<16xf32>
        %swap3A_296 = arith.index_cast %add3A_174 : i32 to index
        %swap3A_297 = tpu.vector_load %arg9[%swap3A_296] {strides = array<i32>} : memref<1728xf32, #tpu.memory_space<vmem>>, vector<16xf32>,
        tpu.vector_store %arg9[%swap3A_296], %bitcast3A_295 {strides = array<i32>} : memref<1728xf32, #tpu.memory_space<vmem>>, vector<16xf32>,
        %and3A_298 = arith.constant -65536 : i32
        %and3A_299 = vector.broadcast %and3A_298 : i32 to vector<16xi32>
        %and3A_300 = arith.andi %gather3A_199, %and3A_299 : vector<16xi32>
        %bitcast3A_301 = vector.bitcast %and3A_300 : vector<16xi32> to vector<16xf32>
        %swap3A_302 = arith.index_cast %add3A_174 : i32 to index
        %swap3A_303 = tpu.vector_load %arg11[%swap3A_302] {strides = array<i32>} : memref<1728xf32, #tpu.memory_space<vmem>>, vector<16xf32>,
        tpu.vector_store %arg11[%swap3A_302], %bitcast3A_301 {strides = array<i32>} : memref<1728xf32, #tpu.memory_space<vmem>>, vector<16xf32>,
        %scan3A_304 = arith.constant 0 : i32
        scf.yield %scan3A_304 : i32
      }
      %scan3A_134 = arith.constant 12 : i32
      %mul3A_135 = arith.constant 1728 : i32
      %mul3A_136 = arith.muli %add3A_118, %mul3A_135 : i32
      %add3A_137 = arith.addi %mul3A_12, %mul3A_136 : i32
      %dma_start3A_138 = tpu.memref_slice %arg4[%add3A_137] : memref<27426816xf32, #tpu.memory_space<hbm>> -> memref<1728xf32, #tpu.memory_space<hbm>>
      %dma_start3A_139 = tpu.memref_slice %arg4[%add3A_137] : memref<27426816xf32, #tpu.memory_space<hbm>> -> memref<1728xf32, #tpu.memory_space<hbm>>
      tpu.enqueue_dma source(%arg9 : memref<1728xf32, #tpu.memory_space<vmem>>) target(%dma_start3A_139 : memref<1728xf32, #tpu.memory_space<hbm>>) target_semaphore(%arg15 : memref<!tpu.dma_semaphore, #tpu.memory_space<semaphore_mem>>)
      %mul3A_140 = arith.constant 1728 : i32
      %mul3A_141 = arith.muli %add3A_118, %mul3A_140 : i32
      %add3A_142 = arith.addi %mul3A_18, %mul3A_141 : i32
      %dma_start3A_143 = tpu.memref_slice %arg4[%add3A_142] : memref<27426816xf32, #tpu.memory_space<hbm>> -> memref<1728xf32, #tpu.memory_space<hbm>>
      %dma_start3A_144 = tpu.memref_slice %arg4[%add3A_142] : memref<27426816xf32, #tpu.memory_space<hbm>> -> memref<1728xf32, #tpu.memory_space<hbm>>
      tpu.enqueue_dma source(%arg11 : memref<1728xf32, #tpu.memory_space<vmem>>) target(%dma_start3A_144 : memref<1728xf32, #tpu.memory_space<hbm>>) target_semaphore(%arg17 : memref<!tpu.dma_semaphore, #tpu.memory_space<semaphore_mem>>)
      %add3A_145 = arith.constant 2 : i32
      %add3A_146 = arith.addi %add3A_118, %add3A_145 : i32
      %lt3A_147 = arith.constant 124 : i32
      %lt3A_148 = arith.cmpi slt, %add3A_146, %lt3A_147 : i32
      %convert_element_type3A_149 = arith.extui %lt3A_148 : i1 to i32
      %cond3A_150 = arith.constant 0 : i32
      %cond3A_151 = arith.cmpi ne, %convert_element_type3A_149, %cond3A_150 : i32
      scf.if %cond3A_151 {
        %add3A_153 = arith.constant 2 : i32
        %add3A_154 = arith.addi %add3A_118, %add3A_153 : i32
        %mul3A_155 = arith.constant 1728 : i32
        %mul3A_156 = arith.muli %add3A_154, %mul3A_155 : i32
        %add3A_157 = arith.constant 0 : i32
        %add3A_158 = arith.addi %add3A_157, %mul3A_156 : i32
        %dma_start3A_159 = tpu.memref_slice %arg3[%add3A_158] : memref<214528xi32, #tpu.memory_space<hbm>> -> memref<1728xi32, #tpu.memory_space<hbm>>
        %dma_start3A_160 = tpu.memref_slice %arg3[%add3A_158] : memref<214528xi32, #tpu.memory_space<hbm>> -> memref<1728xi32, #tpu.memory_space<hbm>>
        tpu.enqueue_dma source(%dma_start3A_160 : memref<1728xi32, #tpu.memory_space<hbm>>) target(%arg7 : memref<1728xi32, #tpu.memory_space<vmem>>) target_semaphore(%arg13 : memref<!tpu.dma_semaphore, #tpu.memory_space<semaphore_mem>>)
      } else {
      }
      %scan3A_152 = arith.constant 0 : i32
      scf.yield %scan3A_152 : i32
    }
    %scan3A_31 = arith.constant 62 : i32
    %dma_wait3A = tpu.memref_slice %arg4[%mul3A_12] : memref<27426816xf32, #tpu.memory_space<hbm>> -> memref<1728xf32, #tpu.memory_space<hbm>>
    %dma_wait3A_32 = tpu.memref_slice %arg4[%mul3A_12] : memref<27426816xf32, #tpu.memory_space<hbm>> -> memref<1728xf32, #tpu.memory_space<hbm>>
    tpu.wait_dma2 semaphore(%arg14 : memref<!tpu.dma_semaphore, #tpu.memory_space<semaphore_mem>>) src(%arg8 : memref<1728xf32, #tpu.memory_space<vmem>>) dst(%dma_wait3A_32 : memref<1728xf32, #tpu.memory_space<hbm>>)
    %dma_wait3A_33 = tpu.memref_slice %arg4[%mul3A_12] : memref<27426816xf32, #tpu.memory_space<hbm>> -> memref<1728xf32, #tpu.memory_space<hbm>>
    %dma_wait3A_34 = tpu.memref_slice %arg4[%mul3A_12] : memref<27426816xf32, #tpu.memory_space<hbm>> -> memref<1728xf32, #tpu.memory_space<hbm>>
    tpu.wait_dma2 semaphore(%arg15 : memref<!tpu.dma_semaphore, #tpu.memory_space<semaphore_mem>>) src(%arg9 : memref<1728xf32, #tpu.memory_space<vmem>>) dst(%dma_wait3A_34 : memref<1728xf32, #tpu.memory_space<hbm>>)
    %dma_wait3A_35 = tpu.memref_slice %arg4[%mul3A_18] : memref<27426816xf32, #tpu.memory_space<hbm>> -> memref<1728xf32, #tpu.memory_space<hbm>>
    %dma_wait3A_36 = tpu.memref_slice %arg4[%mul3A_18] : memref<27426816xf32, #tpu.memory_space<hbm>> -> memref<1728xf32, #tpu.memory_space<hbm>>
    tpu.wait_dma2 semaphore(%arg16 : memref<!tpu.dma_semaphore, #tpu.memory_space<semaphore_mem>>) src(%arg10 : memref<1728xf32, #tpu.memory_space<vmem>>) dst(%dma_wait3A_36 : memref<1728xf32, #tpu.memory_space<hbm>>)
    %dma_wait3A_37 = tpu.memref_slice %arg4[%mul3A_18] : memref<27426816xf32, #tpu.memory_space<hbm>> -> memref<1728xf32, #tpu.memory_space<hbm>>
    %dma_wait3A_38 = tpu.memref_slice %arg4[%mul3A_18] : memref<27426816xf32, #tpu.memory_space<hbm>> -> memref<1728xf32, #tpu.memory_space<hbm>>
    tpu.wait_dma2 semaphore(%arg17 : memref<!tpu.dma_semaphore, #tpu.memory_space<semaphore_mem>>) src(%arg11 : memref<1728xf32, #tpu.memory_space<vmem>>) dst(%dma_wait3A_38 : memref<1728xf32, #tpu.memory_space<hbm>>)
    %mul3A_39 = arith.constant 2 : i32
    %mul3A_40 = arith.muli %add3A, %mul3A_39 : i32
    %add3A_41 = arith.constant 1 : i32
    %add3A_42 = arith.addi %mul3A_40, %add3A_41 : i32
    %add3A_43 = arith.constant 0 : i32
    %add3A_44 = arith.addi %add3A_43, %add3A_42 : i32
    %mul3A_45 = arith.constant 120832 : i32
    %mul3A_46 = arith.muli %add3A_44, %mul3A_45 : i32
    "tpu.region"() ({
      %run_scoped3A = tpu.sem_alloc : memref<!tpu.dma_semaphore, #tpu.memory_space<semaphore_mem>>
      %dma_start3A_80 = arith.constant 0 : i32
      %dma_start3A_81 = tpu.memref_slice %arg5[%dma_start3A_80] : memref<120016xi32, #tpu.memory_space<vmem>> -> memref<120016xi32, #tpu.memory_space<vmem>>
      %dma_start3A_82 = tpu.memref_slice %arg2[%mul3A_46] : memref<7733248xi32, #tpu.memory_space<hbm>> -> memref<120016xi32, #tpu.memory_space<hbm>>
      %dma_start3A_83 = arith.constant 0 : i32
      %dma_start3A_84 = tpu.memref_slice %arg5[%dma_start3A_83] : memref<120016xi32, #tpu.memory_space<vmem>> -> memref<120016xi32, #tpu.memory_space<vmem>>
      %dma_start3A_85 = tpu.memref_slice %arg2[%mul3A_46] : memref<7733248xi32, #tpu.memory_space<hbm>> -> memref<120016xi32, #tpu.memory_space<hbm>>
      tpu.enqueue_dma source(%dma_start3A_85 : memref<120016xi32, #tpu.memory_space<hbm>>) target(%dma_start3A_84 : memref<120016xi32, #tpu.memory_space<vmem>>) target_semaphore(%run_scoped3A : memref<!tpu.dma_semaphore, #tpu.memory_space<semaphore_mem>>)
      %dma_wait3A_86 = arith.constant 0 : i32
      %dma_wait3A_87 = tpu.memref_slice %arg5[%dma_wait3A_86] : memref<120016xi32, #tpu.memory_space<vmem>> -> memref<120016xi32, #tpu.memory_space<vmem>>
      %dma_wait3A_88 = tpu.memref_slice %arg2[%mul3A_46] : memref<7733248xi32, #tpu.memory_space<hbm>> -> memref<120016xi32, #tpu.memory_space<hbm>>
      %dma_wait3A_89 = arith.constant 0 : i32
      %dma_wait3A_90 = tpu.memref_slice %arg5[%dma_wait3A_89] : memref<120016xi32, #tpu.memory_space<vmem>> -> memref<120016xi32, #tpu.memory_space<vmem>>
      %dma_wait3A_91 = tpu.memref_slice %arg2[%mul3A_46] : memref<7733248xi32, #tpu.memory_space<hbm>> -> memref<120016xi32, #tpu.memory_space<hbm>>
      tpu.wait_dma2 semaphore(%run_scoped3A : memref<!tpu.dma_semaphore, #tpu.memory_space<semaphore_mem>>) src(%dma_wait3A_91 : memref<120016xi32, #tpu.memory_space<hbm>>) dst(%dma_wait3A_90 : memref<120016xi32, #tpu.memory_space<vmem>>)
      tpu.yield
    }) : () -> ()
    %add3A_47 = arith.constant 0 : i32
    %add3A_48 = arith.addi %add3A_47, %add3A_42 : i32
    %mul3A_49 = arith.constant 214272 : i32
    %mul3A_50 = arith.muli %add3A_48, %mul3A_49 : i32
    %add3A_51 = arith.constant 0 : i32
    %add3A_52 = arith.addi %add3A_51, %add3A_42 : i32
    %add3A_53 = arith.constant 64 : i32
    %add3A_54 = arith.addi %add3A_52, %add3A_53 : i32
    %mul3A_55 = arith.constant 214272 : i32
    %mul3A_56 = arith.muli %add3A_54, %mul3A_55 : i32
    %dma_start3A_57 = arith.constant 0 : i32
    %dma_start3A_58 = tpu.memref_slice %arg3[%dma_start3A_57] : memref<214528xi32, #tpu.memory_space<hbm>> -> memref<1728xi32, #tpu.memory_space<hbm>>
    %dma_start3A_59 = arith.constant 0 : i32
    %dma_start3A_60 = tpu.memref_slice %arg3[%dma_start3A_59] : memref<214528xi32, #tpu.memory_space<hbm>> -> memref<1728xi32, #tpu.memory_space<hbm>>
    tpu.enqueue_dma source(%dma_start3A_60 : memref<1728xi32, #tpu.memory_space<hbm>>) target(%arg6 : memref<1728xi32, #tpu.memory_space<vmem>>) target_semaphore(%arg12 : memref<!tpu.dma_semaphore, #tpu.memory_space<semaphore_mem>>)
    %dma_start3A_61 = arith.constant 1728 : i32
    %dma_start3A_62 = tpu.memref_slice %arg3[%dma_start3A_61] : memref<214528xi32, #tpu.memory_space<hbm>> -> memref<1728xi32, #tpu.memory_space<hbm>>
    %dma_start3A_63 = arith.constant 1728 : i32
    %dma_start3A_64 = tpu.memref_slice %arg3[%dma_start3A_63] : memref<214528xi32, #tpu.memory_space<hbm>> -> memref<1728xi32, #tpu.memory_space<hbm>>
    tpu.enqueue_dma source(%dma_start3A_64 : memref<1728xi32, #tpu.memory_space<hbm>>) target(%arg7 : memref<1728xi32, #tpu.memory_space<vmem>>) target_semaphore(%arg13 : memref<!tpu.dma_semaphore, #tpu.memory_space<semaphore_mem>>)
    %scan3A_65 = arith.constant 0 : i32
    %scan3A_66 = arith.constant 0 : i32
    %scan3A_67 = arith.constant 62 : i32
    %scan3A_68 = arith.addi %scan3A_66, %scan3A_67 : i32
    %scan3A_69 = arith.constant 1 : i32
    %scan3A_70 = scf.for %scan3A_80 = %scan3A_66 to %scan3A_68 step %scan3A_69 iter_args(%scan3A_81 = %scan3A_65) -> (i32)  : i32 {
      %mul3A_82 = arith.constant 2 : i32
      %mul3A_83 = arith.muli %mul3A_82, %scan3A_80 : i32
      %add3A_84 = arith.constant 0 : i32
      %add3A_85 = arith.addi %mul3A_83, %add3A_84 : i32
      %dma_wait3A_86 = arith.constant 0 : i32
      %dma_wait3A_87 = tpu.memref_slice %arg3[%dma_wait3A_86] : memref<214528xi32, #tpu.memory_space<hbm>> -> memref<1728xi32, #tpu.memory_space<hbm>>
      %dma_wait3A_88 = arith.constant 0 : i32
      %dma_wait3A_89 = tpu.memref_slice %arg3[%dma_wait3A_88] : memref<214528xi32, #tpu.memory_space<hbm>> -> memref<1728xi32, #tpu.memory_space<hbm>>
      tpu.wait_dma2 semaphore(%arg12 : memref<!tpu.dma_semaphore, #tpu.memory_space<semaphore_mem>>) src(%dma_wait3A_89 : memref<1728xi32, #tpu.memory_space<hbm>>) dst(%arg6 : memref<1728xi32, #tpu.memory_space<vmem>>)
      %ge3A = arith.constant 2 : i32
      %ge3A_90 = arith.cmpi sge, %add3A_85, %ge3A : i32
      %convert_element_type3A = arith.extui %ge3A_90 : i1 to i32
      %cond3A = arith.constant 0 : i32
      %cond3A_91 = arith.cmpi ne, %convert_element_type3A, %cond3A : i32
      scf.if %cond3A_91 {
        %dma_wait3A_153 = tpu.memref_slice %arg4[%mul3A_50] : memref<27426816xf32, #tpu.memory_space<hbm>> -> memref<1728xf32, #tpu.memory_space<hbm>>
        %dma_wait3A_154 = tpu.memref_slice %arg4[%mul3A_50] : memref<27426816xf32, #tpu.memory_space<hbm>> -> memref<1728xf32, #tpu.memory_space<hbm>>
        tpu.wait_dma2 semaphore(%arg14 : memref<!tpu.dma_semaphore, #tpu.memory_space<semaphore_mem>>) src(%arg8 : memref<1728xf32, #tpu.memory_space<vmem>>) dst(%dma_wait3A_154 : memref<1728xf32, #tpu.memory_space<hbm>>)
        %dma_wait3A_155 = tpu.memref_slice %arg4[%mul3A_56] : memref<27426816xf32, #tpu.memory_space<hbm>> -> memref<1728xf32, #tpu.memory_space<hbm>>
        %dma_wait3A_156 = tpu.memref_slice %arg4[%mul3A_56] : memref<27426816xf32, #tpu.memory_space<hbm>> -> memref<1728xf32, #tpu.memory_space<hbm>>
        tpu.wait_dma2 semaphore(%arg16 : memref<!tpu.dma_semaphore, #tpu.memory_space<semaphore_mem>>) src(%arg10 : memref<1728xf32, #tpu.memory_space<vmem>>) dst(%dma_wait3A_156 : memref<1728xf32, #tpu.memory_space<hbm>>)
      } else {
      }
      %scan3A_92 = arith.constant 0 : i32
      %scan3A_93 = arith.constant 0 : i32
      %scan3A_94 = arith.constant 12 : i32
      %scan3A_95 = arith.addi %scan3A_93, %scan3A_94 : i32
      %scan3A_96 = arith.constant 1 : i32
      %scan3A_97 = scf.for %scan3A_153 = %scan3A_93 to %scan3A_95 step %scan3A_96 iter_args(%scan3A_154 = %scan3A_92) -> (i32)  : i32 {
        %mul3A_155 = arith.constant 144 : i32
        %mul3A_156 = arith.muli %scan3A_153, %mul3A_155 : i32
        %add3A_157 = arith.constant 0 : i32
        %add3A_158 = arith.addi %mul3A_156, %add3A_157 : i32
        %add3A_159 = arith.constant 16 : i32
        %add3A_160 = arith.addi %mul3A_156, %add3A_159 : i32
        %add3A_161 = arith.constant 32 : i32
        %add3A_162 = arith.addi %mul3A_156, %add3A_161 : i32
        %add3A_163 = arith.constant 48 : i32
        %add3A_164 = arith.addi %mul3A_156, %add3A_163 : i32
        %add3A_165 = arith.constant 64 : i32
        %add3A_166 = arith.addi %mul3A_156, %add3A_165 : i32
        %add3A_167 = arith.constant 80 : i32
        %add3A_168 = arith.addi %mul3A_156, %add3A_167 : i32
        %add3A_169 = arith.constant 96 : i32
        %add3A_170 = arith.addi %mul3A_156, %add3A_169 : i32
        %add3A_171 = arith.constant 112 : i32
        %add3A_172 = arith.addi %mul3A_156, %add3A_171 : i32
        %add3A_173 = arith.constant 128 : i32
        %add3A_174 = arith.addi %mul3A_156, %add3A_173 : i32
        %get3A = arith.index_cast %add3A_158 : i32 to index
        %get3A_175 = tpu.vector_load %arg6[%get3A] {strides = array<i32>} : memref<1728xi32, #tpu.memory_space<vmem>>, vector<16xi32>,
        %get3A_176 = arith.index_cast %add3A_160 : i32 to index
        %get3A_177 = tpu.vector_load %arg6[%get3A_176] {strides = array<i32>} : memref<1728xi32, #tpu.memory_space<vmem>>, vector<16xi32>,
        %get3A_178 = arith.index_cast %add3A_162 : i32 to index
        %get3A_179 = tpu.vector_load %arg6[%get3A_178] {strides = array<i32>} : memref<1728xi32, #tpu.memory_space<vmem>>, vector<16xi32>,
        %get3A_180 = arith.index_cast %add3A_164 : i32 to index
        %get3A_181 = tpu.vector_load %arg6[%get3A_180] {strides = array<i32>} : memref<1728xi32, #tpu.memory_space<vmem>>, vector<16xi32>,
        %get3A_182 = arith.index_cast %add3A_166 : i32 to index
        %get3A_183 = tpu.vector_load %arg6[%get3A_182] {strides = array<i32>} : memref<1728xi32, #tpu.memory_space<vmem>>, vector<16xi32>,
        %get3A_184 = arith.index_cast %add3A_168 : i32 to index
        %get3A_185 = tpu.vector_load %arg6[%get3A_184] {strides = array<i32>} : memref<1728xi32, #tpu.memory_space<vmem>>, vector<16xi32>,
        %get3A_186 = arith.index_cast %add3A_170 : i32 to index
        %get3A_187 = tpu.vector_load %arg6[%get3A_186] {strides = array<i32>} : memref<1728xi32, #tpu.memory_space<vmem>>, vector<16xi32>,
        %get3A_188 = arith.index_cast %add3A_172 : i32 to index
        %get3A_189 = tpu.vector_load %arg6[%get3A_188] {strides = array<i32>} : memref<1728xi32, #tpu.memory_space<vmem>>, vector<16xi32>,
        %get3A_190 = arith.index_cast %add3A_174 : i32 to index
        %get3A_191 = tpu.vector_load %arg6[%get3A_190] {strides = array<i32>} : memref<1728xi32, #tpu.memory_space<vmem>>, vector<16xi32>,
        %gather3A = tpu.vector_load_idx %arg5[%get3A_175] : memref<120016xi32, #tpu.memory_space<vmem>>[vector<16xi32>], vector<16xi32>,
        %gather3A_192 = tpu.vector_load_idx %arg5[%get3A_177] : memref<120016xi32, #tpu.memory_space<vmem>>[vector<16xi32>], vector<16xi32>,
        %gather3A_193 = tpu.vector_load_idx %arg5[%get3A_179] : memref<120016xi32, #tpu.memory_space<vmem>>[vector<16xi32>], vector<16xi32>,
        %gather3A_194 = tpu.vector_load_idx %arg5[%get3A_181] : memref<120016xi32, #tpu.memory_space<vmem>>[vector<16xi32>], vector<16xi32>,
        %gather3A_195 = tpu.vector_load_idx %arg5[%get3A_183] : memref<120016xi32, #tpu.memory_space<vmem>>[vector<16xi32>], vector<16xi32>,
        %gather3A_196 = tpu.vector_load_idx %arg5[%get3A_185] : memref<120016xi32, #tpu.memory_space<vmem>>[vector<16xi32>], vector<16xi32>,
        %gather3A_197 = tpu.vector_load_idx %arg5[%get3A_187] : memref<120016xi32, #tpu.memory_space<vmem>>[vector<16xi32>], vector<16xi32>,
        %gather3A_198 = tpu.vector_load_idx %arg5[%get3A_189] : memref<120016xi32, #tpu.memory_space<vmem>>[vector<16xi32>], vector<16xi32>,
        %gather3A_199 = tpu.vector_load_idx %arg5[%get3A_191] : memref<120016xi32, #tpu.memory_space<vmem>>[vector<16xi32>], vector<16xi32>,
        %shift_left3A = arith.constant 16 : i32
        %shift_left3A_200 = vector.broadcast %shift_left3A : i32 to vector<16xi32>
        %shift_left3A_201 = arith.shli %gather3A, %shift_left3A_200 : vector<16xi32>
        %bitcast3A = vector.bitcast %shift_left3A_201 : vector<16xi32> to vector<16xf32>
        %swap3A = arith.index_cast %add3A_158 : i32 to index
        %swap3A_202 = tpu.vector_load %arg8[%swap3A] {strides = array<i32>} : memref<1728xf32, #tpu.memory_space<vmem>>, vector<16xf32>,
        tpu.vector_store %arg8[%swap3A], %bitcast3A {strides = array<i32>} : memref<1728xf32, #tpu.memory_space<vmem>>, vector<16xf32>,
        %and3A = arith.constant -65536 : i32
        %and3A_203 = vector.broadcast %and3A : i32 to vector<16xi32>
        %and3A_204 = arith.andi %gather3A, %and3A_203 : vector<16xi32>
        %bitcast3A_205 = vector.bitcast %and3A_204 : vector<16xi32> to vector<16xf32>
        %swap3A_206 = arith.index_cast %add3A_158 : i32 to index
        %swap3A_207 = tpu.vector_load %arg10[%swap3A_206] {strides = array<i32>} : memref<1728xf32, #tpu.memory_space<vmem>>, vector<16xf32>,
        tpu.vector_store %arg10[%swap3A_206], %bitcast3A_205 {strides = array<i32>} : memref<1728xf32, #tpu.memory_space<vmem>>, vector<16xf32>,
        %shift_left3A_208 = arith.constant 16 : i32
        %shift_left3A_209 = vector.broadcast %shift_left3A_208 : i32 to vector<16xi32>
        %shift_left3A_210 = arith.shli %gather3A_192, %shift_left3A_209 : vector<16xi32>
        %bitcast3A_211 = vector.bitcast %shift_left3A_210 : vector<16xi32> to vector<16xf32>
        %swap3A_212 = arith.index_cast %add3A_160 : i32 to index
        %swap3A_213 = tpu.vector_load %arg8[%swap3A_212] {strides = array<i32>} : memref<1728xf32, #tpu.memory_space<vmem>>, vector<16xf32>,
        tpu.vector_store %arg8[%swap3A_212], %bitcast3A_211 {strides = array<i32>} : memref<1728xf32, #tpu.memory_space<vmem>>, vector<16xf32>,
        %and3A_214 = arith.constant -65536 : i32
        %and3A_215 = vector.broadcast %and3A_214 : i32 to vector<16xi32>
        %and3A_216 = arith.andi %gather3A_192, %and3A_215 : vector<16xi32>
        %bitcast3A_217 = vector.bitcast %and3A_216 : vector<16xi32> to vector<16xf32>
        %swap3A_218 = arith.index_cast %add3A_160 : i32 to index
        %swap3A_219 = tpu.vector_load %arg10[%swap3A_218] {strides = array<i32>} : memref<1728xf32, #tpu.memory_space<vmem>>, vector<16xf32>,
        tpu.vector_store %arg10[%swap3A_218], %bitcast3A_217 {strides = array<i32>} : memref<1728xf32, #tpu.memory_space<vmem>>, vector<16xf32>,
        %shift_left3A_220 = arith.constant 16 : i32
        %shift_left3A_221 = vector.broadcast %shift_left3A_220 : i32 to vector<16xi32>
        %shift_left3A_222 = arith.shli %gather3A_193, %shift_left3A_221 : vector<16xi32>
        %bitcast3A_223 = vector.bitcast %shift_left3A_222 : vector<16xi32> to vector<16xf32>
        %swap3A_224 = arith.index_cast %add3A_162 : i32 to index
        %swap3A_225 = tpu.vector_load %arg8[%swap3A_224] {strides = array<i32>} : memref<1728xf32, #tpu.memory_space<vmem>>, vector<16xf32>,
        tpu.vector_store %arg8[%swap3A_224], %bitcast3A_223 {strides = array<i32>} : memref<1728xf32, #tpu.memory_space<vmem>>, vector<16xf32>,
        %and3A_226 = arith.constant -65536 : i32
        %and3A_227 = vector.broadcast %and3A_226 : i32 to vector<16xi32>
        %and3A_228 = arith.andi %gather3A_193, %and3A_227 : vector<16xi32>
        %bitcast3A_229 = vector.bitcast %and3A_228 : vector<16xi32> to vector<16xf32>
        %swap3A_230 = arith.index_cast %add3A_162 : i32 to index
        %swap3A_231 = tpu.vector_load %arg10[%swap3A_230] {strides = array<i32>} : memref<1728xf32, #tpu.memory_space<vmem>>, vector<16xf32>,
        tpu.vector_store %arg10[%swap3A_230], %bitcast3A_229 {strides = array<i32>} : memref<1728xf32, #tpu.memory_space<vmem>>, vector<16xf32>,
        %shift_left3A_232 = arith.constant 16 : i32
        %shift_left3A_233 = vector.broadcast %shift_left3A_232 : i32 to vector<16xi32>
        %shift_left3A_234 = arith.shli %gather3A_194, %shift_left3A_233 : vector<16xi32>
        %bitcast3A_235 = vector.bitcast %shift_left3A_234 : vector<16xi32> to vector<16xf32>
        %swap3A_236 = arith.index_cast %add3A_164 : i32 to index
        %swap3A_237 = tpu.vector_load %arg8[%swap3A_236] {strides = array<i32>} : memref<1728xf32, #tpu.memory_space<vmem>>, vector<16xf32>,
        tpu.vector_store %arg8[%swap3A_236], %bitcast3A_235 {strides = array<i32>} : memref<1728xf32, #tpu.memory_space<vmem>>, vector<16xf32>,
        %and3A_238 = arith.constant -65536 : i32
        %and3A_239 = vector.broadcast %and3A_238 : i32 to vector<16xi32>
        %and3A_240 = arith.andi %gather3A_194, %and3A_239 : vector<16xi32>
        %bitcast3A_241 = vector.bitcast %and3A_240 : vector<16xi32> to vector<16xf32>
        %swap3A_242 = arith.index_cast %add3A_164 : i32 to index
        %swap3A_243 = tpu.vector_load %arg10[%swap3A_242] {strides = array<i32>} : memref<1728xf32, #tpu.memory_space<vmem>>, vector<16xf32>,
        tpu.vector_store %arg10[%swap3A_242], %bitcast3A_241 {strides = array<i32>} : memref<1728xf32, #tpu.memory_space<vmem>>, vector<16xf32>,
        %shift_left3A_244 = arith.constant 16 : i32
        %shift_left3A_245 = vector.broadcast %shift_left3A_244 : i32 to vector<16xi32>
        %shift_left3A_246 = arith.shli %gather3A_195, %shift_left3A_245 : vector<16xi32>
        %bitcast3A_247 = vector.bitcast %shift_left3A_246 : vector<16xi32> to vector<16xf32>
        %swap3A_248 = arith.index_cast %add3A_166 : i32 to index
        %swap3A_249 = tpu.vector_load %arg8[%swap3A_248] {strides = array<i32>} : memref<1728xf32, #tpu.memory_space<vmem>>, vector<16xf32>,
        tpu.vector_store %arg8[%swap3A_248], %bitcast3A_247 {strides = array<i32>} : memref<1728xf32, #tpu.memory_space<vmem>>, vector<16xf32>,
        %and3A_250 = arith.constant -65536 : i32
        %and3A_251 = vector.broadcast %and3A_250 : i32 to vector<16xi32>
        %and3A_252 = arith.andi %gather3A_195, %and3A_251 : vector<16xi32>
        %bitcast3A_253 = vector.bitcast %and3A_252 : vector<16xi32> to vector<16xf32>
        %swap3A_254 = arith.index_cast %add3A_166 : i32 to index
        %swap3A_255 = tpu.vector_load %arg10[%swap3A_254] {strides = array<i32>} : memref<1728xf32, #tpu.memory_space<vmem>>, vector<16xf32>,
        tpu.vector_store %arg10[%swap3A_254], %bitcast3A_253 {strides = array<i32>} : memref<1728xf32, #tpu.memory_space<vmem>>, vector<16xf32>,
        %shift_left3A_256 = arith.constant 16 : i32
        %shift_left3A_257 = vector.broadcast %shift_left3A_256 : i32 to vector<16xi32>
        %shift_left3A_258 = arith.shli %gather3A_196, %shift_left3A_257 : vector<16xi32>
        %bitcast3A_259 = vector.bitcast %shift_left3A_258 : vector<16xi32> to vector<16xf32>
        %swap3A_260 = arith.index_cast %add3A_168 : i32 to index
        %swap3A_261 = tpu.vector_load %arg8[%swap3A_260] {strides = array<i32>} : memref<1728xf32, #tpu.memory_space<vmem>>, vector<16xf32>,
        tpu.vector_store %arg8[%swap3A_260], %bitcast3A_259 {strides = array<i32>} : memref<1728xf32, #tpu.memory_space<vmem>>, vector<16xf32>,
        %and3A_262 = arith.constant -65536 : i32
        %and3A_263 = vector.broadcast %and3A_262 : i32 to vector<16xi32>
        %and3A_264 = arith.andi %gather3A_196, %and3A_263 : vector<16xi32>
        %bitcast3A_265 = vector.bitcast %and3A_264 : vector<16xi32> to vector<16xf32>
        %swap3A_266 = arith.index_cast %add3A_168 : i32 to index
        %swap3A_267 = tpu.vector_load %arg10[%swap3A_266] {strides = array<i32>} : memref<1728xf32, #tpu.memory_space<vmem>>, vector<16xf32>,
        tpu.vector_store %arg10[%swap3A_266], %bitcast3A_265 {strides = array<i32>} : memref<1728xf32, #tpu.memory_space<vmem>>, vector<16xf32>,
        %shift_left3A_268 = arith.constant 16 : i32
        %shift_left3A_269 = vector.broadcast %shift_left3A_268 : i32 to vector<16xi32>
        %shift_left3A_270 = arith.shli %gather3A_197, %shift_left3A_269 : vector<16xi32>
        %bitcast3A_271 = vector.bitcast %shift_left3A_270 : vector<16xi32> to vector<16xf32>
        %swap3A_272 = arith.index_cast %add3A_170 : i32 to index
        %swap3A_273 = tpu.vector_load %arg8[%swap3A_272] {strides = array<i32>} : memref<1728xf32, #tpu.memory_space<vmem>>, vector<16xf32>,
        tpu.vector_store %arg8[%swap3A_272], %bitcast3A_271 {strides = array<i32>} : memref<1728xf32, #tpu.memory_space<vmem>>, vector<16xf32>,
        %and3A_274 = arith.constant -65536 : i32
        %and3A_275 = vector.broadcast %and3A_274 : i32 to vector<16xi32>
        %and3A_276 = arith.andi %gather3A_197, %and3A_275 : vector<16xi32>
        %bitcast3A_277 = vector.bitcast %and3A_276 : vector<16xi32> to vector<16xf32>
        %swap3A_278 = arith.index_cast %add3A_170 : i32 to index
        %swap3A_279 = tpu.vector_load %arg10[%swap3A_278] {strides = array<i32>} : memref<1728xf32, #tpu.memory_space<vmem>>, vector<16xf32>,
        tpu.vector_store %arg10[%swap3A_278], %bitcast3A_277 {strides = array<i32>} : memref<1728xf32, #tpu.memory_space<vmem>>, vector<16xf32>,
        %shift_left3A_280 = arith.constant 16 : i32
        %shift_left3A_281 = vector.broadcast %shift_left3A_280 : i32 to vector<16xi32>
        %shift_left3A_282 = arith.shli %gather3A_198, %shift_left3A_281 : vector<16xi32>
        %bitcast3A_283 = vector.bitcast %shift_left3A_282 : vector<16xi32> to vector<16xf32>
        %swap3A_284 = arith.index_cast %add3A_172 : i32 to index
        %swap3A_285 = tpu.vector_load %arg8[%swap3A_284] {strides = array<i32>} : memref<1728xf32, #tpu.memory_space<vmem>>, vector<16xf32>,
        tpu.vector_store %arg8[%swap3A_284], %bitcast3A_283 {strides = array<i32>} : memref<1728xf32, #tpu.memory_space<vmem>>, vector<16xf32>,
        %and3A_286 = arith.constant -65536 : i32
        %and3A_287 = vector.broadcast %and3A_286 : i32 to vector<16xi32>
        %and3A_288 = arith.andi %gather3A_198, %and3A_287 : vector<16xi32>
        %bitcast3A_289 = vector.bitcast %and3A_288 : vector<16xi32> to vector<16xf32>
        %swap3A_290 = arith.index_cast %add3A_172 : i32 to index
        %swap3A_291 = tpu.vector_load %arg10[%swap3A_290] {strides = array<i32>} : memref<1728xf32, #tpu.memory_space<vmem>>, vector<16xf32>,
        tpu.vector_store %arg10[%swap3A_290], %bitcast3A_289 {strides = array<i32>} : memref<1728xf32, #tpu.memory_space<vmem>>, vector<16xf32>,
        %shift_left3A_292 = arith.constant 16 : i32
        %shift_left3A_293 = vector.broadcast %shift_left3A_292 : i32 to vector<16xi32>
        %shift_left3A_294 = arith.shli %gather3A_199, %shift_left3A_293 : vector<16xi32>
        %bitcast3A_295 = vector.bitcast %shift_left3A_294 : vector<16xi32> to vector<16xf32>
        %swap3A_296 = arith.index_cast %add3A_174 : i32 to index
        %swap3A_297 = tpu.vector_load %arg8[%swap3A_296] {strides = array<i32>} : memref<1728xf32, #tpu.memory_space<vmem>>, vector<16xf32>,
        tpu.vector_store %arg8[%swap3A_296], %bitcast3A_295 {strides = array<i32>} : memref<1728xf32, #tpu.memory_space<vmem>>, vector<16xf32>,
        %and3A_298 = arith.constant -65536 : i32
        %and3A_299 = vector.broadcast %and3A_298 : i32 to vector<16xi32>
        %and3A_300 = arith.andi %gather3A_199, %and3A_299 : vector<16xi32>
        %bitcast3A_301 = vector.bitcast %and3A_300 : vector<16xi32> to vector<16xf32>
        %swap3A_302 = arith.index_cast %add3A_174 : i32 to index
        %swap3A_303 = tpu.vector_load %arg10[%swap3A_302] {strides = array<i32>} : memref<1728xf32, #tpu.memory_space<vmem>>, vector<16xf32>,
        tpu.vector_store %arg10[%swap3A_302], %bitcast3A_301 {strides = array<i32>} : memref<1728xf32, #tpu.memory_space<vmem>>, vector<16xf32>,
        %scan3A_304 = arith.constant 0 : i32
        scf.yield %scan3A_304 : i32
      }
      %scan3A_98 = arith.constant 12 : i32
      %mul3A_99 = arith.constant 1728 : i32
      %mul3A_100 = arith.muli %add3A_85, %mul3A_99 : i32
      %add3A_101 = arith.addi %mul3A_50, %mul3A_100 : i32
      %dma_start3A_102 = tpu.memref_slice %arg4[%add3A_101] : memref<27426816xf32, #tpu.memory_space<hbm>> -> memref<1728xf32, #tpu.memory_space<hbm>>
      %dma_start3A_103 = tpu.memref_slice %arg4[%add3A_101] : memref<27426816xf32, #tpu.memory_space<hbm>> -> memref<1728xf32, #tpu.memory_space<hbm>>
      tpu.enqueue_dma source(%arg8 : memref<1728xf32, #tpu.memory_space<vmem>>) target(%dma_start3A_103 : memref<1728xf32, #tpu.memory_space<hbm>>) target_semaphore(%arg14 : memref<!tpu.dma_semaphore, #tpu.memory_space<semaphore_mem>>)
      %mul3A_104 = arith.constant 1728 : i32
      %mul3A_105 = arith.muli %add3A_85, %mul3A_104 : i32
      %add3A_106 = arith.addi %mul3A_56, %mul3A_105 : i32
      %dma_start3A_107 = tpu.memref_slice %arg4[%add3A_106] : memref<27426816xf32, #tpu.memory_space<hbm>> -> memref<1728xf32, #tpu.memory_space<hbm>>
      %dma_start3A_108 = tpu.memref_slice %arg4[%add3A_106] : memref<27426816xf32, #tpu.memory_space<hbm>> -> memref<1728xf32, #tpu.memory_space<hbm>>
      tpu.enqueue_dma source(%arg10 : memref<1728xf32, #tpu.memory_space<vmem>>) target(%dma_start3A_108 : memref<1728xf32, #tpu.memory_space<hbm>>) target_semaphore(%arg16 : memref<!tpu.dma_semaphore, #tpu.memory_space<semaphore_mem>>)
      %add3A_109 = arith.constant 2 : i32
      %add3A_110 = arith.addi %add3A_85, %add3A_109 : i32
      %lt3A = arith.constant 124 : i32
      %lt3A_111 = arith.cmpi slt, %add3A_110, %lt3A : i32
      %convert_element_type3A_112 = arith.extui %lt3A_111 : i1 to i32
      %cond3A_113 = arith.constant 0 : i32
      %cond3A_114 = arith.cmpi ne, %convert_element_type3A_112, %cond3A_113 : i32
      scf.if %cond3A_114 {
        %add3A_153 = arith.constant 2 : i32
        %add3A_154 = arith.addi %add3A_85, %add3A_153 : i32
        %mul3A_155 = arith.constant 1728 : i32
        %mul3A_156 = arith.muli %add3A_154, %mul3A_155 : i32
        %add3A_157 = arith.constant 0 : i32
        %add3A_158 = arith.addi %add3A_157, %mul3A_156 : i32
        %dma_start3A_159 = tpu.memref_slice %arg3[%add3A_158] : memref<214528xi32, #tpu.memory_space<hbm>> -> memref<1728xi32, #tpu.memory_space<hbm>>
        %dma_start3A_160 = tpu.memref_slice %arg3[%add3A_158] : memref<214528xi32, #tpu.memory_space<hbm>> -> memref<1728xi32, #tpu.memory_space<hbm>>
        tpu.enqueue_dma source(%dma_start3A_160 : memref<1728xi32, #tpu.memory_space<hbm>>) target(%arg6 : memref<1728xi32, #tpu.memory_space<vmem>>) target_semaphore(%arg12 : memref<!tpu.dma_semaphore, #tpu.memory_space<semaphore_mem>>)
      } else {
      }
      %mul3A_115 = arith.constant 2 : i32
      %mul3A_116 = arith.muli %mul3A_115, %scan3A_80 : i32
      %add3A_117 = arith.constant 1 : i32
      %add3A_118 = arith.addi %mul3A_116, %add3A_117 : i32
      %dma_wait3A_119 = arith.constant 0 : i32
      %dma_wait3A_120 = tpu.memref_slice %arg3[%dma_wait3A_119] : memref<214528xi32, #tpu.memory_space<hbm>> -> memref<1728xi32, #tpu.memory_space<hbm>>
      %dma_wait3A_121 = arith.constant 0 : i32
      %dma_wait3A_122 = tpu.memref_slice %arg3[%dma_wait3A_121] : memref<214528xi32, #tpu.memory_space<hbm>> -> memref<1728xi32, #tpu.memory_space<hbm>>
      tpu.wait_dma2 semaphore(%arg13 : memref<!tpu.dma_semaphore, #tpu.memory_space<semaphore_mem>>) src(%dma_wait3A_122 : memref<1728xi32, #tpu.memory_space<hbm>>) dst(%arg7 : memref<1728xi32, #tpu.memory_space<vmem>>)
      %ge3A_123 = arith.constant 2 : i32
      %ge3A_124 = arith.cmpi sge, %add3A_118, %ge3A_123 : i32
      %convert_element_type3A_125 = arith.extui %ge3A_124 : i1 to i32
      %cond3A_126 = arith.constant 0 : i32
      %cond3A_127 = arith.cmpi ne, %convert_element_type3A_125, %cond3A_126 : i32
      scf.if %cond3A_127 {
        %dma_wait3A_153 = tpu.memref_slice %arg4[%mul3A_50] : memref<27426816xf32, #tpu.memory_space<hbm>> -> memref<1728xf32, #tpu.memory_space<hbm>>
        %dma_wait3A_154 = tpu.memref_slice %arg4[%mul3A_50] : memref<27426816xf32, #tpu.memory_space<hbm>> -> memref<1728xf32, #tpu.memory_space<hbm>>
        tpu.wait_dma2 semaphore(%arg15 : memref<!tpu.dma_semaphore, #tpu.memory_space<semaphore_mem>>) src(%arg9 : memref<1728xf32, #tpu.memory_space<vmem>>) dst(%dma_wait3A_154 : memref<1728xf32, #tpu.memory_space<hbm>>)
        %dma_wait3A_155 = tpu.memref_slice %arg4[%mul3A_56] : memref<27426816xf32, #tpu.memory_space<hbm>> -> memref<1728xf32, #tpu.memory_space<hbm>>
        %dma_wait3A_156 = tpu.memref_slice %arg4[%mul3A_56] : memref<27426816xf32, #tpu.memory_space<hbm>> -> memref<1728xf32, #tpu.memory_space<hbm>>
        tpu.wait_dma2 semaphore(%arg17 : memref<!tpu.dma_semaphore, #tpu.memory_space<semaphore_mem>>) src(%arg11 : memref<1728xf32, #tpu.memory_space<vmem>>) dst(%dma_wait3A_156 : memref<1728xf32, #tpu.memory_space<hbm>>)
      } else {
      }
      %scan3A_128 = arith.constant 0 : i32
      %scan3A_129 = arith.constant 0 : i32
      %scan3A_130 = arith.constant 12 : i32
      %scan3A_131 = arith.addi %scan3A_129, %scan3A_130 : i32
      %scan3A_132 = arith.constant 1 : i32
      %scan3A_133 = scf.for %scan3A_153 = %scan3A_129 to %scan3A_131 step %scan3A_132 iter_args(%scan3A_154 = %scan3A_128) -> (i32)  : i32 {
        %mul3A_155 = arith.constant 144 : i32
        %mul3A_156 = arith.muli %scan3A_153, %mul3A_155 : i32
        %add3A_157 = arith.constant 0 : i32
        %add3A_158 = arith.addi %mul3A_156, %add3A_157 : i32
        %add3A_159 = arith.constant 16 : i32
        %add3A_160 = arith.addi %mul3A_156, %add3A_159 : i32
        %add3A_161 = arith.constant 32 : i32
        %add3A_162 = arith.addi %mul3A_156, %add3A_161 : i32
        %add3A_163 = arith.constant 48 : i32
        %add3A_164 = arith.addi %mul3A_156, %add3A_163 : i32
        %add3A_165 = arith.constant 64 : i32
        %add3A_166 = arith.addi %mul3A_156, %add3A_165 : i32
        %add3A_167 = arith.constant 80 : i32
        %add3A_168 = arith.addi %mul3A_156, %add3A_167 : i32
        %add3A_169 = arith.constant 96 : i32
        %add3A_170 = arith.addi %mul3A_156, %add3A_169 : i32
        %add3A_171 = arith.constant 112 : i32
        %add3A_172 = arith.addi %mul3A_156, %add3A_171 : i32
        %add3A_173 = arith.constant 128 : i32
        %add3A_174 = arith.addi %mul3A_156, %add3A_173 : i32
        %get3A = arith.index_cast %add3A_158 : i32 to index
        %get3A_175 = tpu.vector_load %arg7[%get3A] {strides = array<i32>} : memref<1728xi32, #tpu.memory_space<vmem>>, vector<16xi32>,
        %get3A_176 = arith.index_cast %add3A_160 : i32 to index
        %get3A_177 = tpu.vector_load %arg7[%get3A_176] {strides = array<i32>} : memref<1728xi32, #tpu.memory_space<vmem>>, vector<16xi32>,
        %get3A_178 = arith.index_cast %add3A_162 : i32 to index
        %get3A_179 = tpu.vector_load %arg7[%get3A_178] {strides = array<i32>} : memref<1728xi32, #tpu.memory_space<vmem>>, vector<16xi32>,
        %get3A_180 = arith.index_cast %add3A_164 : i32 to index
        %get3A_181 = tpu.vector_load %arg7[%get3A_180] {strides = array<i32>} : memref<1728xi32, #tpu.memory_space<vmem>>, vector<16xi32>,
        %get3A_182 = arith.index_cast %add3A_166 : i32 to index
        %get3A_183 = tpu.vector_load %arg7[%get3A_182] {strides = array<i32>} : memref<1728xi32, #tpu.memory_space<vmem>>, vector<16xi32>,
        %get3A_184 = arith.index_cast %add3A_168 : i32 to index
        %get3A_185 = tpu.vector_load %arg7[%get3A_184] {strides = array<i32>} : memref<1728xi32, #tpu.memory_space<vmem>>, vector<16xi32>,
        %get3A_186 = arith.index_cast %add3A_170 : i32 to index
        %get3A_187 = tpu.vector_load %arg7[%get3A_186] {strides = array<i32>} : memref<1728xi32, #tpu.memory_space<vmem>>, vector<16xi32>,
        %get3A_188 = arith.index_cast %add3A_172 : i32 to index
        %get3A_189 = tpu.vector_load %arg7[%get3A_188] {strides = array<i32>} : memref<1728xi32, #tpu.memory_space<vmem>>, vector<16xi32>,
        %get3A_190 = arith.index_cast %add3A_174 : i32 to index
        %get3A_191 = tpu.vector_load %arg7[%get3A_190] {strides = array<i32>} : memref<1728xi32, #tpu.memory_space<vmem>>, vector<16xi32>,
        %gather3A = tpu.vector_load_idx %arg5[%get3A_175] : memref<120016xi32, #tpu.memory_space<vmem>>[vector<16xi32>], vector<16xi32>,
        %gather3A_192 = tpu.vector_load_idx %arg5[%get3A_177] : memref<120016xi32, #tpu.memory_space<vmem>>[vector<16xi32>], vector<16xi32>,
        %gather3A_193 = tpu.vector_load_idx %arg5[%get3A_179] : memref<120016xi32, #tpu.memory_space<vmem>>[vector<16xi32>], vector<16xi32>,
        %gather3A_194 = tpu.vector_load_idx %arg5[%get3A_181] : memref<120016xi32, #tpu.memory_space<vmem>>[vector<16xi32>], vector<16xi32>,
        %gather3A_195 = tpu.vector_load_idx %arg5[%get3A_183] : memref<120016xi32, #tpu.memory_space<vmem>>[vector<16xi32>], vector<16xi32>,
        %gather3A_196 = tpu.vector_load_idx %arg5[%get3A_185] : memref<120016xi32, #tpu.memory_space<vmem>>[vector<16xi32>], vector<16xi32>,
        %gather3A_197 = tpu.vector_load_idx %arg5[%get3A_187] : memref<120016xi32, #tpu.memory_space<vmem>>[vector<16xi32>], vector<16xi32>,
        %gather3A_198 = tpu.vector_load_idx %arg5[%get3A_189] : memref<120016xi32, #tpu.memory_space<vmem>>[vector<16xi32>], vector<16xi32>,
        %gather3A_199 = tpu.vector_load_idx %arg5[%get3A_191] : memref<120016xi32, #tpu.memory_space<vmem>>[vector<16xi32>], vector<16xi32>,
        %shift_left3A = arith.constant 16 : i32
        %shift_left3A_200 = vector.broadcast %shift_left3A : i32 to vector<16xi32>
        %shift_left3A_201 = arith.shli %gather3A, %shift_left3A_200 : vector<16xi32>
        %bitcast3A = vector.bitcast %shift_left3A_201 : vector<16xi32> to vector<16xf32>
        %swap3A = arith.index_cast %add3A_158 : i32 to index
        %swap3A_202 = tpu.vector_load %arg9[%swap3A] {strides = array<i32>} : memref<1728xf32, #tpu.memory_space<vmem>>, vector<16xf32>,
        tpu.vector_store %arg9[%swap3A], %bitcast3A {strides = array<i32>} : memref<1728xf32, #tpu.memory_space<vmem>>, vector<16xf32>,
        %and3A = arith.constant -65536 : i32
        %and3A_203 = vector.broadcast %and3A : i32 to vector<16xi32>
        %and3A_204 = arith.andi %gather3A, %and3A_203 : vector<16xi32>
        %bitcast3A_205 = vector.bitcast %and3A_204 : vector<16xi32> to vector<16xf32>
        %swap3A_206 = arith.index_cast %add3A_158 : i32 to index
        %swap3A_207 = tpu.vector_load %arg11[%swap3A_206] {strides = array<i32>} : memref<1728xf32, #tpu.memory_space<vmem>>, vector<16xf32>,
        tpu.vector_store %arg11[%swap3A_206], %bitcast3A_205 {strides = array<i32>} : memref<1728xf32, #tpu.memory_space<vmem>>, vector<16xf32>,
        %shift_left3A_208 = arith.constant 16 : i32
        %shift_left3A_209 = vector.broadcast %shift_left3A_208 : i32 to vector<16xi32>
        %shift_left3A_210 = arith.shli %gather3A_192, %shift_left3A_209 : vector<16xi32>
        %bitcast3A_211 = vector.bitcast %shift_left3A_210 : vector<16xi32> to vector<16xf32>
        %swap3A_212 = arith.index_cast %add3A_160 : i32 to index
        %swap3A_213 = tpu.vector_load %arg9[%swap3A_212] {strides = array<i32>} : memref<1728xf32, #tpu.memory_space<vmem>>, vector<16xf32>,
        tpu.vector_store %arg9[%swap3A_212], %bitcast3A_211 {strides = array<i32>} : memref<1728xf32, #tpu.memory_space<vmem>>, vector<16xf32>,
        %and3A_214 = arith.constant -65536 : i32
        %and3A_215 = vector.broadcast %and3A_214 : i32 to vector<16xi32>
        %and3A_216 = arith.andi %gather3A_192, %and3A_215 : vector<16xi32>
        %bitcast3A_217 = vector.bitcast %and3A_216 : vector<16xi32> to vector<16xf32>
        %swap3A_218 = arith.index_cast %add3A_160 : i32 to index
        %swap3A_219 = tpu.vector_load %arg11[%swap3A_218] {strides = array<i32>} : memref<1728xf32, #tpu.memory_space<vmem>>, vector<16xf32>,
        tpu.vector_store %arg11[%swap3A_218], %bitcast3A_217 {strides = array<i32>} : memref<1728xf32, #tpu.memory_space<vmem>>, vector<16xf32>,
        %shift_left3A_220 = arith.constant 16 : i32
        %shift_left3A_221 = vector.broadcast %shift_left3A_220 : i32 to vector<16xi32>
        %shift_left3A_222 = arith.shli %gather3A_193, %shift_left3A_221 : vector<16xi32>
        %bitcast3A_223 = vector.bitcast %shift_left3A_222 : vector<16xi32> to vector<16xf32>
        %swap3A_224 = arith.index_cast %add3A_162 : i32 to index
        %swap3A_225 = tpu.vector_load %arg9[%swap3A_224] {strides = array<i32>} : memref<1728xf32, #tpu.memory_space<vmem>>, vector<16xf32>,
        tpu.vector_store %arg9[%swap3A_224], %bitcast3A_223 {strides = array<i32>} : memref<1728xf32, #tpu.memory_space<vmem>>, vector<16xf32>,
        %and3A_226 = arith.constant -65536 : i32
        %and3A_227 = vector.broadcast %and3A_226 : i32 to vector<16xi32>
        %and3A_228 = arith.andi %gather3A_193, %and3A_227 : vector<16xi32>
        %bitcast3A_229 = vector.bitcast %and3A_228 : vector<16xi32> to vector<16xf32>
        %swap3A_230 = arith.index_cast %add3A_162 : i32 to index
        %swap3A_231 = tpu.vector_load %arg11[%swap3A_230] {strides = array<i32>} : memref<1728xf32, #tpu.memory_space<vmem>>, vector<16xf32>,
        tpu.vector_store %arg11[%swap3A_230], %bitcast3A_229 {strides = array<i32>} : memref<1728xf32, #tpu.memory_space<vmem>>, vector<16xf32>,
        %shift_left3A_232 = arith.constant 16 : i32
        %shift_left3A_233 = vector.broadcast %shift_left3A_232 : i32 to vector<16xi32>
        %shift_left3A_234 = arith.shli %gather3A_194, %shift_left3A_233 : vector<16xi32>
        %bitcast3A_235 = vector.bitcast %shift_left3A_234 : vector<16xi32> to vector<16xf32>
        %swap3A_236 = arith.index_cast %add3A_164 : i32 to index
        %swap3A_237 = tpu.vector_load %arg9[%swap3A_236] {strides = array<i32>} : memref<1728xf32, #tpu.memory_space<vmem>>, vector<16xf32>,
        tpu.vector_store %arg9[%swap3A_236], %bitcast3A_235 {strides = array<i32>} : memref<1728xf32, #tpu.memory_space<vmem>>, vector<16xf32>,
        %and3A_238 = arith.constant -65536 : i32
        %and3A_239 = vector.broadcast %and3A_238 : i32 to vector<16xi32>
        %and3A_240 = arith.andi %gather3A_194, %and3A_239 : vector<16xi32>
        %bitcast3A_241 = vector.bitcast %and3A_240 : vector<16xi32> to vector<16xf32>
        %swap3A_242 = arith.index_cast %add3A_164 : i32 to index
        %swap3A_243 = tpu.vector_load %arg11[%swap3A_242] {strides = array<i32>} : memref<1728xf32, #tpu.memory_space<vmem>>, vector<16xf32>,
        tpu.vector_store %arg11[%swap3A_242], %bitcast3A_241 {strides = array<i32>} : memref<1728xf32, #tpu.memory_space<vmem>>, vector<16xf32>,
        %shift_left3A_244 = arith.constant 16 : i32
        %shift_left3A_245 = vector.broadcast %shift_left3A_244 : i32 to vector<16xi32>
        %shift_left3A_246 = arith.shli %gather3A_195, %shift_left3A_245 : vector<16xi32>
        %bitcast3A_247 = vector.bitcast %shift_left3A_246 : vector<16xi32> to vector<16xf32>
        %swap3A_248 = arith.index_cast %add3A_166 : i32 to index
        %swap3A_249 = tpu.vector_load %arg9[%swap3A_248] {strides = array<i32>} : memref<1728xf32, #tpu.memory_space<vmem>>, vector<16xf32>,
        tpu.vector_store %arg9[%swap3A_248], %bitcast3A_247 {strides = array<i32>} : memref<1728xf32, #tpu.memory_space<vmem>>, vector<16xf32>,
        %and3A_250 = arith.constant -65536 : i32
        %and3A_251 = vector.broadcast %and3A_250 : i32 to vector<16xi32>
        %and3A_252 = arith.andi %gather3A_195, %and3A_251 : vector<16xi32>
        %bitcast3A_253 = vector.bitcast %and3A_252 : vector<16xi32> to vector<16xf32>
        %swap3A_254 = arith.index_cast %add3A_166 : i32 to index
        %swap3A_255 = tpu.vector_load %arg11[%swap3A_254] {strides = array<i32>} : memref<1728xf32, #tpu.memory_space<vmem>>, vector<16xf32>,
        tpu.vector_store %arg11[%swap3A_254], %bitcast3A_253 {strides = array<i32>} : memref<1728xf32, #tpu.memory_space<vmem>>, vector<16xf32>,
        %shift_left3A_256 = arith.constant 16 : i32
        %shift_left3A_257 = vector.broadcast %shift_left3A_256 : i32 to vector<16xi32>
        %shift_left3A_258 = arith.shli %gather3A_196, %shift_left3A_257 : vector<16xi32>
        %bitcast3A_259 = vector.bitcast %shift_left3A_258 : vector<16xi32> to vector<16xf32>
        %swap3A_260 = arith.index_cast %add3A_168 : i32 to index
        %swap3A_261 = tpu.vector_load %arg9[%swap3A_260] {strides = array<i32>} : memref<1728xf32, #tpu.memory_space<vmem>>, vector<16xf32>,
        tpu.vector_store %arg9[%swap3A_260], %bitcast3A_259 {strides = array<i32>} : memref<1728xf32, #tpu.memory_space<vmem>>, vector<16xf32>,
        %and3A_262 = arith.constant -65536 : i32
        %and3A_263 = vector.broadcast %and3A_262 : i32 to vector<16xi32>
        %and3A_264 = arith.andi %gather3A_196, %and3A_263 : vector<16xi32>
        %bitcast3A_265 = vector.bitcast %and3A_264 : vector<16xi32> to vector<16xf32>
        %swap3A_266 = arith.index_cast %add3A_168 : i32 to index
        %swap3A_267 = tpu.vector_load %arg11[%swap3A_266] {strides = array<i32>} : memref<1728xf32, #tpu.memory_space<vmem>>, vector<16xf32>,
        tpu.vector_store %arg11[%swap3A_266], %bitcast3A_265 {strides = array<i32>} : memref<1728xf32, #tpu.memory_space<vmem>>, vector<16xf32>,
        %shift_left3A_268 = arith.constant 16 : i32
        %shift_left3A_269 = vector.broadcast %shift_left3A_268 : i32 to vector<16xi32>
        %shift_left3A_270 = arith.shli %gather3A_197, %shift_left3A_269 : vector<16xi32>
        %bitcast3A_271 = vector.bitcast %shift_left3A_270 : vector<16xi32> to vector<16xf32>
        %swap3A_272 = arith.index_cast %add3A_170 : i32 to index
        %swap3A_273 = tpu.vector_load %arg9[%swap3A_272] {strides = array<i32>} : memref<1728xf32, #tpu.memory_space<vmem>>, vector<16xf32>,
        tpu.vector_store %arg9[%swap3A_272], %bitcast3A_271 {strides = array<i32>} : memref<1728xf32, #tpu.memory_space<vmem>>, vector<16xf32>,
        %and3A_274 = arith.constant -65536 : i32
        %and3A_275 = vector.broadcast %and3A_274 : i32 to vector<16xi32>
        %and3A_276 = arith.andi %gather3A_197, %and3A_275 : vector<16xi32>
        %bitcast3A_277 = vector.bitcast %and3A_276 : vector<16xi32> to vector<16xf32>
        %swap3A_278 = arith.index_cast %add3A_170 : i32 to index
        %swap3A_279 = tpu.vector_load %arg11[%swap3A_278] {strides = array<i32>} : memref<1728xf32, #tpu.memory_space<vmem>>, vector<16xf32>,
        tpu.vector_store %arg11[%swap3A_278], %bitcast3A_277 {strides = array<i32>} : memref<1728xf32, #tpu.memory_space<vmem>>, vector<16xf32>,
        %shift_left3A_280 = arith.constant 16 : i32
        %shift_left3A_281 = vector.broadcast %shift_left3A_280 : i32 to vector<16xi32>
        %shift_left3A_282 = arith.shli %gather3A_198, %shift_left3A_281 : vector<16xi32>
        %bitcast3A_283 = vector.bitcast %shift_left3A_282 : vector<16xi32> to vector<16xf32>
        %swap3A_284 = arith.index_cast %add3A_172 : i32 to index
        %swap3A_285 = tpu.vector_load %arg9[%swap3A_284] {strides = array<i32>} : memref<1728xf32, #tpu.memory_space<vmem>>, vector<16xf32>,
        tpu.vector_store %arg9[%swap3A_284], %bitcast3A_283 {strides = array<i32>} : memref<1728xf32, #tpu.memory_space<vmem>>, vector<16xf32>,
        %and3A_286 = arith.constant -65536 : i32
        %and3A_287 = vector.broadcast %and3A_286 : i32 to vector<16xi32>
        %and3A_288 = arith.andi %gather3A_198, %and3A_287 : vector<16xi32>
        %bitcast3A_289 = vector.bitcast %and3A_288 : vector<16xi32> to vector<16xf32>
        %swap3A_290 = arith.index_cast %add3A_172 : i32 to index
        %swap3A_291 = tpu.vector_load %arg11[%swap3A_290] {strides = array<i32>} : memref<1728xf32, #tpu.memory_space<vmem>>, vector<16xf32>,
        tpu.vector_store %arg11[%swap3A_290], %bitcast3A_289 {strides = array<i32>} : memref<1728xf32, #tpu.memory_space<vmem>>, vector<16xf32>,
        %shift_left3A_292 = arith.constant 16 : i32
        %shift_left3A_293 = vector.broadcast %shift_left3A_292 : i32 to vector<16xi32>
        %shift_left3A_294 = arith.shli %gather3A_199, %shift_left3A_293 : vector<16xi32>
        %bitcast3A_295 = vector.bitcast %shift_left3A_294 : vector<16xi32> to vector<16xf32>
        %swap3A_296 = arith.index_cast %add3A_174 : i32 to index
        %swap3A_297 = tpu.vector_load %arg9[%swap3A_296] {strides = array<i32>} : memref<1728xf32, #tpu.memory_space<vmem>>, vector<16xf32>,
        tpu.vector_store %arg9[%swap3A_296], %bitcast3A_295 {strides = array<i32>} : memref<1728xf32, #tpu.memory_space<vmem>>, vector<16xf32>,
        %and3A_298 = arith.constant -65536 : i32
        %and3A_299 = vector.broadcast %and3A_298 : i32 to vector<16xi32>
        %and3A_300 = arith.andi %gather3A_199, %and3A_299 : vector<16xi32>
        %bitcast3A_301 = vector.bitcast %and3A_300 : vector<16xi32> to vector<16xf32>
        %swap3A_302 = arith.index_cast %add3A_174 : i32 to index
        %swap3A_303 = tpu.vector_load %arg11[%swap3A_302] {strides = array<i32>} : memref<1728xf32, #tpu.memory_space<vmem>>, vector<16xf32>,
        tpu.vector_store %arg11[%swap3A_302], %bitcast3A_301 {strides = array<i32>} : memref<1728xf32, #tpu.memory_space<vmem>>, vector<16xf32>,
        %scan3A_304 = arith.constant 0 : i32
        scf.yield %scan3A_304 : i32
      }
      %scan3A_134 = arith.constant 12 : i32
      %mul3A_135 = arith.constant 1728 : i32
      %mul3A_136 = arith.muli %add3A_118, %mul3A_135 : i32
      %add3A_137 = arith.addi %mul3A_50, %mul3A_136 : i32
      %dma_start3A_138 = tpu.memref_slice %arg4[%add3A_137] : memref<27426816xf32, #tpu.memory_space<hbm>> -> memref<1728xf32, #tpu.memory_space<hbm>>
      %dma_start3A_139 = tpu.memref_slice %arg4[%add3A_137] : memref<27426816xf32, #tpu.memory_space<hbm>> -> memref<1728xf32, #tpu.memory_space<hbm>>
      tpu.enqueue_dma source(%arg9 : memref<1728xf32, #tpu.memory_space<vmem>>) target(%dma_start3A_139 : memref<1728xf32, #tpu.memory_space<hbm>>) target_semaphore(%arg15 : memref<!tpu.dma_semaphore, #tpu.memory_space<semaphore_mem>>)
      %mul3A_140 = arith.constant 1728 : i32
      %mul3A_141 = arith.muli %add3A_118, %mul3A_140 : i32
      %add3A_142 = arith.addi %mul3A_56, %mul3A_141 : i32
      %dma_start3A_143 = tpu.memref_slice %arg4[%add3A_142] : memref<27426816xf32, #tpu.memory_space<hbm>> -> memref<1728xf32, #tpu.memory_space<hbm>>
      %dma_start3A_144 = tpu.memref_slice %arg4[%add3A_142] : memref<27426816xf32, #tpu.memory_space<hbm>> -> memref<1728xf32, #tpu.memory_space<hbm>>
      tpu.enqueue_dma source(%arg11 : memref<1728xf32, #tpu.memory_space<vmem>>) target(%dma_start3A_144 : memref<1728xf32, #tpu.memory_space<hbm>>) target_semaphore(%arg17 : memref<!tpu.dma_semaphore, #tpu.memory_space<semaphore_mem>>)
      %add3A_145 = arith.constant 2 : i32
      %add3A_146 = arith.addi %add3A_118, %add3A_145 : i32
      %lt3A_147 = arith.constant 124 : i32
      %lt3A_148 = arith.cmpi slt, %add3A_146, %lt3A_147 : i32
      %convert_element_type3A_149 = arith.extui %lt3A_148 : i1 to i32
      %cond3A_150 = arith.constant 0 : i32
      %cond3A_151 = arith.cmpi ne, %convert_element_type3A_149, %cond3A_150 : i32
      scf.if %cond3A_151 {
        %add3A_153 = arith.constant 2 : i32
        %add3A_154 = arith.addi %add3A_118, %add3A_153 : i32
        %mul3A_155 = arith.constant 1728 : i32
        %mul3A_156 = arith.muli %add3A_154, %mul3A_155 : i32
        %add3A_157 = arith.constant 0 : i32
        %add3A_158 = arith.addi %add3A_157, %mul3A_156 : i32
        %dma_start3A_159 = tpu.memref_slice %arg3[%add3A_158] : memref<214528xi32, #tpu.memory_space<hbm>> -> memref<1728xi32, #tpu.memory_space<hbm>>
        %dma_start3A_160 = tpu.memref_slice %arg3[%add3A_158] : memref<214528xi32, #tpu.memory_space<hbm>> -> memref<1728xi32, #tpu.memory_space<hbm>>
        tpu.enqueue_dma source(%dma_start3A_160 : memref<1728xi32, #tpu.memory_space<hbm>>) target(%arg7 : memref<1728xi32, #tpu.memory_space<vmem>>) target_semaphore(%arg13 : memref<!tpu.dma_semaphore, #tpu.memory_space<semaphore_mem>>)
      } else {
      }
      %scan3A_152 = arith.constant 0 : i32
      scf.yield %scan3A_152 : i32
    }
    %scan3A_71 = arith.constant 62 : i32
    %dma_wait3A_72 = tpu.memref_slice %arg4[%mul3A_50] : memref<27426816xf32, #tpu.memory_space<hbm>> -> memref<1728xf32, #tpu.memory_space<hbm>>
    %dma_wait3A_73 = tpu.memref_slice %arg4[%mul3A_50] : memref<27426816xf32, #tpu.memory_space<hbm>> -> memref<1728xf32, #tpu.memory_space<hbm>>
    tpu.wait_dma2 semaphore(%arg14 : memref<!tpu.dma_semaphore, #tpu.memory_space<semaphore_mem>>) src(%arg8 : memref<1728xf32, #tpu.memory_space<vmem>>) dst(%dma_wait3A_73 : memref<1728xf32, #tpu.memory_space<hbm>>)
    %dma_wait3A_74 = tpu.memref_slice %arg4[%mul3A_50] : memref<27426816xf32, #tpu.memory_space<hbm>> -> memref<1728xf32, #tpu.memory_space<hbm>>
    %dma_wait3A_75 = tpu.memref_slice %arg4[%mul3A_50] : memref<27426816xf32, #tpu.memory_space<hbm>> -> memref<1728xf32, #tpu.memory_space<hbm>>
    tpu.wait_dma2 semaphore(%arg15 : memref<!tpu.dma_semaphore, #tpu.memory_space<semaphore_mem>>) src(%arg9 : memref<1728xf32, #tpu.memory_space<vmem>>) dst(%dma_wait3A_75 : memref<1728xf32, #tpu.memory_space<hbm>>)
    %dma_wait3A_76 = tpu.memref_slice %arg4[%mul3A_56] : memref<27426816xf32, #tpu.memory_space<hbm>> -> memref<1728xf32, #tpu.memory_space<hbm>>
    %dma_wait3A_77 = tpu.memref_slice %arg4[%mul3A_56] : memref<27426816xf32, #tpu.memory_space<hbm>> -> memref<1728xf32, #tpu.memory_space<hbm>>
    tpu.wait_dma2 semaphore(%arg16 : memref<!tpu.dma_semaphore, #tpu.memory_space<semaphore_mem>>) src(%arg10 : memref<1728xf32, #tpu.memory_space<vmem>>) dst(%dma_wait3A_77 : memref<1728xf32, #tpu.memory_space<hbm>>)
    %dma_wait3A_78 = tpu.memref_slice %arg4[%mul3A_56] : memref<27426816xf32, #tpu.memory_space<hbm>> -> memref<1728xf32, #tpu.memory_space<hbm>>
    %dma_wait3A_79 = tpu.memref_slice %arg4[%mul3A_56] : memref<27426816xf32, #tpu.memory_space<hbm>> -> memref<1728xf32, #tpu.memory_space<hbm>>
    tpu.wait_dma2 semaphore(%arg17 : memref<!tpu.dma_semaphore, #tpu.memory_space<semaphore_mem>>) src(%arg11 : memref<1728xf32, #tpu.memory_space<vmem>>) dst(%dma_wait3A_79 : memref<1728xf32, #tpu.memory_space<hbm>>)
    return
  }
}

#map = affine_map<(d0, d1) -> (0)>
module attributes {stable_mosaic.version = 14 : i64} {
  func.func @_gather_body(%arg0: i32, %arg1: i32, %arg2: memref<7733248xi32, #tpu.memory_space<hbm>>, %arg3: memref<214528xi32, #tpu.memory_space<hbm>>, %arg4: memref<27426816xf32, #tpu.memory_space<hbm>>, %arg5: memref<120016xi32, #tpu.memory_space<vmem>>, %arg6: memref<1728xi32, #tpu.memory_space<vmem>>, %arg7: memref<1728xi32, #tpu.memory_space<vmem>>, %arg8: memref<1728xf32, #tpu.memory_space<vmem>>, %arg9: memref<1728xf32, #tpu.memory_space<vmem>>, %arg10: memref<1728xf32, #tpu.memory_space<vmem>>, %arg11: memref<1728xf32, #tpu.memory_space<vmem>>, %arg12: memref<!tpu.dma_semaphore, #tpu.memory_space<semaphore_mem>>, %arg13: memref<!tpu.dma_semaphore, #tpu.memory_space<semaphore_mem>>, %arg14: memref<!tpu.dma_semaphore, #tpu.memory_space<semaphore_mem>>, %arg15: memref<!tpu.dma_semaphore, #tpu.memory_space<semaphore_mem>>, %arg16: memref<!tpu.dma_semaphore, #tpu.memory_space<semaphore_mem>>, %arg17: memref<!tpu.dma_semaphore, #tpu.memory_space<semaphore_mem>>) attributes {dimension_semantics = [#tpu.dimension_semantics<core_parallel>, #tpu.dimension_semantics<subcore_parallel>], iteration_bounds = array<i64: 2, 16>, scalar_prefetch = 0 : i64, scratch_operands = 13 : i64, tpu.core_type = #tpu.core_type<sc_vector_subcore>, window_params = [{transform_indices = #map}, {transform_indices = #map}, {transform_indices = #map}]} {
    %mul3A = arith.constant 2 : i32
    %mul3A_0 = arith.muli %arg1, %mul3A : i32
    %add3A = arith.addi %mul3A_0, %arg0 : i32
    %mul3A_1 = arith.constant 2 : i32
    %mul3A_2 = arith.muli %add3A, %mul3A_1 : i32
    %add3A_3 = arith.constant 0 : i32
    %add3A_4 = arith.addi %mul3A_2, %add3A_3 : i32
    %add3A_5 = arith.constant 0 : i32
    %add3A_6 = arith.addi %add3A_5, %add3A_4 : i32
    %mul3A_7 = arith.constant 120832 : i32
    %mul3A_8 = arith.muli %add3A_6, %mul3A_7 : i32
    "tpu.region"() ({
      %run_scoped3A = tpu.sem_alloc : memref<!tpu.dma_semaphore, #tpu.memory_space<semaphore_mem>>
      %dma_start3A_80 = arith.constant 0 : i32
      %dma_start3A_81 = tpu.memref_slice %arg5[%dma_start3A_80] : memref<120016xi32, #tpu.memory_space<vmem>> -> memref<120016xi32, #tpu.memory_space<vmem>>
      %dma_start3A_82 = tpu.memref_slice %arg2[%mul3A_8] : memref<7733248xi32, #tpu.memory_space<hbm>> -> memref<120016xi32, #tpu.memory_space<hbm>>
      %dma_start3A_83 = arith.constant 0 : i32
      %dma_start3A_84 = tpu.memref_slice %arg5[%dma_start3A_83] : memref<120016xi32, #tpu.memory_space<vmem>> -> memref<120016xi32, #tpu.memory_space<vmem>>
      %dma_start3A_85 = tpu.memref_slice %arg2[%mul3A_8] : memref<7733248xi32, #tpu.memory_space<hbm>> -> memref<120016xi32, #tpu.memory_space<hbm>>
      tpu.enqueue_dma source(%dma_start3A_85 : memref<120016xi32, #tpu.memory_space<hbm>>) target(%dma_start3A_84 : memref<120016xi32, #tpu.memory_space<vmem>>) target_semaphore(%run_scoped3A : memref<!tpu.dma_semaphore, #tpu.memory_space<semaphore_mem>>)
      %dma_wait3A_86 = arith.constant 0 : i32
      %dma_wait3A_87 = tpu.memref_slice %arg5[%dma_wait3A_86] : memref<120016xi32, #tpu.memory_space<vmem>> -> memref<120016xi32, #tpu.memory_space<vmem>>
      %dma_wait3A_88 = tpu.memref_slice %arg2[%mul3A_8] : memref<7733248xi32, #tpu.memory_space<hbm>> -> memref<120016xi32, #tpu.memory_space<hbm>>
      %dma_wait3A_89 = arith.constant 0 : i32
      %dma_wait3A_90 = tpu.memref_slice %arg5[%dma_wait3A_89] : memref<120016xi32, #tpu.memory_space<vmem>> -> memref<120016xi32, #tpu.memory_space<vmem>>
      %dma_wait3A_91 = tpu.memref_slice %arg2[%mul3A_8] : memref<7733248xi32, #tpu.memory_space<hbm>> -> memref<120016xi32, #tpu.memory_space<hbm>>
      tpu.wait_dma2 semaphore(%run_scoped3A : memref<!tpu.dma_semaphore, #tpu.memory_space<semaphore_mem>>) src(%dma_wait3A_91 : memref<120016xi32, #tpu.memory_space<hbm>>) dst(%dma_wait3A_90 : memref<120016xi32, #tpu.memory_space<vmem>>)
      tpu.yield
    }) : () -> ()
    %add3A_9 = arith.constant 0 : i32
    %add3A_10 = arith.addi %add3A_9, %add3A_4 : i32
    %mul3A_11 = arith.constant 214272 : i32
    %mul3A_12 = arith.muli %add3A_10, %mul3A_11 : i32
    %add3A_13 = arith.constant 0 : i32
    %add3A_14 = arith.addi %add3A_13, %add3A_4 : i32
    %add3A_15 = arith.constant 64 : i32
    %add3A_16 = arith.addi %add3A_14, %add3A_15 : i32
    %mul3A_17 = arith.constant 214272 : i32
    %mul3A_18 = arith.muli %add3A_16, %mul3A_17 : i32
    %dma_start3A = arith.constant 0 : i32
    %dma_start3A_19 = tpu.memref_slice %arg3[%dma_start3A] : memref<214528xi32, #tpu.memory_space<hbm>> -> memref<1728xi32, #tpu.memory_space<hbm>>
    %dma_start3A_20 = arith.constant 0 : i32
    %dma_start3A_21 = tpu.memref_slice %arg3[%dma_start3A_20] : memref<214528xi32, #tpu.memory_space<hbm>> -> memref<1728xi32, #tpu.memory_space<hbm>>
    tpu.enqueue_dma source(%dma_start3A_21 : memref<1728xi32, #tpu.memory_space<hbm>>) target(%arg6 : memref<1728xi32, #tpu.memory_space<vmem>>) target_semaphore(%arg12 : memref<!tpu.dma_semaphore, #tpu.memory_space<semaphore_mem>>)
    %dma_start3A_22 = arith.constant 1728 : i32
    %dma_start3A_23 = tpu.memref_slice %arg3[%dma_start3A_22] : memref<214528xi32, #tpu.memory_space<hbm>> -> memref<1728xi32, #tpu.memory_space<hbm>>
    %dma_start3A_24 = arith.constant 1728 : i32
    %dma_start3A_25 = tpu.memref_slice %arg3[%dma_start3A_24] : memref<214528xi32, #tpu.memory_space<hbm>> -> memref<1728xi32, #tpu.memory_space<hbm>>
    tpu.enqueue_dma source(%dma_start3A_25 : memref<1728xi32, #tpu.memory_space<hbm>>) target(%arg7 : memref<1728xi32, #tpu.memory_space<vmem>>) target_semaphore(%arg13 : memref<!tpu.dma_semaphore, #tpu.memory_space<semaphore_mem>>)
    %scan3A = arith.constant 0 : i32
    %scan3A_26 = arith.constant 0 : i32
    %scan3A_27 = arith.constant 62 : i32
    %scan3A_28 = arith.addi %scan3A_26, %scan3A_27 : i32
    %scan3A_29 = arith.constant 1 : i32
    %scan3A_30 = scf.for %scan3A_80 = %scan3A_26 to %scan3A_28 step %scan3A_29 iter_args(%scan3A_81 = %scan3A) -> (i32)  : i32 {
      %mul3A_82 = arith.constant 2 : i32
      %mul3A_83 = arith.muli %mul3A_82, %scan3A_80 : i32
      %add3A_84 = arith.constant 0 : i32
      %add3A_85 = arith.addi %mul3A_83, %add3A_84 : i32
      %dma_wait3A_86 = arith.constant 0 : i32
      %dma_wait3A_87 = tpu.memref_slice %arg3[%dma_wait3A_86] : memref<214528xi32, #tpu.memory_space<hbm>> -> memref<1728xi32, #tpu.memory_space<hbm>>
      %dma_wait3A_88 = arith.constant 0 : i32
      %dma_wait3A_89 = tpu.memref_slice %arg3[%dma_wait3A_88] : memref<214528xi32, #tpu.memory_space<hbm>> -> memref<1728xi32, #tpu.memory_space<hbm>>
      tpu.wait_dma2 semaphore(%arg12 : memref<!tpu.dma_semaphore, #tpu.memory_space<semaphore_mem>>) src(%dma_wait3A_89 : memref<1728xi32, #tpu.memory_space<hbm>>) dst(%arg6 : memref<1728xi32, #tpu.memory_space<vmem>>)
      %ge3A = arith.constant 2 : i32
      %ge3A_90 = arith.cmpi sge, %add3A_85, %ge3A : i32
      %convert_element_type3A = arith.extui %ge3A_90 : i1 to i32
      %cond3A = arith.constant 0 : i32
      %cond3A_91 = arith.cmpi ne, %convert_element_type3A, %cond3A : i32
      scf.if %cond3A_91 {
        %dma_wait3A_153 = tpu.memref_slice %arg4[%mul3A_12] : memref<27426816xf32, #tpu.memory_space<hbm>> -> memref<1728xf32, #tpu.memory_space<hbm>>
        %dma_wait3A_154 = tpu.memref_slice %arg4[%mul3A_12] : memref<27426816xf32, #tpu.memory_space<hbm>> -> memref<1728xf32, #tpu.memory_space<hbm>>
        tpu.wait_dma2 semaphore(%arg14 : memref<!tpu.dma_semaphore, #tpu.memory_space<semaphore_mem>>) src(%arg8 : memref<1728xf32, #tpu.memory_space<vmem>>) dst(%dma_wait3A_154 : memref<1728xf32, #tpu.memory_space<hbm>>)
        %dma_wait3A_155 = tpu.memref_slice %arg4[%mul3A_18] : memref<27426816xf32, #tpu.memory_space<hbm>> -> memref<1728xf32, #tpu.memory_space<hbm>>
        %dma_wait3A_156 = tpu.memref_slice %arg4[%mul3A_18] : memref<27426816xf32, #tpu.memory_space<hbm>> -> memref<1728xf32, #tpu.memory_space<hbm>>
        tpu.wait_dma2 semaphore(%arg16 : memref<!tpu.dma_semaphore, #tpu.memory_space<semaphore_mem>>) src(%arg10 : memref<1728xf32, #tpu.memory_space<vmem>>) dst(%dma_wait3A_156 : memref<1728xf32, #tpu.memory_space<hbm>>)
      } else {
      }
      %scan3A_92 = arith.constant 0 : i32
      %scan3A_93 = arith.constant 0 : i32
      %scan3A_94 = arith.constant 12 : i32
      %scan3A_95 = arith.addi %scan3A_93, %scan3A_94 : i32
      %scan3A_96 = arith.constant 1 : i32
      %scan3A_97 = scf.for %scan3A_153 = %scan3A_93 to %scan3A_95 step %scan3A_96 iter_args(%scan3A_154 = %scan3A_92) -> (i32)  : i32 {
        %mul3A_155 = arith.constant 144 : i32
        %mul3A_156 = arith.muli %scan3A_153, %mul3A_155 : i32
        %add3A_157 = arith.constant 0 : i32
        %add3A_158 = arith.addi %mul3A_156, %add3A_157 : i32
        %add3A_159 = arith.constant 16 : i32
        %add3A_160 = arith.addi %mul3A_156, %add3A_159 : i32
        %add3A_161 = arith.constant 32 : i32
        %add3A_162 = arith.addi %mul3A_156, %add3A_161 : i32
        %add3A_163 = arith.constant 48 : i32
        %add3A_164 = arith.addi %mul3A_156, %add3A_163 : i32
        %add3A_165 = arith.constant 64 : i32
        %add3A_166 = arith.addi %mul3A_156, %add3A_165 : i32
        %add3A_167 = arith.constant 80 : i32
        %add3A_168 = arith.addi %mul3A_156, %add3A_167 : i32
        %add3A_169 = arith.constant 96 : i32
        %add3A_170 = arith.addi %mul3A_156, %add3A_169 : i32
        %add3A_171 = arith.constant 112 : i32
        %add3A_172 = arith.addi %mul3A_156, %add3A_171 : i32
        %add3A_173 = arith.constant 128 : i32
        %add3A_174 = arith.addi %mul3A_156, %add3A_173 : i32
        %get3A = arith.index_cast %add3A_158 : i32 to index
        %get3A_175 = tpu.vector_load %arg6[%get3A] {strides = array<i32>} : memref<1728xi32, #tpu.memory_space<vmem>>, vector<16xi32>,
        %get3A_176 = arith.index_cast %add3A_160 : i32 to index
        %get3A_177 = tpu.vector_load %arg6[%get3A_176] {strides = array<i32>} : memref<1728xi32, #tpu.memory_space<vmem>>, vector<16xi32>,
        %get3A_178 = arith.index_cast %add3A_162 : i32 to index
        %get3A_179 = tpu.vector_load %arg6[%get3A_178] {strides = array<i32>} : memref<1728xi32, #tpu.memory_space<vmem>>, vector<16xi32>,
        %get3A_180 = arith.index_cast %add3A_164 : i32 to index
        %get3A_181 = tpu.vector_load %arg6[%get3A_180] {strides = array<i32>} : memref<1728xi32, #tpu.memory_space<vmem>>, vector<16xi32>,
        %get3A_182 = arith.index_cast %add3A_166 : i32 to index
        %get3A_183 = tpu.vector_load %arg6[%get3A_182] {strides = array<i32>} : memref<1728xi32, #tpu.memory_space<vmem>>, vector<16xi32>,
        %get3A_184 = arith.index_cast %add3A_168 : i32 to index
        %get3A_185 = tpu.vector_load %arg6[%get3A_184] {strides = array<i32>} : memref<1728xi32, #tpu.memory_space<vmem>>, vector<16xi32>,
        %get3A_186 = arith.index_cast %add3A_170 : i32 to index
        %get3A_187 = tpu.vector_load %arg6[%get3A_186] {strides = array<i32>} : memref<1728xi32, #tpu.memory_space<vmem>>, vector<16xi32>,
        %get3A_188 = arith.index_cast %add3A_172 : i32 to index
        %get3A_189 = tpu.vector_load %arg6[%get3A_188] {strides = array<i32>} : memref<1728xi32, #tpu.memory_space<vmem>>, vector<16xi32>,
        %get3A_190 = arith.index_cast %add3A_174 : i32 to index
        %get3A_191 = tpu.vector_load %arg6[%get3A_190] {strides = array<i32>} : memref<1728xi32, #tpu.memory_space<vmem>>, vector<16xi32>,
        %gather3A = tpu.vector_load_idx %arg5[%get3A_175] : memref<120016xi32, #tpu.memory_space<vmem>>[vector<16xi32>], vector<16xi32>,
        %gather3A_192 = tpu.vector_load_idx %arg5[%get3A_177] : memref<120016xi32, #tpu.memory_space<vmem>>[vector<16xi32>], vector<16xi32>,
        %gather3A_193 = tpu.vector_load_idx %arg5[%get3A_179] : memref<120016xi32, #tpu.memory_space<vmem>>[vector<16xi32>], vector<16xi32>,
        %gather3A_194 = tpu.vector_load_idx %arg5[%get3A_181] : memref<120016xi32, #tpu.memory_space<vmem>>[vector<16xi32>], vector<16xi32>,
        %gather3A_195 = tpu.vector_load_idx %arg5[%get3A_183] : memref<120016xi32, #tpu.memory_space<vmem>>[vector<16xi32>], vector<16xi32>,
        %gather3A_196 = tpu.vector_load_idx %arg5[%get3A_185] : memref<120016xi32, #tpu.memory_space<vmem>>[vector<16xi32>], vector<16xi32>,
        %gather3A_197 = tpu.vector_load_idx %arg5[%get3A_187] : memref<120016xi32, #tpu.memory_space<vmem>>[vector<16xi32>], vector<16xi32>,
        %gather3A_198 = tpu.vector_load_idx %arg5[%get3A_189] : memref<120016xi32, #tpu.memory_space<vmem>>[vector<16xi32>], vector<16xi32>,
        %gather3A_199 = tpu.vector_load_idx %arg5[%get3A_191] : memref<120016xi32, #tpu.memory_space<vmem>>[vector<16xi32>], vector<16xi32>,
        %shift_left3A = arith.constant 16 : i32
        %shift_left3A_200 = vector.broadcast %shift_left3A : i32 to vector<16xi32>
        %shift_left3A_201 = arith.shli %gather3A, %shift_left3A_200 : vector<16xi32>
        %bitcast3A = vector.bitcast %shift_left3A_201 : vector<16xi32> to vector<16xf32>
        %swap3A = arith.index_cast %add3A_158 : i32 to index
        %swap3A_202 = tpu.vector_load %arg8[%swap3A] {strides = array<i32>} : memref<1728xf32, #tpu.memory_space<vmem>>, vector<16xf32>,
        tpu.vector_store %arg8[%swap3A], %bitcast3A {strides = array<i32>} : memref<1728xf32, #tpu.memory_space<vmem>>, vector<16xf32>,
        %and3A = arith.constant -65536 : i32
        %and3A_203 = vector.broadcast %and3A : i32 to vector<16xi32>
        %and3A_204 = arith.andi %gather3A, %and3A_203 : vector<16xi32>
        %bitcast3A_205 = vector.bitcast %and3A_204 : vector<16xi32> to vector<16xf32>
        %swap3A_206 = arith.index_cast %add3A_158 : i32 to index
        %swap3A_207 = tpu.vector_load %arg10[%swap3A_206] {strides = array<i32>} : memref<1728xf32, #tpu.memory_space<vmem>>, vector<16xf32>,
        tpu.vector_store %arg10[%swap3A_206], %bitcast3A_205 {strides = array<i32>} : memref<1728xf32, #tpu.memory_space<vmem>>, vector<16xf32>,
        %shift_left3A_208 = arith.constant 16 : i32
        %shift_left3A_209 = vector.broadcast %shift_left3A_208 : i32 to vector<16xi32>
        %shift_left3A_210 = arith.shli %gather3A_192, %shift_left3A_209 : vector<16xi32>
        %bitcast3A_211 = vector.bitcast %shift_left3A_210 : vector<16xi32> to vector<16xf32>
        %swap3A_212 = arith.index_cast %add3A_160 : i32 to index
        %swap3A_213 = tpu.vector_load %arg8[%swap3A_212] {strides = array<i32>} : memref<1728xf32, #tpu.memory_space<vmem>>, vector<16xf32>,
        tpu.vector_store %arg8[%swap3A_212], %bitcast3A_211 {strides = array<i32>} : memref<1728xf32, #tpu.memory_space<vmem>>, vector<16xf32>,
        %and3A_214 = arith.constant -65536 : i32
        %and3A_215 = vector.broadcast %and3A_214 : i32 to vector<16xi32>
        %and3A_216 = arith.andi %gather3A_192, %and3A_215 : vector<16xi32>
        %bitcast3A_217 = vector.bitcast %and3A_216 : vector<16xi32> to vector<16xf32>
        %swap3A_218 = arith.index_cast %add3A_160 : i32 to index
        %swap3A_219 = tpu.vector_load %arg10[%swap3A_218] {strides = array<i32>} : memref<1728xf32, #tpu.memory_space<vmem>>, vector<16xf32>,
        tpu.vector_store %arg10[%swap3A_218], %bitcast3A_217 {strides = array<i32>} : memref<1728xf32, #tpu.memory_space<vmem>>, vector<16xf32>,
        %shift_left3A_220 = arith.constant 16 : i32
        %shift_left3A_221 = vector.broadcast %shift_left3A_220 : i32 to vector<16xi32>
        %shift_left3A_222 = arith.shli %gather3A_193, %shift_left3A_221 : vector<16xi32>
        %bitcast3A_223 = vector.bitcast %shift_left3A_222 : vector<16xi32> to vector<16xf32>
        %swap3A_224 = arith.index_cast %add3A_162 : i32 to index
        %swap3A_225 = tpu.vector_load %arg8[%swap3A_224] {strides = array<i32>} : memref<1728xf32, #tpu.memory_space<vmem>>, vector<16xf32>,
        tpu.vector_store %arg8[%swap3A_224], %bitcast3A_223 {strides = array<i32>} : memref<1728xf32, #tpu.memory_space<vmem>>, vector<16xf32>,
        %and3A_226 = arith.constant -65536 : i32
        %and3A_227 = vector.broadcast %and3A_226 : i32 to vector<16xi32>
        %and3A_228 = arith.andi %gather3A_193, %and3A_227 : vector<16xi32>
        %bitcast3A_229 = vector.bitcast %and3A_228 : vector<16xi32> to vector<16xf32>
        %swap3A_230 = arith.index_cast %add3A_162 : i32 to index
        %swap3A_231 = tpu.vector_load %arg10[%swap3A_230] {strides = array<i32>} : memref<1728xf32, #tpu.memory_space<vmem>>, vector<16xf32>,
        tpu.vector_store %arg10[%swap3A_230], %bitcast3A_229 {strides = array<i32>} : memref<1728xf32, #tpu.memory_space<vmem>>, vector<16xf32>,
        %shift_left3A_232 = arith.constant 16 : i32
        %shift_left3A_233 = vector.broadcast %shift_left3A_232 : i32 to vector<16xi32>
        %shift_left3A_234 = arith.shli %gather3A_194, %shift_left3A_233 : vector<16xi32>
        %bitcast3A_235 = vector.bitcast %shift_left3A_234 : vector<16xi32> to vector<16xf32>
        %swap3A_236 = arith.index_cast %add3A_164 : i32 to index
        %swap3A_237 = tpu.vector_load %arg8[%swap3A_236] {strides = array<i32>} : memref<1728xf32, #tpu.memory_space<vmem>>, vector<16xf32>,
        tpu.vector_store %arg8[%swap3A_236], %bitcast3A_235 {strides = array<i32>} : memref<1728xf32, #tpu.memory_space<vmem>>, vector<16xf32>,
        %and3A_238 = arith.constant -65536 : i32
        %and3A_239 = vector.broadcast %and3A_238 : i32 to vector<16xi32>
        %and3A_240 = arith.andi %gather3A_194, %and3A_239 : vector<16xi32>
        %bitcast3A_241 = vector.bitcast %and3A_240 : vector<16xi32> to vector<16xf32>
        %swap3A_242 = arith.index_cast %add3A_164 : i32 to index
        %swap3A_243 = tpu.vector_load %arg10[%swap3A_242] {strides = array<i32>} : memref<1728xf32, #tpu.memory_space<vmem>>, vector<16xf32>,
        tpu.vector_store %arg10[%swap3A_242], %bitcast3A_241 {strides = array<i32>} : memref<1728xf32, #tpu.memory_space<vmem>>, vector<16xf32>,
        %shift_left3A_244 = arith.constant 16 : i32
        %shift_left3A_245 = vector.broadcast %shift_left3A_244 : i32 to vector<16xi32>
        %shift_left3A_246 = arith.shli %gather3A_195, %shift_left3A_245 : vector<16xi32>
        %bitcast3A_247 = vector.bitcast %shift_left3A_246 : vector<16xi32> to vector<16xf32>
        %swap3A_248 = arith.index_cast %add3A_166 : i32 to index
        %swap3A_249 = tpu.vector_load %arg8[%swap3A_248] {strides = array<i32>} : memref<1728xf32, #tpu.memory_space<vmem>>, vector<16xf32>,
        tpu.vector_store %arg8[%swap3A_248], %bitcast3A_247 {strides = array<i32>} : memref<1728xf32, #tpu.memory_space<vmem>>, vector<16xf32>,
        %and3A_250 = arith.constant -65536 : i32
        %and3A_251 = vector.broadcast %and3A_250 : i32 to vector<16xi32>
        %and3A_252 = arith.andi %gather3A_195, %and3A_251 : vector<16xi32>
        %bitcast3A_253 = vector.bitcast %and3A_252 : vector<16xi32> to vector<16xf32>
        %swap3A_254 = arith.index_cast %add3A_166 : i32 to index
        %swap3A_255 = tpu.vector_load %arg10[%swap3A_254] {strides = array<i32>} : memref<1728xf32, #tpu.memory_space<vmem>>, vector<16xf32>,
        tpu.vector_store %arg10[%swap3A_254], %bitcast3A_253 {strides = array<i32>} : memref<1728xf32, #tpu.memory_space<vmem>>, vector<16xf32>,
        %shift_left3A_256 = arith.constant 16 : i32
        %shift_left3A_257 = vector.broadcast %shift_left3A_256 : i32 to vector<16xi32>
        %shift_left3A_258 = arith.shli %gather3A_196, %shift_left3A_257 : vector<16xi32>
        %bitcast3A_259 = vector.bitcast %shift_left3A_258 : vector<16xi32> to vector<16xf32>
        %swap3A_260 = arith.index_cast %add3A_168 : i32 to index
        %swap3A_261 = tpu.vector_load %arg8[%swap3A_260] {strides = array<i32>} : memref<1728xf32, #tpu.memory_space<vmem>>, vector<16xf32>,
        tpu.vector_store %arg8[%swap3A_260], %bitcast3A_259 {strides = array<i32>} : memref<1728xf32, #tpu.memory_space<vmem>>, vector<16xf32>,
        %and3A_262 = arith.constant -65536 : i32
        %and3A_263 = vector.broadcast %and3A_262 : i32 to vector<16xi32>
        %and3A_264 = arith.andi %gather3A_196, %and3A_263 : vector<16xi32>
        %bitcast3A_265 = vector.bitcast %and3A_264 : vector<16xi32> to vector<16xf32>
        %swap3A_266 = arith.index_cast %add3A_168 : i32 to index
        %swap3A_267 = tpu.vector_load %arg10[%swap3A_266] {strides = array<i32>} : memref<1728xf32, #tpu.memory_space<vmem>>, vector<16xf32>,
        tpu.vector_store %arg10[%swap3A_266], %bitcast3A_265 {strides = array<i32>} : memref<1728xf32, #tpu.memory_space<vmem>>, vector<16xf32>,
        %shift_left3A_268 = arith.constant 16 : i32
        %shift_left3A_269 = vector.broadcast %shift_left3A_268 : i32 to vector<16xi32>
        %shift_left3A_270 = arith.shli %gather3A_197, %shift_left3A_269 : vector<16xi32>
        %bitcast3A_271 = vector.bitcast %shift_left3A_270 : vector<16xi32> to vector<16xf32>
        %swap3A_272 = arith.index_cast %add3A_170 : i32 to index
        %swap3A_273 = tpu.vector_load %arg8[%swap3A_272] {strides = array<i32>} : memref<1728xf32, #tpu.memory_space<vmem>>, vector<16xf32>,
        tpu.vector_store %arg8[%swap3A_272], %bitcast3A_271 {strides = array<i32>} : memref<1728xf32, #tpu.memory_space<vmem>>, vector<16xf32>,
        %and3A_274 = arith.constant -65536 : i32
        %and3A_275 = vector.broadcast %and3A_274 : i32 to vector<16xi32>
        %and3A_276 = arith.andi %gather3A_197, %and3A_275 : vector<16xi32>
        %bitcast3A_277 = vector.bitcast %and3A_276 : vector<16xi32> to vector<16xf32>
        %swap3A_278 = arith.index_cast %add3A_170 : i32 to index
        %swap3A_279 = tpu.vector_load %arg10[%swap3A_278] {strides = array<i32>} : memref<1728xf32, #tpu.memory_space<vmem>>, vector<16xf32>,
        tpu.vector_store %arg10[%swap3A_278], %bitcast3A_277 {strides = array<i32>} : memref<1728xf32, #tpu.memory_space<vmem>>, vector<16xf32>,
        %shift_left3A_280 = arith.constant 16 : i32
        %shift_left3A_281 = vector.broadcast %shift_left3A_280 : i32 to vector<16xi32>
        %shift_left3A_282 = arith.shli %gather3A_198, %shift_left3A_281 : vector<16xi32>
        %bitcast3A_283 = vector.bitcast %shift_left3A_282 : vector<16xi32> to vector<16xf32>
        %swap3A_284 = arith.index_cast %add3A_172 : i32 to index
        %swap3A_285 = tpu.vector_load %arg8[%swap3A_284] {strides = array<i32>} : memref<1728xf32, #tpu.memory_space<vmem>>, vector<16xf32>,
        tpu.vector_store %arg8[%swap3A_284], %bitcast3A_283 {strides = array<i32>} : memref<1728xf32, #tpu.memory_space<vmem>>, vector<16xf32>,
        %and3A_286 = arith.constant -65536 : i32
        %and3A_287 = vector.broadcast %and3A_286 : i32 to vector<16xi32>
        %and3A_288 = arith.andi %gather3A_198, %and3A_287 : vector<16xi32>
        %bitcast3A_289 = vector.bitcast %and3A_288 : vector<16xi32> to vector<16xf32>
        %swap3A_290 = arith.index_cast %add3A_172 : i32 to index
        %swap3A_291 = tpu.vector_load %arg10[%swap3A_290] {strides = array<i32>} : memref<1728xf32, #tpu.memory_space<vmem>>, vector<16xf32>,
        tpu.vector_store %arg10[%swap3A_290], %bitcast3A_289 {strides = array<i32>} : memref<1728xf32, #tpu.memory_space<vmem>>, vector<16xf32>,
        %shift_left3A_292 = arith.constant 16 : i32
        %shift_left3A_293 = vector.broadcast %shift_left3A_292 : i32 to vector<16xi32>
        %shift_left3A_294 = arith.shli %gather3A_199, %shift_left3A_293 : vector<16xi32>
        %bitcast3A_295 = vector.bitcast %shift_left3A_294 : vector<16xi32> to vector<16xf32>
        %swap3A_296 = arith.index_cast %add3A_174 : i32 to index
        %swap3A_297 = tpu.vector_load %arg8[%swap3A_296] {strides = array<i32>} : memref<1728xf32, #tpu.memory_space<vmem>>, vector<16xf32>,
        tpu.vector_store %arg8[%swap3A_296], %bitcast3A_295 {strides = array<i32>} : memref<1728xf32, #tpu.memory_space<vmem>>, vector<16xf32>,
        %and3A_298 = arith.constant -65536 : i32
        %and3A_299 = vector.broadcast %and3A_298 : i32 to vector<16xi32>
        %and3A_300 = arith.andi %gather3A_199, %and3A_299 : vector<16xi32>
        %bitcast3A_301 = vector.bitcast %and3A_300 : vector<16xi32> to vector<16xf32>
        %swap3A_302 = arith.index_cast %add3A_174 : i32 to index
        %swap3A_303 = tpu.vector_load %arg10[%swap3A_302] {strides = array<i32>} : memref<1728xf32, #tpu.memory_space<vmem>>, vector<16xf32>,
        tpu.vector_store %arg10[%swap3A_302], %bitcast3A_301 {strides = array<i32>} : memref<1728xf32, #tpu.memory_space<vmem>>, vector<16xf32>,
        %scan3A_304 = arith.constant 0 : i32
        scf.yield %scan3A_304 : i32
      }
      %scan3A_98 = arith.constant 12 : i32
      %mul3A_99 = arith.constant 1728 : i32
      %mul3A_100 = arith.muli %add3A_85, %mul3A_99 : i32
      %add3A_101 = arith.addi %mul3A_12, %mul3A_100 : i32
      %dma_start3A_102 = tpu.memref_slice %arg4[%add3A_101] : memref<27426816xf32, #tpu.memory_space<hbm>> -> memref<1728xf32, #tpu.memory_space<hbm>>
      %dma_start3A_103 = tpu.memref_slice %arg4[%add3A_101] : memref<27426816xf32, #tpu.memory_space<hbm>> -> memref<1728xf32, #tpu.memory_space<hbm>>
      tpu.enqueue_dma source(%arg8 : memref<1728xf32, #tpu.memory_space<vmem>>) target(%dma_start3A_103 : memref<1728xf32, #tpu.memory_space<hbm>>) target_semaphore(%arg14 : memref<!tpu.dma_semaphore, #tpu.memory_space<semaphore_mem>>)
      %mul3A_104 = arith.constant 1728 : i32
      %mul3A_105 = arith.muli %add3A_85, %mul3A_104 : i32
      %add3A_106 = arith.addi %mul3A_18, %mul3A_105 : i32
      %dma_start3A_107 = tpu.memref_slice %arg4[%add3A_106] : memref<27426816xf32, #tpu.memory_space<hbm>> -> memref<1728xf32, #tpu.memory_space<hbm>>
      %dma_start3A_108 = tpu.memref_slice %arg4[%add3A_106] : memref<27426816xf32, #tpu.memory_space<hbm>> -> memref<1728xf32, #tpu.memory_space<hbm>>
      tpu.enqueue_dma source(%arg10 : memref<1728xf32, #tpu.memory_space<vmem>>) target(%dma_start3A_108 : memref<1728xf32, #tpu.memory_space<hbm>>) target_semaphore(%arg16 : memref<!tpu.dma_semaphore, #tpu.memory_space<semaphore_mem>>)
      %add3A_109 = arith.constant 2 : i32
      %add3A_110 = arith.addi %add3A_85, %add3A_109 : i32
      %lt3A = arith.constant 124 : i32
      %lt3A_111 = arith.cmpi slt, %add3A_110, %lt3A : i32
      %convert_element_type3A_112 = arith.extui %lt3A_111 : i1 to i32
      %cond3A_113 = arith.constant 0 : i32
      %cond3A_114 = arith.cmpi ne, %convert_element_type3A_112, %cond3A_113 : i32
      scf.if %cond3A_114 {
        %add3A_153 = arith.constant 2 : i32
        %add3A_154 = arith.addi %add3A_85, %add3A_153 : i32
        %mul3A_155 = arith.constant 1728 : i32
        %mul3A_156 = arith.muli %add3A_154, %mul3A_155 : i32
        %add3A_157 = arith.constant 0 : i32
        %add3A_158 = arith.addi %add3A_157, %mul3A_156 : i32
        %dma_start3A_159 = tpu.memref_slice %arg3[%add3A_158] : memref<214528xi32, #tpu.memory_space<hbm>> -> memref<1728xi32, #tpu.memory_space<hbm>>
        %dma_start3A_160 = tpu.memref_slice %arg3[%add3A_158] : memref<214528xi32, #tpu.memory_space<hbm>> -> memref<1728xi32, #tpu.memory_space<hbm>>
        tpu.enqueue_dma source(%dma_start3A_160 : memref<1728xi32, #tpu.memory_space<hbm>>) target(%arg6 : memref<1728xi32, #tpu.memory_space<vmem>>) target_semaphore(%arg12 : memref<!tpu.dma_semaphore, #tpu.memory_space<semaphore_mem>>)
      } else {
      }
      %mul3A_115 = arith.constant 2 : i32
      %mul3A_116 = arith.muli %mul3A_115, %scan3A_80 : i32
      %add3A_117 = arith.constant 1 : i32
      %add3A_118 = arith.addi %mul3A_116, %add3A_117 : i32
      %dma_wait3A_119 = arith.constant 0 : i32
      %dma_wait3A_120 = tpu.memref_slice %arg3[%dma_wait3A_119] : memref<214528xi32, #tpu.memory_space<hbm>> -> memref<1728xi32, #tpu.memory_space<hbm>>
      %dma_wait3A_121 = arith.constant 0 : i32
      %dma_wait3A_122 = tpu.memref_slice %arg3[%dma_wait3A_121] : memref<214528xi32, #tpu.memory_space<hbm>> -> memref<1728xi32, #tpu.memory_space<hbm>>
      tpu.wait_dma2 semaphore(%arg13 : memref<!tpu.dma_semaphore, #tpu.memory_space<semaphore_mem>>) src(%dma_wait3A_122 : memref<1728xi32, #tpu.memory_space<hbm>>) dst(%arg7 : memref<1728xi32, #tpu.memory_space<vmem>>)
      %ge3A_123 = arith.constant 2 : i32
      %ge3A_124 = arith.cmpi sge, %add3A_118, %ge3A_123 : i32
      %convert_element_type3A_125 = arith.extui %ge3A_124 : i1 to i32
      %cond3A_126 = arith.constant 0 : i32
      %cond3A_127 = arith.cmpi ne, %convert_element_type3A_125, %cond3A_126 : i32
      scf.if %cond3A_127 {
        %dma_wait3A_153 = tpu.memref_slice %arg4[%mul3A_12] : memref<27426816xf32, #tpu.memory_space<hbm>> -> memref<1728xf32, #tpu.memory_space<hbm>>
        %dma_wait3A_154 = tpu.memref_slice %arg4[%mul3A_12] : memref<27426816xf32, #tpu.memory_space<hbm>> -> memref<1728xf32, #tpu.memory_space<hbm>>
        tpu.wait_dma2 semaphore(%arg15 : memref<!tpu.dma_semaphore, #tpu.memory_space<semaphore_mem>>) src(%arg9 : memref<1728xf32, #tpu.memory_space<vmem>>) dst(%dma_wait3A_154 : memref<1728xf32, #tpu.memory_space<hbm>>)
        %dma_wait3A_155 = tpu.memref_slice %arg4[%mul3A_18] : memref<27426816xf32, #tpu.memory_space<hbm>> -> memref<1728xf32, #tpu.memory_space<hbm>>
        %dma_wait3A_156 = tpu.memref_slice %arg4[%mul3A_18] : memref<27426816xf32, #tpu.memory_space<hbm>> -> memref<1728xf32, #tpu.memory_space<hbm>>
        tpu.wait_dma2 semaphore(%arg17 : memref<!tpu.dma_semaphore, #tpu.memory_space<semaphore_mem>>) src(%arg11 : memref<1728xf32, #tpu.memory_space<vmem>>) dst(%dma_wait3A_156 : memref<1728xf32, #tpu.memory_space<hbm>>)
      } else {
      }
      %scan3A_128 = arith.constant 0 : i32
      %scan3A_129 = arith.constant 0 : i32
      %scan3A_130 = arith.constant 12 : i32
      %scan3A_131 = arith.addi %scan3A_129, %scan3A_130 : i32
      %scan3A_132 = arith.constant 1 : i32
      %scan3A_133 = scf.for %scan3A_153 = %scan3A_129 to %scan3A_131 step %scan3A_132 iter_args(%scan3A_154 = %scan3A_128) -> (i32)  : i32 {
        %mul3A_155 = arith.constant 144 : i32
        %mul3A_156 = arith.muli %scan3A_153, %mul3A_155 : i32
        %add3A_157 = arith.constant 0 : i32
        %add3A_158 = arith.addi %mul3A_156, %add3A_157 : i32
        %add3A_159 = arith.constant 16 : i32
        %add3A_160 = arith.addi %mul3A_156, %add3A_159 : i32
        %add3A_161 = arith.constant 32 : i32
        %add3A_162 = arith.addi %mul3A_156, %add3A_161 : i32
        %add3A_163 = arith.constant 48 : i32
        %add3A_164 = arith.addi %mul3A_156, %add3A_163 : i32
        %add3A_165 = arith.constant 64 : i32
        %add3A_166 = arith.addi %mul3A_156, %add3A_165 : i32
        %add3A_167 = arith.constant 80 : i32
        %add3A_168 = arith.addi %mul3A_156, %add3A_167 : i32
        %add3A_169 = arith.constant 96 : i32
        %add3A_170 = arith.addi %mul3A_156, %add3A_169 : i32
        %add3A_171 = arith.constant 112 : i32
        %add3A_172 = arith.addi %mul3A_156, %add3A_171 : i32
        %add3A_173 = arith.constant 128 : i32
        %add3A_174 = arith.addi %mul3A_156, %add3A_173 : i32
        %get3A = arith.index_cast %add3A_158 : i32 to index
        %get3A_175 = tpu.vector_load %arg7[%get3A] {strides = array<i32>} : memref<1728xi32, #tpu.memory_space<vmem>>, vector<16xi32>,
        %get3A_176 = arith.index_cast %add3A_160 : i32 to index
        %get3A_177 = tpu.vector_load %arg7[%get3A_176] {strides = array<i32>} : memref<1728xi32, #tpu.memory_space<vmem>>, vector<16xi32>,
        %get3A_178 = arith.index_cast %add3A_162 : i32 to index
        %get3A_179 = tpu.vector_load %arg7[%get3A_178] {strides = array<i32>} : memref<1728xi32, #tpu.memory_space<vmem>>, vector<16xi32>,
        %get3A_180 = arith.index_cast %add3A_164 : i32 to index
        %get3A_181 = tpu.vector_load %arg7[%get3A_180] {strides = array<i32>} : memref<1728xi32, #tpu.memory_space<vmem>>, vector<16xi32>,
        %get3A_182 = arith.index_cast %add3A_166 : i32 to index
        %get3A_183 = tpu.vector_load %arg7[%get3A_182] {strides = array<i32>} : memref<1728xi32, #tpu.memory_space<vmem>>, vector<16xi32>,
        %get3A_184 = arith.index_cast %add3A_168 : i32 to index
        %get3A_185 = tpu.vector_load %arg7[%get3A_184] {strides = array<i32>} : memref<1728xi32, #tpu.memory_space<vmem>>, vector<16xi32>,
        %get3A_186 = arith.index_cast %add3A_170 : i32 to index
        %get3A_187 = tpu.vector_load %arg7[%get3A_186] {strides = array<i32>} : memref<1728xi32, #tpu.memory_space<vmem>>, vector<16xi32>,
        %get3A_188 = arith.index_cast %add3A_172 : i32 to index
        %get3A_189 = tpu.vector_load %arg7[%get3A_188] {strides = array<i32>} : memref<1728xi32, #tpu.memory_space<vmem>>, vector<16xi32>,
        %get3A_190 = arith.index_cast %add3A_174 : i32 to index
        %get3A_191 = tpu.vector_load %arg7[%get3A_190] {strides = array<i32>} : memref<1728xi32, #tpu.memory_space<vmem>>, vector<16xi32>,
        %gather3A = tpu.vector_load_idx %arg5[%get3A_175] : memref<120016xi32, #tpu.memory_space<vmem>>[vector<16xi32>], vector<16xi32>,
        %gather3A_192 = tpu.vector_load_idx %arg5[%get3A_177] : memref<120016xi32, #tpu.memory_space<vmem>>[vector<16xi32>], vector<16xi32>,
        %gather3A_193 = tpu.vector_load_idx %arg5[%get3A_179] : memref<120016xi32, #tpu.memory_space<vmem>>[vector<16xi32>], vector<16xi32>,
        %gather3A_194 = tpu.vector_load_idx %arg5[%get3A_181] : memref<120016xi32, #tpu.memory_space<vmem>>[vector<16xi32>], vector<16xi32>,
        %gather3A_195 = tpu.vector_load_idx %arg5[%get3A_183] : memref<120016xi32, #tpu.memory_space<vmem>>[vector<16xi32>], vector<16xi32>,
        %gather3A_196 = tpu.vector_load_idx %arg5[%get3A_185] : memref<120016xi32, #tpu.memory_space<vmem>>[vector<16xi32>], vector<16xi32>,
        %gather3A_197 = tpu.vector_load_idx %arg5[%get3A_187] : memref<120016xi32, #tpu.memory_space<vmem>>[vector<16xi32>], vector<16xi32>,
        %gather3A_198 = tpu.vector_load_idx %arg5[%get3A_189] : memref<120016xi32, #tpu.memory_space<vmem>>[vector<16xi32>], vector<16xi32>,
        %gather3A_199 = tpu.vector_load_idx %arg5[%get3A_191] : memref<120016xi32, #tpu.memory_space<vmem>>[vector<16xi32>], vector<16xi32>,
        %shift_left3A = arith.constant 16 : i32
        %shift_left3A_200 = vector.broadcast %shift_left3A : i32 to vector<16xi32>
        %shift_left3A_201 = arith.shli %gather3A, %shift_left3A_200 : vector<16xi32>
        %bitcast3A = vector.bitcast %shift_left3A_201 : vector<16xi32> to vector<16xf32>
        %swap3A = arith.index_cast %add3A_158 : i32 to index
        %swap3A_202 = tpu.vector_load %arg9[%swap3A] {strides = array<i32>} : memref<1728xf32, #tpu.memory_space<vmem>>, vector<16xf32>,
        tpu.vector_store %arg9[%swap3A], %bitcast3A {strides = array<i32>} : memref<1728xf32, #tpu.memory_space<vmem>>, vector<16xf32>,
        %and3A = arith.constant -65536 : i32
        %and3A_203 = vector.broadcast %and3A : i32 to vector<16xi32>
        %and3A_204 = arith.andi %gather3A, %and3A_203 : vector<16xi32>
        %bitcast3A_205 = vector.bitcast %and3A_204 : vector<16xi32> to vector<16xf32>
        %swap3A_206 = arith.index_cast %add3A_158 : i32 to index
        %swap3A_207 = tpu.vector_load %arg11[%swap3A_206] {strides = array<i32>} : memref<1728xf32, #tpu.memory_space<vmem>>, vector<16xf32>,
        tpu.vector_store %arg11[%swap3A_206], %bitcast3A_205 {strides = array<i32>} : memref<1728xf32, #tpu.memory_space<vmem>>, vector<16xf32>,
        %shift_left3A_208 = arith.constant 16 : i32
        %shift_left3A_209 = vector.broadcast %shift_left3A_208 : i32 to vector<16xi32>
        %shift_left3A_210 = arith.shli %gather3A_192, %shift_left3A_209 : vector<16xi32>
        %bitcast3A_211 = vector.bitcast %shift_left3A_210 : vector<16xi32> to vector<16xf32>
        %swap3A_212 = arith.index_cast %add3A_160 : i32 to index
        %swap3A_213 = tpu.vector_load %arg9[%swap3A_212] {strides = array<i32>} : memref<1728xf32, #tpu.memory_space<vmem>>, vector<16xf32>,
        tpu.vector_store %arg9[%swap3A_212], %bitcast3A_211 {strides = array<i32>} : memref<1728xf32, #tpu.memory_space<vmem>>, vector<16xf32>,
        %and3A_214 = arith.constant -65536 : i32
        %and3A_215 = vector.broadcast %and3A_214 : i32 to vector<16xi32>
        %and3A_216 = arith.andi %gather3A_192, %and3A_215 : vector<16xi32>
        %bitcast3A_217 = vector.bitcast %and3A_216 : vector<16xi32> to vector<16xf32>
        %swap3A_218 = arith.index_cast %add3A_160 : i32 to index
        %swap3A_219 = tpu.vector_load %arg11[%swap3A_218] {strides = array<i32>} : memref<1728xf32, #tpu.memory_space<vmem>>, vector<16xf32>,
        tpu.vector_store %arg11[%swap3A_218], %bitcast3A_217 {strides = array<i32>} : memref<1728xf32, #tpu.memory_space<vmem>>, vector<16xf32>,
        %shift_left3A_220 = arith.constant 16 : i32
        %shift_left3A_221 = vector.broadcast %shift_left3A_220 : i32 to vector<16xi32>
        %shift_left3A_222 = arith.shli %gather3A_193, %shift_left3A_221 : vector<16xi32>
        %bitcast3A_223 = vector.bitcast %shift_left3A_222 : vector<16xi32> to vector<16xf32>
        %swap3A_224 = arith.index_cast %add3A_162 : i32 to index
        %swap3A_225 = tpu.vector_load %arg9[%swap3A_224] {strides = array<i32>} : memref<1728xf32, #tpu.memory_space<vmem>>, vector<16xf32>,
        tpu.vector_store %arg9[%swap3A_224], %bitcast3A_223 {strides = array<i32>} : memref<1728xf32, #tpu.memory_space<vmem>>, vector<16xf32>,
        %and3A_226 = arith.constant -65536 : i32
        %and3A_227 = vector.broadcast %and3A_226 : i32 to vector<16xi32>
        %and3A_228 = arith.andi %gather3A_193, %and3A_227 : vector<16xi32>
        %bitcast3A_229 = vector.bitcast %and3A_228 : vector<16xi32> to vector<16xf32>
        %swap3A_230 = arith.index_cast %add3A_162 : i32 to index
        %swap3A_231 = tpu.vector_load %arg11[%swap3A_230] {strides = array<i32>} : memref<1728xf32, #tpu.memory_space<vmem>>, vector<16xf32>,
        tpu.vector_store %arg11[%swap3A_230], %bitcast3A_229 {strides = array<i32>} : memref<1728xf32, #tpu.memory_space<vmem>>, vector<16xf32>,
        %shift_left3A_232 = arith.constant 16 : i32
        %shift_left3A_233 = vector.broadcast %shift_left3A_232 : i32 to vector<16xi32>
        %shift_left3A_234 = arith.shli %gather3A_194, %shift_left3A_233 : vector<16xi32>
        %bitcast3A_235 = vector.bitcast %shift_left3A_234 : vector<16xi32> to vector<16xf32>
        %swap3A_236 = arith.index_cast %add3A_164 : i32 to index
        %swap3A_237 = tpu.vector_load %arg9[%swap3A_236] {strides = array<i32>} : memref<1728xf32, #tpu.memory_space<vmem>>, vector<16xf32>,
        tpu.vector_store %arg9[%swap3A_236], %bitcast3A_235 {strides = array<i32>} : memref<1728xf32, #tpu.memory_space<vmem>>, vector<16xf32>,
        %and3A_238 = arith.constant -65536 : i32
        %and3A_239 = vector.broadcast %and3A_238 : i32 to vector<16xi32>
        %and3A_240 = arith.andi %gather3A_194, %and3A_239 : vector<16xi32>
        %bitcast3A_241 = vector.bitcast %and3A_240 : vector<16xi32> to vector<16xf32>
        %swap3A_242 = arith.index_cast %add3A_164 : i32 to index
        %swap3A_243 = tpu.vector_load %arg11[%swap3A_242] {strides = array<i32>} : memref<1728xf32, #tpu.memory_space<vmem>>, vector<16xf32>,
        tpu.vector_store %arg11[%swap3A_242], %bitcast3A_241 {strides = array<i32>} : memref<1728xf32, #tpu.memory_space<vmem>>, vector<16xf32>,
        %shift_left3A_244 = arith.constant 16 : i32
        %shift_left3A_245 = vector.broadcast %shift_left3A_244 : i32 to vector<16xi32>
        %shift_left3A_246 = arith.shli %gather3A_195, %shift_left3A_245 : vector<16xi32>
        %bitcast3A_247 = vector.bitcast %shift_left3A_246 : vector<16xi32> to vector<16xf32>
        %swap3A_248 = arith.index_cast %add3A_166 : i32 to index
        %swap3A_249 = tpu.vector_load %arg9[%swap3A_248] {strides = array<i32>} : memref<1728xf32, #tpu.memory_space<vmem>>, vector<16xf32>,
        tpu.vector_store %arg9[%swap3A_248], %bitcast3A_247 {strides = array<i32>} : memref<1728xf32, #tpu.memory_space<vmem>>, vector<16xf32>,
        %and3A_250 = arith.constant -65536 : i32
        %and3A_251 = vector.broadcast %and3A_250 : i32 to vector<16xi32>
        %and3A_252 = arith.andi %gather3A_195, %and3A_251 : vector<16xi32>
        %bitcast3A_253 = vector.bitcast %and3A_252 : vector<16xi32> to vector<16xf32>
        %swap3A_254 = arith.index_cast %add3A_166 : i32 to index
        %swap3A_255 = tpu.vector_load %arg11[%swap3A_254] {strides = array<i32>} : memref<1728xf32, #tpu.memory_space<vmem>>, vector<16xf32>,
        tpu.vector_store %arg11[%swap3A_254], %bitcast3A_253 {strides = array<i32>} : memref<1728xf32, #tpu.memory_space<vmem>>, vector<16xf32>,
        %shift_left3A_256 = arith.constant 16 : i32
        %shift_left3A_257 = vector.broadcast %shift_left3A_256 : i32 to vector<16xi32>
        %shift_left3A_258 = arith.shli %gather3A_196, %shift_left3A_257 : vector<16xi32>
        %bitcast3A_259 = vector.bitcast %shift_left3A_258 : vector<16xi32> to vector<16xf32>
        %swap3A_260 = arith.index_cast %add3A_168 : i32 to index
        %swap3A_261 = tpu.vector_load %arg9[%swap3A_260] {strides = array<i32>} : memref<1728xf32, #tpu.memory_space<vmem>>, vector<16xf32>,
        tpu.vector_store %arg9[%swap3A_260], %bitcast3A_259 {strides = array<i32>} : memref<1728xf32, #tpu.memory_space<vmem>>, vector<16xf32>,
        %and3A_262 = arith.constant -65536 : i32
        %and3A_263 = vector.broadcast %and3A_262 : i32 to vector<16xi32>
        %and3A_264 = arith.andi %gather3A_196, %and3A_263 : vector<16xi32>
        %bitcast3A_265 = vector.bitcast %and3A_264 : vector<16xi32> to vector<16xf32>
        %swap3A_266 = arith.index_cast %add3A_168 : i32 to index
        %swap3A_267 = tpu.vector_load %arg11[%swap3A_266] {strides = array<i32>} : memref<1728xf32, #tpu.memory_space<vmem>>, vector<16xf32>,
        tpu.vector_store %arg11[%swap3A_266], %bitcast3A_265 {strides = array<i32>} : memref<1728xf32, #tpu.memory_space<vmem>>, vector<16xf32>,
        %shift_left3A_268 = arith.constant 16 : i32
        %shift_left3A_269 = vector.broadcast %shift_left3A_268 : i32 to vector<16xi32>
        %shift_left3A_270 = arith.shli %gather3A_197, %shift_left3A_269 : vector<16xi32>
        %bitcast3A_271 = vector.bitcast %shift_left3A_270 : vector<16xi32> to vector<16xf32>
        %swap3A_272 = arith.index_cast %add3A_170 : i32 to index
        %swap3A_273 = tpu.vector_load %arg9[%swap3A_272] {strides = array<i32>} : memref<1728xf32, #tpu.memory_space<vmem>>, vector<16xf32>,
        tpu.vector_store %arg9[%swap3A_272], %bitcast3A_271 {strides = array<i32>} : memref<1728xf32, #tpu.memory_space<vmem>>, vector<16xf32>,
        %and3A_274 = arith.constant -65536 : i32
        %and3A_275 = vector.broadcast %and3A_274 : i32 to vector<16xi32>
        %and3A_276 = arith.andi %gather3A_197, %and3A_275 : vector<16xi32>
        %bitcast3A_277 = vector.bitcast %and3A_276 : vector<16xi32> to vector<16xf32>
        %swap3A_278 = arith.index_cast %add3A_170 : i32 to index
        %swap3A_279 = tpu.vector_load %arg11[%swap3A_278] {strides = array<i32>} : memref<1728xf32, #tpu.memory_space<vmem>>, vector<16xf32>,
        tpu.vector_store %arg11[%swap3A_278], %bitcast3A_277 {strides = array<i32>} : memref<1728xf32, #tpu.memory_space<vmem>>, vector<16xf32>,
        %shift_left3A_280 = arith.constant 16 : i32
        %shift_left3A_281 = vector.broadcast %shift_left3A_280 : i32 to vector<16xi32>
        %shift_left3A_282 = arith.shli %gather3A_198, %shift_left3A_281 : vector<16xi32>
        %bitcast3A_283 = vector.bitcast %shift_left3A_282 : vector<16xi32> to vector<16xf32>
        %swap3A_284 = arith.index_cast %add3A_172 : i32 to index
        %swap3A_285 = tpu.vector_load %arg9[%swap3A_284] {strides = array<i32>} : memref<1728xf32, #tpu.memory_space<vmem>>, vector<16xf32>,
        tpu.vector_store %arg9[%swap3A_284], %bitcast3A_283 {strides = array<i32>} : memref<1728xf32, #tpu.memory_space<vmem>>, vector<16xf32>,
        %and3A_286 = arith.constant -65536 : i32
        %and3A_287 = vector.broadcast %and3A_286 : i32 to vector<16xi32>
        %and3A_288 = arith.andi %gather3A_198, %and3A_287 : vector<16xi32>
        %bitcast3A_289 = vector.bitcast %and3A_288 : vector<16xi32> to vector<16xf32>
        %swap3A_290 = arith.index_cast %add3A_172 : i32 to index
        %swap3A_291 = tpu.vector_load %arg11[%swap3A_290] {strides = array<i32>} : memref<1728xf32, #tpu.memory_space<vmem>>, vector<16xf32>,
        tpu.vector_store %arg11[%swap3A_290], %bitcast3A_289 {strides = array<i32>} : memref<1728xf32, #tpu.memory_space<vmem>>, vector<16xf32>,
        %shift_left3A_292 = arith.constant 16 : i32
        %shift_left3A_293 = vector.broadcast %shift_left3A_292 : i32 to vector<16xi32>
        %shift_left3A_294 = arith.shli %gather3A_199, %shift_left3A_293 : vector<16xi32>
        %bitcast3A_295 = vector.bitcast %shift_left3A_294 : vector<16xi32> to vector<16xf32>
        %swap3A_296 = arith.index_cast %add3A_174 : i32 to index
        %swap3A_297 = tpu.vector_load %arg9[%swap3A_296] {strides = array<i32>} : memref<1728xf32, #tpu.memory_space<vmem>>, vector<16xf32>,
        tpu.vector_store %arg9[%swap3A_296], %bitcast3A_295 {strides = array<i32>} : memref<1728xf32, #tpu.memory_space<vmem>>, vector<16xf32>,
        %and3A_298 = arith.constant -65536 : i32
        %and3A_299 = vector.broadcast %and3A_298 : i32 to vector<16xi32>
        %and3A_300 = arith.andi %gather3A_199, %and3A_299 : vector<16xi32>
        %bitcast3A_301 = vector.bitcast %and3A_300 : vector<16xi32> to vector<16xf32>
        %swap3A_302 = arith.index_cast %add3A_174 : i32 to index
        %swap3A_303 = tpu.vector_load %arg11[%swap3A_302] {strides = array<i32>} : memref<1728xf32, #tpu.memory_space<vmem>>, vector<16xf32>,
        tpu.vector_store %arg11[%swap3A_302], %bitcast3A_301 {strides = array<i32>} : memref<1728xf32, #tpu.memory_space<vmem>>, vector<16xf32>,
        %scan3A_304 = arith.constant 0 : i32
        scf.yield %scan3A_304 : i32
      }
      %scan3A_134 = arith.constant 12 : i32
      %mul3A_135 = arith.constant 1728 : i32
      %mul3A_136 = arith.muli %add3A_118, %mul3A_135 : i32
      %add3A_137 = arith.addi %mul3A_12, %mul3A_136 : i32
      %dma_start3A_138 = tpu.memref_slice %arg4[%add3A_137] : memref<27426816xf32, #tpu.memory_space<hbm>> -> memref<1728xf32, #tpu.memory_space<hbm>>
      %dma_start3A_139 = tpu.memref_slice %arg4[%add3A_137] : memref<27426816xf32, #tpu.memory_space<hbm>> -> memref<1728xf32, #tpu.memory_space<hbm>>
      tpu.enqueue_dma source(%arg9 : memref<1728xf32, #tpu.memory_space<vmem>>) target(%dma_start3A_139 : memref<1728xf32, #tpu.memory_space<hbm>>) target_semaphore(%arg15 : memref<!tpu.dma_semaphore, #tpu.memory_space<semaphore_mem>>)
      %mul3A_140 = arith.constant 1728 : i32
      %mul3A_141 = arith.muli %add3A_118, %mul3A_140 : i32
      %add3A_142 = arith.addi %mul3A_18, %mul3A_141 : i32
      %dma_start3A_143 = tpu.memref_slice %arg4[%add3A_142] : memref<27426816xf32, #tpu.memory_space<hbm>> -> memref<1728xf32, #tpu.memory_space<hbm>>
      %dma_start3A_144 = tpu.memref_slice %arg4[%add3A_142] : memref<27426816xf32, #tpu.memory_space<hbm>> -> memref<1728xf32, #tpu.memory_space<hbm>>
      tpu.enqueue_dma source(%arg11 : memref<1728xf32, #tpu.memory_space<vmem>>) target(%dma_start3A_144 : memref<1728xf32, #tpu.memory_space<hbm>>) target_semaphore(%arg17 : memref<!tpu.dma_semaphore, #tpu.memory_space<semaphore_mem>>)
      %add3A_145 = arith.constant 2 : i32
      %add3A_146 = arith.addi %add3A_118, %add3A_145 : i32
      %lt3A_147 = arith.constant 124 : i32
      %lt3A_148 = arith.cmpi slt, %add3A_146, %lt3A_147 : i32
      %convert_element_type3A_149 = arith.extui %lt3A_148 : i1 to i32
      %cond3A_150 = arith.constant 0 : i32
      %cond3A_151 = arith.cmpi ne, %convert_element_type3A_149, %cond3A_150 : i32
      scf.if %cond3A_151 {
        %add3A_153 = arith.constant 2 : i32
        %add3A_154 = arith.addi %add3A_118, %add3A_153 : i32
        %mul3A_155 = arith.constant 1728 : i32
        %mul3A_156 = arith.muli %add3A_154, %mul3A_155 : i32
        %add3A_157 = arith.constant 0 : i32
        %add3A_158 = arith.addi %add3A_157, %mul3A_156 : i32
        %dma_start3A_159 = tpu.memref_slice %arg3[%add3A_158] : memref<214528xi32, #tpu.memory_space<hbm>> -> memref<1728xi32, #tpu.memory_space<hbm>>
        %dma_start3A_160 = tpu.memref_slice %arg3[%add3A_158] : memref<214528xi32, #tpu.memory_space<hbm>> -> memref<1728xi32, #tpu.memory_space<hbm>>
        tpu.enqueue_dma source(%dma_start3A_160 : memref<1728xi32, #tpu.memory_space<hbm>>) target(%arg7 : memref<1728xi32, #tpu.memory_space<vmem>>) target_semaphore(%arg13 : memref<!tpu.dma_semaphore, #tpu.memory_space<semaphore_mem>>)
      } else {
      }
      %scan3A_152 = arith.constant 0 : i32
      scf.yield %scan3A_152 : i32
    }
    %scan3A_31 = arith.constant 62 : i32
    %dma_wait3A = tpu.memref_slice %arg4[%mul3A_12] : memref<27426816xf32, #tpu.memory_space<hbm>> -> memref<1728xf32, #tpu.memory_space<hbm>>
    %dma_wait3A_32 = tpu.memref_slice %arg4[%mul3A_12] : memref<27426816xf32, #tpu.memory_space<hbm>> -> memref<1728xf32, #tpu.memory_space<hbm>>
    tpu.wait_dma2 semaphore(%arg14 : memref<!tpu.dma_semaphore, #tpu.memory_space<semaphore_mem>>) src(%arg8 : memref<1728xf32, #tpu.memory_space<vmem>>) dst(%dma_wait3A_32 : memref<1728xf32, #tpu.memory_space<hbm>>)
    %dma_wait3A_33 = tpu.memref_slice %arg4[%mul3A_12] : memref<27426816xf32, #tpu.memory_space<hbm>> -> memref<1728xf32, #tpu.memory_space<hbm>>
    %dma_wait3A_34 = tpu.memref_slice %arg4[%mul3A_12] : memref<27426816xf32, #tpu.memory_space<hbm>> -> memref<1728xf32, #tpu.memory_space<hbm>>
    tpu.wait_dma2 semaphore(%arg15 : memref<!tpu.dma_semaphore, #tpu.memory_space<semaphore_mem>>) src(%arg9 : memref<1728xf32, #tpu.memory_space<vmem>>) dst(%dma_wait3A_34 : memref<1728xf32, #tpu.memory_space<hbm>>)
    %dma_wait3A_35 = tpu.memref_slice %arg4[%mul3A_18] : memref<27426816xf32, #tpu.memory_space<hbm>> -> memref<1728xf32, #tpu.memory_space<hbm>>
    %dma_wait3A_36 = tpu.memref_slice %arg4[%mul3A_18] : memref<27426816xf32, #tpu.memory_space<hbm>> -> memref<1728xf32, #tpu.memory_space<hbm>>
    tpu.wait_dma2 semaphore(%arg16 : memref<!tpu.dma_semaphore, #tpu.memory_space<semaphore_mem>>) src(%arg10 : memref<1728xf32, #tpu.memory_space<vmem>>) dst(%dma_wait3A_36 : memref<1728xf32, #tpu.memory_space<hbm>>)
    %dma_wait3A_37 = tpu.memref_slice %arg4[%mul3A_18] : memref<27426816xf32, #tpu.memory_space<hbm>> -> memref<1728xf32, #tpu.memory_space<hbm>>
    %dma_wait3A_38 = tpu.memref_slice %arg4[%mul3A_18] : memref<27426816xf32, #tpu.memory_space<hbm>> -> memref<1728xf32, #tpu.memory_space<hbm>>
    tpu.wait_dma2 semaphore(%arg17 : memref<!tpu.dma_semaphore, #tpu.memory_space<semaphore_mem>>) src(%arg11 : memref<1728xf32, #tpu.memory_space<vmem>>) dst(%dma_wait3A_38 : memref<1728xf32, #tpu.memory_space<hbm>>)
    %mul3A_39 = arith.constant 2 : i32
    %mul3A_40 = arith.muli %add3A, %mul3A_39 : i32
    %add3A_41 = arith.constant 1 : i32
    %add3A_42 = arith.addi %mul3A_40, %add3A_41 : i32
    %add3A_43 = arith.constant 0 : i32
    %add3A_44 = arith.addi %add3A_43, %add3A_42 : i32
    %mul3A_45 = arith.constant 120832 : i32
    %mul3A_46 = arith.muli %add3A_44, %mul3A_45 : i32
    "tpu.region"() ({
      %run_scoped3A = tpu.sem_alloc : memref<!tpu.dma_semaphore, #tpu.memory_space<semaphore_mem>>
      %dma_start3A_80 = arith.constant 0 : i32
      %dma_start3A_81 = tpu.memref_slice %arg5[%dma_start3A_80] : memref<120016xi32, #tpu.memory_space<vmem>> -> memref<120016xi32, #tpu.memory_space<vmem>>
      %dma_start3A_82 = tpu.memref_slice %arg2[%mul3A_46] : memref<7733248xi32, #tpu.memory_space<hbm>> -> memref<120016xi32, #tpu.memory_space<hbm>>
      %dma_start3A_83 = arith.constant 0 : i32
      %dma_start3A_84 = tpu.memref_slice %arg5[%dma_start3A_83] : memref<120016xi32, #tpu.memory_space<vmem>> -> memref<120016xi32, #tpu.memory_space<vmem>>
      %dma_start3A_85 = tpu.memref_slice %arg2[%mul3A_46] : memref<7733248xi32, #tpu.memory_space<hbm>> -> memref<120016xi32, #tpu.memory_space<hbm>>
      tpu.enqueue_dma source(%dma_start3A_85 : memref<120016xi32, #tpu.memory_space<hbm>>) target(%dma_start3A_84 : memref<120016xi32, #tpu.memory_space<vmem>>) target_semaphore(%run_scoped3A : memref<!tpu.dma_semaphore, #tpu.memory_space<semaphore_mem>>)
      %dma_wait3A_86 = arith.constant 0 : i32
      %dma_wait3A_87 = tpu.memref_slice %arg5[%dma_wait3A_86] : memref<120016xi32, #tpu.memory_space<vmem>> -> memref<120016xi32, #tpu.memory_space<vmem>>
      %dma_wait3A_88 = tpu.memref_slice %arg2[%mul3A_46] : memref<7733248xi32, #tpu.memory_space<hbm>> -> memref<120016xi32, #tpu.memory_space<hbm>>
      %dma_wait3A_89 = arith.constant 0 : i32
      %dma_wait3A_90 = tpu.memref_slice %arg5[%dma_wait3A_89] : memref<120016xi32, #tpu.memory_space<vmem>> -> memref<120016xi32, #tpu.memory_space<vmem>>
      %dma_wait3A_91 = tpu.memref_slice %arg2[%mul3A_46] : memref<7733248xi32, #tpu.memory_space<hbm>> -> memref<120016xi32, #tpu.memory_space<hbm>>
      tpu.wait_dma2 semaphore(%run_scoped3A : memref<!tpu.dma_semaphore, #tpu.memory_space<semaphore_mem>>) src(%dma_wait3A_91 : memref<120016xi32, #tpu.memory_space<hbm>>) dst(%dma_wait3A_90 : memref<120016xi32, #tpu.memory_space<vmem>>)
      tpu.yield
    }) : () -> ()
    %add3A_47 = arith.constant 0 : i32
    %add3A_48 = arith.addi %add3A_47, %add3A_42 : i32
    %mul3A_49 = arith.constant 214272 : i32
    %mul3A_50 = arith.muli %add3A_48, %mul3A_49 : i32
    %add3A_51 = arith.constant 0 : i32
    %add3A_52 = arith.addi %add3A_51, %add3A_42 : i32
    %add3A_53 = arith.constant 64 : i32
    %add3A_54 = arith.addi %add3A_52, %add3A_53 : i32
    %mul3A_55 = arith.constant 214272 : i32
    %mul3A_56 = arith.muli %add3A_54, %mul3A_55 : i32
    %dma_start3A_57 = arith.constant 0 : i32
    %dma_start3A_58 = tpu.memref_slice %arg3[%dma_start3A_57] : memref<214528xi32, #tpu.memory_space<hbm>> -> memref<1728xi32, #tpu.memory_space<hbm>>
    %dma_start3A_59 = arith.constant 0 : i32
    %dma_start3A_60 = tpu.memref_slice %arg3[%dma_start3A_59] : memref<214528xi32, #tpu.memory_space<hbm>> -> memref<1728xi32, #tpu.memory_space<hbm>>
    tpu.enqueue_dma source(%dma_start3A_60 : memref<1728xi32, #tpu.memory_space<hbm>>) target(%arg6 : memref<1728xi32, #tpu.memory_space<vmem>>) target_semaphore(%arg12 : memref<!tpu.dma_semaphore, #tpu.memory_space<semaphore_mem>>)
    %dma_start3A_61 = arith.constant 1728 : i32
    %dma_start3A_62 = tpu.memref_slice %arg3[%dma_start3A_61] : memref<214528xi32, #tpu.memory_space<hbm>> -> memref<1728xi32, #tpu.memory_space<hbm>>
    %dma_start3A_63 = arith.constant 1728 : i32
    %dma_start3A_64 = tpu.memref_slice %arg3[%dma_start3A_63] : memref<214528xi32, #tpu.memory_space<hbm>> -> memref<1728xi32, #tpu.memory_space<hbm>>
    tpu.enqueue_dma source(%dma_start3A_64 : memref<1728xi32, #tpu.memory_space<hbm>>) target(%arg7 : memref<1728xi32, #tpu.memory_space<vmem>>) target_semaphore(%arg13 : memref<!tpu.dma_semaphore, #tpu.memory_space<semaphore_mem>>)
    %scan3A_65 = arith.constant 0 : i32
    %scan3A_66 = arith.constant 0 : i32
    %scan3A_67 = arith.constant 62 : i32
    %scan3A_68 = arith.addi %scan3A_66, %scan3A_67 : i32
    %scan3A_69 = arith.constant 1 : i32
    %scan3A_70 = scf.for %scan3A_80 = %scan3A_66 to %scan3A_68 step %scan3A_69 iter_args(%scan3A_81 = %scan3A_65) -> (i32)  : i32 {
      %mul3A_82 = arith.constant 2 : i32
      %mul3A_83 = arith.muli %mul3A_82, %scan3A_80 : i32
      %add3A_84 = arith.constant 0 : i32
      %add3A_85 = arith.addi %mul3A_83, %add3A_84 : i32
      %dma_wait3A_86 = arith.constant 0 : i32
      %dma_wait3A_87 = tpu.memref_slice %arg3[%dma_wait3A_86] : memref<214528xi32, #tpu.memory_space<hbm>> -> memref<1728xi32, #tpu.memory_space<hbm>>
      %dma_wait3A_88 = arith.constant 0 : i32
      %dma_wait3A_89 = tpu.memref_slice %arg3[%dma_wait3A_88] : memref<214528xi32, #tpu.memory_space<hbm>> -> memref<1728xi32, #tpu.memory_space<hbm>>
      tpu.wait_dma2 semaphore(%arg12 : memref<!tpu.dma_semaphore, #tpu.memory_space<semaphore_mem>>) src(%dma_wait3A_89 : memref<1728xi32, #tpu.memory_space<hbm>>) dst(%arg6 : memref<1728xi32, #tpu.memory_space<vmem>>)
      %ge3A = arith.constant 2 : i32
      %ge3A_90 = arith.cmpi sge, %add3A_85, %ge3A : i32
      %convert_element_type3A = arith.extui %ge3A_90 : i1 to i32
      %cond3A = arith.constant 0 : i32
      %cond3A_91 = arith.cmpi ne, %convert_element_type3A, %cond3A : i32
      scf.if %cond3A_91 {
        %dma_wait3A_153 = tpu.memref_slice %arg4[%mul3A_50] : memref<27426816xf32, #tpu.memory_space<hbm>> -> memref<1728xf32, #tpu.memory_space<hbm>>
        %dma_wait3A_154 = tpu.memref_slice %arg4[%mul3A_50] : memref<27426816xf32, #tpu.memory_space<hbm>> -> memref<1728xf32, #tpu.memory_space<hbm>>
        tpu.wait_dma2 semaphore(%arg14 : memref<!tpu.dma_semaphore, #tpu.memory_space<semaphore_mem>>) src(%arg8 : memref<1728xf32, #tpu.memory_space<vmem>>) dst(%dma_wait3A_154 : memref<1728xf32, #tpu.memory_space<hbm>>)
        %dma_wait3A_155 = tpu.memref_slice %arg4[%mul3A_56] : memref<27426816xf32, #tpu.memory_space<hbm>> -> memref<1728xf32, #tpu.memory_space<hbm>>
        %dma_wait3A_156 = tpu.memref_slice %arg4[%mul3A_56] : memref<27426816xf32, #tpu.memory_space<hbm>> -> memref<1728xf32, #tpu.memory_space<hbm>>
        tpu.wait_dma2 semaphore(%arg16 : memref<!tpu.dma_semaphore, #tpu.memory_space<semaphore_mem>>) src(%arg10 : memref<1728xf32, #tpu.memory_space<vmem>>) dst(%dma_wait3A_156 : memref<1728xf32, #tpu.memory_space<hbm>>)
      } else {
      }
      %scan3A_92 = arith.constant 0 : i32
      %scan3A_93 = arith.constant 0 : i32
      %scan3A_94 = arith.constant 12 : i32
      %scan3A_95 = arith.addi %scan3A_93, %scan3A_94 : i32
      %scan3A_96 = arith.constant 1 : i32
      %scan3A_97 = scf.for %scan3A_153 = %scan3A_93 to %scan3A_95 step %scan3A_96 iter_args(%scan3A_154 = %scan3A_92) -> (i32)  : i32 {
        %mul3A_155 = arith.constant 144 : i32
        %mul3A_156 = arith.muli %scan3A_153, %mul3A_155 : i32
        %add3A_157 = arith.constant 0 : i32
        %add3A_158 = arith.addi %mul3A_156, %add3A_157 : i32
        %add3A_159 = arith.constant 16 : i32
        %add3A_160 = arith.addi %mul3A_156, %add3A_159 : i32
        %add3A_161 = arith.constant 32 : i32
        %add3A_162 = arith.addi %mul3A_156, %add3A_161 : i32
        %add3A_163 = arith.constant 48 : i32
        %add3A_164 = arith.addi %mul3A_156, %add3A_163 : i32
        %add3A_165 = arith.constant 64 : i32
        %add3A_166 = arith.addi %mul3A_156, %add3A_165 : i32
        %add3A_167 = arith.constant 80 : i32
        %add3A_168 = arith.addi %mul3A_156, %add3A_167 : i32
        %add3A_169 = arith.constant 96 : i32
        %add3A_170 = arith.addi %mul3A_156, %add3A_169 : i32
        %add3A_171 = arith.constant 112 : i32
        %add3A_172 = arith.addi %mul3A_156, %add3A_171 : i32
        %add3A_173 = arith.constant 128 : i32
        %add3A_174 = arith.addi %mul3A_156, %add3A_173 : i32
        %get3A = arith.index_cast %add3A_158 : i32 to index
        %get3A_175 = tpu.vector_load %arg6[%get3A] {strides = array<i32>} : memref<1728xi32, #tpu.memory_space<vmem>>, vector<16xi32>,
        %get3A_176 = arith.index_cast %add3A_160 : i32 to index
        %get3A_177 = tpu.vector_load %arg6[%get3A_176] {strides = array<i32>} : memref<1728xi32, #tpu.memory_space<vmem>>, vector<16xi32>,
        %get3A_178 = arith.index_cast %add3A_162 : i32 to index
        %get3A_179 = tpu.vector_load %arg6[%get3A_178] {strides = array<i32>} : memref<1728xi32, #tpu.memory_space<vmem>>, vector<16xi32>,
        %get3A_180 = arith.index_cast %add3A_164 : i32 to index
        %get3A_181 = tpu.vector_load %arg6[%get3A_180] {strides = array<i32>} : memref<1728xi32, #tpu.memory_space<vmem>>, vector<16xi32>,
        %get3A_182 = arith.index_cast %add3A_166 : i32 to index
        %get3A_183 = tpu.vector_load %arg6[%get3A_182] {strides = array<i32>} : memref<1728xi32, #tpu.memory_space<vmem>>, vector<16xi32>,
        %get3A_184 = arith.index_cast %add3A_168 : i32 to index
        %get3A_185 = tpu.vector_load %arg6[%get3A_184] {strides = array<i32>} : memref<1728xi32, #tpu.memory_space<vmem>>, vector<16xi32>,
        %get3A_186 = arith.index_cast %add3A_170 : i32 to index
        %get3A_187 = tpu.vector_load %arg6[%get3A_186] {strides = array<i32>} : memref<1728xi32, #tpu.memory_space<vmem>>, vector<16xi32>,
        %get3A_188 = arith.index_cast %add3A_172 : i32 to index
        %get3A_189 = tpu.vector_load %arg6[%get3A_188] {strides = array<i32>} : memref<1728xi32, #tpu.memory_space<vmem>>, vector<16xi32>,
        %get3A_190 = arith.index_cast %add3A_174 : i32 to index
        %get3A_191 = tpu.vector_load %arg6[%get3A_190] {strides = array<i32>} : memref<1728xi32, #tpu.memory_space<vmem>>, vector<16xi32>,
        %gather3A = tpu.vector_load_idx %arg5[%get3A_175] : memref<120016xi32, #tpu.memory_space<vmem>>[vector<16xi32>], vector<16xi32>,
        %gather3A_192 = tpu.vector_load_idx %arg5[%get3A_177] : memref<120016xi32, #tpu.memory_space<vmem>>[vector<16xi32>], vector<16xi32>,
        %gather3A_193 = tpu.vector_load_idx %arg5[%get3A_179] : memref<120016xi32, #tpu.memory_space<vmem>>[vector<16xi32>], vector<16xi32>,
        %gather3A_194 = tpu.vector_load_idx %arg5[%get3A_181] : memref<120016xi32, #tpu.memory_space<vmem>>[vector<16xi32>], vector<16xi32>,
        %gather3A_195 = tpu.vector_load_idx %arg5[%get3A_183] : memref<120016xi32, #tpu.memory_space<vmem>>[vector<16xi32>], vector<16xi32>,
        %gather3A_196 = tpu.vector_load_idx %arg5[%get3A_185] : memref<120016xi32, #tpu.memory_space<vmem>>[vector<16xi32>], vector<16xi32>,
        %gather3A_197 = tpu.vector_load_idx %arg5[%get3A_187] : memref<120016xi32, #tpu.memory_space<vmem>>[vector<16xi32>], vector<16xi32>,
        %gather3A_198 = tpu.vector_load_idx %arg5[%get3A_189] : memref<120016xi32, #tpu.memory_space<vmem>>[vector<16xi32>], vector<16xi32>,
        %gather3A_199 = tpu.vector_load_idx %arg5[%get3A_191] : memref<120016xi32, #tpu.memory_space<vmem>>[vector<16xi32>], vector<16xi32>,
        %shift_left3A = arith.constant 16 : i32
        %shift_left3A_200 = vector.broadcast %shift_left3A : i32 to vector<16xi32>
        %shift_left3A_201 = arith.shli %gather3A, %shift_left3A_200 : vector<16xi32>
        %bitcast3A = vector.bitcast %shift_left3A_201 : vector<16xi32> to vector<16xf32>
        %swap3A = arith.index_cast %add3A_158 : i32 to index
        %swap3A_202 = tpu.vector_load %arg8[%swap3A] {strides = array<i32>} : memref<1728xf32, #tpu.memory_space<vmem>>, vector<16xf32>,
        tpu.vector_store %arg8[%swap3A], %bitcast3A {strides = array<i32>} : memref<1728xf32, #tpu.memory_space<vmem>>, vector<16xf32>,
        %and3A = arith.constant -65536 : i32
        %and3A_203 = vector.broadcast %and3A : i32 to vector<16xi32>
        %and3A_204 = arith.andi %gather3A, %and3A_203 : vector<16xi32>
        %bitcast3A_205 = vector.bitcast %and3A_204 : vector<16xi32> to vector<16xf32>
        %swap3A_206 = arith.index_cast %add3A_158 : i32 to index
        %swap3A_207 = tpu.vector_load %arg10[%swap3A_206] {strides = array<i32>} : memref<1728xf32, #tpu.memory_space<vmem>>, vector<16xf32>,
        tpu.vector_store %arg10[%swap3A_206], %bitcast3A_205 {strides = array<i32>} : memref<1728xf32, #tpu.memory_space<vmem>>, vector<16xf32>,
        %shift_left3A_208 = arith.constant 16 : i32
        %shift_left3A_209 = vector.broadcast %shift_left3A_208 : i32 to vector<16xi32>
        %shift_left3A_210 = arith.shli %gather3A_192, %shift_left3A_209 : vector<16xi32>
        %bitcast3A_211 = vector.bitcast %shift_left3A_210 : vector<16xi32> to vector<16xf32>
        %swap3A_212 = arith.index_cast %add3A_160 : i32 to index
        %swap3A_213 = tpu.vector_load %arg8[%swap3A_212] {strides = array<i32>} : memref<1728xf32, #tpu.memory_space<vmem>>, vector<16xf32>,
        tpu.vector_store %arg8[%swap3A_212], %bitcast3A_211 {strides = array<i32>} : memref<1728xf32, #tpu.memory_space<vmem>>, vector<16xf32>,
        %and3A_214 = arith.constant -65536 : i32
        %and3A_215 = vector.broadcast %and3A_214 : i32 to vector<16xi32>
        %and3A_216 = arith.andi %gather3A_192, %and3A_215 : vector<16xi32>
        %bitcast3A_217 = vector.bitcast %and3A_216 : vector<16xi32> to vector<16xf32>
        %swap3A_218 = arith.index_cast %add3A_160 : i32 to index
        %swap3A_219 = tpu.vector_load %arg10[%swap3A_218] {strides = array<i32>} : memref<1728xf32, #tpu.memory_space<vmem>>, vector<16xf32>,
        tpu.vector_store %arg10[%swap3A_218], %bitcast3A_217 {strides = array<i32>} : memref<1728xf32, #tpu.memory_space<vmem>>, vector<16xf32>,
        %shift_left3A_220 = arith.constant 16 : i32
        %shift_left3A_221 = vector.broadcast %shift_left3A_220 : i32 to vector<16xi32>
        %shift_left3A_222 = arith.shli %gather3A_193, %shift_left3A_221 : vector<16xi32>
        %bitcast3A_223 = vector.bitcast %shift_left3A_222 : vector<16xi32> to vector<16xf32>
        %swap3A_224 = arith.index_cast %add3A_162 : i32 to index
        %swap3A_225 = tpu.vector_load %arg8[%swap3A_224] {strides = array<i32>} : memref<1728xf32, #tpu.memory_space<vmem>>, vector<16xf32>,
        tpu.vector_store %arg8[%swap3A_224], %bitcast3A_223 {strides = array<i32>} : memref<1728xf32, #tpu.memory_space<vmem>>, vector<16xf32>,
        %and3A_226 = arith.constant -65536 : i32
        %and3A_227 = vector.broadcast %and3A_226 : i32 to vector<16xi32>
        %and3A_228 = arith.andi %gather3A_193, %and3A_227 : vector<16xi32>
        %bitcast3A_229 = vector.bitcast %and3A_228 : vector<16xi32> to vector<16xf32>
        %swap3A_230 = arith.index_cast %add3A_162 : i32 to index
        %swap3A_231 = tpu.vector_load %arg10[%swap3A_230] {strides = array<i32>} : memref<1728xf32, #tpu.memory_space<vmem>>, vector<16xf32>,
        tpu.vector_store %arg10[%swap3A_230], %bitcast3A_229 {strides = array<i32>} : memref<1728xf32, #tpu.memory_space<vmem>>, vector<16xf32>,
        %shift_left3A_232 = arith.constant 16 : i32
        %shift_left3A_233 = vector.broadcast %shift_left3A_232 : i32 to vector<16xi32>
        %shift_left3A_234 = arith.shli %gather3A_194, %shift_left3A_233 : vector<16xi32>
        %bitcast3A_235 = vector.bitcast %shift_left3A_234 : vector<16xi32> to vector<16xf32>
        %swap3A_236 = arith.index_cast %add3A_164 : i32 to index
        %swap3A_237 = tpu.vector_load %arg8[%swap3A_236] {strides = array<i32>} : memref<1728xf32, #tpu.memory_space<vmem>>, vector<16xf32>,
        tpu.vector_store %arg8[%swap3A_236], %bitcast3A_235 {strides = array<i32>} : memref<1728xf32, #tpu.memory_space<vmem>>, vector<16xf32>,
        %and3A_238 = arith.constant -65536 : i32
        %and3A_239 = vector.broadcast %and3A_238 : i32 to vector<16xi32>
        %and3A_240 = arith.andi %gather3A_194, %and3A_239 : vector<16xi32>
        %bitcast3A_241 = vector.bitcast %and3A_240 : vector<16xi32> to vector<16xf32>
        %swap3A_242 = arith.index_cast %add3A_164 : i32 to index
        %swap3A_243 = tpu.vector_load %arg10[%swap3A_242] {strides = array<i32>} : memref<1728xf32, #tpu.memory_space<vmem>>, vector<16xf32>,
        tpu.vector_store %arg10[%swap3A_242], %bitcast3A_241 {strides = array<i32>} : memref<1728xf32, #tpu.memory_space<vmem>>, vector<16xf32>,
        %shift_left3A_244 = arith.constant 16 : i32
        %shift_left3A_245 = vector.broadcast %shift_left3A_244 : i32 to vector<16xi32>
        %shift_left3A_246 = arith.shli %gather3A_195, %shift_left3A_245 : vector<16xi32>
        %bitcast3A_247 = vector.bitcast %shift_left3A_246 : vector<16xi32> to vector<16xf32>
        %swap3A_248 = arith.index_cast %add3A_166 : i32 to index
        %swap3A_249 = tpu.vector_load %arg8[%swap3A_248] {strides = array<i32>} : memref<1728xf32, #tpu.memory_space<vmem>>, vector<16xf32>,
        tpu.vector_store %arg8[%swap3A_248], %bitcast3A_247 {strides = array<i32>} : memref<1728xf32, #tpu.memory_space<vmem>>, vector<16xf32>,
        %and3A_250 = arith.constant -65536 : i32
        %and3A_251 = vector.broadcast %and3A_250 : i32 to vector<16xi32>
        %and3A_252 = arith.andi %gather3A_195, %and3A_251 : vector<16xi32>
        %bitcast3A_253 = vector.bitcast %and3A_252 : vector<16xi32> to vector<16xf32>
        %swap3A_254 = arith.index_cast %add3A_166 : i32 to index
        %swap3A_255 = tpu.vector_load %arg10[%swap3A_254] {strides = array<i32>} : memref<1728xf32, #tpu.memory_space<vmem>>, vector<16xf32>,
        tpu.vector_store %arg10[%swap3A_254], %bitcast3A_253 {strides = array<i32>} : memref<1728xf32, #tpu.memory_space<vmem>>, vector<16xf32>,
        %shift_left3A_256 = arith.constant 16 : i32
        %shift_left3A_257 = vector.broadcast %shift_left3A_256 : i32 to vector<16xi32>
        %shift_left3A_258 = arith.shli %gather3A_196, %shift_left3A_257 : vector<16xi32>
        %bitcast3A_259 = vector.bitcast %shift_left3A_258 : vector<16xi32> to vector<16xf32>
        %swap3A_260 = arith.index_cast %add3A_168 : i32 to index
        %swap3A_261 = tpu.vector_load %arg8[%swap3A_260] {strides = array<i32>} : memref<1728xf32, #tpu.memory_space<vmem>>, vector<16xf32>,
        tpu.vector_store %arg8[%swap3A_260], %bitcast3A_259 {strides = array<i32>} : memref<1728xf32, #tpu.memory_space<vmem>>, vector<16xf32>,
        %and3A_262 = arith.constant -65536 : i32
        %and3A_263 = vector.broadcast %and3A_262 : i32 to vector<16xi32>
        %and3A_264 = arith.andi %gather3A_196, %and3A_263 : vector<16xi32>
        %bitcast3A_265 = vector.bitcast %and3A_264 : vector<16xi32> to vector<16xf32>
        %swap3A_266 = arith.index_cast %add3A_168 : i32 to index
        %swap3A_267 = tpu.vector_load %arg10[%swap3A_266] {strides = array<i32>} : memref<1728xf32, #tpu.memory_space<vmem>>, vector<16xf32>,
        tpu.vector_store %arg10[%swap3A_266], %bitcast3A_265 {strides = array<i32>} : memref<1728xf32, #tpu.memory_space<vmem>>, vector<16xf32>,
        %shift_left3A_268 = arith.constant 16 : i32
        %shift_left3A_269 = vector.broadcast %shift_left3A_268 : i32 to vector<16xi32>
        %shift_left3A_270 = arith.shli %gather3A_197, %shift_left3A_269 : vector<16xi32>
        %bitcast3A_271 = vector.bitcast %shift_left3A_270 : vector<16xi32> to vector<16xf32>
        %swap3A_272 = arith.index_cast %add3A_170 : i32 to index
        %swap3A_273 = tpu.vector_load %arg8[%swap3A_272] {strides = array<i32>} : memref<1728xf32, #tpu.memory_space<vmem>>, vector<16xf32>,
        tpu.vector_store %arg8[%swap3A_272], %bitcast3A_271 {strides = array<i32>} : memref<1728xf32, #tpu.memory_space<vmem>>, vector<16xf32>,
        %and3A_274 = arith.constant -65536 : i32
        %and3A_275 = vector.broadcast %and3A_274 : i32 to vector<16xi32>
        %and3A_276 = arith.andi %gather3A_197, %and3A_275 : vector<16xi32>
        %bitcast3A_277 = vector.bitcast %and3A_276 : vector<16xi32> to vector<16xf32>
        %swap3A_278 = arith.index_cast %add3A_170 : i32 to index
        %swap3A_279 = tpu.vector_load %arg10[%swap3A_278] {strides = array<i32>} : memref<1728xf32, #tpu.memory_space<vmem>>, vector<16xf32>,
        tpu.vector_store %arg10[%swap3A_278], %bitcast3A_277 {strides = array<i32>} : memref<1728xf32, #tpu.memory_space<vmem>>, vector<16xf32>,
        %shift_left3A_280 = arith.constant 16 : i32
        %shift_left3A_281 = vector.broadcast %shift_left3A_280 : i32 to vector<16xi32>
        %shift_left3A_282 = arith.shli %gather3A_198, %shift_left3A_281 : vector<16xi32>
        %bitcast3A_283 = vector.bitcast %shift_left3A_282 : vector<16xi32> to vector<16xf32>
        %swap3A_284 = arith.index_cast %add3A_172 : i32 to index
        %swap3A_285 = tpu.vector_load %arg8[%swap3A_284] {strides = array<i32>} : memref<1728xf32, #tpu.memory_space<vmem>>, vector<16xf32>,
        tpu.vector_store %arg8[%swap3A_284], %bitcast3A_283 {strides = array<i32>} : memref<1728xf32, #tpu.memory_space<vmem>>, vector<16xf32>,
        %and3A_286 = arith.constant -65536 : i32
        %and3A_287 = vector.broadcast %and3A_286 : i32 to vector<16xi32>
        %and3A_288 = arith.andi %gather3A_198, %and3A_287 : vector<16xi32>
        %bitcast3A_289 = vector.bitcast %and3A_288 : vector<16xi32> to vector<16xf32>
        %swap3A_290 = arith.index_cast %add3A_172 : i32 to index
        %swap3A_291 = tpu.vector_load %arg10[%swap3A_290] {strides = array<i32>} : memref<1728xf32, #tpu.memory_space<vmem>>, vector<16xf32>,
        tpu.vector_store %arg10[%swap3A_290], %bitcast3A_289 {strides = array<i32>} : memref<1728xf32, #tpu.memory_space<vmem>>, vector<16xf32>,
        %shift_left3A_292 = arith.constant 16 : i32
        %shift_left3A_293 = vector.broadcast %shift_left3A_292 : i32 to vector<16xi32>
        %shift_left3A_294 = arith.shli %gather3A_199, %shift_left3A_293 : vector<16xi32>
        %bitcast3A_295 = vector.bitcast %shift_left3A_294 : vector<16xi32> to vector<16xf32>
        %swap3A_296 = arith.index_cast %add3A_174 : i32 to index
        %swap3A_297 = tpu.vector_load %arg8[%swap3A_296] {strides = array<i32>} : memref<1728xf32, #tpu.memory_space<vmem>>, vector<16xf32>,
        tpu.vector_store %arg8[%swap3A_296], %bitcast3A_295 {strides = array<i32>} : memref<1728xf32, #tpu.memory_space<vmem>>, vector<16xf32>,
        %and3A_298 = arith.constant -65536 : i32
        %and3A_299 = vector.broadcast %and3A_298 : i32 to vector<16xi32>
        %and3A_300 = arith.andi %gather3A_199, %and3A_299 : vector<16xi32>
        %bitcast3A_301 = vector.bitcast %and3A_300 : vector<16xi32> to vector<16xf32>
        %swap3A_302 = arith.index_cast %add3A_174 : i32 to index
        %swap3A_303 = tpu.vector_load %arg10[%swap3A_302] {strides = array<i32>} : memref<1728xf32, #tpu.memory_space<vmem>>, vector<16xf32>,
        tpu.vector_store %arg10[%swap3A_302], %bitcast3A_301 {strides = array<i32>} : memref<1728xf32, #tpu.memory_space<vmem>>, vector<16xf32>,
        %scan3A_304 = arith.constant 0 : i32
        scf.yield %scan3A_304 : i32
      }
      %scan3A_98 = arith.constant 12 : i32
      %mul3A_99 = arith.constant 1728 : i32
      %mul3A_100 = arith.muli %add3A_85, %mul3A_99 : i32
      %add3A_101 = arith.addi %mul3A_50, %mul3A_100 : i32
      %dma_start3A_102 = tpu.memref_slice %arg4[%add3A_101] : memref<27426816xf32, #tpu.memory_space<hbm>> -> memref<1728xf32, #tpu.memory_space<hbm>>
      %dma_start3A_103 = tpu.memref_slice %arg4[%add3A_101] : memref<27426816xf32, #tpu.memory_space<hbm>> -> memref<1728xf32, #tpu.memory_space<hbm>>
      tpu.enqueue_dma source(%arg8 : memref<1728xf32, #tpu.memory_space<vmem>>) target(%dma_start3A_103 : memref<1728xf32, #tpu.memory_space<hbm>>) target_semaphore(%arg14 : memref<!tpu.dma_semaphore, #tpu.memory_space<semaphore_mem>>)
      %mul3A_104 = arith.constant 1728 : i32
      %mul3A_105 = arith.muli %add3A_85, %mul3A_104 : i32
      %add3A_106 = arith.addi %mul3A_56, %mul3A_105 : i32
      %dma_start3A_107 = tpu.memref_slice %arg4[%add3A_106] : memref<27426816xf32, #tpu.memory_space<hbm>> -> memref<1728xf32, #tpu.memory_space<hbm>>
      %dma_start3A_108 = tpu.memref_slice %arg4[%add3A_106] : memref<27426816xf32, #tpu.memory_space<hbm>> -> memref<1728xf32, #tpu.memory_space<hbm>>
      tpu.enqueue_dma source(%arg10 : memref<1728xf32, #tpu.memory_space<vmem>>) target(%dma_start3A_108 : memref<1728xf32, #tpu.memory_space<hbm>>) target_semaphore(%arg16 : memref<!tpu.dma_semaphore, #tpu.memory_space<semaphore_mem>>)
      %add3A_109 = arith.constant 2 : i32
      %add3A_110 = arith.addi %add3A_85, %add3A_109 : i32
      %lt3A = arith.constant 124 : i32
      %lt3A_111 = arith.cmpi slt, %add3A_110, %lt3A : i32
      %convert_element_type3A_112 = arith.extui %lt3A_111 : i1 to i32
      %cond3A_113 = arith.constant 0 : i32
      %cond3A_114 = arith.cmpi ne, %convert_element_type3A_112, %cond3A_113 : i32
      scf.if %cond3A_114 {
        %add3A_153 = arith.constant 2 : i32
        %add3A_154 = arith.addi %add3A_85, %add3A_153 : i32
        %mul3A_155 = arith.constant 1728 : i32
        %mul3A_156 = arith.muli %add3A_154, %mul3A_155 : i32
        %add3A_157 = arith.constant 0 : i32
        %add3A_158 = arith.addi %add3A_157, %mul3A_156 : i32
        %dma_start3A_159 = tpu.memref_slice %arg3[%add3A_158] : memref<214528xi32, #tpu.memory_space<hbm>> -> memref<1728xi32, #tpu.memory_space<hbm>>
        %dma_start3A_160 = tpu.memref_slice %arg3[%add3A_158] : memref<214528xi32, #tpu.memory_space<hbm>> -> memref<1728xi32, #tpu.memory_space<hbm>>
        tpu.enqueue_dma source(%dma_start3A_160 : memref<1728xi32, #tpu.memory_space<hbm>>) target(%arg6 : memref<1728xi32, #tpu.memory_space<vmem>>) target_semaphore(%arg12 : memref<!tpu.dma_semaphore, #tpu.memory_space<semaphore_mem>>)
      } else {
      }
      %mul3A_115 = arith.constant 2 : i32
      %mul3A_116 = arith.muli %mul3A_115, %scan3A_80 : i32
      %add3A_117 = arith.constant 1 : i32
      %add3A_118 = arith.addi %mul3A_116, %add3A_117 : i32
      %dma_wait3A_119 = arith.constant 0 : i32
      %dma_wait3A_120 = tpu.memref_slice %arg3[%dma_wait3A_119] : memref<214528xi32, #tpu.memory_space<hbm>> -> memref<1728xi32, #tpu.memory_space<hbm>>
      %dma_wait3A_121 = arith.constant 0 : i32
      %dma_wait3A_122 = tpu.memref_slice %arg3[%dma_wait3A_121] : memref<214528xi32, #tpu.memory_space<hbm>> -> memref<1728xi32, #tpu.memory_space<hbm>>
      tpu.wait_dma2 semaphore(%arg13 : memref<!tpu.dma_semaphore, #tpu.memory_space<semaphore_mem>>) src(%dma_wait3A_122 : memref<1728xi32, #tpu.memory_space<hbm>>) dst(%arg7 : memref<1728xi32, #tpu.memory_space<vmem>>)
      %ge3A_123 = arith.constant 2 : i32
      %ge3A_124 = arith.cmpi sge, %add3A_118, %ge3A_123 : i32
      %convert_element_type3A_125 = arith.extui %ge3A_124 : i1 to i32
      %cond3A_126 = arith.constant 0 : i32
      %cond3A_127 = arith.cmpi ne, %convert_element_type3A_125, %cond3A_126 : i32
      scf.if %cond3A_127 {
        %dma_wait3A_153 = tpu.memref_slice %arg4[%mul3A_50] : memref<27426816xf32, #tpu.memory_space<hbm>> -> memref<1728xf32, #tpu.memory_space<hbm>>
        %dma_wait3A_154 = tpu.memref_slice %arg4[%mul3A_50] : memref<27426816xf32, #tpu.memory_space<hbm>> -> memref<1728xf32, #tpu.memory_space<hbm>>
        tpu.wait_dma2 semaphore(%arg15 : memref<!tpu.dma_semaphore, #tpu.memory_space<semaphore_mem>>) src(%arg9 : memref<1728xf32, #tpu.memory_space<vmem>>) dst(%dma_wait3A_154 : memref<1728xf32, #tpu.memory_space<hbm>>)
        %dma_wait3A_155 = tpu.memref_slice %arg4[%mul3A_56] : memref<27426816xf32, #tpu.memory_space<hbm>> -> memref<1728xf32, #tpu.memory_space<hbm>>
        %dma_wait3A_156 = tpu.memref_slice %arg4[%mul3A_56] : memref<27426816xf32, #tpu.memory_space<hbm>> -> memref<1728xf32, #tpu.memory_space<hbm>>
        tpu.wait_dma2 semaphore(%arg17 : memref<!tpu.dma_semaphore, #tpu.memory_space<semaphore_mem>>) src(%arg11 : memref<1728xf32, #tpu.memory_space<vmem>>) dst(%dma_wait3A_156 : memref<1728xf32, #tpu.memory_space<hbm>>)
      } else {
      }
      %scan3A_128 = arith.constant 0 : i32
      %scan3A_129 = arith.constant 0 : i32
      %scan3A_130 = arith.constant 12 : i32
      %scan3A_131 = arith.addi %scan3A_129, %scan3A_130 : i32
      %scan3A_132 = arith.constant 1 : i32
      %scan3A_133 = scf.for %scan3A_153 = %scan3A_129 to %scan3A_131 step %scan3A_132 iter_args(%scan3A_154 = %scan3A_128) -> (i32)  : i32 {
        %mul3A_155 = arith.constant 144 : i32
        %mul3A_156 = arith.muli %scan3A_153, %mul3A_155 : i32
        %add3A_157 = arith.constant 0 : i32
        %add3A_158 = arith.addi %mul3A_156, %add3A_157 : i32
        %add3A_159 = arith.constant 16 : i32
        %add3A_160 = arith.addi %mul3A_156, %add3A_159 : i32
        %add3A_161 = arith.constant 32 : i32
        %add3A_162 = arith.addi %mul3A_156, %add3A_161 : i32
        %add3A_163 = arith.constant 48 : i32
        %add3A_164 = arith.addi %mul3A_156, %add3A_163 : i32
        %add3A_165 = arith.constant 64 : i32
        %add3A_166 = arith.addi %mul3A_156, %add3A_165 : i32
        %add3A_167 = arith.constant 80 : i32
        %add3A_168 = arith.addi %mul3A_156, %add3A_167 : i32
        %add3A_169 = arith.constant 96 : i32
        %add3A_170 = arith.addi %mul3A_156, %add3A_169 : i32
        %add3A_171 = arith.constant 112 : i32
        %add3A_172 = arith.addi %mul3A_156, %add3A_171 : i32
        %add3A_173 = arith.constant 128 : i32
        %add3A_174 = arith.addi %mul3A_156, %add3A_173 : i32
        %get3A = arith.index_cast %add3A_158 : i32 to index
        %get3A_175 = tpu.vector_load %arg7[%get3A] {strides = array<i32>} : memref<1728xi32, #tpu.memory_space<vmem>>, vector<16xi32>,
        %get3A_176 = arith.index_cast %add3A_160 : i32 to index
        %get3A_177 = tpu.vector_load %arg7[%get3A_176] {strides = array<i32>} : memref<1728xi32, #tpu.memory_space<vmem>>, vector<16xi32>,
        %get3A_178 = arith.index_cast %add3A_162 : i32 to index
        %get3A_179 = tpu.vector_load %arg7[%get3A_178] {strides = array<i32>} : memref<1728xi32, #tpu.memory_space<vmem>>, vector<16xi32>,
        %get3A_180 = arith.index_cast %add3A_164 : i32 to index
        %get3A_181 = tpu.vector_load %arg7[%get3A_180] {strides = array<i32>} : memref<1728xi32, #tpu.memory_space<vmem>>, vector<16xi32>,
        %get3A_182 = arith.index_cast %add3A_166 : i32 to index
        %get3A_183 = tpu.vector_load %arg7[%get3A_182] {strides = array<i32>} : memref<1728xi32, #tpu.memory_space<vmem>>, vector<16xi32>,
        %get3A_184 = arith.index_cast %add3A_168 : i32 to index
        %get3A_185 = tpu.vector_load %arg7[%get3A_184] {strides = array<i32>} : memref<1728xi32, #tpu.memory_space<vmem>>, vector<16xi32>,
        %get3A_186 = arith.index_cast %add3A_170 : i32 to index
        %get3A_187 = tpu.vector_load %arg7[%get3A_186] {strides = array<i32>} : memref<1728xi32, #tpu.memory_space<vmem>>, vector<16xi32>,
        %get3A_188 = arith.index_cast %add3A_172 : i32 to index
        %get3A_189 = tpu.vector_load %arg7[%get3A_188] {strides = array<i32>} : memref<1728xi32, #tpu.memory_space<vmem>>, vector<16xi32>,
        %get3A_190 = arith.index_cast %add3A_174 : i32 to index
        %get3A_191 = tpu.vector_load %arg7[%get3A_190] {strides = array<i32>} : memref<1728xi32, #tpu.memory_space<vmem>>, vector<16xi32>,
        %gather3A = tpu.vector_load_idx %arg5[%get3A_175] : memref<120016xi32, #tpu.memory_space<vmem>>[vector<16xi32>], vector<16xi32>,
        %gather3A_192 = tpu.vector_load_idx %arg5[%get3A_177] : memref<120016xi32, #tpu.memory_space<vmem>>[vector<16xi32>], vector<16xi32>,
        %gather3A_193 = tpu.vector_load_idx %arg5[%get3A_179] : memref<120016xi32, #tpu.memory_space<vmem>>[vector<16xi32>], vector<16xi32>,
        %gather3A_194 = tpu.vector_load_idx %arg5[%get3A_181] : memref<120016xi32, #tpu.memory_space<vmem>>[vector<16xi32>], vector<16xi32>,
        %gather3A_195 = tpu.vector_load_idx %arg5[%get3A_183] : memref<120016xi32, #tpu.memory_space<vmem>>[vector<16xi32>], vector<16xi32>,
        %gather3A_196 = tpu.vector_load_idx %arg5[%get3A_185] : memref<120016xi32, #tpu.memory_space<vmem>>[vector<16xi32>], vector<16xi32>,
        %gather3A_197 = tpu.vector_load_idx %arg5[%get3A_187] : memref<120016xi32, #tpu.memory_space<vmem>>[vector<16xi32>], vector<16xi32>,
        %gather3A_198 = tpu.vector_load_idx %arg5[%get3A_189] : memref<120016xi32, #tpu.memory_space<vmem>>[vector<16xi32>], vector<16xi32>,
        %gather3A_199 = tpu.vector_load_idx %arg5[%get3A_191] : memref<120016xi32, #tpu.memory_space<vmem>>[vector<16xi32>], vector<16xi32>,
        %shift_left3A = arith.constant 16 : i32
        %shift_left3A_200 = vector.broadcast %shift_left3A : i32 to vector<16xi32>
        %shift_left3A_201 = arith.shli %gather3A, %shift_left3A_200 : vector<16xi32>
        %bitcast3A = vector.bitcast %shift_left3A_201 : vector<16xi32> to vector<16xf32>
        %swap3A = arith.index_cast %add3A_158 : i32 to index
        %swap3A_202 = tpu.vector_load %arg9[%swap3A] {strides = array<i32>} : memref<1728xf32, #tpu.memory_space<vmem>>, vector<16xf32>,
        tpu.vector_store %arg9[%swap3A], %bitcast3A {strides = array<i32>} : memref<1728xf32, #tpu.memory_space<vmem>>, vector<16xf32>,
        %and3A = arith.constant -65536 : i32
        %and3A_203 = vector.broadcast %and3A : i32 to vector<16xi32>
        %and3A_204 = arith.andi %gather3A, %and3A_203 : vector<16xi32>
        %bitcast3A_205 = vector.bitcast %and3A_204 : vector<16xi32> to vector<16xf32>
        %swap3A_206 = arith.index_cast %add3A_158 : i32 to index
        %swap3A_207 = tpu.vector_load %arg11[%swap3A_206] {strides = array<i32>} : memref<1728xf32, #tpu.memory_space<vmem>>, vector<16xf32>,
        tpu.vector_store %arg11[%swap3A_206], %bitcast3A_205 {strides = array<i32>} : memref<1728xf32, #tpu.memory_space<vmem>>, vector<16xf32>,
        %shift_left3A_208 = arith.constant 16 : i32
        %shift_left3A_209 = vector.broadcast %shift_left3A_208 : i32 to vector<16xi32>
        %shift_left3A_210 = arith.shli %gather3A_192, %shift_left3A_209 : vector<16xi32>
        %bitcast3A_211 = vector.bitcast %shift_left3A_210 : vector<16xi32> to vector<16xf32>
        %swap3A_212 = arith.index_cast %add3A_160 : i32 to index
        %swap3A_213 = tpu.vector_load %arg9[%swap3A_212] {strides = array<i32>} : memref<1728xf32, #tpu.memory_space<vmem>>, vector<16xf32>,
        tpu.vector_store %arg9[%swap3A_212], %bitcast3A_211 {strides = array<i32>} : memref<1728xf32, #tpu.memory_space<vmem>>, vector<16xf32>,
        %and3A_214 = arith.constant -65536 : i32
        %and3A_215 = vector.broadcast %and3A_214 : i32 to vector<16xi32>
        %and3A_216 = arith.andi %gather3A_192, %and3A_215 : vector<16xi32>
        %bitcast3A_217 = vector.bitcast %and3A_216 : vector<16xi32> to vector<16xf32>
        %swap3A_218 = arith.index_cast %add3A_160 : i32 to index
        %swap3A_219 = tpu.vector_load %arg11[%swap3A_218] {strides = array<i32>} : memref<1728xf32, #tpu.memory_space<vmem>>, vector<16xf32>,
        tpu.vector_store %arg11[%swap3A_218], %bitcast3A_217 {strides = array<i32>} : memref<1728xf32, #tpu.memory_space<vmem>>, vector<16xf32>,
        %shift_left3A_220 = arith.constant 16 : i32
        %shift_left3A_221 = vector.broadcast %shift_left3A_220 : i32 to vector<16xi32>
        %shift_left3A_222 = arith.shli %gather3A_193, %shift_left3A_221 : vector<16xi32>
        %bitcast3A_223 = vector.bitcast %shift_left3A_222 : vector<16xi32> to vector<16xf32>
        %swap3A_224 = arith.index_cast %add3A_162 : i32 to index
        %swap3A_225 = tpu.vector_load %arg9[%swap3A_224] {strides = array<i32>} : memref<1728xf32, #tpu.memory_space<vmem>>, vector<16xf32>,
        tpu.vector_store %arg9[%swap3A_224], %bitcast3A_223 {strides = array<i32>} : memref<1728xf32, #tpu.memory_space<vmem>>, vector<16xf32>,
        %and3A_226 = arith.constant -65536 : i32
        %and3A_227 = vector.broadcast %and3A_226 : i32 to vector<16xi32>
        %and3A_228 = arith.andi %gather3A_193, %and3A_227 : vector<16xi32>
        %bitcast3A_229 = vector.bitcast %and3A_228 : vector<16xi32> to vector<16xf32>
        %swap3A_230 = arith.index_cast %add3A_162 : i32 to index
        %swap3A_231 = tpu.vector_load %arg11[%swap3A_230] {strides = array<i32>} : memref<1728xf32, #tpu.memory_space<vmem>>, vector<16xf32>,
        tpu.vector_store %arg11[%swap3A_230], %bitcast3A_229 {strides = array<i32>} : memref<1728xf32, #tpu.memory_space<vmem>>, vector<16xf32>,
        %shift_left3A_232 = arith.constant 16 : i32
        %shift_left3A_233 = vector.broadcast %shift_left3A_232 : i32 to vector<16xi32>
        %shift_left3A_234 = arith.shli %gather3A_194, %shift_left3A_233 : vector<16xi32>
        %bitcast3A_235 = vector.bitcast %shift_left3A_234 : vector<16xi32> to vector<16xf32>
        %swap3A_236 = arith.index_cast %add3A_164 : i32 to index
        %swap3A_237 = tpu.vector_load %arg9[%swap3A_236] {strides = array<i32>} : memref<1728xf32, #tpu.memory_space<vmem>>, vector<16xf32>,
        tpu.vector_store %arg9[%swap3A_236], %bitcast3A_235 {strides = array<i32>} : memref<1728xf32, #tpu.memory_space<vmem>>, vector<16xf32>,
        %and3A_238 = arith.constant -65536 : i32
        %and3A_239 = vector.broadcast %and3A_238 : i32 to vector<16xi32>
        %and3A_240 = arith.andi %gather3A_194, %and3A_239 : vector<16xi32>
        %bitcast3A_241 = vector.bitcast %and3A_240 : vector<16xi32> to vector<16xf32>
        %swap3A_242 = arith.index_cast %add3A_164 : i32 to index
        %swap3A_243 = tpu.vector_load %arg11[%swap3A_242] {strides = array<i32>} : memref<1728xf32, #tpu.memory_space<vmem>>, vector<16xf32>,
        tpu.vector_store %arg11[%swap3A_242], %bitcast3A_241 {strides = array<i32>} : memref<1728xf32, #tpu.memory_space<vmem>>, vector<16xf32>,
        %shift_left3A_244 = arith.constant 16 : i32
        %shift_left3A_245 = vector.broadcast %shift_left3A_244 : i32 to vector<16xi32>
        %shift_left3A_246 = arith.shli %gather3A_195, %shift_left3A_245 : vector<16xi32>
        %bitcast3A_247 = vector.bitcast %shift_left3A_246 : vector<16xi32> to vector<16xf32>
        %swap3A_248 = arith.index_cast %add3A_166 : i32 to index
        %swap3A_249 = tpu.vector_load %arg9[%swap3A_248] {strides = array<i32>} : memref<1728xf32, #tpu.memory_space<vmem>>, vector<16xf32>,
        tpu.vector_store %arg9[%swap3A_248], %bitcast3A_247 {strides = array<i32>} : memref<1728xf32, #tpu.memory_space<vmem>>, vector<16xf32>,
        %and3A_250 = arith.constant -65536 : i32
        %and3A_251 = vector.broadcast %and3A_250 : i32 to vector<16xi32>
        %and3A_252 = arith.andi %gather3A_195, %and3A_251 : vector<16xi32>
        %bitcast3A_253 = vector.bitcast %and3A_252 : vector<16xi32> to vector<16xf32>
        %swap3A_254 = arith.index_cast %add3A_166 : i32 to index
        %swap3A_255 = tpu.vector_load %arg11[%swap3A_254] {strides = array<i32>} : memref<1728xf32, #tpu.memory_space<vmem>>, vector<16xf32>,
        tpu.vector_store %arg11[%swap3A_254], %bitcast3A_253 {strides = array<i32>} : memref<1728xf32, #tpu.memory_space<vmem>>, vector<16xf32>,
        %shift_left3A_256 = arith.constant 16 : i32
        %shift_left3A_257 = vector.broadcast %shift_left3A_256 : i32 to vector<16xi32>
        %shift_left3A_258 = arith.shli %gather3A_196, %shift_left3A_257 : vector<16xi32>
        %bitcast3A_259 = vector.bitcast %shift_left3A_258 : vector<16xi32> to vector<16xf32>
        %swap3A_260 = arith.index_cast %add3A_168 : i32 to index
        %swap3A_261 = tpu.vector_load %arg9[%swap3A_260] {strides = array<i32>} : memref<1728xf32, #tpu.memory_space<vmem>>, vector<16xf32>,
        tpu.vector_store %arg9[%swap3A_260], %bitcast3A_259 {strides = array<i32>} : memref<1728xf32, #tpu.memory_space<vmem>>, vector<16xf32>,
        %and3A_262 = arith.constant -65536 : i32
        %and3A_263 = vector.broadcast %and3A_262 : i32 to vector<16xi32>
        %and3A_264 = arith.andi %gather3A_196, %and3A_263 : vector<16xi32>
        %bitcast3A_265 = vector.bitcast %and3A_264 : vector<16xi32> to vector<16xf32>
        %swap3A_266 = arith.index_cast %add3A_168 : i32 to index
        %swap3A_267 = tpu.vector_load %arg11[%swap3A_266] {strides = array<i32>} : memref<1728xf32, #tpu.memory_space<vmem>>, vector<16xf32>,
        tpu.vector_store %arg11[%swap3A_266], %bitcast3A_265 {strides = array<i32>} : memref<1728xf32, #tpu.memory_space<vmem>>, vector<16xf32>,
        %shift_left3A_268 = arith.constant 16 : i32
        %shift_left3A_269 = vector.broadcast %shift_left3A_268 : i32 to vector<16xi32>
        %shift_left3A_270 = arith.shli %gather3A_197, %shift_left3A_269 : vector<16xi32>
        %bitcast3A_271 = vector.bitcast %shift_left3A_270 : vector<16xi32> to vector<16xf32>
        %swap3A_272 = arith.index_cast %add3A_170 : i32 to index
        %swap3A_273 = tpu.vector_load %arg9[%swap3A_272] {strides = array<i32>} : memref<1728xf32, #tpu.memory_space<vmem>>, vector<16xf32>,
        tpu.vector_store %arg9[%swap3A_272], %bitcast3A_271 {strides = array<i32>} : memref<1728xf32, #tpu.memory_space<vmem>>, vector<16xf32>,
        %and3A_274 = arith.constant -65536 : i32
        %and3A_275 = vector.broadcast %and3A_274 : i32 to vector<16xi32>
        %and3A_276 = arith.andi %gather3A_197, %and3A_275 : vector<16xi32>
        %bitcast3A_277 = vector.bitcast %and3A_276 : vector<16xi32> to vector<16xf32>
        %swap3A_278 = arith.index_cast %add3A_170 : i32 to index
        %swap3A_279 = tpu.vector_load %arg11[%swap3A_278] {strides = array<i32>} : memref<1728xf32, #tpu.memory_space<vmem>>, vector<16xf32>,
        tpu.vector_store %arg11[%swap3A_278], %bitcast3A_277 {strides = array<i32>} : memref<1728xf32, #tpu.memory_space<vmem>>, vector<16xf32>,
        %shift_left3A_280 = arith.constant 16 : i32
        %shift_left3A_281 = vector.broadcast %shift_left3A_280 : i32 to vector<16xi32>
        %shift_left3A_282 = arith.shli %gather3A_198, %shift_left3A_281 : vector<16xi32>
        %bitcast3A_283 = vector.bitcast %shift_left3A_282 : vector<16xi32> to vector<16xf32>
        %swap3A_284 = arith.index_cast %add3A_172 : i32 to index
        %swap3A_285 = tpu.vector_load %arg9[%swap3A_284] {strides = array<i32>} : memref<1728xf32, #tpu.memory_space<vmem>>, vector<16xf32>,
        tpu.vector_store %arg9[%swap3A_284], %bitcast3A_283 {strides = array<i32>} : memref<1728xf32, #tpu.memory_space<vmem>>, vector<16xf32>,
        %and3A_286 = arith.constant -65536 : i32
        %and3A_287 = vector.broadcast %and3A_286 : i32 to vector<16xi32>
        %and3A_288 = arith.andi %gather3A_198, %and3A_287 : vector<16xi32>
        %bitcast3A_289 = vector.bitcast %and3A_288 : vector<16xi32> to vector<16xf32>
        %swap3A_290 = arith.index_cast %add3A_172 : i32 to index
        %swap3A_291 = tpu.vector_load %arg11[%swap3A_290] {strides = array<i32>} : memref<1728xf32, #tpu.memory_space<vmem>>, vector<16xf32>,
        tpu.vector_store %arg11[%swap3A_290], %bitcast3A_289 {strides = array<i32>} : memref<1728xf32, #tpu.memory_space<vmem>>, vector<16xf32>,
        %shift_left3A_292 = arith.constant 16 : i32
        %shift_left3A_293 = vector.broadcast %shift_left3A_292 : i32 to vector<16xi32>
        %shift_left3A_294 = arith.shli %gather3A_199, %shift_left3A_293 : vector<16xi32>
        %bitcast3A_295 = vector.bitcast %shift_left3A_294 : vector<16xi32> to vector<16xf32>
        %swap3A_296 = arith.index_cast %add3A_174 : i32 to index
        %swap3A_297 = tpu.vector_load %arg9[%swap3A_296] {strides = array<i32>} : memref<1728xf32, #tpu.memory_space<vmem>>, vector<16xf32>,
        tpu.vector_store %arg9[%swap3A_296], %bitcast3A_295 {strides = array<i32>} : memref<1728xf32, #tpu.memory_space<vmem>>, vector<16xf32>,
        %and3A_298 = arith.constant -65536 : i32
        %and3A_299 = vector.broadcast %and3A_298 : i32 to vector<16xi32>
        %and3A_300 = arith.andi %gather3A_199, %and3A_299 : vector<16xi32>
        %bitcast3A_301 = vector.bitcast %and3A_300 : vector<16xi32> to vector<16xf32>
        %swap3A_302 = arith.index_cast %add3A_174 : i32 to index
        %swap3A_303 = tpu.vector_load %arg11[%swap3A_302] {strides = array<i32>} : memref<1728xf32, #tpu.memory_space<vmem>>, vector<16xf32>,
        tpu.vector_store %arg11[%swap3A_302], %bitcast3A_301 {strides = array<i32>} : memref<1728xf32, #tpu.memory_space<vmem>>, vector<16xf32>,
        %scan3A_304 = arith.constant 0 : i32
        scf.yield %scan3A_304 : i32
      }
      %scan3A_134 = arith.constant 12 : i32
      %mul3A_135 = arith.constant 1728 : i32
      %mul3A_136 = arith.muli %add3A_118, %mul3A_135 : i32
      %add3A_137 = arith.addi %mul3A_50, %mul3A_136 : i32
      %dma_start3A_138 = tpu.memref_slice %arg4[%add3A_137] : memref<27426816xf32, #tpu.memory_space<hbm>> -> memref<1728xf32, #tpu.memory_space<hbm>>
      %dma_start3A_139 = tpu.memref_slice %arg4[%add3A_137] : memref<27426816xf32, #tpu.memory_space<hbm>> -> memref<1728xf32, #tpu.memory_space<hbm>>
      tpu.enqueue_dma source(%arg9 : memref<1728xf32, #tpu.memory_space<vmem>>) target(%dma_start3A_139 : memref<1728xf32, #tpu.memory_space<hbm>>) target_semaphore(%arg15 : memref<!tpu.dma_semaphore, #tpu.memory_space<semaphore_mem>>)
      %mul3A_140 = arith.constant 1728 : i32
      %mul3A_141 = arith.muli %add3A_118, %mul3A_140 : i32
      %add3A_142 = arith.addi %mul3A_56, %mul3A_141 : i32
      %dma_start3A_143 = tpu.memref_slice %arg4[%add3A_142] : memref<27426816xf32, #tpu.memory_space<hbm>> -> memref<1728xf32, #tpu.memory_space<hbm>>
      %dma_start3A_144 = tpu.memref_slice %arg4[%add3A_142] : memref<27426816xf32, #tpu.memory_space<hbm>> -> memref<1728xf32, #tpu.memory_space<hbm>>
      tpu.enqueue_dma source(%arg11 : memref<1728xf32, #tpu.memory_space<vmem>>) target(%dma_start3A_144 : memref<1728xf32, #tpu.memory_space<hbm>>) target_semaphore(%arg17 : memref<!tpu.dma_semaphore, #tpu.memory_space<semaphore_mem>>)
      %add3A_145 = arith.constant 2 : i32
      %add3A_146 = arith.addi %add3A_118, %add3A_145 : i32
      %lt3A_147 = arith.constant 124 : i32
      %lt3A_148 = arith.cmpi slt, %add3A_146, %lt3A_147 : i32
      %convert_element_type3A_149 = arith.extui %lt3A_148 : i1 to i32
      %cond3A_150 = arith.constant 0 : i32
      %cond3A_151 = arith.cmpi ne, %convert_element_type3A_149, %cond3A_150 : i32
      scf.if %cond3A_151 {
        %add3A_153 = arith.constant 2 : i32
        %add3A_154 = arith.addi %add3A_118, %add3A_153 : i32
        %mul3A_155 = arith.constant 1728 : i32
        %mul3A_156 = arith.muli %add3A_154, %mul3A_155 : i32
        %add3A_157 = arith.constant 0 : i32
        %add3A_158 = arith.addi %add3A_157, %mul3A_156 : i32
        %dma_start3A_159 = tpu.memref_slice %arg3[%add3A_158] : memref<214528xi32, #tpu.memory_space<hbm>> -> memref<1728xi32, #tpu.memory_space<hbm>>
        %dma_start3A_160 = tpu.memref_slice %arg3[%add3A_158] : memref<214528xi32, #tpu.memory_space<hbm>> -> memref<1728xi32, #tpu.memory_space<hbm>>
        tpu.enqueue_dma source(%dma_start3A_160 : memref<1728xi32, #tpu.memory_space<hbm>>) target(%arg7 : memref<1728xi32, #tpu.memory_space<vmem>>) target_semaphore(%arg13 : memref<!tpu.dma_semaphore, #tpu.memory_space<semaphore_mem>>)
      } else {
      }
      %scan3A_152 = arith.constant 0 : i32
      scf.yield %scan3A_152 : i32
    }
    %scan3A_71 = arith.constant 62 : i32
    %dma_wait3A_72 = tpu.memref_slice %arg4[%mul3A_50] : memref<27426816xf32, #tpu.memory_space<hbm>> -> memref<1728xf32, #tpu.memory_space<hbm>>
    %dma_wait3A_73 = tpu.memref_slice %arg4[%mul3A_50] : memref<27426816xf32, #tpu.memory_space<hbm>> -> memref<1728xf32, #tpu.memory_space<hbm>>
    tpu.wait_dma2 semaphore(%arg14 : memref<!tpu.dma_semaphore, #tpu.memory_space<semaphore_mem>>) src(%arg8 : memref<1728xf32, #tpu.memory_space<vmem>>) dst(%dma_wait3A_73 : memref<1728xf32, #tpu.memory_space<hbm>>)
    %dma_wait3A_74 = tpu.memref_slice %arg4[%mul3A_50] : memref<27426816xf32, #tpu.memory_space<hbm>> -> memref<1728xf32, #tpu.memory_space<hbm>>
    %dma_wait3A_75 = tpu.memref_slice %arg4[%mul3A_50] : memref<27426816xf32, #tpu.memory_space<hbm>> -> memref<1728xf32, #tpu.memory_space<hbm>>
    tpu.wait_dma2 semaphore(%arg15 : memref<!tpu.dma_semaphore, #tpu.memory_space<semaphore_mem>>) src(%arg9 : memref<1728xf32, #tpu.memory_space<vmem>>) dst(%dma_wait3A_75 : memref<1728xf32, #tpu.memory_space<hbm>>)
    %dma_wait3A_76 = tpu.memref_slice %arg4[%mul3A_56] : memref<27426816xf32, #tpu.memory_space<hbm>> -> memref<1728xf32, #tpu.memory_space<hbm>>
    %dma_wait3A_77 = tpu.memref_slice %arg4[%mul3A_56] : memref<27426816xf32, #tpu.memory_space<hbm>> -> memref<1728xf32, #tpu.memory_space<hbm>>
    tpu.wait_dma2 semaphore(%arg16 : memref<!tpu.dma_semaphore, #tpu.memory_space<semaphore_mem>>) src(%arg10 : memref<1728xf32, #tpu.memory_space<vmem>>) dst(%dma_wait3A_77 : memref<1728xf32, #tpu.memory_space<hbm>>)
    %dma_wait3A_78 = tpu.memref_slice %arg4[%mul3A_56] : memref<27426816xf32, #tpu.memory_space<hbm>> -> memref<1728xf32, #tpu.memory_space<hbm>>
    %dma_wait3A_79 = tpu.memref_slice %arg4[%mul3A_56] : memref<27426816xf32, #tpu.memory_space<hbm>> -> memref<1728xf32, #tpu.memory_space<hbm>>
    tpu.wait_dma2 semaphore(%arg17 : memref<!tpu.dma_semaphore, #tpu.memory_space<semaphore_mem>>) src(%arg11 : memref<1728xf32, #tpu.memory_space<vmem>>) dst(%dma_wait3A_79 : memref<1728xf32, #tpu.memory_space<hbm>>)
    return
  }
}

#map = affine_map<(d0, d1) -> (0)>
module attributes {stable_mosaic.version = 14 : i64} {
  func.func @_winner_body(%arg0: i32, %arg1: i32, %arg2: memref<120832xi32, #tpu.memory_space<hbm>>, %arg3: memref<214528xi32, #tpu.memory_space<hbm>>, %arg4: memref<1024xi32, #tpu.memory_space<vmem>>, %arg5: memref<1024xi32, #tpu.memory_space<vmem>>, %arg6: memref<6704xi32, #tpu.memory_space<vmem>>, %arg7: memref<!tpu.dma_semaphore, #tpu.memory_space<semaphore_mem>>, %arg8: memref<!tpu.dma_semaphore, #tpu.memory_space<semaphore_mem>>) attributes {dimension_semantics = [#tpu.dimension_semantics<core_parallel>, #tpu.dimension_semantics<subcore_parallel>], iteration_bounds = array<i64: 2, 16>, scalar_prefetch = 0 : i64, scratch_operands = 5 : i64, tpu.core_type = #tpu.core_type<sc_vector_subcore>, window_params = [{transform_indices = #map}, {transform_indices = #map}]} {
    %mul3A = arith.constant 2 : i32
    %mul3A_0 = arith.muli %arg1, %mul3A : i32
    %add3A = arith.addi %mul3A_0, %arg0 : i32
    %mul3A_1 = arith.constant 6704 : i32
    %mul3A_2 = arith.muli %add3A, %mul3A_1 : i32
    %iota3A = tpu.iota {dimensions = array<i32: 0>} : vector<16xi32>
    %broadcast_in_dim3A = arith.constant 120000 : i32
    %broadcast_in_dim3A_3 = vector.broadcast %broadcast_in_dim3A : i32 to vector<16xi32>
    %scan3A = arith.constant 0 : i32
    %scan3A_4 = arith.constant 0 : i32
    %scan3A_5 = arith.constant 416 : i32
    %scan3A_6 = arith.addi %scan3A_4, %scan3A_5 : i32
    %scan3A_7 = arith.constant 8 : i32
    %scan3A_8 = scf.for %scan3A_46 = %scan3A_4 to %scan3A_6 step %scan3A_7 iter_args(%scan3A_47 = %scan3A) -> (i32)  : i32 {
      %mul3A_48 = arith.constant 16 : i32
      %mul3A_49 = arith.muli %scan3A_46, %mul3A_48 : i32
      %swap3A_50 = arith.index_cast %mul3A_49 : i32 to index
      %swap3A_51 = tpu.vector_load %arg6[%swap3A_50] {strides = array<i32>} : memref<6704xi32, #tpu.memory_space<vmem>>, vector<16xi32>,
      tpu.vector_store %arg6[%swap3A_50], %broadcast_in_dim3A_3 {strides = array<i32>} : memref<6704xi32, #tpu.memory_space<vmem>>, vector<16xi32>,
      %scan3A_52 = arith.constant 0 : i32
      %scan3A_53 = arith.constant 1 : i32
      %scan3A_54 = arith.addi %scan3A_46, %scan3A_53 : i32
      %mul3A_55 = arith.constant 16 : i32
      %mul3A_56 = arith.muli %scan3A_54, %mul3A_55 : i32
      %swap3A_57 = arith.index_cast %mul3A_56 : i32 to index
      %swap3A_58 = tpu.vector_load %arg6[%swap3A_57] {strides = array<i32>} : memref<6704xi32, #tpu.memory_space<vmem>>, vector<16xi32>,
      tpu.vector_store %arg6[%swap3A_57], %broadcast_in_dim3A_3 {strides = array<i32>} : memref<6704xi32, #tpu.memory_space<vmem>>, vector<16xi32>,
      %scan3A_59 = arith.constant 0 : i32
      %scan3A_60 = arith.constant 2 : i32
      %scan3A_61 = arith.addi %scan3A_46, %scan3A_60 : i32
      %mul3A_62 = arith.constant 16 : i32
      %mul3A_63 = arith.muli %scan3A_61, %mul3A_62 : i32
      %swap3A_64 = arith.index_cast %mul3A_63 : i32 to index
      %swap3A_65 = tpu.vector_load %arg6[%swap3A_64] {strides = array<i32>} : memref<6704xi32, #tpu.memory_space<vmem>>, vector<16xi32>,
      tpu.vector_store %arg6[%swap3A_64], %broadcast_in_dim3A_3 {strides = array<i32>} : memref<6704xi32, #tpu.memory_space<vmem>>, vector<16xi32>,
      %scan3A_66 = arith.constant 0 : i32
      %scan3A_67 = arith.constant 3 : i32
      %scan3A_68 = arith.addi %scan3A_46, %scan3A_67 : i32
      %mul3A_69 = arith.constant 16 : i32
      %mul3A_70 = arith.muli %scan3A_68, %mul3A_69 : i32
      %swap3A_71 = arith.index_cast %mul3A_70 : i32 to index
      %swap3A_72 = tpu.vector_load %arg6[%swap3A_71] {strides = array<i32>} : memref<6704xi32, #tpu.memory_space<vmem>>, vector<16xi32>,
      tpu.vector_store %arg6[%swap3A_71], %broadcast_in_dim3A_3 {strides = array<i32>} : memref<6704xi32, #tpu.memory_space<vmem>>, vector<16xi32>,
      %scan3A_73 = arith.constant 0 : i32
      %scan3A_74 = arith.constant 4 : i32
      %scan3A_75 = arith.addi %scan3A_46, %scan3A_74 : i32
      %mul3A_76 = arith.constant 16 : i32
      %mul3A_77 = arith.muli %scan3A_75, %mul3A_76 : i32
      %swap3A_78 = arith.index_cast %mul3A_77 : i32 to index
      %swap3A_79 = tpu.vector_load %arg6[%swap3A_78] {strides = array<i32>} : memref<6704xi32, #tpu.memory_space<vmem>>, vector<16xi32>,
      tpu.vector_store %arg6[%swap3A_78], %broadcast_in_dim3A_3 {strides = array<i32>} : memref<6704xi32, #tpu.memory_space<vmem>>, vector<16xi32>,
      %scan3A_80 = arith.constant 0 : i32
      %scan3A_81 = arith.constant 5 : i32
      %scan3A_82 = arith.addi %scan3A_46, %scan3A_81 : i32
      %mul3A_83 = arith.constant 16 : i32
      %mul3A_84 = arith.muli %scan3A_82, %mul3A_83 : i32
      %swap3A_85 = arith.index_cast %mul3A_84 : i32 to index
      %swap3A_86 = tpu.vector_load %arg6[%swap3A_85] {strides = array<i32>} : memref<6704xi32, #tpu.memory_space<vmem>>, vector<16xi32>,
      tpu.vector_store %arg6[%swap3A_85], %broadcast_in_dim3A_3 {strides = array<i32>} : memref<6704xi32, #tpu.memory_space<vmem>>, vector<16xi32>,
      %scan3A_87 = arith.constant 0 : i32
      %scan3A_88 = arith.constant 6 : i32
      %scan3A_89 = arith.addi %scan3A_46, %scan3A_88 : i32
      %mul3A_90 = arith.constant 16 : i32
      %mul3A_91 = arith.muli %scan3A_89, %mul3A_90 : i32
      %swap3A_92 = arith.index_cast %mul3A_91 : i32 to index
      %swap3A_93 = tpu.vector_load %arg6[%swap3A_92] {strides = array<i32>} : memref<6704xi32, #tpu.memory_space<vmem>>, vector<16xi32>,
      tpu.vector_store %arg6[%swap3A_92], %broadcast_in_dim3A_3 {strides = array<i32>} : memref<6704xi32, #tpu.memory_space<vmem>>, vector<16xi32>,
      %scan3A_94 = arith.constant 0 : i32
      %scan3A_95 = arith.constant 7 : i32
      %scan3A_96 = arith.addi %scan3A_46, %scan3A_95 : i32
      %mul3A_97 = arith.constant 16 : i32
      %mul3A_98 = arith.muli %scan3A_96, %mul3A_97 : i32
      %swap3A_99 = arith.index_cast %mul3A_98 : i32 to index
      %swap3A_100 = tpu.vector_load %arg6[%swap3A_99] {strides = array<i32>} : memref<6704xi32, #tpu.memory_space<vmem>>, vector<16xi32>,
      tpu.vector_store %arg6[%swap3A_99], %broadcast_in_dim3A_3 {strides = array<i32>} : memref<6704xi32, #tpu.memory_space<vmem>>, vector<16xi32>,
      %scan3A_101 = arith.constant 0 : i32
      scf.yield %scan3A_101 : i32
    }
    %scan3A_9 = arith.constant 416 : i32
    %scan3A_10 = arith.addi %scan3A_4, %scan3A_9 : i32
    %mul3A_11 = arith.constant 16 : i32
    %mul3A_12 = arith.muli %scan3A_10, %mul3A_11 : i32
    %swap3A = arith.index_cast %mul3A_12 : i32 to index
    %swap3A_13 = tpu.vector_load %arg6[%swap3A] {strides = array<i32>} : memref<6704xi32, #tpu.memory_space<vmem>>, vector<16xi32>,
    tpu.vector_store %arg6[%swap3A], %broadcast_in_dim3A_3 {strides = array<i32>} : memref<6704xi32, #tpu.memory_space<vmem>>, vector<16xi32>,
    %scan3A_14 = arith.constant 0 : i32
    %scan3A_15 = arith.constant 417 : i32
    %scan3A_16 = arith.addi %scan3A_4, %scan3A_15 : i32
    %mul3A_17 = arith.constant 16 : i32
    %mul3A_18 = arith.muli %scan3A_16, %mul3A_17 : i32
    %swap3A_19 = arith.index_cast %mul3A_18 : i32 to index
    %swap3A_20 = tpu.vector_load %arg6[%swap3A_19] {strides = array<i32>} : memref<6704xi32, #tpu.memory_space<vmem>>, vector<16xi32>,
    tpu.vector_store %arg6[%swap3A_19], %broadcast_in_dim3A_3 {strides = array<i32>} : memref<6704xi32, #tpu.memory_space<vmem>>, vector<16xi32>,
    %scan3A_21 = arith.constant 0 : i32
    %scan3A_22 = arith.constant 418 : i32
    %scan3A_23 = arith.addi %scan3A_4, %scan3A_22 : i32
    %mul3A_24 = arith.constant 16 : i32
    %mul3A_25 = arith.muli %scan3A_23, %mul3A_24 : i32
    %swap3A_26 = arith.index_cast %mul3A_25 : i32 to index
    %swap3A_27 = tpu.vector_load %arg6[%swap3A_26] {strides = array<i32>} : memref<6704xi32, #tpu.memory_space<vmem>>, vector<16xi32>,
    tpu.vector_store %arg6[%swap3A_26], %broadcast_in_dim3A_3 {strides = array<i32>} : memref<6704xi32, #tpu.memory_space<vmem>>, vector<16xi32>,
    %scan3A_28 = arith.constant 0 : i32
    %scan3A_29 = arith.constant 419 : i32
    %dma_start3A = arith.constant 0 : i32
    %dma_start3A_30 = tpu.memref_slice %arg2[%dma_start3A] : memref<120832xi32, #tpu.memory_space<hbm>> -> memref<1024xi32, #tpu.memory_space<hbm>>
    %dma_start3A_31 = arith.constant 0 : i32
    %dma_start3A_32 = tpu.memref_slice %arg2[%dma_start3A_31] : memref<120832xi32, #tpu.memory_space<hbm>> -> memref<1024xi32, #tpu.memory_space<hbm>>
    tpu.enqueue_dma source(%dma_start3A_32 : memref<1024xi32, #tpu.memory_space<hbm>>) target(%arg4 : memref<1024xi32, #tpu.memory_space<vmem>>) target_semaphore(%arg7 : memref<!tpu.dma_semaphore, #tpu.memory_space<semaphore_mem>>)
    %dma_start3A_33 = arith.constant 1024 : i32
    %dma_start3A_34 = tpu.memref_slice %arg2[%dma_start3A_33] : memref<120832xi32, #tpu.memory_space<hbm>> -> memref<1024xi32, #tpu.memory_space<hbm>>
    %dma_start3A_35 = arith.constant 1024 : i32
    %dma_start3A_36 = tpu.memref_slice %arg2[%dma_start3A_35] : memref<120832xi32, #tpu.memory_space<hbm>> -> memref<1024xi32, #tpu.memory_space<hbm>>
    tpu.enqueue_dma source(%dma_start3A_36 : memref<1024xi32, #tpu.memory_space<hbm>>) target(%arg5 : memref<1024xi32, #tpu.memory_space<vmem>>) target_semaphore(%arg8 : memref<!tpu.dma_semaphore, #tpu.memory_space<semaphore_mem>>)
    %scan3A_37 = arith.constant 0 : i32
    %scan3A_38 = arith.constant 0 : i32
    %scan3A_39 = arith.constant 59 : i32
    %scan3A_40 = arith.addi %scan3A_38, %scan3A_39 : i32
    %scan3A_41 = arith.constant 1 : i32
    %scan3A_42 = scf.for %scan3A_46 = %scan3A_38 to %scan3A_40 step %scan3A_41 iter_args(%scan3A_47 = %scan3A_37) -> (i32)  : i32 {
      %mul3A_48 = arith.constant 2 : i32
      %mul3A_49 = arith.muli %mul3A_48, %scan3A_46 : i32
      %add3A_50 = arith.constant 0 : i32
      %add3A_51 = arith.addi %mul3A_49, %add3A_50 : i32
      %dma_wait3A = arith.constant 0 : i32
      %dma_wait3A_52 = tpu.memref_slice %arg2[%dma_wait3A] : memref<120832xi32, #tpu.memory_space<hbm>> -> memref<1024xi32, #tpu.memory_space<hbm>>
      %dma_wait3A_53 = arith.constant 0 : i32
      %dma_wait3A_54 = tpu.memref_slice %arg2[%dma_wait3A_53] : memref<120832xi32, #tpu.memory_space<hbm>> -> memref<1024xi32, #tpu.memory_space<hbm>>
      tpu.wait_dma2 semaphore(%arg7 : memref<!tpu.dma_semaphore, #tpu.memory_space<semaphore_mem>>) src(%dma_wait3A_54 : memref<1024xi32, #tpu.memory_space<hbm>>) dst(%arg4 : memref<1024xi32, #tpu.memory_space<vmem>>)
      %scan3A_55 = arith.constant 0 : i32
      %scan3A_56 = arith.constant 0 : i32
      %scan3A_57 = arith.constant 8 : i32
      %scan3A_58 = arith.addi %scan3A_56, %scan3A_57 : i32
      %scan3A_59 = arith.constant 1 : i32
      %scan3A_60 = scf.for %scan3A_89 = %scan3A_56 to %scan3A_58 step %scan3A_59 iter_args(%scan3A_90 = %scan3A_55) -> (i32)  : i32 {
        %mul3A_91 = arith.constant 8 : i32
        %mul3A_92 = arith.muli %scan3A_89, %mul3A_91 : i32
        %add3A_93 = arith.constant 0 : i32
        %add3A_94 = arith.addi %mul3A_92, %add3A_93 : i32
        %mul3A_95 = arith.constant 16 : i32
        %mul3A_96 = arith.muli %add3A_94, %mul3A_95 : i32
        %get3A = arith.index_cast %mul3A_96 : i32 to index
        %get3A_97 = tpu.vector_load %arg4[%get3A] {strides = array<i32>} : memref<1024xi32, #tpu.memory_space<vmem>>, vector<16xi32>,
        %mul3A_98 = arith.constant 8 : i32
        %mul3A_99 = arith.muli %scan3A_89, %mul3A_98 : i32
        %add3A_100 = arith.constant 1 : i32
        %add3A_101 = arith.addi %mul3A_99, %add3A_100 : i32
        %mul3A_102 = arith.constant 16 : i32
        %mul3A_103 = arith.muli %add3A_101, %mul3A_102 : i32
        %get3A_104 = arith.index_cast %mul3A_103 : i32 to index
        %get3A_105 = tpu.vector_load %arg4[%get3A_104] {strides = array<i32>} : memref<1024xi32, #tpu.memory_space<vmem>>, vector<16xi32>,
        %mul3A_106 = arith.constant 8 : i32
        %mul3A_107 = arith.muli %scan3A_89, %mul3A_106 : i32
        %add3A_108 = arith.constant 2 : i32
        %add3A_109 = arith.addi %mul3A_107, %add3A_108 : i32
        %mul3A_110 = arith.constant 16 : i32
        %mul3A_111 = arith.muli %add3A_109, %mul3A_110 : i32
        %get3A_112 = arith.index_cast %mul3A_111 : i32 to index
        %get3A_113 = tpu.vector_load %arg4[%get3A_112] {strides = array<i32>} : memref<1024xi32, #tpu.memory_space<vmem>>, vector<16xi32>,
        %mul3A_114 = arith.constant 8 : i32
        %mul3A_115 = arith.muli %scan3A_89, %mul3A_114 : i32
        %add3A_116 = arith.constant 3 : i32
        %add3A_117 = arith.addi %mul3A_115, %add3A_116 : i32
        %mul3A_118 = arith.constant 16 : i32
        %mul3A_119 = arith.muli %add3A_117, %mul3A_118 : i32
        %get3A_120 = arith.index_cast %mul3A_119 : i32 to index
        %get3A_121 = tpu.vector_load %arg4[%get3A_120] {strides = array<i32>} : memref<1024xi32, #tpu.memory_space<vmem>>, vector<16xi32>,
        %mul3A_122 = arith.constant 8 : i32
        %mul3A_123 = arith.muli %scan3A_89, %mul3A_122 : i32
        %add3A_124 = arith.constant 4 : i32
        %add3A_125 = arith.addi %mul3A_123, %add3A_124 : i32
        %mul3A_126 = arith.constant 16 : i32
        %mul3A_127 = arith.muli %add3A_125, %mul3A_126 : i32
        %get3A_128 = arith.index_cast %mul3A_127 : i32 to index
        %get3A_129 = tpu.vector_load %arg4[%get3A_128] {strides = array<i32>} : memref<1024xi32, #tpu.memory_space<vmem>>, vector<16xi32>,
        %mul3A_130 = arith.constant 8 : i32
        %mul3A_131 = arith.muli %scan3A_89, %mul3A_130 : i32
        %add3A_132 = arith.constant 5 : i32
        %add3A_133 = arith.addi %mul3A_131, %add3A_132 : i32
        %mul3A_134 = arith.constant 16 : i32
        %mul3A_135 = arith.muli %add3A_133, %mul3A_134 : i32
        %get3A_136 = arith.index_cast %mul3A_135 : i32 to index
        %get3A_137 = tpu.vector_load %arg4[%get3A_136] {strides = array<i32>} : memref<1024xi32, #tpu.memory_space<vmem>>, vector<16xi32>,
        %mul3A_138 = arith.constant 8 : i32
        %mul3A_139 = arith.muli %scan3A_89, %mul3A_138 : i32
        %add3A_140 = arith.constant 6 : i32
        %add3A_141 = arith.addi %mul3A_139, %add3A_140 : i32
        %mul3A_142 = arith.constant 16 : i32
        %mul3A_143 = arith.muli %add3A_141, %mul3A_142 : i32
        %get3A_144 = arith.index_cast %mul3A_143 : i32 to index
        %get3A_145 = tpu.vector_load %arg4[%get3A_144] {strides = array<i32>} : memref<1024xi32, #tpu.memory_space<vmem>>, vector<16xi32>,
        %mul3A_146 = arith.constant 8 : i32
        %mul3A_147 = arith.muli %scan3A_89, %mul3A_146 : i32
        %add3A_148 = arith.constant 7 : i32
        %add3A_149 = arith.addi %mul3A_147, %add3A_148 : i32
        %mul3A_150 = arith.constant 16 : i32
        %mul3A_151 = arith.muli %add3A_149, %mul3A_150 : i32
        %get3A_152 = arith.index_cast %mul3A_151 : i32 to index
        %get3A_153 = tpu.vector_load %arg4[%get3A_152] {strides = array<i32>} : memref<1024xi32, #tpu.memory_space<vmem>>, vector<16xi32>,
        %broadcast_in_dim3A_154 = arith.constant true
        %broadcast_in_dim3A_155 = vector.broadcast %broadcast_in_dim3A_154 : i1 to vector<16xi1>
        %unique3A, %unique3A_156 = tpu.scan_count mask(%broadcast_in_dim3A_155 : vector<16xi1>) value(%get3A_97 : vector<16xi32>) : vector<16xi1>, vector<16xi32>
        %broadcast_in_dim3A_157 = arith.constant true
        %broadcast_in_dim3A_158 = vector.broadcast %broadcast_in_dim3A_157 : i1 to vector<16xi1>
        %unique3A_159, %unique3A_160 = tpu.scan_count mask(%broadcast_in_dim3A_158 : vector<16xi1>) value(%get3A_105 : vector<16xi32>) : vector<16xi1>, vector<16xi32>
        %broadcast_in_dim3A_161 = arith.constant true
        %broadcast_in_dim3A_162 = vector.broadcast %broadcast_in_dim3A_161 : i1 to vector<16xi1>
        %unique3A_163, %unique3A_164 = tpu.scan_count mask(%broadcast_in_dim3A_162 : vector<16xi1>) value(%get3A_113 : vector<16xi32>) : vector<16xi1>, vector<16xi32>
        %broadcast_in_dim3A_165 = arith.constant true
        %broadcast_in_dim3A_166 = vector.broadcast %broadcast_in_dim3A_165 : i1 to vector<16xi1>
        %unique3A_167, %unique3A_168 = tpu.scan_count mask(%broadcast_in_dim3A_166 : vector<16xi1>) value(%get3A_121 : vector<16xi32>) : vector<16xi1>, vector<16xi32>
        %broadcast_in_dim3A_169 = arith.constant true
        %broadcast_in_dim3A_170 = vector.broadcast %broadcast_in_dim3A_169 : i1 to vector<16xi1>
        %unique3A_171, %unique3A_172 = tpu.scan_count mask(%broadcast_in_dim3A_170 : vector<16xi1>) value(%get3A_129 : vector<16xi32>) : vector<16xi1>, vector<16xi32>
        %broadcast_in_dim3A_173 = arith.constant true
        %broadcast_in_dim3A_174 = vector.broadcast %broadcast_in_dim3A_173 : i1 to vector<16xi1>
        %unique3A_175, %unique3A_176 = tpu.scan_count mask(%broadcast_in_dim3A_174 : vector<16xi1>) value(%get3A_137 : vector<16xi32>) : vector<16xi1>, vector<16xi32>
        %broadcast_in_dim3A_177 = arith.constant true
        %broadcast_in_dim3A_178 = vector.broadcast %broadcast_in_dim3A_177 : i1 to vector<16xi1>
        %unique3A_179, %unique3A_180 = tpu.scan_count mask(%broadcast_in_dim3A_178 : vector<16xi1>) value(%get3A_145 : vector<16xi32>) : vector<16xi1>, vector<16xi32>
        %broadcast_in_dim3A_181 = arith.constant true
        %broadcast_in_dim3A_182 = vector.broadcast %broadcast_in_dim3A_181 : i1 to vector<16xi1>
        %unique3A_183, %unique3A_184 = tpu.scan_count mask(%broadcast_in_dim3A_182 : vector<16xi1>) value(%get3A_153 : vector<16xi32>) : vector<16xi1>, vector<16xi32>
        %mul3A_185 = arith.constant 1024 : i32
        %mul3A_186 = arith.muli %add3A_51, %mul3A_185 : i32
        %mul3A_187 = arith.constant 8 : i32
        %mul3A_188 = arith.muli %scan3A_89, %mul3A_187 : i32
        %add3A_189 = arith.constant 0 : i32
        %add3A_190 = arith.addi %mul3A_188, %add3A_189 : i32
        %mul3A_191 = arith.constant 16 : i32
        %mul3A_192 = arith.muli %add3A_190, %mul3A_191 : i32
        %add3A_193 = arith.addi %mul3A_186, %mul3A_192 : i32
        %add3A_194 = vector.broadcast %add3A_193 : i32 to vector<16xi32>
        %add3A_195 = arith.addi %add3A_194, %iota3A : vector<16xi32>
        %sub3A = vector.broadcast %mul3A_2 : i32 to vector<16xi32>
        %sub3A_196 = arith.subi %get3A_97, %sub3A : vector<16xi32>
        %lt3A_197 = arith.constant 6704 : i32
        %lt3A_198 = vector.broadcast %lt3A_197 : i32 to vector<16xi32>
        %lt3A_199 = arith.cmpi ult, %sub3A_196, %lt3A_198 : vector<16xi32>
        %and3A = arith.andi %unique3A, %lt3A_199 : vector<16xi1>
        tpu.vector_store_idx %arg6[%sub3A_196], %add3A_195 masked %and3A : memref<6704xi32, #tpu.memory_space<vmem>>[vector<16xi32>], vector<16xi32>, vector<16xi1>
        %mul3A_200 = arith.constant 1024 : i32
        %mul3A_201 = arith.muli %add3A_51, %mul3A_200 : i32
        %mul3A_202 = arith.constant 8 : i32
        %mul3A_203 = arith.muli %scan3A_89, %mul3A_202 : i32
        %add3A_204 = arith.constant 1 : i32
        %add3A_205 = arith.addi %mul3A_203, %add3A_204 : i32
        %mul3A_206 = arith.constant 16 : i32
        %mul3A_207 = arith.muli %add3A_205, %mul3A_206 : i32
        %add3A_208 = arith.addi %mul3A_201, %mul3A_207 : i32
        %add3A_209 = vector.broadcast %add3A_208 : i32 to vector<16xi32>
        %add3A_210 = arith.addi %add3A_209, %iota3A : vector<16xi32>
        %sub3A_211 = vector.broadcast %mul3A_2 : i32 to vector<16xi32>
        %sub3A_212 = arith.subi %get3A_105, %sub3A_211 : vector<16xi32>
        %lt3A_213 = arith.constant 6704 : i32
        %lt3A_214 = vector.broadcast %lt3A_213 : i32 to vector<16xi32>
        %lt3A_215 = arith.cmpi ult, %sub3A_212, %lt3A_214 : vector<16xi32>
        %and3A_216 = arith.andi %unique3A_159, %lt3A_215 : vector<16xi1>
        tpu.vector_store_idx %arg6[%sub3A_212], %add3A_210 masked %and3A_216 : memref<6704xi32, #tpu.memory_space<vmem>>[vector<16xi32>], vector<16xi32>, vector<16xi1>
        %mul3A_217 = arith.constant 1024 : i32
        %mul3A_218 = arith.muli %add3A_51, %mul3A_217 : i32
        %mul3A_219 = arith.constant 8 : i32
        %mul3A_220 = arith.muli %scan3A_89, %mul3A_219 : i32
        %add3A_221 = arith.constant 2 : i32
        %add3A_222 = arith.addi %mul3A_220, %add3A_221 : i32
        %mul3A_223 = arith.constant 16 : i32
        %mul3A_224 = arith.muli %add3A_222, %mul3A_223 : i32
        %add3A_225 = arith.addi %mul3A_218, %mul3A_224 : i32
        %add3A_226 = vector.broadcast %add3A_225 : i32 to vector<16xi32>
        %add3A_227 = arith.addi %add3A_226, %iota3A : vector<16xi32>
        %sub3A_228 = vector.broadcast %mul3A_2 : i32 to vector<16xi32>
        %sub3A_229 = arith.subi %get3A_113, %sub3A_228 : vector<16xi32>
        %lt3A_230 = arith.constant 6704 : i32
        %lt3A_231 = vector.broadcast %lt3A_230 : i32 to vector<16xi32>
        %lt3A_232 = arith.cmpi ult, %sub3A_229, %lt3A_231 : vector<16xi32>
        %and3A_233 = arith.andi %unique3A_163, %lt3A_232 : vector<16xi1>
        tpu.vector_store_idx %arg6[%sub3A_229], %add3A_227 masked %and3A_233 : memref<6704xi32, #tpu.memory_space<vmem>>[vector<16xi32>], vector<16xi32>, vector<16xi1>
        %mul3A_234 = arith.constant 1024 : i32
        %mul3A_235 = arith.muli %add3A_51, %mul3A_234 : i32
        %mul3A_236 = arith.constant 8 : i32
        %mul3A_237 = arith.muli %scan3A_89, %mul3A_236 : i32
        %add3A_238 = arith.constant 3 : i32
        %add3A_239 = arith.addi %mul3A_237, %add3A_238 : i32
        %mul3A_240 = arith.constant 16 : i32
        %mul3A_241 = arith.muli %add3A_239, %mul3A_240 : i32
        %add3A_242 = arith.addi %mul3A_235, %mul3A_241 : i32
        %add3A_243 = vector.broadcast %add3A_242 : i32 to vector<16xi32>
        %add3A_244 = arith.addi %add3A_243, %iota3A : vector<16xi32>
        %sub3A_245 = vector.broadcast %mul3A_2 : i32 to vector<16xi32>
        %sub3A_246 = arith.subi %get3A_121, %sub3A_245 : vector<16xi32>
        %lt3A_247 = arith.constant 6704 : i32
        %lt3A_248 = vector.broadcast %lt3A_247 : i32 to vector<16xi32>
        %lt3A_249 = arith.cmpi ult, %sub3A_246, %lt3A_248 : vector<16xi32>
        %and3A_250 = arith.andi %unique3A_167, %lt3A_249 : vector<16xi1>
        tpu.vector_store_idx %arg6[%sub3A_246], %add3A_244 masked %and3A_250 : memref<6704xi32, #tpu.memory_space<vmem>>[vector<16xi32>], vector<16xi32>, vector<16xi1>
        %mul3A_251 = arith.constant 1024 : i32
        %mul3A_252 = arith.muli %add3A_51, %mul3A_251 : i32
        %mul3A_253 = arith.constant 8 : i32
        %mul3A_254 = arith.muli %scan3A_89, %mul3A_253 : i32
        %add3A_255 = arith.constant 4 : i32
        %add3A_256 = arith.addi %mul3A_254, %add3A_255 : i32
        %mul3A_257 = arith.constant 16 : i32
        %mul3A_258 = arith.muli %add3A_256, %mul3A_257 : i32
        %add3A_259 = arith.addi %mul3A_252, %mul3A_258 : i32
        %add3A_260 = vector.broadcast %add3A_259 : i32 to vector<16xi32>
        %add3A_261 = arith.addi %add3A_260, %iota3A : vector<16xi32>
        %sub3A_262 = vector.broadcast %mul3A_2 : i32 to vector<16xi32>
        %sub3A_263 = arith.subi %get3A_129, %sub3A_262 : vector<16xi32>
        %lt3A_264 = arith.constant 6704 : i32
        %lt3A_265 = vector.broadcast %lt3A_264 : i32 to vector<16xi32>
        %lt3A_266 = arith.cmpi ult, %sub3A_263, %lt3A_265 : vector<16xi32>
        %and3A_267 = arith.andi %unique3A_171, %lt3A_266 : vector<16xi1>
        tpu.vector_store_idx %arg6[%sub3A_263], %add3A_261 masked %and3A_267 : memref<6704xi32, #tpu.memory_space<vmem>>[vector<16xi32>], vector<16xi32>, vector<16xi1>
        %mul3A_268 = arith.constant 1024 : i32
        %mul3A_269 = arith.muli %add3A_51, %mul3A_268 : i32
        %mul3A_270 = arith.constant 8 : i32
        %mul3A_271 = arith.muli %scan3A_89, %mul3A_270 : i32
        %add3A_272 = arith.constant 5 : i32
        %add3A_273 = arith.addi %mul3A_271, %add3A_272 : i32
        %mul3A_274 = arith.constant 16 : i32
        %mul3A_275 = arith.muli %add3A_273, %mul3A_274 : i32
        %add3A_276 = arith.addi %mul3A_269, %mul3A_275 : i32
        %add3A_277 = vector.broadcast %add3A_276 : i32 to vector<16xi32>
        %add3A_278 = arith.addi %add3A_277, %iota3A : vector<16xi32>
        %sub3A_279 = vector.broadcast %mul3A_2 : i32 to vector<16xi32>
        %sub3A_280 = arith.subi %get3A_137, %sub3A_279 : vector<16xi32>
        %lt3A_281 = arith.constant 6704 : i32
        %lt3A_282 = vector.broadcast %lt3A_281 : i32 to vector<16xi32>
        %lt3A_283 = arith.cmpi ult, %sub3A_280, %lt3A_282 : vector<16xi32>
        %and3A_284 = arith.andi %unique3A_175, %lt3A_283 : vector<16xi1>
        tpu.vector_store_idx %arg6[%sub3A_280], %add3A_278 masked %and3A_284 : memref<6704xi32, #tpu.memory_space<vmem>>[vector<16xi32>], vector<16xi32>, vector<16xi1>
        %mul3A_285 = arith.constant 1024 : i32
        %mul3A_286 = arith.muli %add3A_51, %mul3A_285 : i32
        %mul3A_287 = arith.constant 8 : i32
        %mul3A_288 = arith.muli %scan3A_89, %mul3A_287 : i32
        %add3A_289 = arith.constant 6 : i32
        %add3A_290 = arith.addi %mul3A_288, %add3A_289 : i32
        %mul3A_291 = arith.constant 16 : i32
        %mul3A_292 = arith.muli %add3A_290, %mul3A_291 : i32
        %add3A_293 = arith.addi %mul3A_286, %mul3A_292 : i32
        %add3A_294 = vector.broadcast %add3A_293 : i32 to vector<16xi32>
        %add3A_295 = arith.addi %add3A_294, %iota3A : vector<16xi32>
        %sub3A_296 = vector.broadcast %mul3A_2 : i32 to vector<16xi32>
        %sub3A_297 = arith.subi %get3A_145, %sub3A_296 : vector<16xi32>
        %lt3A_298 = arith.constant 6704 : i32
        %lt3A_299 = vector.broadcast %lt3A_298 : i32 to vector<16xi32>
        %lt3A_300 = arith.cmpi ult, %sub3A_297, %lt3A_299 : vector<16xi32>
        %and3A_301 = arith.andi %unique3A_179, %lt3A_300 : vector<16xi1>
        tpu.vector_store_idx %arg6[%sub3A_297], %add3A_295 masked %and3A_301 : memref<6704xi32, #tpu.memory_space<vmem>>[vector<16xi32>], vector<16xi32>, vector<16xi1>
        %mul3A_302 = arith.constant 1024 : i32
        %mul3A_303 = arith.muli %add3A_51, %mul3A_302 : i32
        %mul3A_304 = arith.constant 8 : i32
        %mul3A_305 = arith.muli %scan3A_89, %mul3A_304 : i32
        %add3A_306 = arith.constant 7 : i32
        %add3A_307 = arith.addi %mul3A_305, %add3A_306 : i32
        %mul3A_308 = arith.constant 16 : i32
        %mul3A_309 = arith.muli %add3A_307, %mul3A_308 : i32
        %add3A_310 = arith.addi %mul3A_303, %mul3A_309 : i32
        %add3A_311 = vector.broadcast %add3A_310 : i32 to vector<16xi32>
        %add3A_312 = arith.addi %add3A_311, %iota3A : vector<16xi32>
        %sub3A_313 = vector.broadcast %mul3A_2 : i32 to vector<16xi32>
        %sub3A_314 = arith.subi %get3A_153, %sub3A_313 : vector<16xi32>
        %lt3A_315 = arith.constant 6704 : i32
        %lt3A_316 = vector.broadcast %lt3A_315 : i32 to vector<16xi32>
        %lt3A_317 = arith.cmpi ult, %sub3A_314, %lt3A_316 : vector<16xi32>
        %and3A_318 = arith.andi %unique3A_183, %lt3A_317 : vector<16xi1>
        tpu.vector_store_idx %arg6[%sub3A_314], %add3A_312 masked %and3A_318 : memref<6704xi32, #tpu.memory_space<vmem>>[vector<16xi32>], vector<16xi32>, vector<16xi1>
        %scan3A_319 = arith.constant 0 : i32
        scf.yield %scan3A_319 : i32
      }
      %scan3A_61 = arith.constant 8 : i32
      %add3A_62 = arith.constant 2 : i32
      %add3A_63 = arith.addi %add3A_51, %add3A_62 : i32
      %lt3A = arith.constant 118 : i32
      %lt3A_64 = arith.cmpi slt, %add3A_63, %lt3A : i32
      %convert_element_type3A = arith.extui %lt3A_64 : i1 to i32
      %cond3A = arith.constant 0 : i32
      %cond3A_65 = arith.cmpi ne, %convert_element_type3A, %cond3A : i32
      scf.if %cond3A_65 {
        %add3A_89 = arith.constant 2 : i32
        %add3A_90 = arith.addi %add3A_51, %add3A_89 : i32
        %mul3A_91 = arith.constant 1024 : i32
        %mul3A_92 = arith.muli %add3A_90, %mul3A_91 : i32
        %add3A_93 = arith.constant 0 : i32
        %add3A_94 = arith.addi %add3A_93, %mul3A_92 : i32
        %dma_start3A_95 = tpu.memref_slice %arg2[%add3A_94] : memref<120832xi32, #tpu.memory_space<hbm>> -> memref<1024xi32, #tpu.memory_space<hbm>>
        %dma_start3A_96 = tpu.memref_slice %arg2[%add3A_94] : memref<120832xi32, #tpu.memory_space<hbm>> -> memref<1024xi32, #tpu.memory_space<hbm>>
        tpu.enqueue_dma source(%dma_start3A_96 : memref<1024xi32, #tpu.memory_space<hbm>>) target(%arg4 : memref<1024xi32, #tpu.memory_space<vmem>>) target_semaphore(%arg7 : memref<!tpu.dma_semaphore, #tpu.memory_space<semaphore_mem>>)
      } else {
      }
      %mul3A_66 = arith.constant 2 : i32
      %mul3A_67 = arith.muli %mul3A_66, %scan3A_46 : i32
      %add3A_68 = arith.constant 1 : i32
      %add3A_69 = arith.addi %mul3A_67, %add3A_68 : i32
      %dma_wait3A_70 = arith.constant 0 : i32
      %dma_wait3A_71 = tpu.memref_slice %arg2[%dma_wait3A_70] : memref<120832xi32, #tpu.memory_space<hbm>> -> memref<1024xi32, #tpu.memory_space<hbm>>
      %dma_wait3A_72 = arith.constant 0 : i32
      %dma_wait3A_73 = tpu.memref_slice %arg2[%dma_wait3A_72] : memref<120832xi32, #tpu.memory_space<hbm>> -> memref<1024xi32, #tpu.memory_space<hbm>>
      tpu.wait_dma2 semaphore(%arg8 : memref<!tpu.dma_semaphore, #tpu.memory_space<semaphore_mem>>) src(%dma_wait3A_73 : memref<1024xi32, #tpu.memory_space<hbm>>) dst(%arg5 : memref<1024xi32, #tpu.memory_space<vmem>>)
      %scan3A_74 = arith.constant 0 : i32
      %scan3A_75 = arith.constant 0 : i32
      %scan3A_76 = arith.constant 8 : i32
      %scan3A_77 = arith.addi %scan3A_75, %scan3A_76 : i32
      %scan3A_78 = arith.constant 1 : i32
      %scan3A_79 = scf.for %scan3A_89 = %scan3A_75 to %scan3A_77 step %scan3A_78 iter_args(%scan3A_90 = %scan3A_74) -> (i32)  : i32 {
        %mul3A_91 = arith.constant 8 : i32
        %mul3A_92 = arith.muli %scan3A_89, %mul3A_91 : i32
        %add3A_93 = arith.constant 0 : i32
        %add3A_94 = arith.addi %mul3A_92, %add3A_93 : i32
        %mul3A_95 = arith.constant 16 : i32
        %mul3A_96 = arith.muli %add3A_94, %mul3A_95 : i32
        %get3A = arith.index_cast %mul3A_96 : i32 to index
        %get3A_97 = tpu.vector_load %arg5[%get3A] {strides = array<i32>} : memref<1024xi32, #tpu.memory_space<vmem>>, vector<16xi32>,
        %mul3A_98 = arith.constant 8 : i32
        %mul3A_99 = arith.muli %scan3A_89, %mul3A_98 : i32
        %add3A_100 = arith.constant 1 : i32
        %add3A_101 = arith.addi %mul3A_99, %add3A_100 : i32
        %mul3A_102 = arith.constant 16 : i32
        %mul3A_103 = arith.muli %add3A_101, %mul3A_102 : i32
        %get3A_104 = arith.index_cast %mul3A_103 : i32 to index
        %get3A_105 = tpu.vector_load %arg5[%get3A_104] {strides = array<i32>} : memref<1024xi32, #tpu.memory_space<vmem>>, vector<16xi32>,
        %mul3A_106 = arith.constant 8 : i32
        %mul3A_107 = arith.muli %scan3A_89, %mul3A_106 : i32
        %add3A_108 = arith.constant 2 : i32
        %add3A_109 = arith.addi %mul3A_107, %add3A_108 : i32
        %mul3A_110 = arith.constant 16 : i32
        %mul3A_111 = arith.muli %add3A_109, %mul3A_110 : i32
        %get3A_112 = arith.index_cast %mul3A_111 : i32 to index
        %get3A_113 = tpu.vector_load %arg5[%get3A_112] {strides = array<i32>} : memref<1024xi32, #tpu.memory_space<vmem>>, vector<16xi32>,
        %mul3A_114 = arith.constant 8 : i32
        %mul3A_115 = arith.muli %scan3A_89, %mul3A_114 : i32
        %add3A_116 = arith.constant 3 : i32
        %add3A_117 = arith.addi %mul3A_115, %add3A_116 : i32
        %mul3A_118 = arith.constant 16 : i32
        %mul3A_119 = arith.muli %add3A_117, %mul3A_118 : i32
        %get3A_120 = arith.index_cast %mul3A_119 : i32 to index
        %get3A_121 = tpu.vector_load %arg5[%get3A_120] {strides = array<i32>} : memref<1024xi32, #tpu.memory_space<vmem>>, vector<16xi32>,
        %mul3A_122 = arith.constant 8 : i32
        %mul3A_123 = arith.muli %scan3A_89, %mul3A_122 : i32
        %add3A_124 = arith.constant 4 : i32
        %add3A_125 = arith.addi %mul3A_123, %add3A_124 : i32
        %mul3A_126 = arith.constant 16 : i32
        %mul3A_127 = arith.muli %add3A_125, %mul3A_126 : i32
        %get3A_128 = arith.index_cast %mul3A_127 : i32 to index
        %get3A_129 = tpu.vector_load %arg5[%get3A_128] {strides = array<i32>} : memref<1024xi32, #tpu.memory_space<vmem>>, vector<16xi32>,
        %mul3A_130 = arith.constant 8 : i32
        %mul3A_131 = arith.muli %scan3A_89, %mul3A_130 : i32
        %add3A_132 = arith.constant 5 : i32
        %add3A_133 = arith.addi %mul3A_131, %add3A_132 : i32
        %mul3A_134 = arith.constant 16 : i32
        %mul3A_135 = arith.muli %add3A_133, %mul3A_134 : i32
        %get3A_136 = arith.index_cast %mul3A_135 : i32 to index
        %get3A_137 = tpu.vector_load %arg5[%get3A_136] {strides = array<i32>} : memref<1024xi32, #tpu.memory_space<vmem>>, vector<16xi32>,
        %mul3A_138 = arith.constant 8 : i32
        %mul3A_139 = arith.muli %scan3A_89, %mul3A_138 : i32
        %add3A_140 = arith.constant 6 : i32
        %add3A_141 = arith.addi %mul3A_139, %add3A_140 : i32
        %mul3A_142 = arith.constant 16 : i32
        %mul3A_143 = arith.muli %add3A_141, %mul3A_142 : i32
        %get3A_144 = arith.index_cast %mul3A_143 : i32 to index
        %get3A_145 = tpu.vector_load %arg5[%get3A_144] {strides = array<i32>} : memref<1024xi32, #tpu.memory_space<vmem>>, vector<16xi32>,
        %mul3A_146 = arith.constant 8 : i32
        %mul3A_147 = arith.muli %scan3A_89, %mul3A_146 : i32
        %add3A_148 = arith.constant 7 : i32
        %add3A_149 = arith.addi %mul3A_147, %add3A_148 : i32
        %mul3A_150 = arith.constant 16 : i32
        %mul3A_151 = arith.muli %add3A_149, %mul3A_150 : i32
        %get3A_152 = arith.index_cast %mul3A_151 : i32 to index
        %get3A_153 = tpu.vector_load %arg5[%get3A_152] {strides = array<i32>} : memref<1024xi32, #tpu.memory_space<vmem>>, vector<16xi32>,
        %broadcast_in_dim3A_154 = arith.constant true
        %broadcast_in_dim3A_155 = vector.broadcast %broadcast_in_dim3A_154 : i1 to vector<16xi1>
        %unique3A, %unique3A_156 = tpu.scan_count mask(%broadcast_in_dim3A_155 : vector<16xi1>) value(%get3A_97 : vector<16xi32>) : vector<16xi1>, vector<16xi32>
        %broadcast_in_dim3A_157 = arith.constant true
        %broadcast_in_dim3A_158 = vector.broadcast %broadcast_in_dim3A_157 : i1 to vector<16xi1>
        %unique3A_159, %unique3A_160 = tpu.scan_count mask(%broadcast_in_dim3A_158 : vector<16xi1>) value(%get3A_105 : vector<16xi32>) : vector<16xi1>, vector<16xi32>
        %broadcast_in_dim3A_161 = arith.constant true
        %broadcast_in_dim3A_162 = vector.broadcast %broadcast_in_dim3A_161 : i1 to vector<16xi1>
        %unique3A_163, %unique3A_164 = tpu.scan_count mask(%broadcast_in_dim3A_162 : vector<16xi1>) value(%get3A_113 : vector<16xi32>) : vector<16xi1>, vector<16xi32>
        %broadcast_in_dim3A_165 = arith.constant true
        %broadcast_in_dim3A_166 = vector.broadcast %broadcast_in_dim3A_165 : i1 to vector<16xi1>
        %unique3A_167, %unique3A_168 = tpu.scan_count mask(%broadcast_in_dim3A_166 : vector<16xi1>) value(%get3A_121 : vector<16xi32>) : vector<16xi1>, vector<16xi32>
        %broadcast_in_dim3A_169 = arith.constant true
        %broadcast_in_dim3A_170 = vector.broadcast %broadcast_in_dim3A_169 : i1 to vector<16xi1>
        %unique3A_171, %unique3A_172 = tpu.scan_count mask(%broadcast_in_dim3A_170 : vector<16xi1>) value(%get3A_129 : vector<16xi32>) : vector<16xi1>, vector<16xi32>
        %broadcast_in_dim3A_173 = arith.constant true
        %broadcast_in_dim3A_174 = vector.broadcast %broadcast_in_dim3A_173 : i1 to vector<16xi1>
        %unique3A_175, %unique3A_176 = tpu.scan_count mask(%broadcast_in_dim3A_174 : vector<16xi1>) value(%get3A_137 : vector<16xi32>) : vector<16xi1>, vector<16xi32>
        %broadcast_in_dim3A_177 = arith.constant true
        %broadcast_in_dim3A_178 = vector.broadcast %broadcast_in_dim3A_177 : i1 to vector<16xi1>
        %unique3A_179, %unique3A_180 = tpu.scan_count mask(%broadcast_in_dim3A_178 : vector<16xi1>) value(%get3A_145 : vector<16xi32>) : vector<16xi1>, vector<16xi32>
        %broadcast_in_dim3A_181 = arith.constant true
        %broadcast_in_dim3A_182 = vector.broadcast %broadcast_in_dim3A_181 : i1 to vector<16xi1>
        %unique3A_183, %unique3A_184 = tpu.scan_count mask(%broadcast_in_dim3A_182 : vector<16xi1>) value(%get3A_153 : vector<16xi32>) : vector<16xi1>, vector<16xi32>
        %mul3A_185 = arith.constant 1024 : i32
        %mul3A_186 = arith.muli %add3A_69, %mul3A_185 : i32
        %mul3A_187 = arith.constant 8 : i32
        %mul3A_188 = arith.muli %scan3A_89, %mul3A_187 : i32
        %add3A_189 = arith.constant 0 : i32
        %add3A_190 = arith.addi %mul3A_188, %add3A_189 : i32
        %mul3A_191 = arith.constant 16 : i32
        %mul3A_192 = arith.muli %add3A_190, %mul3A_191 : i32
        %add3A_193 = arith.addi %mul3A_186, %mul3A_192 : i32
        %add3A_194 = vector.broadcast %add3A_193 : i32 to vector<16xi32>
        %add3A_195 = arith.addi %add3A_194, %iota3A : vector<16xi32>
        %sub3A = vector.broadcast %mul3A_2 : i32 to vector<16xi32>
        %sub3A_196 = arith.subi %get3A_97, %sub3A : vector<16xi32>
        %lt3A_197 = arith.constant 6704 : i32
        %lt3A_198 = vector.broadcast %lt3A_197 : i32 to vector<16xi32>
        %lt3A_199 = arith.cmpi ult, %sub3A_196, %lt3A_198 : vector<16xi32>
        %and3A = arith.andi %unique3A, %lt3A_199 : vector<16xi1>
        tpu.vector_store_idx %arg6[%sub3A_196], %add3A_195 masked %and3A : memref<6704xi32, #tpu.memory_space<vmem>>[vector<16xi32>], vector<16xi32>, vector<16xi1>
        %mul3A_200 = arith.constant 1024 : i32
        %mul3A_201 = arith.muli %add3A_69, %mul3A_200 : i32
        %mul3A_202 = arith.constant 8 : i32
        %mul3A_203 = arith.muli %scan3A_89, %mul3A_202 : i32
        %add3A_204 = arith.constant 1 : i32
        %add3A_205 = arith.addi %mul3A_203, %add3A_204 : i32
        %mul3A_206 = arith.constant 16 : i32
        %mul3A_207 = arith.muli %add3A_205, %mul3A_206 : i32
        %add3A_208 = arith.addi %mul3A_201, %mul3A_207 : i32
        %add3A_209 = vector.broadcast %add3A_208 : i32 to vector<16xi32>
        %add3A_210 = arith.addi %add3A_209, %iota3A : vector<16xi32>
        %sub3A_211 = vector.broadcast %mul3A_2 : i32 to vector<16xi32>
        %sub3A_212 = arith.subi %get3A_105, %sub3A_211 : vector<16xi32>
        %lt3A_213 = arith.constant 6704 : i32
        %lt3A_214 = vector.broadcast %lt3A_213 : i32 to vector<16xi32>
        %lt3A_215 = arith.cmpi ult, %sub3A_212, %lt3A_214 : vector<16xi32>
        %and3A_216 = arith.andi %unique3A_159, %lt3A_215 : vector<16xi1>
        tpu.vector_store_idx %arg6[%sub3A_212], %add3A_210 masked %and3A_216 : memref<6704xi32, #tpu.memory_space<vmem>>[vector<16xi32>], vector<16xi32>, vector<16xi1>
        %mul3A_217 = arith.constant 1024 : i32
        %mul3A_218 = arith.muli %add3A_69, %mul3A_217 : i32
        %mul3A_219 = arith.constant 8 : i32
        %mul3A_220 = arith.muli %scan3A_89, %mul3A_219 : i32
        %add3A_221 = arith.constant 2 : i32
        %add3A_222 = arith.addi %mul3A_220, %add3A_221 : i32
        %mul3A_223 = arith.constant 16 : i32
        %mul3A_224 = arith.muli %add3A_222, %mul3A_223 : i32
        %add3A_225 = arith.addi %mul3A_218, %mul3A_224 : i32
        %add3A_226 = vector.broadcast %add3A_225 : i32 to vector<16xi32>
        %add3A_227 = arith.addi %add3A_226, %iota3A : vector<16xi32>
        %sub3A_228 = vector.broadcast %mul3A_2 : i32 to vector<16xi32>
        %sub3A_229 = arith.subi %get3A_113, %sub3A_228 : vector<16xi32>
        %lt3A_230 = arith.constant 6704 : i32
        %lt3A_231 = vector.broadcast %lt3A_230 : i32 to vector<16xi32>
        %lt3A_232 = arith.cmpi ult, %sub3A_229, %lt3A_231 : vector<16xi32>
        %and3A_233 = arith.andi %unique3A_163, %lt3A_232 : vector<16xi1>
        tpu.vector_store_idx %arg6[%sub3A_229], %add3A_227 masked %and3A_233 : memref<6704xi32, #tpu.memory_space<vmem>>[vector<16xi32>], vector<16xi32>, vector<16xi1>
        %mul3A_234 = arith.constant 1024 : i32
        %mul3A_235 = arith.muli %add3A_69, %mul3A_234 : i32
        %mul3A_236 = arith.constant 8 : i32
        %mul3A_237 = arith.muli %scan3A_89, %mul3A_236 : i32
        %add3A_238 = arith.constant 3 : i32
        %add3A_239 = arith.addi %mul3A_237, %add3A_238 : i32
        %mul3A_240 = arith.constant 16 : i32
        %mul3A_241 = arith.muli %add3A_239, %mul3A_240 : i32
        %add3A_242 = arith.addi %mul3A_235, %mul3A_241 : i32
        %add3A_243 = vector.broadcast %add3A_242 : i32 to vector<16xi32>
        %add3A_244 = arith.addi %add3A_243, %iota3A : vector<16xi32>
        %sub3A_245 = vector.broadcast %mul3A_2 : i32 to vector<16xi32>
        %sub3A_246 = arith.subi %get3A_121, %sub3A_245 : vector<16xi32>
        %lt3A_247 = arith.constant 6704 : i32
        %lt3A_248 = vector.broadcast %lt3A_247 : i32 to vector<16xi32>
        %lt3A_249 = arith.cmpi ult, %sub3A_246, %lt3A_248 : vector<16xi32>
        %and3A_250 = arith.andi %unique3A_167, %lt3A_249 : vector<16xi1>
        tpu.vector_store_idx %arg6[%sub3A_246], %add3A_244 masked %and3A_250 : memref<6704xi32, #tpu.memory_space<vmem>>[vector<16xi32>], vector<16xi32>, vector<16xi1>
        %mul3A_251 = arith.constant 1024 : i32
        %mul3A_252 = arith.muli %add3A_69, %mul3A_251 : i32
        %mul3A_253 = arith.constant 8 : i32
        %mul3A_254 = arith.muli %scan3A_89, %mul3A_253 : i32
        %add3A_255 = arith.constant 4 : i32
        %add3A_256 = arith.addi %mul3A_254, %add3A_255 : i32
        %mul3A_257 = arith.constant 16 : i32
        %mul3A_258 = arith.muli %add3A_256, %mul3A_257 : i32
        %add3A_259 = arith.addi %mul3A_252, %mul3A_258 : i32
        %add3A_260 = vector.broadcast %add3A_259 : i32 to vector<16xi32>
        %add3A_261 = arith.addi %add3A_260, %iota3A : vector<16xi32>
        %sub3A_262 = vector.broadcast %mul3A_2 : i32 to vector<16xi32>
        %sub3A_263 = arith.subi %get3A_129, %sub3A_262 : vector<16xi32>
        %lt3A_264 = arith.constant 6704 : i32
        %lt3A_265 = vector.broadcast %lt3A_264 : i32 to vector<16xi32>
        %lt3A_266 = arith.cmpi ult, %sub3A_263, %lt3A_265 : vector<16xi32>
        %and3A_267 = arith.andi %unique3A_171, %lt3A_266 : vector<16xi1>
        tpu.vector_store_idx %arg6[%sub3A_263], %add3A_261 masked %and3A_267 : memref<6704xi32, #tpu.memory_space<vmem>>[vector<16xi32>], vector<16xi32>, vector<16xi1>
        %mul3A_268 = arith.constant 1024 : i32
        %mul3A_269 = arith.muli %add3A_69, %mul3A_268 : i32
        %mul3A_270 = arith.constant 8 : i32
        %mul3A_271 = arith.muli %scan3A_89, %mul3A_270 : i32
        %add3A_272 = arith.constant 5 : i32
        %add3A_273 = arith.addi %mul3A_271, %add3A_272 : i32
        %mul3A_274 = arith.constant 16 : i32
        %mul3A_275 = arith.muli %add3A_273, %mul3A_274 : i32
        %add3A_276 = arith.addi %mul3A_269, %mul3A_275 : i32
        %add3A_277 = vector.broadcast %add3A_276 : i32 to vector<16xi32>
        %add3A_278 = arith.addi %add3A_277, %iota3A : vector<16xi32>
        %sub3A_279 = vector.broadcast %mul3A_2 : i32 to vector<16xi32>
        %sub3A_280 = arith.subi %get3A_137, %sub3A_279 : vector<16xi32>
        %lt3A_281 = arith.constant 6704 : i32
        %lt3A_282 = vector.broadcast %lt3A_281 : i32 to vector<16xi32>
        %lt3A_283 = arith.cmpi ult, %sub3A_280, %lt3A_282 : vector<16xi32>
        %and3A_284 = arith.andi %unique3A_175, %lt3A_283 : vector<16xi1>
        tpu.vector_store_idx %arg6[%sub3A_280], %add3A_278 masked %and3A_284 : memref<6704xi32, #tpu.memory_space<vmem>>[vector<16xi32>], vector<16xi32>, vector<16xi1>
        %mul3A_285 = arith.constant 1024 : i32
        %mul3A_286 = arith.muli %add3A_69, %mul3A_285 : i32
        %mul3A_287 = arith.constant 8 : i32
        %mul3A_288 = arith.muli %scan3A_89, %mul3A_287 : i32
        %add3A_289 = arith.constant 6 : i32
        %add3A_290 = arith.addi %mul3A_288, %add3A_289 : i32
        %mul3A_291 = arith.constant 16 : i32
        %mul3A_292 = arith.muli %add3A_290, %mul3A_291 : i32
        %add3A_293 = arith.addi %mul3A_286, %mul3A_292 : i32
        %add3A_294 = vector.broadcast %add3A_293 : i32 to vector<16xi32>
        %add3A_295 = arith.addi %add3A_294, %iota3A : vector<16xi32>
        %sub3A_296 = vector.broadcast %mul3A_2 : i32 to vector<16xi32>
        %sub3A_297 = arith.subi %get3A_145, %sub3A_296 : vector<16xi32>
        %lt3A_298 = arith.constant 6704 : i32
        %lt3A_299 = vector.broadcast %lt3A_298 : i32 to vector<16xi32>
        %lt3A_300 = arith.cmpi ult, %sub3A_297, %lt3A_299 : vector<16xi32>
        %and3A_301 = arith.andi %unique3A_179, %lt3A_300 : vector<16xi1>
        tpu.vector_store_idx %arg6[%sub3A_297], %add3A_295 masked %and3A_301 : memref<6704xi32, #tpu.memory_space<vmem>>[vector<16xi32>], vector<16xi32>, vector<16xi1>
        %mul3A_302 = arith.constant 1024 : i32
        %mul3A_303 = arith.muli %add3A_69, %mul3A_302 : i32
        %mul3A_304 = arith.constant 8 : i32
        %mul3A_305 = arith.muli %scan3A_89, %mul3A_304 : i32
        %add3A_306 = arith.constant 7 : i32
        %add3A_307 = arith.addi %mul3A_305, %add3A_306 : i32
        %mul3A_308 = arith.constant 16 : i32
        %mul3A_309 = arith.muli %add3A_307, %mul3A_308 : i32
        %add3A_310 = arith.addi %mul3A_303, %mul3A_309 : i32
        %add3A_311 = vector.broadcast %add3A_310 : i32 to vector<16xi32>
        %add3A_312 = arith.addi %add3A_311, %iota3A : vector<16xi32>
        %sub3A_313 = vector.broadcast %mul3A_2 : i32 to vector<16xi32>
        %sub3A_314 = arith.subi %get3A_153, %sub3A_313 : vector<16xi32>
        %lt3A_315 = arith.constant 6704 : i32
        %lt3A_316 = vector.broadcast %lt3A_315 : i32 to vector<16xi32>
        %lt3A_317 = arith.cmpi ult, %sub3A_314, %lt3A_316 : vector<16xi32>
        %and3A_318 = arith.andi %unique3A_183, %lt3A_317 : vector<16xi1>
        tpu.vector_store_idx %arg6[%sub3A_314], %add3A_312 masked %and3A_318 : memref<6704xi32, #tpu.memory_space<vmem>>[vector<16xi32>], vector<16xi32>, vector<16xi1>
        %scan3A_319 = arith.constant 0 : i32
        scf.yield %scan3A_319 : i32
      }
      %scan3A_80 = arith.constant 8 : i32
      %add3A_81 = arith.constant 2 : i32
      %add3A_82 = arith.addi %add3A_69, %add3A_81 : i32
      %lt3A_83 = arith.constant 118 : i32
      %lt3A_84 = arith.cmpi slt, %add3A_82, %lt3A_83 : i32
      %convert_element_type3A_85 = arith.extui %lt3A_84 : i1 to i32
      %cond3A_86 = arith.constant 0 : i32
      %cond3A_87 = arith.cmpi ne, %convert_element_type3A_85, %cond3A_86 : i32
      scf.if %cond3A_87 {
        %add3A_89 = arith.constant 2 : i32
        %add3A_90 = arith.addi %add3A_69, %add3A_89 : i32
        %mul3A_91 = arith.constant 1024 : i32
        %mul3A_92 = arith.muli %add3A_90, %mul3A_91 : i32
        %add3A_93 = arith.constant 0 : i32
        %add3A_94 = arith.addi %add3A_93, %mul3A_92 : i32
        %dma_start3A_95 = tpu.memref_slice %arg2[%add3A_94] : memref<120832xi32, #tpu.memory_space<hbm>> -> memref<1024xi32, #tpu.memory_space<hbm>>
        %dma_start3A_96 = tpu.memref_slice %arg2[%add3A_94] : memref<120832xi32, #tpu.memory_space<hbm>> -> memref<1024xi32, #tpu.memory_space<hbm>>
        tpu.enqueue_dma source(%dma_start3A_96 : memref<1024xi32, #tpu.memory_space<hbm>>) target(%arg5 : memref<1024xi32, #tpu.memory_space<vmem>>) target_semaphore(%arg8 : memref<!tpu.dma_semaphore, #tpu.memory_space<semaphore_mem>>)
      } else {
      }
      %scan3A_88 = arith.constant 0 : i32
      scf.yield %scan3A_88 : i32
    }
    %scan3A_43 = arith.constant 59 : i32
    %add3A_44 = arith.constant 0 : i32
    %add3A_45 = arith.addi %add3A_44, %mul3A_2 : i32
    "tpu.region"() ({
      %run_scoped3A = tpu.sem_alloc : memref<!tpu.dma_semaphore, #tpu.memory_space<semaphore_mem>>
      %dma_start3A_46 = tpu.memref_slice %arg3[%add3A_45] : memref<214528xi32, #tpu.memory_space<hbm>> -> memref<6704xi32, #tpu.memory_space<hbm>>
      %dma_start3A_47 = tpu.memref_slice %arg3[%add3A_45] : memref<214528xi32, #tpu.memory_space<hbm>> -> memref<6704xi32, #tpu.memory_space<hbm>>
      tpu.enqueue_dma source(%arg6 : memref<6704xi32, #tpu.memory_space<vmem>>) target(%dma_start3A_47 : memref<6704xi32, #tpu.memory_space<hbm>>) target_semaphore(%run_scoped3A : memref<!tpu.dma_semaphore, #tpu.memory_space<semaphore_mem>>)
      %dma_wait3A = tpu.memref_slice %arg3[%add3A_45] : memref<214528xi32, #tpu.memory_space<hbm>> -> memref<6704xi32, #tpu.memory_space<hbm>>
      %dma_wait3A_48 = tpu.memref_slice %arg3[%add3A_45] : memref<214528xi32, #tpu.memory_space<hbm>> -> memref<6704xi32, #tpu.memory_space<hbm>>
      tpu.wait_dma2 semaphore(%run_scoped3A : memref<!tpu.dma_semaphore, #tpu.memory_space<semaphore_mem>>) src(%arg6 : memref<6704xi32, #tpu.memory_space<vmem>>) dst(%dma_wait3A_48 : memref<6704xi32, #tpu.memory_space<hbm>>)
      tpu.yield
    }) : () -> ()
    return
  }
}

module attributes {stable_mosaic.version = 14 : i64} {
  func.func @_p1_body(%arg0: i32, %arg1: i32, %arg2: memref<1x8x2048xf32, #tpu.memory_space<vmem>>, %arg3: memref<64x8xf32, #tpu.memory_space<vmem>>, %arg4: memref<64x8xf32, #tpu.memory_space<vmem>>, %arg5: memref<1x64x8xf32, #tpu.memory_space<vmem>>, %arg6: memref<1x1x2048xi32, #tpu.memory_space<vmem>>, %arg7: memref<64x8xf32, #tpu.memory_space<vmem>>) attributes {dimension_semantics = [#tpu.dimension_semantics<arbitrary>, #tpu.dimension_semantics<arbitrary>], iteration_bounds = array<i64: 1, 59>, scalar_prefetch = 0 : i64, scratch_operands = 1 : i64, tpu.core_type = #tpu.core_type<tc>, window_params = [{transform_indices = @transform_0, window_bounds = array<i64: 1, 8, 2048>}, {pipeline_mode = #tpu.pipeline_mode<synchronous>, transform_indices = @transform_1, window_bounds = array<i64: 64, 8>}, {pipeline_mode = #tpu.pipeline_mode<synchronous>, transform_indices = @transform_2, window_bounds = array<i64: 64, 8>}, {transform_indices = @transform_3, window_bounds = array<i64: 1, 64, 8>}, {transform_indices = @transform_4, window_bounds = array<i64: 1, 1, 2048>}]} {
    %get3A = arith.constant 0 : index
    %get3A_0 = arith.constant 0 : index
    %get3A_1 = arith.constant 0 : index
    %get3A_2 = vector.load %arg2[%get3A, %get3A_0, %get3A_1] : memref<1x8x2048xf32, #tpu.memory_space<vmem>>, vector<1x8x2048xf32>
    %get3A_3 = vector.shape_cast %get3A_2 : vector<1x8x2048xf32> to vector<8x2048xf32>
    %slice3A = vector.extract_strided_slice %get3A_3 {offsets = [0, 0], sizes = [1, 2048], strides = [1, 1]} : vector<8x2048xf32> to vector<1x2048xf32>
    %slice3A_4 = vector.extract_strided_slice %get3A_3 {offsets = [1, 0], sizes = [1, 2048], strides = [1, 1]} : vector<8x2048xf32> to vector<1x2048xf32>
    %sub3A = arith.constant 0.000000e+00 : f32
    %sub3A_5 = vector.broadcast %sub3A : f32 to vector<1x2048xf32>
    %sub3A_6 = arith.subf %slice3A, %sub3A_5 : vector<1x2048xf32>
    %div3A = arith.constant 1.600000e-01 : f32
    %div3A_7 = vector.broadcast %div3A : f32 to vector<1x2048xf32>
    %div3A_8 = arith.divf %sub3A_6, %div3A_7 : vector<1x2048xf32>
    %convert_element_type3A = arith.fptosi %div3A_8 : vector<1x2048xf32> to vector<1x2048xi32>
    %sub3A_9 = arith.constant -3.968000e+01 : f32
    %sub3A_10 = vector.broadcast %sub3A_9 : f32 to vector<1x2048xf32>
    %sub3A_11 = arith.subf %slice3A_4, %sub3A_10 : vector<1x2048xf32>
    %div3A_12 = arith.constant 1.600000e-01 : f32
    %div3A_13 = vector.broadcast %div3A_12 : f32 to vector<1x2048xf32>
    %div3A_14 = arith.divf %sub3A_11, %div3A_13 : vector<1x2048xf32>
    %convert_element_type3A_15 = arith.fptosi %div3A_14 : vector<1x2048xf32> to vector<1x2048xi32>
    %ge3A = arith.constant 0 : i32
    %ge3A_16 = vector.broadcast %ge3A : i32 to vector<1x2048xi32>
    %ge3A_17 = arith.cmpi sge, %convert_element_type3A, %ge3A_16 : vector<1x2048xi32>
    %lt3A = arith.constant 432 : i32
    %lt3A_18 = vector.broadcast %lt3A : i32 to vector<1x2048xi32>
    %lt3A_19 = arith.cmpi slt, %convert_element_type3A, %lt3A_18 : vector<1x2048xi32>
    %and3A = arith.andi %ge3A_17, %lt3A_19 : vector<1x2048xi1>
    %ge3A_20 = arith.constant 0 : i32
    %ge3A_21 = vector.broadcast %ge3A_20 : i32 to vector<1x2048xi32>
    %ge3A_22 = arith.cmpi sge, %convert_element_type3A_15, %ge3A_21 : vector<1x2048xi32>
    %and3A_23 = arith.andi %and3A, %ge3A_22 : vector<1x2048xi1>
    %lt3A_24 = arith.constant 496 : i32
    %lt3A_25 = vector.broadcast %lt3A_24 : i32 to vector<1x2048xi32>
    %lt3A_26 = arith.cmpi slt, %convert_element_type3A_15, %lt3A_25 : vector<1x2048xi32>
    %and3A_27 = arith.andi %and3A_23, %lt3A_26 : vector<1x2048xi1>
    %convert_element_type3A_28 = arith.extui %and3A_27 : vector<1x2048xi1> to vector<1x2048xi32>
    %convert_element_type3A_29 = arith.sitofp %convert_element_type3A_28 : vector<1x2048xi32> to vector<1x2048xf32>
    %convert_element_type3A_30 = arith.sitofp %convert_element_type3A : vector<1x2048xi32> to vector<1x2048xf32>
    %mul3A = arith.constant 1.600000e-01 : f32
    %mul3A_31 = vector.broadcast %mul3A : f32 to vector<1x2048xf32>
    %mul3A_32 = arith.mulf %convert_element_type3A_30, %mul3A_31 : vector<1x2048xf32>
    %add3A = arith.constant 0.000000e+00 : f32
    %add3A_33 = vector.broadcast %add3A : f32 to vector<1x2048xf32>
    %add3A_34 = arith.addf %mul3A_32, %add3A_33 : vector<1x2048xf32>
    %add3A_35 = arith.constant 8.000000e-02 : f32
    %add3A_36 = vector.broadcast %add3A_35 : f32 to vector<1x2048xf32>
    %add3A_37 = arith.addf %add3A_34, %add3A_36 : vector<1x2048xf32>
    %convert_element_type3A_38 = arith.sitofp %convert_element_type3A_15 : vector<1x2048xi32> to vector<1x2048xf32>
    %mul3A_39 = arith.constant 1.600000e-01 : f32
    %mul3A_40 = vector.broadcast %mul3A_39 : f32 to vector<1x2048xf32>
    %mul3A_41 = arith.mulf %convert_element_type3A_38, %mul3A_40 : vector<1x2048xf32>
    %add3A_42 = arith.constant -3.968000e+01 : f32
    %add3A_43 = vector.broadcast %add3A_42 : f32 to vector<1x2048xf32>
    %add3A_44 = arith.addf %mul3A_41, %add3A_43 : vector<1x2048xf32>
    %add3A_45 = arith.constant 8.000000e-02 : f32
    %add3A_46 = vector.broadcast %add3A_45 : f32 to vector<1x2048xf32>
    %add3A_47 = arith.addf %add3A_44, %add3A_46 : vector<1x2048xf32>
    %sub3A_48 = arith.subf %slice3A, %add3A_37 : vector<1x2048xf32>
    %sub3A_49 = arith.subf %slice3A_4, %add3A_47 : vector<1x2048xf32>
    %slice3A_50 = vector.extract_strided_slice %get3A_3 {offsets = [0, 0], sizes = [5, 2048], strides = [1, 1]} : vector<8x2048xf32> to vector<5x2048xf32>
    %broadcast_in_dim3A = arith.constant 0.000000e+00 : f32
    %broadcast_in_dim3A_51 = vector.broadcast %broadcast_in_dim3A : f32 to vector<1x2048xf32>
    %concatenate3A = tpu.concatenate %slice3A_50, %sub3A_48, %sub3A_49, %broadcast_in_dim3A_51 in 0 : vector<5x2048xf32>, vector<1x2048xf32>, vector<1x2048xf32>, vector<1x2048xf32> -> vector<8x2048xf32>
    %mul3A_52 = arith.constant 432 : i32
    %mul3A_53 = vector.broadcast %mul3A_52 : i32 to vector<1x2048xi32>
    %mul3A_54 = arith.muli %convert_element_type3A_15, %mul3A_53 : vector<1x2048xi32>
    %add3A_55 = arith.addi %mul3A_54, %convert_element_type3A : vector<1x2048xi32>
    %jit3A = arith.constant 214272 : i32
    %broadcast_in_dim3A_56 = vector.broadcast %jit3A : i32 to vector<1x2048xi32>
    %select_n3A = arith.select %and3A_27, %add3A_55, %broadcast_in_dim3A_56 : vector<1x2048xi1>, vector<1x2048xi32>
    %get3A_57 = arith.constant 0 : index
    %get3A_58 = arith.constant 0 : index
    %get3A_59 = vector.load %arg3[%get3A_57, %get3A_58] : memref<64x8xf32, #tpu.memory_space<vmem>>, vector<64x8xf32>
    %dot_general3A = arith.constant dense<0.000000e+00> : vector<64x2048xf32>
    %dot_general3A_60 = tpu.matmul %get3A_59, %concatenate3A, %dot_general3A {dimension_numbers = #tpu.dot_dimension_numbers<[1], [0], [0], [1], [0, 0, 1, 1], [], []>, transpose_lhs_hint = false} : vector<64x8xf32>, vector<8x2048xf32>, vector<64x2048xf32> -> vector<64x2048xf32>
    %get3A_61 = arith.constant 0 : index
    %get3A_62 = arith.constant 0 : index
    %get3A_63 = vector.load %arg4[%get3A_61, %get3A_62] : memref<64x8xf32, #tpu.memory_space<vmem>>, vector<64x1xf32>
    %add3A_64 = vector.broadcast %get3A_63 : vector<64x1xf32> to vector<64x2048xf32>
    %add3A_65 = arith.addf %dot_general3A_60, %add3A_64 : vector<64x2048xf32>
    %eq3A = arith.constant 0 : i32
    %eq3A_66 = arith.cmpi eq, %arg1, %eq3A : i32
    %convert_element_type3A_67 = arith.extui %eq3A_66 : i1 to i32
    %cond3A = arith.constant 0 : i32
    %cond3A_68 = arith.cmpi ne, %convert_element_type3A_67, %cond3A : i32
    scf.if %cond3A_68 {
      %broadcast_in_dim3A_121 = arith.constant 0.000000e+00 : f32
      %broadcast_in_dim3A_122 = vector.broadcast %broadcast_in_dim3A_121 : f32 to vector<64x8xf32>
      %swap3A_123 = arith.constant 0 : index
      %swap3A_124 = arith.constant 0 : index
      %swap3A_125 = vector.load %arg7[%swap3A_123, %swap3A_124] : memref<64x8xf32, #tpu.memory_space<vmem>>, vector<64x8xf32>
      tpu.vector_store %arg7[%swap3A_123, %swap3A_124], %broadcast_in_dim3A_122 {strides = array<i32>} : memref<64x8xf32, #tpu.memory_space<vmem>>, vector<64x8xf32>,
    } else {
    }
    %get3A_69 = arith.constant 0 : index
    %get3A_70 = arith.constant 0 : index
    %get3A_71 = vector.load %arg7[%get3A_69, %get3A_70] : memref<64x8xf32, #tpu.memory_space<vmem>>, vector<64x1xf32>
    %mul3A_72 = vector.broadcast %convert_element_type3A_29 : vector<1x2048xf32> to vector<64x2048xf32>
    %mul3A_73 = arith.mulf %add3A_65, %mul3A_72 : vector<64x2048xf32>
    %reduce_sum3A = arith.constant dense<0.000000e+00> : vector<64xf32>
    %reduce_sum3A_74 = vector.multi_reduction <add>, %mul3A_73, %reduce_sum3A [1] : vector<64x2048xf32> to vector<64xf32>
    %broadcast_in_dim3A_75 = vector.shape_cast %reduce_sum3A_74 : vector<64xf32> to vector<64x1xf32>
    %add3A_76 = arith.addf %get3A_71, %broadcast_in_dim3A_75 : vector<64x1xf32>
    %swap3A = arith.constant 0 : index
    %swap3A_77 = arith.constant 0 : index
    %swap3A_78 = vector.load %arg7[%swap3A, %swap3A_77] : memref<64x8xf32, #tpu.memory_space<vmem>>, vector<64x1xf32>
    tpu.vector_store %arg7[%swap3A, %swap3A_77], %add3A_76 {strides = array<i32>} : memref<64x8xf32, #tpu.memory_space<vmem>>, vector<64x1xf32>,
    %get3A_79 = arith.constant 0 : index
    %get3A_80 = arith.constant 1 : index
    %get3A_81 = vector.load %arg7[%get3A_79, %get3A_80] : memref<64x8xf32, #tpu.memory_space<vmem>>, vector<64x1xf32>
    %mul3A_82 = arith.mulf %add3A_65, %add3A_65 : vector<64x2048xf32>
    %mul3A_83 = vector.broadcast %convert_element_type3A_29 : vector<1x2048xf32> to vector<64x2048xf32>
    %mul3A_84 = arith.mulf %mul3A_82, %mul3A_83 : vector<64x2048xf32>
    %reduce_sum3A_85 = arith.constant dense<0.000000e+00> : vector<64xf32>
    %reduce_sum3A_86 = vector.multi_reduction <add>, %mul3A_84, %reduce_sum3A_85 [1] : vector<64x2048xf32> to vector<64xf32>
    %broadcast_in_dim3A_87 = vector.shape_cast %reduce_sum3A_86 : vector<64xf32> to vector<64x1xf32>
    %add3A_88 = arith.addf %get3A_81, %broadcast_in_dim3A_87 : vector<64x1xf32>
    %swap3A_89 = arith.constant 0 : index
    %swap3A_90 = arith.constant 1 : index
    %swap3A_91 = vector.load %arg7[%swap3A_89, %swap3A_90] : memref<64x8xf32, #tpu.memory_space<vmem>>, vector<64x1xf32>
    tpu.vector_store %arg7[%swap3A_89, %swap3A_90], %add3A_88 {strides = array<i32>} : memref<64x8xf32, #tpu.memory_space<vmem>>, vector<64x1xf32>,
    %get3A_92 = arith.constant 0 : index
    %get3A_93 = arith.constant 2 : index
    %get3A_94 = vector.load %arg7[%get3A_92, %get3A_93] : memref<64x8xf32, #tpu.memory_space<vmem>>, vector<64x1xf32>
    %reduce_sum3A_95 = vector.shape_cast %convert_element_type3A_29 : vector<1x2048xf32> to vector<1x1x2048xf32>
    %reduce_sum3A_96 = arith.constant dense<0.000000e+00> : vector<1xf32>
    %reduce_sum3A_97 = vector.multi_reduction <add>, %reduce_sum3A_95, %reduce_sum3A_96 [1, 2] : vector<1x1x2048xf32> to vector<1xf32>
    %reduce_sum3A_98 = vector.shape_cast %reduce_sum3A_97 : vector<1xf32> to vector<1x1x1xf32>
    %reduce_sum3A_99 = vector.extract %reduce_sum3A_98[0, 0, 0] : f32 from vector<1x1x1xf32>
    %broadcast_in_dim3A_100 = arith.constant 1.000000e+00 : f32
    %broadcast_in_dim3A_101 = vector.broadcast %broadcast_in_dim3A_100 : f32 to vector<64x1xf32>
    %mul3A_102 = vector.broadcast %reduce_sum3A_99 : f32 to vector<64x1xf32>
    %mul3A_103 = arith.mulf %mul3A_102, %broadcast_in_dim3A_101 : vector<64x1xf32>
    %add3A_104 = arith.addf %get3A_94, %mul3A_103 : vector<64x1xf32>
    %swap3A_105 = arith.constant 0 : index
    %swap3A_106 = arith.constant 2 : index
    %swap3A_107 = vector.load %arg7[%swap3A_105, %swap3A_106] : memref<64x8xf32, #tpu.memory_space<vmem>>, vector<64x1xf32>
    tpu.vector_store %arg7[%swap3A_105, %swap3A_106], %add3A_104 {strides = array<i32>} : memref<64x8xf32, #tpu.memory_space<vmem>>, vector<64x1xf32>,
    %get3A_108 = arith.constant 0 : index
    %get3A_109 = arith.constant 0 : index
    %get3A_110 = vector.load %arg7[%get3A_108, %get3A_109] : memref<64x8xf32, #tpu.memory_space<vmem>>, vector<64x8xf32>
    %broadcast_in_dim3A_111 = vector.shape_cast %get3A_110 : vector<64x8xf32> to vector<1x64x8xf32>
    %swap3A_112 = arith.constant 0 : index
    %swap3A_113 = arith.constant 0 : index
    %swap3A_114 = arith.constant 0 : index
    %swap3A_115 = vector.load %arg5[%swap3A_112, %swap3A_113, %swap3A_114] : memref<1x64x8xf32, #tpu.memory_space<vmem>>, vector<1x64x8xf32>
    tpu.vector_store %arg5[%swap3A_112, %swap3A_113, %swap3A_114], %broadcast_in_dim3A_111 {strides = array<i32>} : memref<1x64x8xf32, #tpu.memory_space<vmem>>, vector<1x64x8xf32>,
    %broadcast_in_dim3A_116 = vector.shape_cast %select_n3A : vector<1x2048xi32> to vector<1x1x2048xi32>
    %swap3A_117 = arith.constant 0 : index
    %swap3A_118 = arith.constant 0 : index
    %swap3A_119 = arith.constant 0 : index
    %swap3A_120 = vector.load %arg6[%swap3A_117, %swap3A_118, %swap3A_119] : memref<1x1x2048xi32, #tpu.memory_space<vmem>>, vector<1x1x2048xi32>
    tpu.vector_store %arg6[%swap3A_117, %swap3A_118, %swap3A_119], %broadcast_in_dim3A_116 {strides = array<i32>} : memref<1x1x2048xi32, #tpu.memory_space<vmem>>, vector<1x1x2048xi32>,
    return
  }
  func.func @transform_0(%arg0: i32, %arg1: i32) -> (i32, i32, i32) {
    %c0_i32 = arith.constant 0 : i32
    %c0_i32_0 = arith.constant 0 : i32
    return %arg0, %c0_i32, %arg1 : i32, i32, i32
  }
  func.func @transform_1(%arg0: i32, %arg1: i32) -> (i32, i32) {
    %c0_i32 = arith.constant 0 : i32
    %c0_i32_0 = arith.constant 0 : i32
    %c0_i32_1 = arith.constant 0 : i32
    return %c0_i32, %c0_i32_0 : i32, i32
  }
  func.func @transform_2(%arg0: i32, %arg1: i32) -> (i32, i32) {
    %c0_i32 = arith.constant 0 : i32
    %c0_i32_0 = arith.constant 0 : i32
    %c0_i32_1 = arith.constant 0 : i32
    return %c0_i32, %c0_i32_0 : i32, i32
  }
  func.func @transform_3(%arg0: i32, %arg1: i32) -> (i32, i32, i32) {
    %c0_i32 = arith.constant 0 : i32
    %c0_i32_0 = arith.constant 0 : i32
    %c0_i32_1 = arith.constant 0 : i32
    return %arg0, %c0_i32, %c0_i32_0 : i32, i32, i32
  }
  func.func @transform_4(%arg0: i32, %arg1: i32) -> (i32, i32, i32) {
    %c0_i32 = arith.constant 0 : i32
    %c0_i32_0 = arith.constant 0 : i32
    return %arg0, %c0_i32, %arg1 : i32, i32, i32
  }
}

module attributes {stable_mosaic.version = 14 : i64} {
  func.func @_p2_body(%arg0: i32, %arg1: i32, %arg2: memref<1x8x2048xf32, #tpu.memory_space<vmem>>, %arg3: memref<64x8xf32, #tpu.memory_space<vmem>>, %arg4: memref<64x64xf32, #tpu.memory_space<vmem>>, %arg5: memref<64x8xf32, #tpu.memory_space<vmem>>, %arg6: memref<1x64x8xf32, #tpu.memory_space<vmem>>, %arg7: memref<1x64x8xf32, #tpu.memory_space<vmem>>, %arg8: memref<64x8xf32, #tpu.memory_space<vmem>>) attributes {dimension_semantics = [#tpu.dimension_semantics<arbitrary>, #tpu.dimension_semantics<arbitrary>], iteration_bounds = array<i64: 1, 59>, scalar_prefetch = 0 : i64, scratch_operands = 1 : i64, tpu.core_type = #tpu.core_type<tc>, window_params = [{transform_indices = @transform_0, window_bounds = array<i64: 1, 8, 2048>}, {pipeline_mode = #tpu.pipeline_mode<synchronous>, transform_indices = @transform_1, window_bounds = array<i64: 64, 8>}, {pipeline_mode = #tpu.pipeline_mode<synchronous>, transform_indices = @transform_2, window_bounds = array<i64: 64, 64>}, {pipeline_mode = #tpu.pipeline_mode<synchronous>, transform_indices = @transform_3, window_bounds = array<i64: 64, 8>}, {transform_indices = @transform_4, window_bounds = array<i64: 1, 64, 8>}, {transform_indices = @transform_5, window_bounds = array<i64: 1, 64, 8>}]} {
    %get3A = arith.constant 0 : index
    %get3A_0 = arith.constant 0 : index
    %get3A_1 = arith.constant 0 : index
    %get3A_2 = vector.load %arg2[%get3A, %get3A_0, %get3A_1] : memref<1x8x2048xf32, #tpu.memory_space<vmem>>, vector<1x8x2048xf32>
    %get3A_3 = vector.shape_cast %get3A_2 : vector<1x8x2048xf32> to vector<8x2048xf32>
    %slice3A = vector.extract_strided_slice %get3A_3 {offsets = [0, 0], sizes = [1, 2048], strides = [1, 1]} : vector<8x2048xf32> to vector<1x2048xf32>
    %slice3A_4 = vector.extract_strided_slice %get3A_3 {offsets = [1, 0], sizes = [1, 2048], strides = [1, 1]} : vector<8x2048xf32> to vector<1x2048xf32>
    %sub3A = arith.constant 0.000000e+00 : f32
    %sub3A_5 = vector.broadcast %sub3A : f32 to vector<1x2048xf32>
    %sub3A_6 = arith.subf %slice3A, %sub3A_5 : vector<1x2048xf32>
    %div3A = arith.constant 1.600000e-01 : f32
    %div3A_7 = vector.broadcast %div3A : f32 to vector<1x2048xf32>
    %div3A_8 = arith.divf %sub3A_6, %div3A_7 : vector<1x2048xf32>
    %convert_element_type3A = arith.fptosi %div3A_8 : vector<1x2048xf32> to vector<1x2048xi32>
    %sub3A_9 = arith.constant -3.968000e+01 : f32
    %sub3A_10 = vector.broadcast %sub3A_9 : f32 to vector<1x2048xf32>
    %sub3A_11 = arith.subf %slice3A_4, %sub3A_10 : vector<1x2048xf32>
    %div3A_12 = arith.constant 1.600000e-01 : f32
    %div3A_13 = vector.broadcast %div3A_12 : f32 to vector<1x2048xf32>
    %div3A_14 = arith.divf %sub3A_11, %div3A_13 : vector<1x2048xf32>
    %convert_element_type3A_15 = arith.fptosi %div3A_14 : vector<1x2048xf32> to vector<1x2048xi32>
    %ge3A = arith.constant 0 : i32
    %ge3A_16 = vector.broadcast %ge3A : i32 to vector<1x2048xi32>
    %ge3A_17 = arith.cmpi sge, %convert_element_type3A, %ge3A_16 : vector<1x2048xi32>
    %lt3A = arith.constant 432 : i32
    %lt3A_18 = vector.broadcast %lt3A : i32 to vector<1x2048xi32>
    %lt3A_19 = arith.cmpi slt, %convert_element_type3A, %lt3A_18 : vector<1x2048xi32>
    %and3A = arith.andi %ge3A_17, %lt3A_19 : vector<1x2048xi1>
    %ge3A_20 = arith.constant 0 : i32
    %ge3A_21 = vector.broadcast %ge3A_20 : i32 to vector<1x2048xi32>
    %ge3A_22 = arith.cmpi sge, %convert_element_type3A_15, %ge3A_21 : vector<1x2048xi32>
    %and3A_23 = arith.andi %and3A, %ge3A_22 : vector<1x2048xi1>
    %lt3A_24 = arith.constant 496 : i32
    %lt3A_25 = vector.broadcast %lt3A_24 : i32 to vector<1x2048xi32>
    %lt3A_26 = arith.cmpi slt, %convert_element_type3A_15, %lt3A_25 : vector<1x2048xi32>
    %and3A_27 = arith.andi %and3A_23, %lt3A_26 : vector<1x2048xi1>
    %convert_element_type3A_28 = arith.extui %and3A_27 : vector<1x2048xi1> to vector<1x2048xi32>
    %convert_element_type3A_29 = arith.sitofp %convert_element_type3A_28 : vector<1x2048xi32> to vector<1x2048xf32>
    %convert_element_type3A_30 = arith.sitofp %convert_element_type3A : vector<1x2048xi32> to vector<1x2048xf32>
    %mul3A = arith.constant 1.600000e-01 : f32
    %mul3A_31 = vector.broadcast %mul3A : f32 to vector<1x2048xf32>
    %mul3A_32 = arith.mulf %convert_element_type3A_30, %mul3A_31 : vector<1x2048xf32>
    %add3A = arith.constant 0.000000e+00 : f32
    %add3A_33 = vector.broadcast %add3A : f32 to vector<1x2048xf32>
    %add3A_34 = arith.addf %mul3A_32, %add3A_33 : vector<1x2048xf32>
    %add3A_35 = arith.constant 8.000000e-02 : f32
    %add3A_36 = vector.broadcast %add3A_35 : f32 to vector<1x2048xf32>
    %add3A_37 = arith.addf %add3A_34, %add3A_36 : vector<1x2048xf32>
    %convert_element_type3A_38 = arith.sitofp %convert_element_type3A_15 : vector<1x2048xi32> to vector<1x2048xf32>
    %mul3A_39 = arith.constant 1.600000e-01 : f32
    %mul3A_40 = vector.broadcast %mul3A_39 : f32 to vector<1x2048xf32>
    %mul3A_41 = arith.mulf %convert_element_type3A_38, %mul3A_40 : vector<1x2048xf32>
    %add3A_42 = arith.constant -3.968000e+01 : f32
    %add3A_43 = vector.broadcast %add3A_42 : f32 to vector<1x2048xf32>
    %add3A_44 = arith.addf %mul3A_41, %add3A_43 : vector<1x2048xf32>
    %add3A_45 = arith.constant 8.000000e-02 : f32
    %add3A_46 = vector.broadcast %add3A_45 : f32 to vector<1x2048xf32>
    %add3A_47 = arith.addf %add3A_44, %add3A_46 : vector<1x2048xf32>
    %sub3A_48 = arith.subf %slice3A, %add3A_37 : vector<1x2048xf32>
    %sub3A_49 = arith.subf %slice3A_4, %add3A_47 : vector<1x2048xf32>
    %slice3A_50 = vector.extract_strided_slice %get3A_3 {offsets = [0, 0], sizes = [5, 2048], strides = [1, 1]} : vector<8x2048xf32> to vector<5x2048xf32>
    %broadcast_in_dim3A = arith.constant 0.000000e+00 : f32
    %broadcast_in_dim3A_51 = vector.broadcast %broadcast_in_dim3A : f32 to vector<1x2048xf32>
    %concatenate3A = tpu.concatenate %slice3A_50, %sub3A_48, %sub3A_49, %broadcast_in_dim3A_51 in 0 : vector<5x2048xf32>, vector<1x2048xf32>, vector<1x2048xf32>, vector<1x2048xf32> -> vector<8x2048xf32>
    %get3A_52 = arith.constant 0 : index
    %get3A_53 = arith.constant 0 : index
    %get3A_54 = vector.load %arg3[%get3A_52, %get3A_53] : memref<64x8xf32, #tpu.memory_space<vmem>>, vector<64x8xf32>
    %dot_general3A = arith.constant dense<0.000000e+00> : vector<64x2048xf32>
    %dot_general3A_55 = tpu.matmul %get3A_54, %concatenate3A, %dot_general3A {dimension_numbers = #tpu.dot_dimension_numbers<[1], [0], [0], [1], [0, 0, 1, 1], [], []>, transpose_lhs_hint = false} : vector<64x8xf32>, vector<8x2048xf32>, vector<64x2048xf32> -> vector<64x2048xf32>
    %get3A_56 = arith.constant 0 : index
    %get3A_57 = arith.constant 0 : index
    %get3A_58 = vector.load %arg5[%get3A_56, %get3A_57] : memref<64x8xf32, #tpu.memory_space<vmem>>, vector<64x1xf32>
    %add3A_59 = vector.broadcast %get3A_58 : vector<64x1xf32> to vector<64x2048xf32>
    %add3A_60 = arith.addf %dot_general3A_55, %add3A_59 : vector<64x2048xf32>
    %get3A_61 = arith.constant 0 : index
    %get3A_62 = arith.constant 0 : index
    %get3A_63 = arith.constant 0 : index
    %get3A_64 = vector.load %arg6[%get3A_61, %get3A_62, %get3A_63] : memref<1x64x8xf32, #tpu.memory_space<vmem>>, vector<1x64x8xf32>
    %get3A_65 = vector.shape_cast %get3A_64 : vector<1x64x8xf32> to vector<64x8xf32>
    %get3A_66 = arith.constant 0 : index
    %get3A_67 = arith.constant 1 : index
    %get3A_68 = vector.load %arg5[%get3A_66, %get3A_67] : memref<64x8xf32, #tpu.memory_space<vmem>>, vector<64x1xf32>
    %get3A_69 = arith.constant 0 : index
    %get3A_70 = arith.constant 2 : index
    %get3A_71 = vector.load %arg5[%get3A_69, %get3A_70] : memref<64x8xf32, #tpu.memory_space<vmem>>, vector<64x1xf32>
    %slice3A_72 = vector.extract_strided_slice %get3A_65 {offsets = [0, 0], sizes = [64, 1], strides = [1, 1]} : vector<64x8xf32> to vector<64x1xf32>
    %slice3A_73 = vector.extract_strided_slice %get3A_65 {offsets = [0, 1], sizes = [64, 1], strides = [1, 1]} : vector<64x8xf32> to vector<64x1xf32>
    %slice3A_74 = vector.extract_strided_slice %get3A_65 {offsets = [0, 2], sizes = [64, 1], strides = [1, 1]} : vector<64x8xf32> to vector<64x1xf32>
    %div3A_75 = arith.divf %slice3A_72, %slice3A_74 : vector<64x1xf32>
    %div3A_76 = arith.divf %slice3A_73, %slice3A_74 : vector<64x1xf32>
    %mul3A_77 = arith.mulf %div3A_75, %div3A_75 : vector<64x1xf32>
    %sub3A_78 = arith.subf %div3A_76, %mul3A_77 : vector<64x1xf32>
    %add3A_79 = arith.constant 9.99999974E-6 : f32
    %add3A_80 = vector.broadcast %add3A_79 : f32 to vector<64x1xf32>
    %add3A_81 = arith.addf %sub3A_78, %add3A_80 : vector<64x1xf32>
    %sqrt3A = math.sqrt %add3A_81 : vector<64x1xf32>
    %div3A_82 = arith.divf %get3A_68, %sqrt3A : vector<64x1xf32>
    %mul3A_83 = arith.mulf %div3A_75, %div3A_82 : vector<64x1xf32>
    %sub3A_84 = arith.subf %get3A_71, %mul3A_83 : vector<64x1xf32>
    %mul3A_85 = vector.broadcast %div3A_82 : vector<64x1xf32> to vector<64x2048xf32>
    %mul3A_86 = arith.mulf %add3A_60, %mul3A_85 : vector<64x2048xf32>
    %add3A_87 = vector.broadcast %sub3A_84 : vector<64x1xf32> to vector<64x2048xf32>
    %add3A_88 = arith.addf %mul3A_86, %add3A_87 : vector<64x2048xf32>
    %max3A = arith.constant 0.000000e+00 : f32
    %max3A_89 = vector.broadcast %max3A : f32 to vector<64x2048xf32>
    %max3A_90 = arith.maximumf %add3A_88, %max3A_89 : vector<64x2048xf32>
    %get3A_91 = arith.constant 0 : index
    %get3A_92 = arith.constant 0 : index
    %get3A_93 = vector.load %arg4[%get3A_91, %get3A_92] : memref<64x64xf32, #tpu.memory_space<vmem>>, vector<64x64xf32>
    %dot_general3A_94 = arith.constant dense<0.000000e+00> : vector<64x2048xf32>
    %dot_general3A_95 = tpu.matmul %get3A_93, %max3A_90, %dot_general3A_94 {dimension_numbers = #tpu.dot_dimension_numbers<[1], [0], [0], [1], [0, 0, 1, 1], [], []>, transpose_lhs_hint = false} : vector<64x64xf32>, vector<64x2048xf32>, vector<64x2048xf32> -> vector<64x2048xf32>
    %get3A_96 = arith.constant 0 : index
    %get3A_97 = arith.constant 3 : index
    %get3A_98 = vector.load %arg5[%get3A_96, %get3A_97] : memref<64x8xf32, #tpu.memory_space<vmem>>, vector<64x1xf32>
    %add3A_99 = vector.broadcast %get3A_98 : vector<64x1xf32> to vector<64x2048xf32>
    %add3A_100 = arith.addf %dot_general3A_95, %add3A_99 : vector<64x2048xf32>
    %eq3A = arith.constant 0 : i32
    %eq3A_101 = arith.cmpi eq, %arg1, %eq3A : i32
    %convert_element_type3A_102 = arith.extui %eq3A_101 : i1 to i32
    %cond3A = arith.constant 0 : i32
    %cond3A_103 = arith.cmpi ne, %convert_element_type3A_102, %cond3A : i32
    scf.if %cond3A_103 {
      %broadcast_in_dim3A_151 = arith.constant 0.000000e+00 : f32
      %broadcast_in_dim3A_152 = vector.broadcast %broadcast_in_dim3A_151 : f32 to vector<64x8xf32>
      %swap3A_153 = arith.constant 0 : index
      %swap3A_154 = arith.constant 0 : index
      %swap3A_155 = vector.load %arg8[%swap3A_153, %swap3A_154] : memref<64x8xf32, #tpu.memory_space<vmem>>, vector<64x8xf32>
      tpu.vector_store %arg8[%swap3A_153, %swap3A_154], %broadcast_in_dim3A_152 {strides = array<i32>} : memref<64x8xf32, #tpu.memory_space<vmem>>, vector<64x8xf32>,
    } else {
    }
    %get3A_104 = arith.constant 0 : index
    %get3A_105 = arith.constant 0 : index
    %get3A_106 = vector.load %arg8[%get3A_104, %get3A_105] : memref<64x8xf32, #tpu.memory_space<vmem>>, vector<64x1xf32>
    %mul3A_107 = vector.broadcast %convert_element_type3A_29 : vector<1x2048xf32> to vector<64x2048xf32>
    %mul3A_108 = arith.mulf %add3A_100, %mul3A_107 : vector<64x2048xf32>
    %reduce_sum3A = arith.constant dense<0.000000e+00> : vector<64xf32>
    %reduce_sum3A_109 = vector.multi_reduction <add>, %mul3A_108, %reduce_sum3A [1] : vector<64x2048xf32> to vector<64xf32>
    %broadcast_in_dim3A_110 = vector.shape_cast %reduce_sum3A_109 : vector<64xf32> to vector<64x1xf32>
    %add3A_111 = arith.addf %get3A_106, %broadcast_in_dim3A_110 : vector<64x1xf32>
    %swap3A = arith.constant 0 : index
    %swap3A_112 = arith.constant 0 : index
    %swap3A_113 = vector.load %arg8[%swap3A, %swap3A_112] : memref<64x8xf32, #tpu.memory_space<vmem>>, vector<64x1xf32>
    tpu.vector_store %arg8[%swap3A, %swap3A_112], %add3A_111 {strides = array<i32>} : memref<64x8xf32, #tpu.memory_space<vmem>>, vector<64x1xf32>,
    %get3A_114 = arith.constant 0 : index
    %get3A_115 = arith.constant 1 : index
    %get3A_116 = vector.load %arg8[%get3A_114, %get3A_115] : memref<64x8xf32, #tpu.memory_space<vmem>>, vector<64x1xf32>
    %mul3A_117 = arith.mulf %add3A_100, %add3A_100 : vector<64x2048xf32>
    %mul3A_118 = vector.broadcast %convert_element_type3A_29 : vector<1x2048xf32> to vector<64x2048xf32>
    %mul3A_119 = arith.mulf %mul3A_117, %mul3A_118 : vector<64x2048xf32>
    %reduce_sum3A_120 = arith.constant dense<0.000000e+00> : vector<64xf32>
    %reduce_sum3A_121 = vector.multi_reduction <add>, %mul3A_119, %reduce_sum3A_120 [1] : vector<64x2048xf32> to vector<64xf32>
    %broadcast_in_dim3A_122 = vector.shape_cast %reduce_sum3A_121 : vector<64xf32> to vector<64x1xf32>
    %add3A_123 = arith.addf %get3A_116, %broadcast_in_dim3A_122 : vector<64x1xf32>
    %swap3A_124 = arith.constant 0 : index
    %swap3A_125 = arith.constant 1 : index
    %swap3A_126 = vector.load %arg8[%swap3A_124, %swap3A_125] : memref<64x8xf32, #tpu.memory_space<vmem>>, vector<64x1xf32>
    tpu.vector_store %arg8[%swap3A_124, %swap3A_125], %add3A_123 {strides = array<i32>} : memref<64x8xf32, #tpu.memory_space<vmem>>, vector<64x1xf32>,
    %get3A_127 = arith.constant 0 : index
    %get3A_128 = arith.constant 2 : index
    %get3A_129 = vector.load %arg8[%get3A_127, %get3A_128] : memref<64x8xf32, #tpu.memory_space<vmem>>, vector<64x1xf32>
    %reduce_sum3A_130 = vector.shape_cast %convert_element_type3A_29 : vector<1x2048xf32> to vector<1x1x2048xf32>
    %reduce_sum3A_131 = arith.constant dense<0.000000e+00> : vector<1xf32>
    %reduce_sum3A_132 = vector.multi_reduction <add>, %reduce_sum3A_130, %reduce_sum3A_131 [1, 2] : vector<1x1x2048xf32> to vector<1xf32>
    %reduce_sum3A_133 = vector.shape_cast %reduce_sum3A_132 : vector<1xf32> to vector<1x1x1xf32>
    %reduce_sum3A_134 = vector.extract %reduce_sum3A_133[0, 0, 0] : f32 from vector<1x1x1xf32>
    %broadcast_in_dim3A_135 = arith.constant 1.000000e+00 : f32
    %broadcast_in_dim3A_136 = vector.broadcast %broadcast_in_dim3A_135 : f32 to vector<64x1xf32>
    %mul3A_137 = vector.broadcast %reduce_sum3A_134 : f32 to vector<64x1xf32>
    %mul3A_138 = arith.mulf %mul3A_137, %broadcast_in_dim3A_136 : vector<64x1xf32>
    %add3A_139 = arith.addf %get3A_129, %mul3A_138 : vector<64x1xf32>
    %swap3A_140 = arith.constant 0 : index
    %swap3A_141 = arith.constant 2 : index
    %swap3A_142 = vector.load %arg8[%swap3A_140, %swap3A_141] : memref<64x8xf32, #tpu.memory_space<vmem>>, vector<64x1xf32>
    tpu.vector_store %arg8[%swap3A_140, %swap3A_141], %add3A_139 {strides = array<i32>} : memref<64x8xf32, #tpu.memory_space<vmem>>, vector<64x1xf32>,
    %get3A_143 = arith.constant 0 : index
    %get3A_144 = arith.constant 0 : index
    %get3A_145 = vector.load %arg8[%get3A_143, %get3A_144] : memref<64x8xf32, #tpu.memory_space<vmem>>, vector<64x8xf32>
    %broadcast_in_dim3A_146 = vector.shape_cast %get3A_145 : vector<64x8xf32> to vector<1x64x8xf32>
    %swap3A_147 = arith.constant 0 : index
    %swap3A_148 = arith.constant 0 : index
    %swap3A_149 = arith.constant 0 : index
    %swap3A_150 = vector.load %arg7[%swap3A_147, %swap3A_148, %swap3A_149] : memref<1x64x8xf32, #tpu.memory_space<vmem>>, vector<1x64x8xf32>
    tpu.vector_store %arg7[%swap3A_147, %swap3A_148, %swap3A_149], %broadcast_in_dim3A_146 {strides = array<i32>} : memref<1x64x8xf32, #tpu.memory_space<vmem>>, vector<1x64x8xf32>,
    return
  }
  func.func @transform_0(%arg0: i32, %arg1: i32) -> (i32, i32, i32) {
    %c0_i32 = arith.constant 0 : i32
    %c0_i32_0 = arith.constant 0 : i32
    return %arg0, %c0_i32, %arg1 : i32, i32, i32
  }
  func.func @transform_1(%arg0: i32, %arg1: i32) -> (i32, i32) {
    %c0_i32 = arith.constant 0 : i32
    %c0_i32_0 = arith.constant 0 : i32
    %c0_i32_1 = arith.constant 0 : i32
    return %c0_i32, %c0_i32_0 : i32, i32
  }
  func.func @transform_2(%arg0: i32, %arg1: i32) -> (i32, i32) {
    %c0_i32 = arith.constant 0 : i32
    %c0_i32_0 = arith.constant 0 : i32
    %c0_i32_1 = arith.constant 0 : i32
    return %c0_i32, %c0_i32_0 : i32, i32
  }
  func.func @transform_3(%arg0: i32, %arg1: i32) -> (i32, i32) {
    %c0_i32 = arith.constant 0 : i32
    %c0_i32_0 = arith.constant 0 : i32
    %c0_i32_1 = arith.constant 0 : i32
    return %c0_i32, %c0_i32_0 : i32, i32
  }
  func.func @transform_4(%arg0: i32, %arg1: i32) -> (i32, i32, i32) {
    %c0_i32 = arith.constant 0 : i32
    %c0_i32_0 = arith.constant 0 : i32
    %c0_i32_1 = arith.constant 0 : i32
    return %arg0, %c0_i32, %c0_i32_0 : i32, i32, i32
  }
  func.func @transform_5(%arg0: i32, %arg1: i32) -> (i32, i32, i32) {
    %c0_i32 = arith.constant 0 : i32
    %c0_i32_0 = arith.constant 0 : i32
    %c0_i32_1 = arith.constant 0 : i32
    return %arg0, %c0_i32, %c0_i32_0 : i32, i32, i32
  }
}

module attributes {stable_mosaic.version = 14 : i64} {
  func.func @_p3_body(%arg0: i32, %arg1: i32, %arg2: memref<1x8x2048xf32, #tpu.memory_space<vmem>>, %arg3: memref<64x8xf32, #tpu.memory_space<vmem>>, %arg4: memref<64x64xf32, #tpu.memory_space<vmem>>, %arg5: memref<128x64xf32, #tpu.memory_space<vmem>>, %arg6: memref<64x8xf32, #tpu.memory_space<vmem>>, %arg7: memref<128x8xf32, #tpu.memory_space<vmem>>, %arg8: memref<1x64x8xf32, #tpu.memory_space<vmem>>, %arg9: memref<1x64x8xf32, #tpu.memory_space<vmem>>, %arg10: memref<1x64x2048xi32, #tpu.memory_space<vmem>>) attributes {dimension_semantics = [#tpu.dimension_semantics<arbitrary>, #tpu.dimension_semantics<arbitrary>], iteration_bounds = array<i64: 1, 59>, scalar_prefetch = 0 : i64, scratch_operands = 0 : i64, tpu.core_type = #tpu.core_type<tc>, window_params = [{transform_indices = @transform_0, window_bounds = array<i64: 1, 8, 2048>}, {pipeline_mode = #tpu.pipeline_mode<synchronous>, transform_indices = @transform_1, window_bounds = array<i64: 64, 8>}, {pipeline_mode = #tpu.pipeline_mode<synchronous>, transform_indices = @transform_2, window_bounds = array<i64: 64, 64>}, {pipeline_mode = #tpu.pipeline_mode<synchronous>, transform_indices = @transform_3, window_bounds = array<i64: 128, 64>}, {pipeline_mode = #tpu.pipeline_mode<synchronous>, transform_indices = @transform_4, window_bounds = array<i64: 64, 8>}, {pipeline_mode = #tpu.pipeline_mode<synchronous>, transform_indices = @transform_5, window_bounds = array<i64: 128, 8>}, {transform_indices = @transform_6, window_bounds = array<i64: 1, 64, 8>}, {transform_indices = @transform_7, window_bounds = array<i64: 1, 64, 8>}, {transform_indices = @transform_8, window_bounds = array<i64: 1, 64, 2048>}]} {
    %get3A = arith.constant 0 : index
    %get3A_0 = arith.constant 0 : index
    %get3A_1 = arith.constant 0 : index
    %get3A_2 = vector.load %arg2[%get3A, %get3A_0, %get3A_1] : memref<1x8x2048xf32, #tpu.memory_space<vmem>>, vector<1x8x2048xf32>
    %get3A_3 = vector.shape_cast %get3A_2 : vector<1x8x2048xf32> to vector<8x2048xf32>
    %slice3A = vector.extract_strided_slice %get3A_3 {offsets = [0, 0], sizes = [1, 2048], strides = [1, 1]} : vector<8x2048xf32> to vector<1x2048xf32>
    %slice3A_4 = vector.extract_strided_slice %get3A_3 {offsets = [1, 0], sizes = [1, 2048], strides = [1, 1]} : vector<8x2048xf32> to vector<1x2048xf32>
    %sub3A = arith.constant 0.000000e+00 : f32
    %sub3A_5 = vector.broadcast %sub3A : f32 to vector<1x2048xf32>
    %sub3A_6 = arith.subf %slice3A, %sub3A_5 : vector<1x2048xf32>
    %div3A = arith.constant 1.600000e-01 : f32
    %div3A_7 = vector.broadcast %div3A : f32 to vector<1x2048xf32>
    %div3A_8 = arith.divf %sub3A_6, %div3A_7 : vector<1x2048xf32>
    %convert_element_type3A = arith.fptosi %div3A_8 : vector<1x2048xf32> to vector<1x2048xi32>
    %sub3A_9 = arith.constant -3.968000e+01 : f32
    %sub3A_10 = vector.broadcast %sub3A_9 : f32 to vector<1x2048xf32>
    %sub3A_11 = arith.subf %slice3A_4, %sub3A_10 : vector<1x2048xf32>
    %div3A_12 = arith.constant 1.600000e-01 : f32
    %div3A_13 = vector.broadcast %div3A_12 : f32 to vector<1x2048xf32>
    %div3A_14 = arith.divf %sub3A_11, %div3A_13 : vector<1x2048xf32>
    %convert_element_type3A_15 = arith.fptosi %div3A_14 : vector<1x2048xf32> to vector<1x2048xi32>
    %convert_element_type3A_16 = arith.sitofp %convert_element_type3A : vector<1x2048xi32> to vector<1x2048xf32>
    %mul3A = arith.constant 1.600000e-01 : f32
    %mul3A_17 = vector.broadcast %mul3A : f32 to vector<1x2048xf32>
    %mul3A_18 = arith.mulf %convert_element_type3A_16, %mul3A_17 : vector<1x2048xf32>
    %add3A = arith.constant 0.000000e+00 : f32
    %add3A_19 = vector.broadcast %add3A : f32 to vector<1x2048xf32>
    %add3A_20 = arith.addf %mul3A_18, %add3A_19 : vector<1x2048xf32>
    %add3A_21 = arith.constant 8.000000e-02 : f32
    %add3A_22 = vector.broadcast %add3A_21 : f32 to vector<1x2048xf32>
    %add3A_23 = arith.addf %add3A_20, %add3A_22 : vector<1x2048xf32>
    %convert_element_type3A_24 = arith.sitofp %convert_element_type3A_15 : vector<1x2048xi32> to vector<1x2048xf32>
    %mul3A_25 = arith.constant 1.600000e-01 : f32
    %mul3A_26 = vector.broadcast %mul3A_25 : f32 to vector<1x2048xf32>
    %mul3A_27 = arith.mulf %convert_element_type3A_24, %mul3A_26 : vector<1x2048xf32>
    %add3A_28 = arith.constant -3.968000e+01 : f32
    %add3A_29 = vector.broadcast %add3A_28 : f32 to vector<1x2048xf32>
    %add3A_30 = arith.addf %mul3A_27, %add3A_29 : vector<1x2048xf32>
    %add3A_31 = arith.constant 8.000000e-02 : f32
    %add3A_32 = vector.broadcast %add3A_31 : f32 to vector<1x2048xf32>
    %add3A_33 = arith.addf %add3A_30, %add3A_32 : vector<1x2048xf32>
    %sub3A_34 = arith.subf %slice3A, %add3A_23 : vector<1x2048xf32>
    %sub3A_35 = arith.subf %slice3A_4, %add3A_33 : vector<1x2048xf32>
    %slice3A_36 = vector.extract_strided_slice %get3A_3 {offsets = [0, 0], sizes = [5, 2048], strides = [1, 1]} : vector<8x2048xf32> to vector<5x2048xf32>
    %broadcast_in_dim3A = arith.constant 0.000000e+00 : f32
    %broadcast_in_dim3A_37 = vector.broadcast %broadcast_in_dim3A : f32 to vector<1x2048xf32>
    %concatenate3A = tpu.concatenate %slice3A_36, %sub3A_34, %sub3A_35, %broadcast_in_dim3A_37 in 0 : vector<5x2048xf32>, vector<1x2048xf32>, vector<1x2048xf32>, vector<1x2048xf32> -> vector<8x2048xf32>
    %get3A_38 = arith.constant 0 : index
    %get3A_39 = arith.constant 0 : index
    %get3A_40 = vector.load %arg3[%get3A_38, %get3A_39] : memref<64x8xf32, #tpu.memory_space<vmem>>, vector<64x8xf32>
    %dot_general3A = arith.constant dense<0.000000e+00> : vector<64x2048xf32>
    %dot_general3A_41 = tpu.matmul %get3A_40, %concatenate3A, %dot_general3A {dimension_numbers = #tpu.dot_dimension_numbers<[1], [0], [0], [1], [0, 0, 1, 1], [], []>, transpose_lhs_hint = false} : vector<64x8xf32>, vector<8x2048xf32>, vector<64x2048xf32> -> vector<64x2048xf32>
    %get3A_42 = arith.constant 0 : index
    %get3A_43 = arith.constant 0 : index
    %get3A_44 = vector.load %arg6[%get3A_42, %get3A_43] : memref<64x8xf32, #tpu.memory_space<vmem>>, vector<64x1xf32>
    %add3A_45 = vector.broadcast %get3A_44 : vector<64x1xf32> to vector<64x2048xf32>
    %add3A_46 = arith.addf %dot_general3A_41, %add3A_45 : vector<64x2048xf32>
    %get3A_47 = arith.constant 0 : index
    %get3A_48 = arith.constant 0 : index
    %get3A_49 = arith.constant 0 : index
    %get3A_50 = vector.load %arg8[%get3A_47, %get3A_48, %get3A_49] : memref<1x64x8xf32, #tpu.memory_space<vmem>>, vector<1x64x8xf32>
    %get3A_51 = vector.shape_cast %get3A_50 : vector<1x64x8xf32> to vector<64x8xf32>
    %get3A_52 = arith.constant 0 : index
    %get3A_53 = arith.constant 1 : index
    %get3A_54 = vector.load %arg6[%get3A_52, %get3A_53] : memref<64x8xf32, #tpu.memory_space<vmem>>, vector<64x1xf32>
    %get3A_55 = arith.constant 0 : index
    %get3A_56 = arith.constant 2 : index
    %get3A_57 = vector.load %arg6[%get3A_55, %get3A_56] : memref<64x8xf32, #tpu.memory_space<vmem>>, vector<64x1xf32>
    %slice3A_58 = vector.extract_strided_slice %get3A_51 {offsets = [0, 0], sizes = [64, 1], strides = [1, 1]} : vector<64x8xf32> to vector<64x1xf32>
    %slice3A_59 = vector.extract_strided_slice %get3A_51 {offsets = [0, 1], sizes = [64, 1], strides = [1, 1]} : vector<64x8xf32> to vector<64x1xf32>
    %slice3A_60 = vector.extract_strided_slice %get3A_51 {offsets = [0, 2], sizes = [64, 1], strides = [1, 1]} : vector<64x8xf32> to vector<64x1xf32>
    %div3A_61 = arith.divf %slice3A_58, %slice3A_60 : vector<64x1xf32>
    %div3A_62 = arith.divf %slice3A_59, %slice3A_60 : vector<64x1xf32>
    %mul3A_63 = arith.mulf %div3A_61, %div3A_61 : vector<64x1xf32>
    %sub3A_64 = arith.subf %div3A_62, %mul3A_63 : vector<64x1xf32>
    %add3A_65 = arith.constant 9.99999974E-6 : f32
    %add3A_66 = vector.broadcast %add3A_65 : f32 to vector<64x1xf32>
    %add3A_67 = arith.addf %sub3A_64, %add3A_66 : vector<64x1xf32>
    %sqrt3A = math.sqrt %add3A_67 : vector<64x1xf32>
    %div3A_68 = arith.divf %get3A_54, %sqrt3A : vector<64x1xf32>
    %mul3A_69 = arith.mulf %div3A_61, %div3A_68 : vector<64x1xf32>
    %sub3A_70 = arith.subf %get3A_57, %mul3A_69 : vector<64x1xf32>
    %mul3A_71 = vector.broadcast %div3A_68 : vector<64x1xf32> to vector<64x2048xf32>
    %mul3A_72 = arith.mulf %add3A_46, %mul3A_71 : vector<64x2048xf32>
    %add3A_73 = vector.broadcast %sub3A_70 : vector<64x1xf32> to vector<64x2048xf32>
    %add3A_74 = arith.addf %mul3A_72, %add3A_73 : vector<64x2048xf32>
    %max3A = arith.constant 0.000000e+00 : f32
    %max3A_75 = vector.broadcast %max3A : f32 to vector<64x2048xf32>
    %max3A_76 = arith.maximumf %add3A_74, %max3A_75 : vector<64x2048xf32>
    %get3A_77 = arith.constant 0 : index
    %get3A_78 = arith.constant 0 : index
    %get3A_79 = vector.load %arg4[%get3A_77, %get3A_78] : memref<64x64xf32, #tpu.memory_space<vmem>>, vector<64x64xf32>
    %dot_general3A_80 = arith.constant dense<0.000000e+00> : vector<64x2048xf32>
    %dot_general3A_81 = tpu.matmul %get3A_79, %max3A_76, %dot_general3A_80 {dimension_numbers = #tpu.dot_dimension_numbers<[1], [0], [0], [1], [0, 0, 1, 1], [], []>, transpose_lhs_hint = false} : vector<64x64xf32>, vector<64x2048xf32>, vector<64x2048xf32> -> vector<64x2048xf32>
    %get3A_82 = arith.constant 0 : index
    %get3A_83 = arith.constant 3 : index
    %get3A_84 = vector.load %arg6[%get3A_82, %get3A_83] : memref<64x8xf32, #tpu.memory_space<vmem>>, vector<64x1xf32>
    %add3A_85 = vector.broadcast %get3A_84 : vector<64x1xf32> to vector<64x2048xf32>
    %add3A_86 = arith.addf %dot_general3A_81, %add3A_85 : vector<64x2048xf32>
    %get3A_87 = arith.constant 0 : index
    %get3A_88 = arith.constant 0 : index
    %get3A_89 = arith.constant 0 : index
    %get3A_90 = vector.load %arg9[%get3A_87, %get3A_88, %get3A_89] : memref<1x64x8xf32, #tpu.memory_space<vmem>>, vector<1x64x8xf32>
    %get3A_91 = vector.shape_cast %get3A_90 : vector<1x64x8xf32> to vector<64x8xf32>
    %get3A_92 = arith.constant 0 : index
    %get3A_93 = arith.constant 4 : index
    %get3A_94 = vector.load %arg6[%get3A_92, %get3A_93] : memref<64x8xf32, #tpu.memory_space<vmem>>, vector<64x1xf32>
    %get3A_95 = arith.constant 0 : index
    %get3A_96 = arith.constant 5 : index
    %get3A_97 = vector.load %arg6[%get3A_95, %get3A_96] : memref<64x8xf32, #tpu.memory_space<vmem>>, vector<64x1xf32>
    %slice3A_98 = vector.extract_strided_slice %get3A_91 {offsets = [0, 0], sizes = [64, 1], strides = [1, 1]} : vector<64x8xf32> to vector<64x1xf32>
    %slice3A_99 = vector.extract_strided_slice %get3A_91 {offsets = [0, 1], sizes = [64, 1], strides = [1, 1]} : vector<64x8xf32> to vector<64x1xf32>
    %slice3A_100 = vector.extract_strided_slice %get3A_91 {offsets = [0, 2], sizes = [64, 1], strides = [1, 1]} : vector<64x8xf32> to vector<64x1xf32>
    %div3A_101 = arith.divf %slice3A_98, %slice3A_100 : vector<64x1xf32>
    %div3A_102 = arith.divf %slice3A_99, %slice3A_100 : vector<64x1xf32>
    %mul3A_103 = arith.mulf %div3A_101, %div3A_101 : vector<64x1xf32>
    %sub3A_104 = arith.subf %div3A_102, %mul3A_103 : vector<64x1xf32>
    %add3A_105 = arith.constant 9.99999974E-6 : f32
    %add3A_106 = vector.broadcast %add3A_105 : f32 to vector<64x1xf32>
    %add3A_107 = arith.addf %sub3A_104, %add3A_106 : vector<64x1xf32>
    %sqrt3A_108 = math.sqrt %add3A_107 : vector<64x1xf32>
    %div3A_109 = arith.divf %get3A_94, %sqrt3A_108 : vector<64x1xf32>
    %mul3A_110 = arith.mulf %div3A_101, %div3A_109 : vector<64x1xf32>
    %sub3A_111 = arith.subf %get3A_97, %mul3A_110 : vector<64x1xf32>
    %mul3A_112 = vector.broadcast %div3A_109 : vector<64x1xf32> to vector<64x2048xf32>
    %mul3A_113 = arith.mulf %add3A_86, %mul3A_112 : vector<64x2048xf32>
    %add3A_114 = vector.broadcast %sub3A_111 : vector<64x1xf32> to vector<64x2048xf32>
    %add3A_115 = arith.addf %mul3A_113, %add3A_114 : vector<64x2048xf32>
    %max3A_116 = arith.constant 0.000000e+00 : f32
    %max3A_117 = vector.broadcast %max3A_116 : f32 to vector<64x2048xf32>
    %max3A_118 = arith.maximumf %add3A_115, %max3A_117 : vector<64x2048xf32>
    %get3A_119 = arith.constant 0 : index
    %get3A_120 = arith.constant 0 : index
    %get3A_121 = vector.load %arg5[%get3A_119, %get3A_120] : memref<128x64xf32, #tpu.memory_space<vmem>>, vector<128x64xf32>
    %dot_general3A_122 = arith.constant dense<0.000000e+00> : vector<128x2048xf32>
    %dot_general3A_123 = tpu.matmul %get3A_121, %max3A_118, %dot_general3A_122 {dimension_numbers = #tpu.dot_dimension_numbers<[1], [0], [0], [1], [0, 0, 1, 1], [], []>, transpose_lhs_hint = false} : vector<128x64xf32>, vector<64x2048xf32>, vector<128x2048xf32> -> vector<128x2048xf32>
    %get3A_124 = arith.constant 0 : index
    %get3A_125 = arith.constant 0 : index
    %get3A_126 = vector.load %arg7[%get3A_124, %get3A_125] : memref<128x8xf32, #tpu.memory_space<vmem>>, vector<128x1xf32>
    %add3A_127 = vector.broadcast %get3A_126 : vector<128x1xf32> to vector<128x2048xf32>
    %add3A_128 = arith.addf %dot_general3A_123, %add3A_127 : vector<128x2048xf32>
    %convert_element_type3A_129 = arith.truncf %add3A_128 : vector<128x2048xf32> to vector<128x2048xbf16>
    %bitcast_convert_type3A = tpu.bitcast %convert_element_type3A_129 : vector<128x2048xbf16> -> vector<128x2048xi16>
    %slice3A_130 = vector.extract_strided_slice %bitcast_convert_type3A {offsets = [64, 0], sizes = [64, 2048], strides = [1, 1]} : vector<128x2048xi16> to vector<64x2048xi16>
    %convert_element_type3A_131 = arith.extui %slice3A_130 : vector<64x2048xi16> to vector<64x2048xi32>
    %shift_left3A = arith.constant 16 : i32
    %shift_left3A_132 = vector.broadcast %shift_left3A : i32 to vector<64x2048xi32>
    %shift_left3A_133 = arith.shli %convert_element_type3A_131, %shift_left3A_132 : vector<64x2048xi32>
    %slice3A_134 = vector.extract_strided_slice %bitcast_convert_type3A {offsets = [0, 0], sizes = [64, 2048], strides = [1, 1]} : vector<128x2048xi16> to vector<64x2048xi16>
    %convert_element_type3A_135 = arith.extui %slice3A_134 : vector<64x2048xi16> to vector<64x2048xi32>
    %or3A = arith.ori %shift_left3A_133, %convert_element_type3A_135 : vector<64x2048xi32>
    %mul3A_136 = arith.constant 2048 : i32
    %mul3A_137 = arith.muli %arg1, %mul3A_136 : i32
    %iota3A = tpu.iota {dimensions = array<i32: 1>} : vector<1x2048xi32>
    %add3A_138 = vector.broadcast %mul3A_137 : i32 to vector<1x2048xi32>
    %add3A_139 = arith.addi %add3A_138, %iota3A : vector<1x2048xi32>
    %lt3A = arith.constant 120000 : i32
    %lt3A_140 = vector.broadcast %lt3A : i32 to vector<1x2048xi32>
    %lt3A_141 = arith.cmpi slt, %add3A_139, %lt3A_140 : vector<1x2048xi32>
    %jit3A = arith.constant 0 : i32
    %broadcast_in_dim3A_142 = vector.shape_cast %lt3A_141 : vector<1x2048xi1> to vector<1x2048xi1>
    %broadcast_in_dim3A_143 = vector.broadcast %broadcast_in_dim3A_142 : vector<1x2048xi1> to vector<64x2048xi1>
    %broadcast_in_dim3A_144 = vector.broadcast %jit3A : i32 to vector<64x2048xi32>
    %select_n3A = arith.select %broadcast_in_dim3A_143, %or3A, %broadcast_in_dim3A_144 : vector<64x2048xi1>, vector<64x2048xi32>
    %bitcast_convert_type3A_145 = tpu.bitcast %select_n3A : vector<64x2048xi32> -> vector<64x2048xi32>
    %broadcast_in_dim3A_146 = vector.shape_cast %bitcast_convert_type3A_145 : vector<64x2048xi32> to vector<1x64x2048xi32>
    %swap3A = arith.constant 0 : index
    %swap3A_147 = arith.constant 0 : index
    %swap3A_148 = arith.constant 0 : index
    %swap3A_149 = vector.load %arg10[%swap3A, %swap3A_147, %swap3A_148] : memref<1x64x2048xi32, #tpu.memory_space<vmem>>, vector<1x64x2048xi32>
    tpu.vector_store %arg10[%swap3A, %swap3A_147, %swap3A_148], %broadcast_in_dim3A_146 {strides = array<i32>} : memref<1x64x2048xi32, #tpu.memory_space<vmem>>, vector<1x64x2048xi32>,
    return
  }
  func.func @transform_0(%arg0: i32, %arg1: i32) -> (i32, i32, i32) {
    %c0_i32 = arith.constant 0 : i32
    %c0_i32_0 = arith.constant 0 : i32
    return %arg0, %c0_i32, %arg1 : i32, i32, i32
  }
  func.func @transform_1(%arg0: i32, %arg1: i32) -> (i32, i32) {
    %c0_i32 = arith.constant 0 : i32
    %c0_i32_0 = arith.constant 0 : i32
    %c0_i32_1 = arith.constant 0 : i32
    return %c0_i32, %c0_i32_0 : i32, i32
  }
  func.func @transform_2(%arg0: i32, %arg1: i32) -> (i32, i32) {
    %c0_i32 = arith.constant 0 : i32
    %c0_i32_0 = arith.constant 0 : i32
    %c0_i32_1 = arith.constant 0 : i32
    return %c0_i32, %c0_i32_0 : i32, i32
  }
  func.func @transform_3(%arg0: i32, %arg1: i32) -> (i32, i32) {
    %c0_i32 = arith.constant 0 : i32
    %c0_i32_0 = arith.constant 0 : i32
    %c0_i32_1 = arith.constant 0 : i32
    return %c0_i32, %c0_i32_0 : i32, i32
  }
  func.func @transform_4(%arg0: i32, %arg1: i32) -> (i32, i32) {
    %c0_i32 = arith.constant 0 : i32
    %c0_i32_0 = arith.constant 0 : i32
    %c0_i32_1 = arith.constant 0 : i32
    return %c0_i32, %c0_i32_0 : i32, i32
  }
  func.func @transform_5(%arg0: i32, %arg1: i32) -> (i32, i32) {
    %c0_i32 = arith.constant 0 : i32
    %c0_i32_0 = arith.constant 0 : i32
    %c0_i32_1 = arith.constant 0 : i32
    return %c0_i32, %c0_i32_0 : i32, i32
  }
  func.func @transform_6(%arg0: i32, %arg1: i32) -> (i32, i32, i32) {
    %c0_i32 = arith.constant 0 : i32
    %c0_i32_0 = arith.constant 0 : i32
    %c0_i32_1 = arith.constant 0 : i32
    return %arg0, %c0_i32, %c0_i32_0 : i32, i32, i32
  }
  func.func @transform_7(%arg0: i32, %arg1: i32) -> (i32, i32, i32) {
    %c0_i32 = arith.constant 0 : i32
    %c0_i32_0 = arith.constant 0 : i32
    %c0_i32_1 = arith.constant 0 : i32
    return %arg0, %c0_i32, %c0_i32_0 : i32, i32, i32
  }
  func.func @transform_8(%arg0: i32, %arg1: i32) -> (i32, i32, i32) {
    %c0_i32 = arith.constant 0 : i32
    %c0_i32_0 = arith.constant 0 : i32
    return %arg0, %c0_i32, %arg1 : i32, i32, i32
  }
}

</mosaic_0001>

<sc_bundles>
// kernel: kernel.12.cloned.1.call-start
scs
__scs_entry_jumppad:
0x0: {  	(pc) =	sbr.rel $0x88, $3  }
0x1: {  	(tag) =	ssettag $0x0;
	lr =	simm.s32 $0x1  }
0x2: {  	[smem:$0x3F96] =	sst lr;
	_ =	strace $0xD0000000  }
0x3: {  	_ = 	snop  }
0x4: {  	_ = 	snop  }
0x5: {  	_ = 	snop  }
0x6: {  	_ = 	snop  }
0x7: {  	_ = 	snop  }
__scs_overlays_trampoline_lowered:
0x8: {  	[smem:$0x3FA5] =	sst s0  }
0x9: {  	[smem:$0x3FA6] =	sst s1  }
0xa: {  	[smem:$0x3FA7] =	sst s2  }
0xb: {  	[smem:$0x3FA8] =	sst s3  }
0xc: {  	[smem:$0x3FA9] =	sst s4  }
0xd: {  	[smem:$0x3FAA] =	sst s5  }
0xe: {  	[smem:$0x3FAB] =	sst s6  }
0xf: {  	[smem:$0x3FAC] =	sst s7  }
0x10: {  	[smem:$0x3FAD] =	sst s8  }
0x11: {  	[smem:$0x3FAE] =	sst s9;
	s0 =	simm.s32 @!p0 $0x0  }
0x12: {  	s1 =	sld [smem:$0x3F94];
	s0 =	simm.s32 @p0 $0x1  }
0x13: {  	[smem:$0x3FAF] =	sst s0;
	s0 =	simm.s32 @!p1 $0x0  }
0x14: {  	s2 =	sld [smem:$0x3F93];
	s0 =	simm.s32 @p1 $0x1  }
0x15: {  	[smem:$0x3FB0] =	sst s0;
	s0 =	simm.s32 @!p2 $0x0  }
0x16: {  	s3 =	sld [smem:$0x3FDB];
	s0 =	simm.s32 @p2 $0x1  }
0x17: {  	s4 =	simm.s32 $0x1BF5;
	[smem:$0x3FB2] =	sst s0  }
0x18: {  	s0 =	sld [smem:$0x3F95];
	_ =	swait.ge [sflag:s4], $0x0  }
0x19: {  	s7 =	sld [smem:$0x3F96]  }
0x1a: {  	s8 =	sadd.s32 $0xFFFFE003, lr  }
0x1b: {  	s9 =	sadd.s32 $0xFFFFFEF7, lr;
	s5 =	simm.s32 $0xFFFFFFFF;
	p2 =	slt.u32 s8, $0xFFFFF086  }
0x1c: {  	p1 =	slt.u32 s9, $0xF7A;
	s5 =	simm.s32 @!p2 $0x0  }
0x1d: {  	s5 =	simm.s32 @p1 $0x1;
	p0 =	seq.s32 s7, s2  }
0x1e: {  	s7 =	smul.u32 @!p0 $0xF7A, s2;
	p2 =	seq.s32 @!p0 s5, $0x0  }
0x1f: {  	s9 =	smul.u32 $0xF7A, s1;
	s8 =	simm.s32 @!p0 $0x1BF5;
	p2 =	por !p2, p0  }
0x20: {  	[sflag:s8] =	ssyncset.s32 @!p0 $0xFFFFF086;
	s6 =	sadd.s32 @!p0 s3, s7;
	s7 =	simm.s32 @!p0 $0x108  }
0x21: {  	s3 =	sadd.s32 s3, s9;
	s6 =	sadd.s32 @!p0 $0x88, s6;
	s7 =	simm.s32 @p2 $0x1082  }
0x22: {  	[simem:s7], [sflag:s8] =	dma.local @!p0 [hbm:s6], $0xF7A  }
0x23: {  	s9 =	sor.u32 $0xD0000000, s2;
	s6 =	simm.s32 $0x108;
	_ =	swait.ge @!p0 [sflag:s8], $0x0  }
0x24: {  	s3 =	sadd.s32 $0x88, s3;
	s6 =	simm.s32 @!p1 $0x1082;
	[sflag:s4] =	ssyncset.s32 $0xFFFFF086  }
0x25: {  	[simem:s6], [sflag:s4] =	dma.local [hbm:s3], $0xF7A  }
0x26: {  	[smem:$0x3F96] =	sst s1;
	(tag) =	ssettag s2;
	_ =	strace s9  }
0x27: {  	s1 =	sld [smem:$0x3FA6]  }
0x28: {  	s2 =	sld [smem:$0x3FA7]  }
0x29: {  	s4 =	sld [smem:$0x3FA9]  }
0x2a: {  	p0 =	seq.s32 s5, $0x0;
	s5 =	sld [smem:$0x3FAA]  }
0x2b: {  	s6 =	sld [smem:$0x3FAB]  }
0x2c: {  	s7 =	sld [smem:$0x3FAC]  }
0x2d: {  	s3 =	simm.s32 $0x108;
	s8 =	sld [smem:$0x3FAD]  }
0x2e: {  	s3 =	simm.s32 @!p0 $0x1082;
	s9 =	sld [smem:$0x3FAE]  }
0x2f: {  	lr =	sadd.s32 s0, s3;
	s0 =	sld [smem:$0x3FA5]  }
0x30: {  	s3 =	sld [smem:$0x3FA8]  }
0x31: {  	[smem:$0x3FB1] =	sst s10  }
0x32: {  	s10 =	sld [smem:$0x3FAF];
	_ =	sdelay $0x3  }
0x33: {  	p0 =	seq.s32 s10, $0x1;
	s10 =	sld [smem:$0x3FB1];
	_ =	sdelay $0x3  }
0x34: {  	[smem:$0x3FB1] =	sst s10  }
0x35: {  	s10 =	sld [smem:$0x3FB0];
	_ =	sdelay $0x3  }
0x36: {  	p1 =	seq.s32 s10, $0x1;
	s10 =	sld [smem:$0x3FB1];
	_ =	sdelay $0x3  }
0x37: {  	[smem:$0x3FB1] =	sst s10  }
0x38: {  	s10 =	sld [smem:$0x3FB2]  }
0x39: {  	_ = 	snop;
	(pc) =	sbr.ind lr, $3  }
0x3a: {  	_ = 	snop  }
0x3b: {  	_ = 	snop  }
0x3c: {  	p2 =	seq.s32 s10, $0x1;
	s10 =	sld [smem:$0x3FB1]  }
0x3d: {  	_ =	shalt  }
0x3e: {  	_ =	shalt  }
0x3f: {  	_ =	shalt  }
0x40: {  	_ =	shalt  }
0x41: {  	_ =	shalt  }
0x42: {  	_ =	shalt  }
0x43: {  	_ =	shalt  }
0x44: {  	_ =	shalt  }
0x45: {  	_ =	shalt  }
0x46: {  	_ =	shalt  }
0x47: {  	_ =	shalt  }
0x48: {  	_ =	shalt  }
0x49: {  	_ =	shalt  }
0x4a: {  	_ =	shalt  }
0x4b: {  	_ =	shalt  }
0x4c: {  	_ =	shalt  }
0x4d: {  	_ =	shalt  }
0x4e: {  	_ =	shalt  }
0x4f: {  	_ =	shalt  }
0x50: {  	_ =	shalt  }
0x51: {  	_ =	shalt  }
0x52: {  	_ =	shalt  }
0x53: {  	_ =	shalt  }
0x54: {  	_ =	shalt  }
0x55: {  	_ =	shalt  }
0x56: {  	_ =	shalt  }
0x57: {  	_ =	shalt  }
0x58: {  	_ =	shalt  }
0x59: {  	_ =	shalt  }
0x5a: {  	_ =	shalt  }
0x5b: {  	_ =	shalt  }
0x5c: {  	_ =	shalt  }
0x5d: {  	_ =	shalt  }
0x5e: {  	_ =	shalt  }
0x5f: {  	_ =	shalt  }
0x60: {  	_ =	shalt  }
0x61: {  	_ =	shalt  }
0x62: {  	_ =	shalt  }
0x63: {  	_ =	shalt  }
0x64: {  	_ =	shalt  }
0x65: {  	_ =	shalt  }
0x66: {  	_ =	shalt  }
0x67: {  	_ =	shalt  }
0x68: {  	_ =	shalt  }
0x69: {  	_ =	shalt  }
0x6a: {  	_ =	shalt  }
0x6b: {  	_ =	shalt  }
0x6c: {  	_ =	shalt  }
0x6d: {  	_ =	shalt  }
0x6e: {  	_ =	shalt  }
0x6f: {  	_ =	shalt  }
0x70: {  	_ =	shalt  }
0x71: {  	_ =	shalt  }
0x72: {  	_ =	shalt  }
0x73: {  	_ =	shalt  }
0x74: {  	_ =	shalt  }
0x75: {  	_ =	shalt  }
0x76: {  	_ =	shalt  }
0x77: {  	_ =	shalt  }
0x78: {  	_ =	shalt  }
0x79: {  	_ =	shalt  }
0x7a: {  	_ =	shalt  }
0x7b: {  	_ =	shalt  }
0x7c: {  	_ =	shalt  }
0x7d: {  	_ =	shalt  }
0x7e: {  	_ =	shalt  }
0x7f: {  	_ =	shalt  }
0x80: {  	_ =	shalt  }
0x81: {  	_ =	shalt  }
0x82: {  	_ =	shalt  }
0x83: {  	_ =	shalt  }
0x84: {  	_ =	shalt  }
0x85: {  	_ =	shalt  }
0x86: {  	_ =	shalt  }
0x87: {  	_ =	shalt  }
.Lfunc_end0:
.L_simem_size_0:
called_computation.1_lowered:
.L_overlay_start_0:
0x88: {  	s2 =	sld [smem:$0x3FD9]  }
0x89: {  	s3 =	sld [smem:$0x3FFE];
	_ =	sdelay $0x1  }
0x8a: {  	s1 =	srdreg.scid  }
0x8b: {  	s0 =	sand.u32 $0x1, s1  }
0x8c: {  	s16 =	sshll.u32 s0, $0xA;
	s2 =	sadd.s32 s3, s2  }
0x8d: {  	s2 =	sadd.s32 s2, s16  }
0x8e: {  	[smem:$0x3FBD] =	sst s2  }
0x8f: {  	_ = 	snop  }
0x90: {  	(tm) =	ssettm $0x1  }
0x91: {  	s17 =	sld [smem:$0x3FFB];
	_ =	sdelay $0x3  }
0x92: {  	_ =	strace s17  }
0x93: {  	s2 =	sld [smem:$0x3FFC];
	_ =	sdelay $0x3  }
0x94: {  	_ =	strace s2  }
0x95: {  	s2 =	sld [smem:$0x3FFD];
	_ =	sdelay $0x3  }
0x96: {  	_ =	strace s2  }
0x97: {  	_ =	strace $0x8FFFFFFF  }
0x98: {  	s18 =	sld [smem:$0x3FDB];
	_ =	sdelay $0x1  }
0x99: {  	s19 =	simm.s32 $_scs_section_size  }
0x9a: {  	s4 =	simm.s32 $_size__tile_overlayer_lowered;
	s5 =	simm.s32 $_tile_overlayer_lowered  }
0x9b: {  	s22 =	simm.s32 $0x1BFF;
	s21 =	sshll.u32 s5, $0x1;
	s2 =	sadd.s32 s19, s18  }
0x9c: {  	s6 =	simm.s32 $0x0;
	s20 =	sshll.u32 s4, $0x1;
	s4 =	sadd.s32 s21, s2  }
0x9d: {  	[timem:s6], [sflag:s22] =	dma.local [hbm:s4], s20  }
0x9e: {  	_ =	swait.ge [sflag:s22], s20  }
0x9f: {  	s3 =	ssub.s32 $0x0, s20;
	[sflag:s22] =	ssyncset.done $0x0  }
0xa0: {  	[sflag:s22] =	ssyncadd.s32 s3;
	_ =	sdelay $0x1  }
0xa1: {  	s23 =	simm.s32 $0x1B8B  }
0xa2: {  	_ =	swait.ge [sflag:s23], $0x1  }
0xa3: {  	[sflag:s23] =	ssyncset.done $0x0  }
0xa4: {  	s25 =	simm.s32 $0x1B8E;
	s24 =	sld [smem:$0x3FFE];
	[sflag:s23] =	ssyncadd.s32 $0xFFFFFFFF  }
0xa5: {  	s26 =	simm.s32 $execute0_lowered;
	[smem:$0x3FD2] =	sst s25  }
0xa6: {  	s4 =	sshll.u32 s26, $0x1;
	_ =	strace $0x80000046;
	[dreg:$0x1] =	wrdreg $0xFFFFFFFF  }
0xa7: {  	s28 =	simm.s32 $_size_execute0_lowered;
	s2 =	sadd.s32 s2, s4;
	[dreg:$0x0] =	wrdreg $0x0  }
0xa8: {  	s4 =	sshll.u32 s28, $0x1;
	[dreg:$0x2] =	wrdreg s2  }
0xa9: {  	[dreg:$0x3] =	wrdreg s4  }
0xaa: {  	[dreg:$0x4] =	wrdreg $0xC0  }
0xab: {  	_ =	task [dreg:s6], $0x5FFFF  }
0xac: {  	[dreg:$0x1] =	wrdreg $0xFFFFFFFF  }
0xad: {  	[dreg:$0x0] =	wrdreg $0x60  }
0xae: {  	[dreg:$0x2] =	wrdreg s24  }
0xaf: {  	[dreg:$0x3] =	wrdreg $0x9  }
0xb0: {  	_ =	task.clear_ibuf [dreg:s6], $0x4FFFF;
	_ =	strace $0x90000046  }
0xb1: {  	s29 =	simm.s32 $0x9;
	_ =	strace $0x80000048  }
0xb2: {  	_ =	swait.ge [sflag:s29], $0x1  }
0xb3: {  	[sflag:s29] =	ssyncadd.s32 $0xFFFFFFFF  }
0xb4: {  	_ =	strace $0x90000048  }
0xb5: {  	_ =	sfence  }
0xb6: {  	s30 =	sld [smem:$0x0];
	_ =	sdelay $0x2  }
0xb7: {  	s31 =	sshll.u32 s1, $0xD;
	s1 =	sshrl.u32 s1, $0x2  }
0xb8: {  	s3 =	sand.u32 $0x4000, s31;
	s1 =	sadd.s32 s1, s30  }
0xb9: {  	s0 =	sor.u32 s3, s0;
	s1 =	sshll.u32 s1, $0x11  }
0xba: {  	s0 =	sor.u32 s1, s0  }
0xbb: {  	s0 =	sadd.s32 $0x8F2B, s0  }
0xbc: {  	[sflag:s0] =	ssyncadd.remote.s32 $0x1  }
0xbd: {  	_ =	sfence.sel $0xFFFF  }
0xbe: {  	[dreg:$0x0] =	wrdreg $0xFFFFFFFF;
	(pc) =	sbr.abs _section_cstart, $3  }
0xbf: {  	[dreg:$0x1] =	wrdreg $0xFFFFFFFF  }
0xc0: {  	_ =	task.clear_ibuf [dreg:s6], $0x2FFFF;
	_ =	strace $0x9FFFFFFF  }
0xc1: {  	(tm) =	ssettm $0x7FFFFFFF  }
tec
execute0_lowered:
.L_overlay_start_1:
0x0: {  	(tag) =	ssettag $0x1  }
0x1: {  	s1 =	srdreg.scid;
	s0 =	stileid.u32  }
0x2: {  	s6 =	rddreg [dreg:$0x0];
	s2 =	simm.s32 $0x0;
	s9 =	simm.s32 $0x400  }
0x3: {  	s10 =	simm.s32 $0x1;
	s3 =	sand.u32 $0x1, s1;
	s30 =	sshll.u32 s0, $0x1  }
0x4: {  	s11 =	simm.s32 $0x800;
	s13 =	simm.s32 $0x3;
	s4 =	sor.u32 s3, s30  }
0x5: {  	s14 =	simm.s32 $0x0;
	s1 =	rddreg [dreg:$0x1];
	s12 =	smul.u32 $0x1A30, s4  }
.Ltmp0:
0x6: {  	[smem:$0x7FF] =	sst s2;
	s5 =	ssub.s32 $0x2, s3;
	(pc) =	sbr.rel .LBB2_1-.Ltmp0, $4  }
0x7: {  	_ =	strace $0x80000047;
	s3 =	sadd.s32 $0x21E00, s6;
	s31 =	sshrl.u32 s5, $0x1  }
0x8: {  	s8 =	ssub.s32 s5, s31;
	s5 =	sadd.s32 $0x21F00, s6;
	s4 =	sshrl.u32 s12, $0x3  }
0x9: {  	s8 =	smax.u32 s8, $0x1;
	v0 =	vmov s12;
	s12 =	simm.s32 $0x2;
	s7 =	sadd.s32 s4, s6  }
0xa: {  	v1 =	vimm.s32 $0x1D4C0;
	v2 =	vlaneseq.u32;
	s4 =	sadd.s32 $0x21E80, s6;
	s6 =	sadd.s32 $0x21F80, s6;
	s7 =	sadd.s32 $0x25A00, s7  }
.LBB2_10:
0xb: {  	s14 =	sadd.s32 $0x1, s14  }
0xc: {  	p0 =	sne.s32 s14, s8  }
.Ltmp1:
0xd: {  	_ = 	snop;
	(pc) =	sbr.rel @!p0 .LBB2_11-.Ltmp1, $4  }
0xe: {  	[hbm4b:s7+s2] =	stream.linear.scatter [tilespmem:s11], [sflag:$0x3], $0x1A30, $0x38;
	[tilespmem:$0x2280] =	vst v63  }
0xf: {  	_ =	swait.ge [sflag:s13], $0x1A30  }
0x10: {  	[sflag:s13] =	ssyncset.done $0x0  }
0x11: {  	[sflag:s13] =	ssyncadd.s32 $0xFFFFE5D0  }
.LBB2_1:
0x12: {  	s15 =	simm.s32 $0x840  }
0x13: {  	[tilespmem:s15+$0xFFFFFFC0] =	vst v1  }
0x14: {  	[tilespmem:s15+$0x30] =	vst v1  }
0x15: {  	[tilespmem:s15+$0x20] =	vst v1  }
0x16: {  	[tilespmem:s15+$0x10] =	vst v1  }
0x17: {  	[tilespmem:s15+$0x0] =	vst v1  }
0x18: {  	[tilespmem:s15+$0xFFFFFFF0] =	vst v1  }
0x19: {  	s16 =	simm.s32 $0x0;
	[tilespmem:s15+$0xFFFFFFE0] =	vst v1  }
.LBB2_2:
0x1a: {  	s16 =	sadd.s32 $0x8, s16;
	[tilespmem:s15+$0xFFFFFFD0] =	vst v1;
	s15 =	sadd.s32 $0x80, s15  }
0x1b: {  	[tilespmem:s15+$0xFFFFFFC0] =	vst v1;
	p0 =	slt.u32 s16, $0x198  }
0x1c: {  	[tilespmem:s15+$0x30] =	vst v1  }
.Ltmp2:
0x1d: {  	[tilespmem:s15+$0x20] =	vst v1;
	(pc) =	sbr.rel @p0 .LBB2_2-.Ltmp2, $4  }
0x1e: {  	[tilespmem:s15+$0x10] =	vst v1  }
0x1f: {  	[tilespmem:s15+$0x0] =	vst v1  }
0x20: {  	[tilespmem:s15+$0xFFFFFFF0] =	vst v1  }
0x21: {  	[tilespmem:s15+$0xFFFFFFE0] =	vst v1  }
0x22: {  	[tilespmem:s15+$0xFFFFFFD0] =	vst v1  }
0x23: {  	[tilespmem:$0x2200] =	vst v1  }
0x24: {  	[tilespmem:$0x2210] =	vst v1  }
0x25: {  	s15 =	simm.s32 $0x0;
	[tilespmem:$0x2220] =	vst v1  }
0x26: {  	[tilespmem:s15], [sflag:$0x1] =	stream.linear.gather [hbm4b:s3+s15], $0x400, $0x38;
	[tilespmem:$0x2280] =	vst v63  }
0x27: {  	s16 =	simm.s32 $0x0  }
0x28: {  	[tilespmem:s9], [sflag:$0x2] =	stream.linear.gather [hbm4b:s4+s15], $0x400, $0x38;
	[tilespmem:$0x2280] =	vst v63  }
.LBB2_4:
0x29: {  	_ =	swait.ge [sflag:s10], $0x400  }
0x2a: {  	[sflag:s10] =	ssyncset.done $0x0  }
0x2b: {  	s17 =	simm.s32 $0x40;
	[sflag:s10] =	ssyncadd.s32 $0xFFFFFC00  }
0x2c: {  	v3 =	vld [tilespmem:s17+$0xFFFFFFC0]  }
0x2d: {  	v4 =	vld [tilespmem:s17+$0xFFFFFFD0]  }
0x2e: {  	v5 =	vld [tilespmem:s17+$0xFFFFFFE0]  }
0x2f: {  	v6 =	vld [tilespmem:s17+$0xFFFFFFF0]  }
0x30: {  	v7 =	vld [tilespmem:s17+$0x0]  }
0x31: {  	v8 =	vld [tilespmem:s17+$0x10];
	(xrf1) =	vunique.msk.u32 $0xffff, v3  }
0x32: {  	(xrf1) =	vunique.msk.u32 $0xffff, v4  }
0x33: {  	(xrf1) =	vunique.msk.u32 $0xffff, v5  }
0x34: {  	(xrf1) =	vunique.msk.u32 $0xffff, v6  }
0x35: {  	v9 =	vld [tilespmem:s17+$0x20];
	(xrf1) =	vunique.msk.u32 $0xffff, v7  }
0x36: {  	(xrf1) =	vunique.msk.u32 $0xffff, v8  }
0x37: {  	v10 =	vld [tilespmem:s17+$0x30];
	_ =	sdelay $0x2  }
0x38: {  	(xrf1) =	vunique.msk.u32 $0xffff, v9;
	_ =	sdelay $0x1  }
0x39: {  	(xrf1) =	vunique.msk.u32 $0xffff, v10;
	_ =	sdelay $0x1  }
0x3a: {  	v3 =	vsub.s32 v3, v0  }
0x3b: {  	vm0 =	vlt.u32 v3, $0x1A30;
	v4 =	vsub.s32 v4, v0;
	_, v11, vm1 =	vpop (xrf1)  }
0x3c: {  	v5 =	vsub.s32 v5, v0;
	vm0 =	vmand vm1, vm0;
	vm1 =	vlt.u32 v4, $0x1A30;
	_, v11, vm2 =	vpop (xrf1)  }
0x3d: {  	v6 =	vsub.s32 v6, v0;
	vm1 =	vmand vm2, vm1;
	vm2 =	vlt.u32 v5, $0x1A30;
	_, v11, vm3 =	vpop (xrf1)  }
0x3e: {  	vm2 =	vmand vm3, vm2;
	vm3 =	vlt.u32 v6, $0x1A30;
	_, v11, vm4 =	vpop (xrf1)  }
0x3f: {  	vm3 =	vmand vm4, vm3;
	_, v11, vm5 =	vpop (xrf1)  }
0x40: {  	s18 =	sadd.s32 $0x0, s15;
	_, v11, vm6 =	vpop (xrf1)  }
0x41: {  	s19 =	sadd.s32 $0x10, s18;
	v7 =	vsub.s32 v7, v0;
	v8 =	vsub.s32 v8, v0;
	v11 =	vor.u32 s18, v2  }
0x42: {  	s20 =	sadd.s32 $0x20, s18;
	vm13 =	vlt.u32 v7, $0x1A30;
	vm14 =	vlt.u32 v8, $0x1A30;
	[tilespmem:v3+s11+$0x0] =	vst.idx.msk vm0, v11;
	v3 =	vor.u32 s19, v2  }
0x43: {  	s26 =	sadd.s32 $0x30, s18;
	v9 =	vsub.s32 v9, v0;
	vm4 =	vmand vm5, vm13;
	[tilespmem:v4+s11+$0x0] =	vst.idx.msk vm1, v3;
	v3 =	vor.u32 s20, v2  }
0x44: {  	vm15 =	vlt.u32 v9, $0x1A30;
	vm5 =	vmand vm6, vm14;
	_, v12, vm7 =	vpop (xrf1);
	[tilespmem:v5+s11+$0x0] =	vst.idx.msk vm2, v3;
	v3 =	vor.u32 s26, v2  }
0x45: {  	vm6 =	vmand vm7, vm15;
	[tilespmem:v6+s11+$0x0] =	vst.idx.msk vm3, v3;
	v3 =	vsub.s32 v10, v0  }
0x46: {  	_, v5, vm1 =	vpop (xrf1);
	vm0 =	vlt.u32 v3, $0x1A30  }
0x47: {  	s28 =	sadd.s32 $0x40, s18;
	vm0 =	vmand vm1, vm0  }
0x48: {  	s29 =	sadd.s32 $0x50, s18;
	v4 =	vor.u32 s28, v2  }
0x49: {  	s30 =	sadd.s32 $0x60, s18;
	[tilespmem:v7+s11+$0x0] =	vst.idx.msk vm4, v4;
	v4 =	vor.u32 s29, v2  }
0x4a: {  	s31 =	sadd.s32 $0x70, s18;
	[tilespmem:v8+s11+$0x0] =	vst.idx.msk vm5, v4;
	v4 =	vor.u32 s30, v2  }
0x4b: {  	s18 =	simm.s32 $0x80;
	[tilespmem:v9+s11+$0x0] =	vst.idx.msk vm6, v4;
	v4 =	vor.u32 s31, v2  }
.LBB2_5:
0x4c: {  	p0 =	sne.s32 s18, $0x380  }
0x4d: {  	[tilespmem:v3+s11+$0x0] =	vst.idx.msk vm0, v4;
	s17 =	sadd.s32 $0x80, s17;
	s19 =	smov.u32 s18;
	s18 =	sadd.s32 $0x80, s18  }
0x4e: {  	v3 =	vld [tilespmem:s17+$0xFFFFFFC0]  }
0x4f: {  	v4 =	vld [tilespmem:s17+$0xFFFFFFD0]  }
0x50: {  	v5 =	vld [tilespmem:s17+$0xFFFFFFE0]  }
0x51: {  	v6 =	vld [tilespmem:s17+$0xFFFFFFF0]  }
0x52: {  	v7 =	vld [tilespmem:s17+$0x0]  }
0x53: {  	v8 =	vld [tilespmem:s17+$0x10];
	(xrf1) =	vunique.msk.u32 $0xffff, v3  }
0x54: {  	v9 =	vld [tilespmem:s17+$0x20];
	(xrf1) =	vunique.msk.u32 $0xffff, v4  }
0x55: {  	v10 =	vld [tilespmem:s17+$0x30];
	(xrf1) =	vunique.msk.u32 $0xffff, v5  }
0x56: {  	(xrf1) =	vunique.msk.u32 $0xffff, v6  }
0x57: {  	(xrf1) =	vunique.msk.u32 $0xffff, v7  }
0x58: {  	(xrf1) =	vunique.msk.u32 $0xffff, v8  }
0x59: {  	(xrf1) =	vunique.msk.u32 $0xffff, v9  }
0x5a: {  	(xrf1) =	vunique.msk.u32 $0xffff, v10;
	_ =	sdelay $0x5  }
0x5b: {  	v11 =	vsub.s32 v3, v0  }
0x5c: {  	vm0 =	vlt.u32 v11, $0x1A30;
	v4 =	vsub.s32 v4, v0;
	v3 =	vsub.s32 v10, v0;
	_, v10, vm1 =	vpop (xrf1)  }
0x5d: {  	v5 =	vsub.s32 v5, v0;
	vm3 =	vmand vm1, vm0;
	vm0 =	vlt.u32 v4, $0x1A30;
	_, v10, vm1 =	vpop (xrf1)  }
0x5e: {  	v6 =	vsub.s32 v6, v0;
	vm0 =	vmand vm1, vm0;
	vm1 =	vlt.u32 v5, $0x1A30;
	_, v10, vm2 =	vpop (xrf1)  }
0x5f: {  	v7 =	vsub.s32 v7, v0;
	vm1 =	vmand vm2, vm1;
	vm2 =	vlt.u32 v6, $0x1A30;
	_, v10, vm4 =	vpop (xrf1)  }
0x60: {  	v8 =	vsub.s32 v8, v0;
	vm2 =	vmand vm4, vm2;
	vm4 =	vlt.u32 v7, $0x1A30;
	_, v10, vm5 =	vpop (xrf1)  }
0x61: {  	s19 =	sadd.s32 s19, s15;
	v9 =	vsub.s32 v9, v0;
	vm4 =	vmand vm5, vm4;
	vm5 =	vlt.u32 v8, $0x1A30;
	_, v10, vm6 =	vpop (xrf1)  }
0x62: {  	s20 =	sadd.s32 $0x10, s19;
	s21 =	sadd.s32 $0x20, s19;
	s22 =	sadd.s32 $0x30, s19;
	v10 =	vor.u32 s19, v2;
	vm5 =	vmand vm6, vm5;
	vm6 =	vlt.u32 v9, $0x1A30;
	_, v12, vm7 =	vpop (xrf1)  }
0x63: {  	s23 =	sadd.s32 $0x50, s19;
	s24 =	sadd.s32 $0x60, s19;
	[tilespmem:v11+s11+$0x0] =	vst.idx.msk vm3, v10;
	v10 =	vor.u32 s20, v2;
	s20 =	sadd.s32 $0x40, s19;
	vm3 =	vmand vm7, vm6;
	vm6 =	vlt.u32 v3, $0x1A30;
	_, v11, vm7 =	vpop (xrf1)  }
0x64: {  	s19 =	sadd.s32 $0x70, s19;
	[tilespmem:v4+s11+$0x0] =	vst.idx.msk vm0, v10;
	v4 =	vor.u32 s21, v2;
	vm0 =	vmand vm7, vm6  }
.Ltmp3:
0x65: {  	[tilespmem:v5+s11+$0x0] =	vst.idx.msk vm1, v4;
	v4 =	vor.u32 s22, v2;
	(pc) =	sbr.rel @p0 .LBB2_5-.Ltmp3, $4  }
0x66: {  	[tilespmem:v6+s11+$0x0] =	vst.idx.msk vm2, v4;
	v4 =	vor.u32 s20, v2  }
0x67: {  	[tilespmem:v7+s11+$0x0] =	vst.idx.msk vm4, v4;
	v4 =	vor.u32 s23, v2  }
0x68: {  	[tilespmem:v8+s11+$0x0] =	vst.idx.msk vm5, v4;
	v4 =	vor.u32 s24, v2  }
0x69: {  	[tilespmem:v9+s11+$0x0] =	vst.idx.msk vm3, v4;
	v4 =	vor.u32 s19, v2  }
0x6a: {  	_ =	sdelay $0x3  }
0x6b: {  	s17 =	sshll.u32 s16, $0x8;
	p0 =	seq.s32 s16, $0x3A  }
0x6c: {  	[tilespmem:v3+s11+$0x0] =	vst.idx.msk vm0, v4;
	s18 =	sadd.s32 @!p0 s17, s5;
	s19 =	simm.s32 @!p0 $0x0  }
0x6d: {  	[tilespmem:s19], [sflag:$0x1] =	stream.linear.gather @!p0 [hbm4b:s18+s19], $0x400, $0x38;
	[tilespmem:$0x2280] =	vst v63  }
0x6e: {  	_ =	swait.ge [sflag:s12], $0x400  }
0x6f: {  	[sflag:s12] =	ssyncset.done $0x0  }
0x70: {  	s18 =	simm.s32 $0x440;
	[sflag:s12] =	ssyncadd.s32 $0xFFFFFC00  }
0x71: {  	v3 =	vld [tilespmem:s18+$0xFFFFFFC0]  }
0x72: {  	v4 =	vld [tilespmem:s18+$0xFFFFFFD0]  }
0x73: {  	v5 =	vld [tilespmem:s18+$0xFFFFFFE0]  }
0x74: {  	v6 =	vld [tilespmem:s18+$0xFFFFFFF0]  }
0x75: {  	v7 =	vld [tilespmem:s18+$0x0]  }
0x76: {  	v8 =	vld [tilespmem:s18+$0x10];
	(xrf1) =	vunique.msk.u32 $0xffff, v3  }
0x77: {  	(xrf1) =	vunique.msk.u32 $0xffff, v4  }
0x78: {  	(xrf1) =	vunique.msk.u32 $0xffff, v5  }
0x79: {  	(xrf1) =	vunique.msk.u32 $0xffff, v6  }
0x7a: {  	v9 =	vld [tilespmem:s18+$0x20];
	(xrf1) =	vunique.msk.u32 $0xffff, v7  }
0x7b: {  	(xrf1) =	vunique.msk.u32 $0xffff, v8  }
0x7c: {  	v10 =	vld [tilespmem:s18+$0x30];
	_ =	sdelay $0x2  }
0x7d: {  	(xrf1) =	vunique.msk.u32 $0xffff, v9;
	_ =	sdelay $0x1  }
0x7e: {  	(xrf1) =	vunique.msk.u32 $0xffff, v10;
	_ =	sdelay $0x1  }
0x7f: {  	v3 =	vsub.s32 v3, v0  }
0x80: {  	vm0 =	vlt.u32 v3, $0x1A30;
	v4 =	vsub.s32 v4, v0;
	_, v11, vm1 =	vpop (xrf1)  }
0x81: {  	v5 =	vsub.s32 v5, v0;
	vm0 =	vmand vm1, vm0;
	vm1 =	vlt.u32 v4, $0x1A30;
	_, v11, vm2 =	vpop (xrf1)  }
0x82: {  	v6 =	vsub.s32 v6, v0;
	vm1 =	vmand vm2, vm1;
	vm2 =	vlt.u32 v5, $0x1A30;
	_, v11, vm3 =	vpop (xrf1)  }
0x83: {  	vm2 =	vmand vm3, vm2;
	vm3 =	vlt.u32 v6, $0x1A30;
	_, v11, vm4 =	vpop (xrf1)  }
0x84: {  	s24 =	sadd.s32 $0x0, s15;
	vm3 =	vmand vm4, vm3;
	_, v11, vm5 =	vpop (xrf1)  }
0x85: {  	s20 =	sadd.s32 $0x400, s24;
	_, v11, vm6 =	vpop (xrf1)  }
0x86: {  	s21 =	sadd.s32 $0x410, s24;
	v7 =	vsub.s32 v7, v0;
	v8 =	vsub.s32 v8, v0;
	v11 =	vor.u32 s20, v2  }
0x87: {  	s25 =	sadd.s32 $0x420, s24;
	vm13 =	vlt.u32 v7, $0x1A30;
	vm14 =	vlt.u32 v8, $0x1A30;
	[tilespmem:v3+s11+$0x0] =	vst.idx.msk vm0, v11;
	v3 =	vor.u32 s21, v2  }
0x88: {  	s26 =	sadd.s32 $0x430, s24;
	v9 =	vsub.s32 v9, v0;
	vm4 =	vmand vm5, vm13;
	[tilespmem:v4+s11+$0x0] =	vst.idx.msk vm1, v3;
	v3 =	vor.u32 s25, v2  }
0x89: {  	vm15 =	vlt.u32 v9, $0x1A30;
	vm5 =	vmand vm6, vm14;
	_, v12, vm7 =	vpop (xrf1);
	[tilespmem:v5+s11+$0x0] =	vst.idx.msk vm2, v3;
	v3 =	vor.u32 s26, v2  }
0x8a: {  	vm6 =	vmand vm7, vm15;
	[tilespmem:v6+s11+$0x0] =	vst.idx.msk vm3, v3;
	v3 =	vsub.s32 v10, v0  }
0x8b: {  	_, v5, vm1 =	vpop (xrf1);
	vm0 =	vlt.u32 v3, $0x1A30  }
0x8c: {  	s28 =	sadd.s32 $0x440, s24;
	vm0 =	vmand vm1, vm0  }
0x8d: {  	s29 =	sadd.s32 $0x450, s24;
	v4 =	vor.u32 s28, v2  }
0x8e: {  	s30 =	sadd.s32 $0x460, s24;
	[tilespmem:v7+s11+$0x0] =	vst.idx.msk vm4, v4;
	v4 =	vor.u32 s29, v2  }
0x8f: {  	s31 =	sadd.s32 $0x470, s24;
	[tilespmem:v8+s11+$0x0] =	vst.idx.msk vm5, v4;
	v4 =	vor.u32 s30, v2  }
0x90: {  	s19 =	simm.s32 $0x80;
	[tilespmem:v9+s11+$0x0] =	vst.idx.msk vm6, v4;
	v4 =	vor.u32 s31, v2  }
.LBB2_7:
0x91: {  	p1 =	sne.s32 s19, $0x380  }
0x92: {  	[tilespmem:v3+s11+$0x0] =	vst.idx.msk vm0, v4;
	s18 =	sadd.s32 $0x80, s18;
	s20 =	smov.u32 s19;
	s19 =	sadd.s32 $0x80, s19  }
0x93: {  	v3 =	vld [tilespmem:s18+$0xFFFFFFC0]  }
0x94: {  	v4 =	vld [tilespmem:s18+$0xFFFFFFD0]  }
0x95: {  	v5 =	vld [tilespmem:s18+$0xFFFFFFE0]  }
0x96: {  	v6 =	vld [tilespmem:s18+$0xFFFFFFF0]  }
0x97: {  	v7 =	vld [tilespmem:s18+$0x0]  }
0x98: {  	v8 =	vld [tilespmem:s18+$0x10];
	(xrf1) =	vunique.msk.u32 $0xffff, v3  }
0x99: {  	v9 =	vld [tilespmem:s18+$0x20];
	(xrf1) =	vunique.msk.u32 $0xffff, v4  }
0x9a: {  	v10 =	vld [tilespmem:s18+$0x30];
	(xrf1) =	vunique.msk.u32 $0xffff, v5  }
0x9b: {  	(xrf1) =	vunique.msk.u32 $0xffff, v6  }
0x9c: {  	(xrf1) =	vunique.msk.u32 $0xffff, v7  }
0x9d: {  	(xrf1) =	vunique.msk.u32 $0xffff, v8  }
0x9e: {  	(xrf1) =	vunique.msk.u32 $0xffff, v9  }
0x9f: {  	(xrf1) =	vunique.msk.u32 $0xffff, v10;
	_ =	sdelay $0x5  }
0xa0: {  	v11 =	vsub.s32 v3, v0  }
0xa1: {  	vm0 =	vlt.u32 v11, $0x1A30;
	v4 =	vsub.s32 v4, v0;
	v3 =	vsub.s32 v10, v0;
	_, v10, vm1 =	vpop (xrf1)  }
0xa2: {  	v5 =	vsub.s32 v5, v0;
	vm2 =	vmand vm1, vm0;
	vm0 =	vlt.u32 v4, $0x1A30;
	_, v10, vm1 =	vpop (xrf1)  }
0xa3: {  	v6 =	vsub.s32 v6, v0;
	vm0 =	vmand vm1, vm0;
	vm1 =	vlt.u32 v5, $0x1A30;
	_, v10, vm3 =	vpop (xrf1)  }
0xa4: {  	v7 =	vsub.s32 v7, v0;
	vm1 =	vmand vm3, vm1;
	vm3 =	vlt.u32 v6, $0x1A30;
	_, v10, vm4 =	vpop (xrf1)  }
0xa5: {  	s20 =	sadd.s32 s20, s15;
	v8 =	vsub.s32 v8, v0;
	vm3 =	vmand vm4, vm3;
	vm4 =	vlt.u32 v7, $0x1A30;
	_, v10, vm5 =	vpop (xrf1)  }
0xa6: {  	s21 =	sadd.s32 $0x400, s20;
	s22 =	sadd.s32 $0x410, s20;
	s23 =	sadd.s32 $0x420, s20;
	v9 =	vsub.s32 v9, v0;
	vm4 =	vmand vm5, vm4;
	vm5 =	vlt.u32 v8, $0x1A30;
	_, v10, vm6 =	vpop (xrf1)  }
0xa7: {  	s24 =	sadd.s32 $0x440, s20;
	s25 =	sadd.s32 $0x450, s20;
	v10 =	vor.u32 s21, v2;
	s21 =	sadd.s32 $0x430, s20;
	vm5 =	vmand vm6, vm5;
	vm6 =	vlt.u32 v9, $0x1A30;
	_, v12, vm7 =	vpop (xrf1)  }
0xa8: {  	[tilespmem:v11+s11+$0x0] =	vst.idx.msk vm2, v10;
	v10 =	vor.u32 s22, v2;
	s22 =	sadd.s32 $0x460, s20;
	vm2 =	vmand vm7, vm6;
	s20 =	sadd.s32 $0x470, s20;
	vm6 =	vlt.u32 v3, $0x1A30;
	_, v11, vm7 =	vpop (xrf1)  }
0xa9: {  	[tilespmem:v4+s11+$0x0] =	vst.idx.msk vm0, v10;
	v4 =	vor.u32 s23, v2;
	vm0 =	vmand vm7, vm6  }
.Ltmp4:
0xaa: {  	[tilespmem:v5+s11+$0x0] =	vst.idx.msk vm1, v4;
	v4 =	vor.u32 s21, v2;
	(pc) =	sbr.rel @p1 .LBB2_7-.Ltmp4, $4  }
0xab: {  	[tilespmem:v6+s11+$0x0] =	vst.idx.msk vm3, v4;
	v4 =	vor.u32 s24, v2  }
0xac: {  	[tilespmem:v7+s11+$0x0] =	vst.idx.msk vm4, v4;
	v4 =	vor.u32 s25, v2  }
0xad: {  	[tilespmem:v8+s11+$0x0] =	vst.idx.msk vm5, v4;
	v4 =	vor.u32 s22, v2  }
0xae: {  	[tilespmem:v9+s11+$0x0] =	vst.idx.msk vm2, v4;
	v4 =	vor.u32 s20, v2  }
0xaf: {  	_ = 	snop  }
.Ltmp5:
0xb0: {  	_ = 	snop;
	(pc) =	sbr.rel @p0 .LBB2_10-.Ltmp5, $2  }
0xb1: {  	_ =	sdelay $0x2  }
0xb2: {  	[tilespmem:v3+s11+$0x0] =	vst.idx.msk vm0, v4  }
.Ltmp6:
0xb3: {  	(pc) =	sbr.rel .LBB2_4-.Ltmp6, $3  }
0xb4: {  	_ =	sdelay $0x1  }
0xb5: {  	s17 =	sadd.s32 s17, s6;
	s16 =	sadd.s32 $0x1, s16;
	s15 =	sadd.s32 $0x800, s15  }
0xb6: {  	[tilespmem:s9], [sflag:$0x2] =	stream.linear.gather [hbm4b:s17+s2], $0x400, $0x38;
	[tilespmem:$0x2280] =	vst v63  }
.LBB2_11:
0xb7: {  	_ =	sfence.sel $0x180000  }
0xb8: {  	[bflag:$0x0] =	sbarrier.arrive $0xFFFF  }
0xb9: {  	p0 =	sne.s32 s0, $0x0;
	_ =	strace $0x90000047  }
0xba: {  	s0 =	sadd.s32 @!p0 $0x100000, s1;
	[bflag:$0x2] =	sbarrier.arrive $0xFFFF  }
0xbb: {  	[sflag:s0] =	ssyncadd.tile.s32 @!p0 $0x1;
	_ =	shalt  }
.Lfunc_end2:
_tile_overlayer_lowered:
.L_overlay_start_2:
0xbc: {  	(tag) =	ssettag $0x2  }
0xbd: {  	s0 =	rddreg [dreg:$0x0];
	s2 =	stileid.u32  }
0xbe: {  	s1 =	rddreg [dreg:$0x1];
	p0 =	sne.s32 s2, $0x0  }
0xbf: {  	s3 =	rddreg [dreg:$0x2];
	[bflag:$0x3] =	sbarrier.arrive $0xFFFF;
	s2 =	simm.s32 @!p0 $0x1C03  }
0xc0: {  	[timem:s3], [sflag:s2] =	dma.local @!p0 [hbm:s0], s1  }
0xc1: {  	s0 =	simm.s32 @!p0 $0x3  }
0xc2: {  	_ =	swait.ge @!p0 [sflag:s0], s1  }
0xc3: {  	s1 =	ssub.s32 @!p0 $0x0, s1;
	[sflag:s0] =	ssyncset.done @!p0 $0x0  }
0xc4: {  	[sflag:s0] =	ssyncadd.s32 @!p0 s1  }
0xc5: {  	[bflag:$0x3] =	sbarrier.arrive $0xFFFF  }
0xc6: {  	_ =	shalt  }

// kernel: kernel.15.cloned.1.call-start
scs
__scs_entry_jumppad:
0x0: {  	(pc) =	sbr.rel $0x88, $3  }
0x1: {  	(tag) =	ssettag $0x0;
	lr =	simm.s32 $0x1  }
0x2: {  	[smem:$0x3F96] =	sst lr;
	_ =	strace $0xD0000000  }
0x3: {  	_ = 	snop  }
0x4: {  	_ = 	snop  }
0x5: {  	_ = 	snop  }
0x6: {  	_ = 	snop  }
0x7: {  	_ = 	snop  }
__scs_overlays_trampoline_lowered:
0x8: {  	[smem:$0x3FA5] =	sst s0  }
0x9: {  	[smem:$0x3FA6] =	sst s1  }
0xa: {  	[smem:$0x3FA7] =	sst s2  }
0xb: {  	[smem:$0x3FA8] =	sst s3  }
0xc: {  	[smem:$0x3FA9] =	sst s4  }
0xd: {  	[smem:$0x3FAA] =	sst s5  }
0xe: {  	[smem:$0x3FAB] =	sst s6  }
0xf: {  	[smem:$0x3FAC] =	sst s7  }
0x10: {  	[smem:$0x3FAD] =	sst s8  }
0x11: {  	[smem:$0x3FAE] =	sst s9;
	s0 =	simm.s32 @!p0 $0x0  }
0x12: {  	s1 =	sld [smem:$0x3F94];
	s0 =	simm.s32 @p0 $0x1  }
0x13: {  	[smem:$0x3FAF] =	sst s0;
	s0 =	simm.s32 @!p1 $0x0  }
0x14: {  	s2 =	sld [smem:$0x3F93];
	s0 =	simm.s32 @p1 $0x1  }
0x15: {  	[smem:$0x3FB0] =	sst s0;
	s0 =	simm.s32 @!p2 $0x0  }
0x16: {  	s3 =	sld [smem:$0x3FDB];
	s0 =	simm.s32 @p2 $0x1  }
0x17: {  	s4 =	simm.s32 $0x1BF5;
	[smem:$0x3FB2] =	sst s0  }
0x18: {  	s0 =	sld [smem:$0x3F95];
	_ =	swait.ge [sflag:s4], $0x0  }
0x19: {  	s7 =	sld [smem:$0x3F96]  }
0x1a: {  	s8 =	sadd.s32 $0xFFFFE003, lr  }
0x1b: {  	s9 =	sadd.s32 $0xFFFFFEF7, lr;
	s5 =	simm.s32 $0xFFFFFFFF;
	p2 =	slt.u32 s8, $0xFFFFF086  }
0x1c: {  	p1 =	slt.u32 s9, $0xF7A;
	s5 =	simm.s32 @!p2 $0x0  }
0x1d: {  	s5 =	simm.s32 @p1 $0x1;
	p0 =	seq.s32 s7, s2  }
0x1e: {  	s7 =	smul.u32 @!p0 $0xF7A, s2;
	p2 =	seq.s32 @!p0 s5, $0x0  }
0x1f: {  	s9 =	smul.u32 $0xF7A, s1;
	s8 =	simm.s32 @!p0 $0x1BF5;
	p2 =	por !p2, p0  }
0x20: {  	[sflag:s8] =	ssyncset.s32 @!p0 $0xFFFFF086;
	s6 =	sadd.s32 @!p0 s3, s7;
	s7 =	simm.s32 @!p0 $0x108  }
0x21: {  	s3 =	sadd.s32 s3, s9;
	s6 =	sadd.s32 @!p0 $0x88, s6;
	s7 =	simm.s32 @p2 $0x1082  }
0x22: {  	[simem:s7], [sflag:s8] =	dma.local @!p0 [hbm:s6], $0xF7A  }
0x23: {  	s9 =	sor.u32 $0xD0000000, s2;
	s6 =	simm.s32 $0x108;
	_ =	swait.ge @!p0 [sflag:s8], $0x0  }
0x24: {  	s3 =	sadd.s32 $0x88, s3;
	s6 =	simm.s32 @!p1 $0x1082;
	[sflag:s4] =	ssyncset.s32 $0xFFFFF086  }
0x25: {  	[simem:s6], [sflag:s4] =	dma.local [hbm:s3], $0xF7A  }
0x26: {  	[smem:$0x3F96] =	sst s1;
	(tag) =	ssettag s2;
	_ =	strace s9  }
0x27: {  	s1 =	sld [smem:$0x3FA6]  }
0x28: {  	s2 =	sld [smem:$0x3FA7]  }
0x29: {  	s4 =	sld [smem:$0x3FA9]  }
0x2a: {  	p0 =	seq.s32 s5, $0x0;
	s5 =	sld [smem:$0x3FAA]  }
0x2b: {  	s6 =	sld [smem:$0x3FAB]  }
0x2c: {  	s7 =	sld [smem:$0x3FAC]  }
0x2d: {  	s3 =	simm.s32 $0x108;
	s8 =	sld [smem:$0x3FAD]  }
0x2e: {  	s3 =	simm.s32 @!p0 $0x1082;
	s9 =	sld [smem:$0x3FAE]  }
0x2f: {  	lr =	sadd.s32 s0, s3;
	s0 =	sld [smem:$0x3FA5]  }
0x30: {  	s3 =	sld [smem:$0x3FA8]  }
0x31: {  	[smem:$0x3FB1] =	sst s10  }
0x32: {  	s10 =	sld [smem:$0x3FAF];
	_ =	sdelay $0x3  }
0x33: {  	p0 =	seq.s32 s10, $0x1;
	s10 =	sld [smem:$0x3FB1];
	_ =	sdelay $0x3  }
0x34: {  	[smem:$0x3FB1] =	sst s10  }
0x35: {  	s10 =	sld [smem:$0x3FB0];
	_ =	sdelay $0x3  }
0x36: {  	p1 =	seq.s32 s10, $0x1;
	s10 =	sld [smem:$0x3FB1];
	_ =	sdelay $0x3  }
0x37: {  	[smem:$0x3FB1] =	sst s10  }
0x38: {  	s10 =	sld [smem:$0x3FB2]  }
0x39: {  	_ = 	snop;
	(pc) =	sbr.ind lr, $3  }
0x3a: {  	_ = 	snop  }
0x3b: {  	_ = 	snop  }
0x3c: {  	p2 =	seq.s32 s10, $0x1;
	s10 =	sld [smem:$0x3FB1]  }
0x3d: {  	_ =	shalt  }
0x3e: {  	_ =	shalt  }
0x3f: {  	_ =	shalt  }
0x40: {  	_ =	shalt  }
0x41: {  	_ =	shalt  }
0x42: {  	_ =	shalt  }
0x43: {  	_ =	shalt  }
0x44: {  	_ =	shalt  }
0x45: {  	_ =	shalt  }
0x46: {  	_ =	shalt  }
0x47: {  	_ =	shalt  }
0x48: {  	_ =	shalt  }
0x49: {  	_ =	shalt  }
0x4a: {  	_ =	shalt  }
0x4b: {  	_ =	shalt  }
0x4c: {  	_ =	shalt  }
0x4d: {  	_ =	shalt  }
0x4e: {  	_ =	shalt  }
0x4f: {  	_ =	shalt  }
0x50: {  	_ =	shalt  }
0x51: {  	_ =	shalt  }
0x52: {  	_ =	shalt  }
0x53: {  	_ =	shalt  }
0x54: {  	_ =	shalt  }
0x55: {  	_ =	shalt  }
0x56: {  	_ =	shalt  }
0x57: {  	_ =	shalt  }
0x58: {  	_ =	shalt  }
0x59: {  	_ =	shalt  }
0x5a: {  	_ =	shalt  }
0x5b: {  	_ =	shalt  }
0x5c: {  	_ =	shalt  }
0x5d: {  	_ =	shalt  }
0x5e: {  	_ =	shalt  }
0x5f: {  	_ =	shalt  }
0x60: {  	_ =	shalt  }
0x61: {  	_ =	shalt  }
0x62: {  	_ =	shalt  }
0x63: {  	_ =	shalt  }
0x64: {  	_ =	shalt  }
0x65: {  	_ =	shalt  }
0x66: {  	_ =	shalt  }
0x67: {  	_ =	shalt  }
0x68: {  	_ =	shalt  }
0x69: {  	_ =	shalt  }
0x6a: {  	_ =	shalt  }
0x6b: {  	_ =	shalt  }
0x6c: {  	_ =	shalt  }
0x6d: {  	_ =	shalt  }
0x6e: {  	_ =	shalt  }
0x6f: {  	_ =	shalt  }
0x70: {  	_ =	shalt  }
0x71: {  	_ =	shalt  }
0x72: {  	_ =	shalt  }
0x73: {  	_ =	shalt  }
0x74: {  	_ =	shalt  }
0x75: {  	_ =	shalt  }
0x76: {  	_ =	shalt  }
0x77: {  	_ =	shalt  }
0x78: {  	_ =	shalt  }
0x79: {  	_ =	shalt  }
0x7a: {  	_ =	shalt  }
0x7b: {  	_ =	shalt  }
0x7c: {  	_ =	shalt  }
0x7d: {  	_ =	shalt  }
0x7e: {  	_ =	shalt  }
0x7f: {  	_ =	shalt  }
0x80: {  	_ =	shalt  }
0x81: {  	_ =	shalt  }
0x82: {  	_ =	shalt  }
0x83: {  	_ =	shalt  }
0x84: {  	_ =	shalt  }
0x85: {  	_ =	shalt  }
0x86: {  	_ =	shalt  }
0x87: {  	_ =	shalt  }
.Lfunc_end0:
.L_simem_size_0:
called_computation.2_lowered:
.L_overlay_start_0:
0x88: {  	s2 =	sld [smem:$0x3FD9]  }
0x89: {  	s3 =	sld [smem:$0x3FFE];
	_ =	sdelay $0x1  }
0x8a: {  	s1 =	srdreg.scid  }
0x8b: {  	s0 =	sand.u32 $0x1, s1  }
0x8c: {  	s17 =	sshll.u32 s0, $0xA;
	s2 =	sadd.s32 s3, s2  }
0x8d: {  	s2 =	sadd.s32 s2, s17  }
0x8e: {  	[smem:$0x3FBD] =	sst s2  }
0x8f: {  	_ = 	snop  }
0x90: {  	s18 =	sld [smem:$0x3FD0];
	(tm) =	ssettm $0x1  }
0x91: {  	s19 =	sld [smem:$0x3FFB];
	_ =	sdelay $0x3  }
0x92: {  	_ =	strace s19  }
0x93: {  	s2 =	sld [smem:$0x3FFC];
	_ =	sdelay $0x3  }
0x94: {  	_ =	strace s2  }
0x95: {  	s2 =	sld [smem:$0x3FFD];
	_ =	sdelay $0x3  }
0x96: {  	_ =	strace s2  }
0x97: {  	_ =	strace $0x8FFFFFFF  }
0x98: {  	s20 =	sld [smem:$0x3FDB];
	_ =	sdelay $0x1  }
0x99: {  	s4 =	simm.s32 $_scs_section_size  }
0x9a: {  	s5 =	simm.s32 $_size__tile_overlayer_lowered;
	s6 =	simm.s32 $_tile_overlayer_lowered  }
0x9b: {  	s7 =	simm.s32 $0x1BFF;
	s21 =	sshll.u32 s6, $0x1;
	s4 =	sadd.s32 s4, s20  }
0x9c: {  	s22 =	simm.s32 $0x0;
	s5 =	sshll.u32 s5, $0x1;
	s6 =	sadd.s32 s21, s4  }
0x9d: {  	[timem:s22], [sflag:s7] =	dma.local [hbm:s6], s5  }
0x9e: {  	_ =	swait.ge [sflag:s7], s5  }
0x9f: {  	s5 =	ssub.s32 $0x0, s5;
	[sflag:s7] =	ssyncset.done $0x0  }
0xa0: {  	[sflag:s7] =	ssyncadd.s32 s5;
	_ =	sdelay $0x1  }
0xa1: {  	s23 =	simm.s32 $0x1B8B  }
0xa2: {  	_ =	swait.ge [sflag:s23], $0x1  }
0xa3: {  	[sflag:s23] =	ssyncset.done $0x0  }
0xa4: {  	[sflag:s23] =	ssyncadd.s32 $0xFFFFFFFF  }
0xa5: {  	s5 =	sld [smem:$0x0]  }
0xa6: {  	s6 =	sand.u32 $0xFFFFFFFE, s1  }
0xa7: {  	p0 =	sne.s32 s1, s6  }
0xa8: {  	s6 =	sshll.u32 @p0 s6, $0xE  }
0xa9: {  	s6 =	sadd.s32 @p0 $0x11B8D, s6;
	s7 =	sshll.u32 @p0 s5, $0x11  }
0xaa: {  	s6 =	sor.u32 @p0 s7, s6  }
0xab: {  	[sflag:s6] =	ssyncadd.remote.s32 @p0 $0x1;
	_ =	sdelay $0x1  }
0xac: {  	s6 =	simm.s32 @p0 $0x1B8D  }
0xad: {  	_ =	swait.eq @p0 [sflag:s6], $0x1  }
0xae: {  	[sflag:s6] =	ssyncadd.s32 @p0 $0xFFFFFFFF  }
0xaf: {  	s7 =	sshll.u32 @!p0 s1, $0xE  }
0xb0: {  	s7 =	sor.u32 @!p0 $0x4000, s7;
	s6 =	simm.s32 @!p0 $0x1B8D  }
0xb1: {  	s5 =	sshll.u32 @!p0 s5, $0x11;
	s7 =	sadd.s32 @!p0 $0x11B8D, s7;
	_ =	swait.eq @!p0 [sflag:s6], $0x1  }
0xb2: {  	s5 =	sor.u32 @!p0 s5, s7;
	[sflag:s6] =	ssyncadd.s32 @!p0 $0xFFFFFFFF  }
0xb3: {  	s25 =	simm.s32 $0x1B8E;
	s24 =	sld [smem:$0x3FFE];
	[sflag:s5] =	ssyncadd.remote.s32 @!p0 $0x1  }
0xb4: {  	s26 =	simm.s32 $execute0_lowered;
	[smem:$0x3FD2] =	sst s25  }
0xb5: {  	s6 =	sshll.u32 s26, $0x1;
	_ =	strace $0x8000004C;
	[dreg:$0x1] =	wrdreg $0xFFFFFFFF  }
0xb6: {  	s28 =	simm.s32 $_size_execute0_lowered;
	s4 =	sadd.s32 s4, s6;
	[dreg:$0x0] =	wrdreg $0x0  }
0xb7: {  	s6 =	sshll.u32 s28, $0x1;
	[dreg:$0x2] =	wrdreg s4  }
0xb8: {  	[dreg:$0x3] =	wrdreg s6  }
0xb9: {  	[dreg:$0x4] =	wrdreg $0xC0  }
0xba: {  	_ =	task [dreg:s22], $0x5FFFF  }
0xbb: {  	[dreg:$0x1] =	wrdreg $0xFFFFFFFF  }
0xbc: {  	[dreg:$0x0] =	wrdreg $0x60  }
0xbd: {  	[dreg:$0x2] =	wrdreg s24  }
0xbe: {  	[dreg:$0x3] =	wrdreg s18  }
0xbf: {  	[dreg:$0x4] =	wrdreg $0x9  }
0xc0: {  	_ =	task.clear_ibuf [dreg:s22], $0x5FFFF;
	_ =	strace $0x9000004C  }
0xc1: {  	s29 =	simm.s32 $0x9;
	_ =	strace $0x8000004E  }
0xc2: {  	_ =	swait.ge [sflag:s29], $0x1  }
0xc3: {  	[sflag:s29] =	ssyncadd.s32 $0xFFFFFFFF  }
0xc4: {  	_ =	strace $0x9000004E  }
0xc5: {  	_ =	sfence  }
0xc6: {  	s30 =	sld [smem:$0x0];
	_ =	sdelay $0x2  }
0xc7: {  	s31 =	sshll.u32 s1, $0xD;
	s1 =	sshrl.u32 s1, $0x2  }
0xc8: {  	s4 =	sand.u32 $0x4000, s31;
	s1 =	sadd.s32 s1, s30  }
0xc9: {  	s0 =	sor.u32 s4, s0;
	s1 =	sshll.u32 s1, $0x11  }
0xca: {  	s0 =	sor.u32 s1, s0  }
0xcb: {  	s0 =	sadd.s32 $0x8F2B, s0  }
0xcc: {  	[sflag:s0] =	ssyncadd.remote.s32 $0x1  }
0xcd: {  	_ =	sfence.sel $0xFFFF  }
0xce: {  	[dreg:$0x0] =	wrdreg $0xFFFFFFFF;
	(pc) =	sbr.abs _section_cstart, $3  }
0xcf: {  	[dreg:$0x1] =	wrdreg $0xFFFFFFFF  }
0xd0: {  	_ =	task.clear_ibuf [dreg:s22], $0x2FFFF;
	_ =	strace $0x9FFFFFFF  }
0xd1: {  	(tm) =	ssettm $0x7FFFFFFF  }
tec
execute0_lowered:
.L_overlay_start_1:
0x0: {  	(tag) =	ssettag $0x1  }
0x1: {  	s0 =	rddreg [dreg:$0x0]  }
0x2: {  	s2 =	rddreg [dreg:$0x1]  }
0x3: {  	s3 =	simm.s32 $0x0;
	s1 =	srdreg.scid;
	s4 =	stileid.u32  }
0x4: {  	s14 =	simm.s32 $0x1D500;
	s15 =	simm.s32 $0x1DC00;
	s16 =	simm.s32 $0x1  }
0x5: {  	s17 =	simm.s32 $0x1E300;
	s18 =	simm.s32 $0x1F100;
	s19 =	simm.s32 $0x2  }
0x6: {  	s20 =	simm.s32 $0x4;
	s21 =	simm.s32 $0x6;
	s22 =	simm.s32 $0x1EA00  }
0x7: {  	s23 =	simm.s32 $0x1F800;
	s24 =	simm.s32 $0x3;
	s25 =	simm.s32 $0x5  }
0x8: {  	[smem:$0x7FF] =	sst s3;
	s1 =	sand.u32 $0x1, s1;
	s4 =	sshll.u32 s4, $0x1  }
0x9: {  	s6 =	sadd.s32 $0x37E00, s0;
	s5 =	sor.u32 s1, s4;
	s1 =	ssub.s32 $0x2, s1  }
0xa: {  	_ =	strace $0x8000004D;
	s7 =	smul.u32 $0x7600, s5;
	s8 =	sshrl.u32 s1, $0x1  }
0xb: {  	s4 =	smul.u32 $0x68A00, s5;
	s9 =	sshllo.u32 s5, $0x1;
	s5 =	sadd.s32 $0x25A00, s0  }
.Ltmp0:
0xc: {  	s0 =	sadd.s32 $0x25AD8, s0;
	s1 =	ssub.s32 s1, s8;
	(pc) =	sbr.rel .LBB2_1-.Ltmp0, $4  }
0xd: {  	s29 =	smul.u32 $0x3B00, s9;
	[dreg:$0x4] =	wrdreg s0;
	s7 =	sadd.s32 s6, s7  }
0xe: {  	s26 =	simm.s32 $0x0;
	s31 =	smax.u32 s1, $0x1;
	[dreg:$0x3] =	wrdreg s7  }
0xf: {  	s10 =	smul.u32 $0x34500, s9;
	s30 =	sadd.s32 s6, s29;
	[dreg:$0x6] =	wrdreg s31  }
0x10: {  	s11 =	sadd.s32 $0xD48500, s4;
	s7 =	sadd.s32 $0xD14000, s4;
	[dreg:$0x5] =	wrdreg s30  }
.LBB2_23:
0x11: {  	_ =	swait.ge [sflag:s24], $0x6C0  }
0x12: {  	[sflag:s24] =	ssyncset.done $0x0  }
0x13: {  	[sflag:s24] =	ssyncadd.s32 $0xFFFFF940  }
0x14: {  	_ =	swait.ge [sflag:s20], $0x6C0  }
0x15: {  	[sflag:s20] =	ssyncset.done $0x0  }
0x16: {  	[sflag:s20] =	ssyncadd.s32 $0xFFFFF940  }
0x17: {  	_ =	swait.ge [sflag:s25], $0x6C0  }
0x18: {  	[sflag:s25] =	ssyncset.done $0x0  }
0x19: {  	[sflag:s25] =	ssyncadd.s32 $0xFFFFF940  }
0x1a: {  	_ =	swait.ge [sflag:s21], $0x6C0  }
0x1b: {  	s26 =	sadd.s32 $0x1, s26;
	s0 =	rddreg [dreg:$0x6]  }
0x1c: {  	p0 =	sne.s32 s26, s0  }
.Ltmp1:
0x1d: {  	_ = 	snop;
	(pc) =	sbr.rel @!p0 .LBB2_24-.Ltmp1, $3  }
0x1e: {  	_ =	sdelay $0x1  }
0x1f: {  	[sflag:s21] =	ssyncset.done $0x0  }
0x20: {  	[sflag:s21] =	ssyncadd.s32 $0xFFFFF940  }
.LBB2_1:
0x21: {  	s0 =	rddreg [dreg:$0x3];
	s30 =	simm.s32 $0x7  }
0x22: {  	[tilespmem:s3], [sflag:$0x7] =	stream.linear.gather [hbm4b:s0+s3], $0x1D4D0, $0x38;
	[tilespmem:$0x1FF00] =	vst v63  }
0x23: {  	_ =	swait.ge [sflag:s30], $0x1D4D0  }
0x24: {  	[sflag:s30] =	ssyncset.done $0x0  }
0x25: {  	[sflag:s30] =	ssyncadd.s32 $0xFFFE2B30  }
0x26: {  	[tilespmem:s14], [sflag:$0x1] =	stream.linear.gather [hbm4b:s5+s3], $0x6C0, $0x38;
	[tilespmem:$0x1FF00] =	vst v63  }
0x27: {  	s28 =	simm.s32 $0x0;
	s31 =	rddreg [dreg:$0x4]  }
0x28: {  	[tilespmem:s15], [sflag:$0x2] =	stream.linear.gather [hbm4b:s31+s3], $0x6C0, $0x38;
	[tilespmem:$0x1FF00] =	vst v63  }
.LBB2_2:
0x29: {  	_ =	swait.ge [sflag:s16], $0x6C0  }
0x2a: {  	p0 =	seq.s32 s28, $0x0;
	[sflag:s16] =	ssyncset.done $0x0  }
0x2b: {  	s0 =	simm.s32 @!p0 $0x3;
	[sflag:s16] =	ssyncadd.s32 $0xFFFFF940  }
0x2c: {  	_ =	swait.ge @!p0 [sflag:s0], $0x6C0  }
0x2d: {  	[sflag:s0] =	ssyncset.done @!p0 $0x0  }
0x2e: {  	[sflag:s0] =	ssyncadd.s32 @!p0 $0xFFFFF940;
	s0 =	simm.s32 @!p0 $0x5  }
0x2f: {  	_ =	swait.ge @!p0 [sflag:s0], $0x6C0  }
0x30: {  	s1 =	simm.s32 $0x0;
	[sflag:s0] =	ssyncset.done @!p0 $0x0  }
0x31: {  	s30 =	sand.u32 $0xFF0, s1;
	[sflag:s0] =	ssyncadd.s32 @!p0 $0xFFFFF940  }
0x32: {  	s1 =	simm.s32 $0x1D540;
	v0 =	vld [tilespmem:s30+$0x1D580]  }
0x33: {  	v1 =	vld [tilespmem:s1+$0xFFFFFFC0]  }
0x34: {  	v2 =	vld [tilespmem:s1+$0xFFFFFFE0]  }
0x35: {  	v6 =	vld [tilespmem:s1+$0x30]  }
0x36: {  	v4 =	vld [tilespmem:s1+$0x20]  }
0x37: {  	v9 =	vld [tilespmem:s1+$0xFFFFFFD0]  }
0x38: {  	v10 =	vld [tilespmem:s1+$0x10]  }
0x39: {  	v8 =	vld [tilespmem:s1+$0x0]  }
0x3a: {  	v7 =	vld [tilespmem:s1+$0xFFFFFFF0]  }
0x3b: {  	v5 =	vld.idx.msk [tilespmem:v1+s3+$0x0], $0xffff  }
0x3c: {  	v3 =	vld.idx.msk [tilespmem:v2+s3+$0x0], $0xffff  }
0x3d: {  	v0 =	vld.idx.msk [tilespmem:v0+s3+$0x0], $0xffff  }
0x3e: {  	v1 =	vld.idx.msk [tilespmem:v6+s3+$0x0], $0xffff  }
0x3f: {  	s6 =	simm.s32 $0x1E340;
	s9 =	simm.s32 $0x1F140;
	v6 =	vld.idx.msk [tilespmem:v9+s3+$0x0], $0xffff  }
0x40: {  	s12 =	simm.s32 $0x90;
	s31 =	simm.s32 $0x1E340;
	s0 =	simm.s32 $0x1F140;
	v2 =	vld.idx.msk [tilespmem:v10+s3+$0x0], $0xffff  }
.LBB2_3:
0x41: {  	v8 =	vld.idx.msk [tilespmem:v8+s3+$0x0], $0xffff;
	s1 =	sadd.s32 $0x90, s1;
	s6 =	sadd.s32 $0x90, s6;
	s9 =	sadd.s32 $0x90, s9  }
0x42: {  	p1 =	sne.s32 s12, $0x630;
	s8 =	smov.u32 s12;
	s12 =	sadd.s32 $0x90, s12;
	v7 =	vld.idx.msk [tilespmem:v7+s3+$0x0], $0xffff  }
0x43: {  	v9 =	vshll.u32 v5, $0x10;
	v4 =	vld.idx.msk [tilespmem:v4+s3+$0x0], $0xffff  }
0x44: {  	v5 =	vand.u32 $0xFFFF0000, v5;
	[tilespmem:s31+$0xFFFFFFC0] =	vst v9  }
0x45: {  	[tilespmem:s0+$0xFFFFFFC0] =	vst v5;
	v5 =	vshll.u32 v6, $0x10  }
0x46: {  	[tilespmem:s31+$0xFFFFFFD0] =	vst v5;
	v5 =	vand.u32 $0xFFFF0000, v6  }
0x47: {  	[tilespmem:s0+$0xFFFFFFD0] =	vst v5;
	v5 =	vshll.u32 v3, $0x10  }
0x48: {  	v3 =	vand.u32 $0xFFFF0000, v3;
	[tilespmem:s31+$0xFFFFFFE0] =	vst v5  }
0x49: {  	[tilespmem:s0+$0xFFFFFFE0] =	vst v3;
	v3 =	vshll.u32 v7, $0x10  }
0x4a: {  	s8 =	sand.u32 $0xFF0, s8;
	[tilespmem:s31+$0xFFFFFFF0] =	vst v3;
	v3 =	vand.u32 $0xFFFF0000, v7  }
0x4b: {  	[tilespmem:s0+$0xFFFFFFF0] =	vst v3;
	v3 =	vshll.u32 v8, $0x10  }
0x4c: {  	[tilespmem:s31+$0x0] =	vst v3;
	v3 =	vand.u32 $0xFFFF0000, v8  }
0x4d: {  	[tilespmem:s0+$0x0] =	vst v3;
	v3 =	vshll.u32 v2, $0x10  }
0x4e: {  	v2 =	vand.u32 $0xFFFF0000, v2;
	[tilespmem:s31+$0x10] =	vst v3  }
0x4f: {  	[tilespmem:s0+$0x10] =	vst v2;
	v2 =	vshll.u32 v4, $0x10  }
0x50: {  	[tilespmem:s31+$0x20] =	vst v2;
	v2 =	vand.u32 $0xFFFF0000, v4  }
0x51: {  	[tilespmem:s0+$0x20] =	vst v2;
	v2 =	vshll.u32 v1, $0x10  }
0x52: {  	v1 =	vand.u32 $0xFFFF0000, v1;
	[tilespmem:s31+$0x30] =	vst v2;
	s31 =	smov.u32 s6  }
0x53: {  	[tilespmem:s0+$0x30] =	vst v1;
	v1 =	vshll.u32 v0, $0x10;
	v0 =	vand.u32 $0xFFFF0000, v0;
	s0 =	smov.u32 s9  }
0x54: {  	[tilespmem:s30+$0x1E380] =	vst v1  }
0x55: {  	v1 =	vld [tilespmem:s8+$0x1D580];
	[tilespmem:s30+$0x1F180] =	vst v0;
	s30 =	smov.u32 s8  }
0x56: {  	v0 =	vld [tilespmem:s1+$0xFFFFFFC0]  }
0x57: {  	v2 =	vld [tilespmem:s1+$0xFFFFFFE0]  }
0x58: {  	v6 =	vld [tilespmem:s1+$0x30]  }
0x59: {  	v4 =	vld [tilespmem:s1+$0x20]  }
0x5a: {  	v9 =	vld [tilespmem:s1+$0xFFFFFFD0]  }
0x5b: {  	v10 =	vld [tilespmem:s1+$0x10]  }
0x5c: {  	v8 =	vld [tilespmem:s1+$0x0]  }
0x5d: {  	v7 =	vld [tilespmem:s1+$0xFFFFFFF0]  }
0x5e: {  	v5 =	vld.idx.msk [tilespmem:v0+s3+$0x0], $0xffff  }
.Ltmp2:
0x5f: {  	v3 =	vld.idx.msk [tilespmem:v2+s3+$0x0], $0xffff;
	(pc) =	sbr.rel @p1 .LBB2_3-.Ltmp2, $4  }
0x60: {  	v0 =	vld.idx.msk [tilespmem:v1+s3+$0x0], $0xffff  }
0x61: {  	v1 =	vld.idx.msk [tilespmem:v6+s3+$0x0], $0xffff  }
0x62: {  	v6 =	vld.idx.msk [tilespmem:v9+s3+$0x0], $0xffff  }
0x63: {  	v2 =	vld.idx.msk [tilespmem:v10+s3+$0x0], $0xffff  }
0x64: {  	_ =	sdelay $0x3  }
0x65: {  	v8 =	vld.idx.msk [tilespmem:v8+s3+$0x0], $0xffff  }
0x66: {  	v7 =	vld.idx.msk [tilespmem:v7+s3+$0x0], $0xffff;
	v9 =	vshll.u32 v5, $0x10  }
0x67: {  	v4 =	vld.idx.msk [tilespmem:v4+s3+$0x0], $0xffff;
	v47 =	vand.u32 $0xFFFF0000, v5;
	[tilespmem:s31+$0xFFFFFFC0] =	vst v9  }
0x68: {  	[tilespmem:s0+$0xFFFFFFC0] =	vst v47;
	v48 =	vshll.u32 v6, $0x10  }
0x69: {  	v49 =	vand.u32 $0xFFFF0000, v6;
	[tilespmem:s31+$0xFFFFFFD0] =	vst v48  }
0x6a: {  	v50 =	vshll.u32 v3, $0x10;
	[tilespmem:s0+$0xFFFFFFD0] =	vst v49  }
0x6b: {  	v51 =	vand.u32 $0xFFFF0000, v3;
	[tilespmem:s31+$0xFFFFFFE0] =	vst v50  }
0x6c: {  	v52 =	vshll.u32 v7, $0x10;
	[tilespmem:s0+$0xFFFFFFE0] =	vst v51  }
0x6d: {  	v53 =	vand.u32 $0xFFFF0000, v7;
	[tilespmem:s31+$0xFFFFFFF0] =	vst v52  }
0x6e: {  	v54 =	vshll.u32 v8, $0x10;
	[tilespmem:s0+$0xFFFFFFF0] =	vst v53  }
0x6f: {  	v55 =	vand.u32 $0xFFFF0000, v8;
	[tilespmem:s31+$0x0] =	vst v54  }
0x70: {  	v56 =	vshll.u32 v2, $0x10;
	[tilespmem:s0+$0x0] =	vst v55  }
0x71: {  	v57 =	vand.u32 $0xFFFF0000, v2;
	[tilespmem:s31+$0x10] =	vst v56  }
0x72: {  	v58 =	vshll.u32 v4, $0x10;
	[tilespmem:s0+$0x10] =	vst v57  }
0x73: {  	v59 =	vand.u32 $0xFFFF0000, v4;
	[tilespmem:s31+$0x20] =	vst v58  }
0x74: {  	s29 =	smul.u32 $0xD80, s28;
	v60 =	vshll.u32 v1, $0x10;
	[tilespmem:s0+$0x20] =	vst v59  }
0x75: {  	v61 =	vand.u32 $0xFFFF0000, v1;
	[tilespmem:s31+$0x30] =	vst v60  }
0x76: {  	v62 =	vshll.u32 v0, $0x10;
	s13 =	sadd.s32 s4, s29;
	[tilespmem:s0+$0x30] =	vst v61  }
0x77: {  	p1 =	sne.s32 s28, $0x3D;
	v63 =	vand.u32 $0xFFFF0000, v0;
	s0 =	sshrl.u32 s13, $0x3;
	[tilespmem:s30+$0x1E380] =	vst v62  }
.Ltmp3:
0x78: {  	s31 =	sadd.s32 s7, s29;
	[tilespmem:s30+$0x1F180] =	vst v63;
	s0 =	sadd.s32 s2, s0;
	(pc) =	sbr.rel @p1 .LBB2_6-.Ltmp3, $4  }
0x79: {  	[hbm4b:s0+s3] =	stream.linear.scatter [tilespmem:s17], [sflag:$0x3], $0x6C0, $0x38;
	[tilespmem:$0x1FF00] =	vst v63  }
0x7a: {  	s0 =	sshrl.u32 s31, $0x3  }
0x7b: {  	s0 =	sadd.s32 s2, s0  }
0x7c: {  	[hbm4b:s0+s3] =	stream.linear.scatter [tilespmem:s18], [sflag:$0x5], $0x6C0, $0x38;
	[tilespmem:$0x1FF00] =	vst v63  }
.Ltmp4:
0x7d: {  	(pc) =	sbr.rel .LBB2_7-.Ltmp4, $4  }
0x7e: {  	_ = 	snop  }
0x7f: {  	_ =	swait.ge [sflag:s19], $0x6C0  }
0x80: {  	[sflag:s19] =	ssyncset.done $0x0  }
0x81: {  	[sflag:s19] =	ssyncadd.s32 $0xFFFFF940  }
.LBB2_6:
0x82: {  	s0 =	sshrl.u32 s29, $0x3  }
0x83: {  	s0 =	sadd.s32 s5, s0  }
.Ltmp5:
0x84: {  	s0 =	sadd.s32 $0x1B0, s0;
	(pc) =	sbr.rel @p0 .LBB2_8-.Ltmp5, $4  }
0x85: {  	[tilespmem:s14], [sflag:$0x1] =	stream.linear.gather [hbm4b:s0+s3], $0x6C0, $0x38;
	[tilespmem:$0x1FF00] =	vst v63  }
0x86: {  	_ =	swait.ge [sflag:s19], $0x6C0  }
0x87: {  	[sflag:s19] =	ssyncset.done $0x0  }
0x88: {  	[sflag:s19] =	ssyncadd.s32 $0xFFFFF940  }
.LBB2_7:
0x89: {  	_ =	swait.ge [sflag:s20], $0x6C0  }
0x8a: {  	[sflag:s20] =	ssyncset.done $0x0  }
0x8b: {  	[sflag:s20] =	ssyncadd.s32 $0xFFFFF940  }
0x8c: {  	_ =	swait.ge [sflag:s21], $0x6C0  }
0x8d: {  	[sflag:s21] =	ssyncset.done $0x0  }
0x8e: {  	[sflag:s21] =	ssyncadd.s32 $0xFFFFF940  }
.LBB2_8:
0x8f: {  	s31 =	simm.s32 $0x1DC40  }
0x90: {  	v1 =	vld [tilespmem:s31+$0xFFFFFFC0]  }
0x91: {  	v2 =	vld [tilespmem:s31+$0xFFFFFFE0]  }
0x92: {  	v6 =	vld [tilespmem:s31+$0x30]  }
0x93: {  	v4 =	vld [tilespmem:s31+$0x20]  }
0x94: {  	s0 =	simm.s32 $0x0;
	v9 =	vld [tilespmem:s31+$0xFFFFFFD0]  }
0x95: {  	s30 =	sand.u32 $0xFF0, s0;
	v10 =	vld [tilespmem:s31+$0x10]  }
0x96: {  	v0 =	vld [tilespmem:s30+$0x1DC80]  }
0x97: {  	v8 =	vld [tilespmem:s31+$0x0]  }
0x98: {  	v7 =	vld [tilespmem:s31+$0xFFFFFFF0]  }
0x99: {  	v5 =	vld.idx.msk [tilespmem:v1+s3+$0x0], $0xffff  }
0x9a: {  	v3 =	vld.idx.msk [tilespmem:v2+s3+$0x0], $0xffff  }
0x9b: {  	v1 =	vld.idx.msk [tilespmem:v6+s3+$0x0], $0xffff  }
0x9c: {  	v6 =	vld.idx.msk [tilespmem:v9+s3+$0x0], $0xffff  }
0x9d: {  	s6 =	simm.s32 $0x1EA40;
	s9 =	simm.s32 $0x1F840;
	v2 =	vld.idx.msk [tilespmem:v10+s3+$0x0], $0xffff  }
0x9e: {  	s12 =	simm.s32 $0x90;
	s1 =	simm.s32 $0x1EA40;
	s0 =	simm.s32 $0x1F840;
	v0 =	vld.idx.msk [tilespmem:v0+s3+$0x0], $0xffff  }
.LBB2_9:
0x9f: {  	v8 =	vld.idx.msk [tilespmem:v8+s3+$0x0], $0xffff;
	s31 =	sadd.s32 $0x90, s31;
	s6 =	sadd.s32 $0x90, s6;
	s9 =	sadd.s32 $0x90, s9  }
0xa0: {  	p0 =	sne.s32 s12, $0x630;
	s8 =	smov.u32 s12;
	s12 =	sadd.s32 $0x90, s12;
	v7 =	vld.idx.msk [tilespmem:v7+s3+$0x0], $0xffff  }
0xa1: {  	v9 =	vshll.u32 v5, $0x10;
	v4 =	vld.idx.msk [tilespmem:v4+s3+$0x0], $0xffff  }
0xa2: {  	v5 =	vand.u32 $0xFFFF0000, v5;
	[tilespmem:s1+$0xFFFFFFC0] =	vst v9  }
0xa3: {  	[tilespmem:s0+$0xFFFFFFC0] =	vst v5;
	v5 =	vshll.u32 v6, $0x10  }
0xa4: {  	[tilespmem:s1+$0xFFFFFFD0] =	vst v5;
	v5 =	vand.u32 $0xFFFF0000, v6  }
0xa5: {  	[tilespmem:s0+$0xFFFFFFD0] =	vst v5;
	v5 =	vshll.u32 v3, $0x10  }
0xa6: {  	v3 =	vand.u32 $0xFFFF0000, v3;
	[tilespmem:s1+$0xFFFFFFE0] =	vst v5  }
0xa7: {  	[tilespmem:s0+$0xFFFFFFE0] =	vst v3;
	v3 =	vshll.u32 v7, $0x10  }
0xa8: {  	s8 =	sand.u32 $0xFF0, s8;
	[tilespmem:s1+$0xFFFFFFF0] =	vst v3;
	v3 =	vand.u32 $0xFFFF0000, v7  }
0xa9: {  	[tilespmem:s0+$0xFFFFFFF0] =	vst v3;
	v3 =	vshll.u32 v8, $0x10  }
0xaa: {  	[tilespmem:s1+$0x0] =	vst v3;
	v3 =	vand.u32 $0xFFFF0000, v8  }
0xab: {  	[tilespmem:s0+$0x0] =	vst v3;
	v3 =	vshll.u32 v2, $0x10  }
0xac: {  	v2 =	vand.u32 $0xFFFF0000, v2;
	[tilespmem:s1+$0x10] =	vst v3  }
0xad: {  	[tilespmem:s0+$0x10] =	vst v2;
	v2 =	vshll.u32 v4, $0x10  }
0xae: {  	[tilespmem:s1+$0x20] =	vst v2;
	v2 =	vand.u32 $0xFFFF0000, v4  }
0xaf: {  	[tilespmem:s0+$0x20] =	vst v2;
	v2 =	vshll.u32 v1, $0x10  }
0xb0: {  	v1 =	vand.u32 $0xFFFF0000, v1;
	[tilespmem:s1+$0x30] =	vst v2;
	s1 =	smov.u32 s6  }
0xb1: {  	[tilespmem:s0+$0x30] =	vst v1;
	v1 =	vshll.u32 v0, $0x10;
	v0 =	vand.u32 $0xFFFF0000, v0;
	s0 =	smov.u32 s9  }
0xb2: {  	[tilespmem:s30+$0x1EA80] =	vst v1  }
0xb3: {  	v1 =	vld [tilespmem:s8+$0x1DC80];
	[tilespmem:s30+$0x1F880] =	vst v0;
	s30 =	smov.u32 s8  }
0xb4: {  	v0 =	vld [tilespmem:s31+$0xFFFFFFC0]  }
0xb5: {  	v2 =	vld [tilespmem:s31+$0xFFFFFFE0]  }
0xb6: {  	v6 =	vld [tilespmem:s31+$0x30]  }
0xb7: {  	v4 =	vld [tilespmem:s31+$0x20]  }
0xb8: {  	v9 =	vld [tilespmem:s31+$0xFFFFFFD0]  }
0xb9: {  	v10 =	vld [tilespmem:s31+$0x10]  }
0xba: {  	v8 =	vld [tilespmem:s31+$0x0]  }
0xbb: {  	v7 =	vld [tilespmem:s31+$0xFFFFFFF0]  }
0xbc: {  	v5 =	vld.idx.msk [tilespmem:v0+s3+$0x0], $0xffff  }
.Ltmp6:
0xbd: {  	v3 =	vld.idx.msk [tilespmem:v2+s3+$0x0], $0xffff;
	(pc) =	sbr.rel @p0 .LBB2_9-.Ltmp6, $4  }
0xbe: {  	v0 =	vld.idx.msk [tilespmem:v1+s3+$0x0], $0xffff  }
0xbf: {  	v1 =	vld.idx.msk [tilespmem:v6+s3+$0x0], $0xffff  }
0xc0: {  	v6 =	vld.idx.msk [tilespmem:v9+s3+$0x0], $0xffff  }
0xc1: {  	v2 =	vld.idx.msk [tilespmem:v10+s3+$0x0], $0xffff  }
0xc2: {  	_ =	sdelay $0x3  }
0xc3: {  	v8 =	vld.idx.msk [tilespmem:v8+s3+$0x0], $0xffff  }
0xc4: {  	v7 =	vld.idx.msk [tilespmem:v7+s3+$0x0], $0xffff;
	v9 =	vshll.u32 v5, $0x10  }
0xc5: {  	v4 =	vld.idx.msk [tilespmem:v4+s3+$0x0], $0xffff;
	v47 =	vand.u32 $0xFFFF0000, v5;
	[tilespmem:s1+$0xFFFFFFC0] =	vst v9  }
0xc6: {  	[tilespmem:s0+$0xFFFFFFC0] =	vst v47;
	v48 =	vshll.u32 v6, $0x10  }
0xc7: {  	v49 =	vand.u32 $0xFFFF0000, v6;
	[tilespmem:s1+$0xFFFFFFD0] =	vst v48  }
0xc8: {  	v50 =	vshll.u32 v3, $0x10;
	[tilespmem:s0+$0xFFFFFFD0] =	vst v49  }
0xc9: {  	v51 =	vand.u32 $0xFFFF0000, v3;
	[tilespmem:s1+$0xFFFFFFE0] =	vst v50  }
0xca: {  	v52 =	vshll.u32 v7, $0x10;
	[tilespmem:s0+$0xFFFFFFE0] =	vst v51  }
0xcb: {  	v53 =	vand.u32 $0xFFFF0000, v7;
	[tilespmem:s1+$0xFFFFFFF0] =	vst v52  }
0xcc: {  	v54 =	vshll.u32 v8, $0x10;
	[tilespmem:s0+$0xFFFFFFF0] =	vst v53  }
0xcd: {  	v55 =	vand.u32 $0xFFFF0000, v8;
	[tilespmem:s1+$0x0] =	vst v54  }
0xce: {  	v56 =	vshll.u32 v2, $0x10;
	[tilespmem:s0+$0x0] =	vst v55  }
0xcf: {  	v57 =	vand.u32 $0xFFFF0000, v2;
	[tilespmem:s1+$0x10] =	vst v56  }
0xd0: {  	v58 =	vshll.u32 v4, $0x10;
	[tilespmem:s0+$0x10] =	vst v57  }
0xd1: {  	v59 =	vand.u32 $0xFFFF0000, v4;
	[tilespmem:s1+$0x20] =	vst v58  }
0xd2: {  	v60 =	vshll.u32 v1, $0x10;
	[tilespmem:s0+$0x20] =	vst v59  }
0xd3: {  	s12 =	sadd.s32 $0x6C0, s29;
	v61 =	vand.u32 $0xFFFF0000, v1;
	[tilespmem:s1+$0x30] =	vst v60  }
0xd4: {  	v62 =	vshll.u32 v0, $0x10;
	s13 =	sadd.s32 s4, s12;
	[tilespmem:s0+$0x30] =	vst v61  }
0xd5: {  	p0 =	seq.s32 s28, $0x3D;
	v63 =	vand.u32 $0xFFFF0000, v0;
	s0 =	sshrl.u32 s13, $0x3;
	[tilespmem:s30+$0x1EA80] =	vst v62  }
.Ltmp7:
0xd6: {  	s31 =	sadd.s32 s7, s12;
	[tilespmem:s30+$0x1F880] =	vst v63;
	s0 =	sadd.s32 s2, s0;
	(pc) =	sbr.rel @p0 .LBB2_12-.Ltmp7, $4  }
0xd7: {  	[hbm4b:s0+s3] =	stream.linear.scatter [tilespmem:s22], [sflag:$0x4], $0x6C0, $0x38;
	[tilespmem:$0x1FF00] =	vst v63  }
0xd8: {  	s0 =	sshrl.u32 s31, $0x3  }
0xd9: {  	s0 =	sadd.s32 s2, s0  }
0xda: {  	[hbm4b:s0+s3] =	stream.linear.scatter [tilespmem:s23], [sflag:$0x6], $0x6C0, $0x38;
	[tilespmem:$0x1FF00] =	vst v63  }
.Ltmp8:
0xdb: {  	(pc) =	sbr.rel .LBB2_2-.Ltmp8, $4  }
0xdc: {  	s0 =	sshrl.u32 s29, $0x3  }
0xdd: {  	s0 =	sadd.s32 s5, s0  }
0xde: {  	s28 =	sadd.s32 $0x1, s28;
	s0 =	sadd.s32 $0x288, s0  }
0xdf: {  	[tilespmem:s15], [sflag:$0x2] =	stream.linear.gather [hbm4b:s0+s3], $0x6C0, $0x38;
	[tilespmem:$0x1FF00] =	vst v63  }
.LBB2_12:
0xe0: {  	_ =	swait.ge [sflag:s24], $0x6C0  }
0xe1: {  	[sflag:s24] =	ssyncset.done $0x0  }
0xe2: {  	[sflag:s24] =	ssyncadd.s32 $0xFFFFF940  }
0xe3: {  	_ =	swait.ge [sflag:s20], $0x6C0  }
0xe4: {  	[sflag:s20] =	ssyncset.done $0x0  }
0xe5: {  	[sflag:s20] =	ssyncadd.s32 $0xFFFFF940  }
0xe6: {  	_ =	swait.ge [sflag:s25], $0x6C0  }
0xe7: {  	[sflag:s25] =	ssyncset.done $0x0  }
0xe8: {  	[sflag:s25] =	ssyncadd.s32 $0xFFFFF940  }
0xe9: {  	_ =	swait.ge [sflag:s21], $0x6C0  }
0xea: {  	s28 =	simm.s32 $0x0;
	[sflag:s21] =	ssyncset.done $0x0  }
0xeb: {  	s30 =	simm.s32 $0x7;
	s0 =	rddreg [dreg:$0x5];
	[sflag:s21] =	ssyncadd.s32 $0xFFFFF940  }
0xec: {  	[tilespmem:s28], [sflag:$0x7] =	stream.linear.gather [hbm4b:s0+s28], $0x1D4D0, $0x38;
	[tilespmem:$0x1FF00] =	vst v63  }
0xed: {  	_ =	swait.ge [sflag:s30], $0x1D4D0  }
0xee: {  	[sflag:s30] =	ssyncset.done $0x0  }
0xef: {  	[sflag:s30] =	ssyncadd.s32 $0xFFFE2B30  }
0xf0: {  	[tilespmem:s14], [sflag:$0x1] =	stream.linear.gather [hbm4b:s5+s28], $0x6C0, $0x38;
	[tilespmem:$0x1FF00] =	vst v63  }
0xf1: {  	s29 =	simm.s32 $0x0;
	s31 =	rddreg [dreg:$0x4]  }
0xf2: {  	[tilespmem:s15], [sflag:$0x2] =	stream.linear.gather [hbm4b:s31+s28], $0x6C0, $0x38;
	[tilespmem:$0x1FF00] =	vst v63  }
.LBB2_13:
0xf3: {  	_ =	swait.ge [sflag:s16], $0x6C0  }
0xf4: {  	p0 =	seq.s32 s29, $0x0;
	[sflag:s16] =	ssyncset.done $0x0  }
0xf5: {  	s0 =	simm.s32 @!p0 $0x3;
	[sflag:s16] =	ssyncadd.s32 $0xFFFFF940  }
0xf6: {  	_ =	swait.ge @!p0 [sflag:s0], $0x6C0  }
0xf7: {  	[sflag:s0] =	ssyncset.done @!p0 $0x0  }
0xf8: {  	[sflag:s0] =	ssyncadd.s32 @!p0 $0xFFFFF940;
	s0 =	simm.s32 @!p0 $0x5  }
0xf9: {  	_ =	swait.ge @!p0 [sflag:s0], $0x6C0  }
0xfa: {  	[sflag:s0] =	ssyncset.done @!p0 $0x0  }
0xfb: {  	s31 =	sand.u32 $0xFF0, s28;
	[sflag:s0] =	ssyncadd.s32 @!p0 $0xFFFFF940  }
0xfc: {  	s30 =	simm.s32 $0x1D540;
	v0 =	vld [tilespmem:s31+$0x1D580]  }
0xfd: {  	v1 =	vld [tilespmem:s30+$0xFFFFFFC0]  }
0xfe: {  	v2 =	vld [tilespmem:s30+$0xFFFFFFE0]  }
0xff: {  	v6 =	vld [tilespmem:s30+$0x30]  }
0x100: {  	v4 =	vld [tilespmem:s30+$0x20]  }
0x101: {  	v9 =	vld [tilespmem:s30+$0xFFFFFFD0]  }
0x102: {  	v10 =	vld [tilespmem:s30+$0x10]  }
0x103: {  	v8 =	vld [tilespmem:s30+$0x0]  }
0x104: {  	v7 =	vld [tilespmem:s30+$0xFFFFFFF0]  }
0x105: {  	v5 =	vld.idx.msk [tilespmem:v1+s3+$0x0], $0xffff  }
0x106: {  	v3 =	vld.idx.msk [tilespmem:v2+s3+$0x0], $0xffff  }
0x107: {  	v0 =	vld.idx.msk [tilespmem:v0+s3+$0x0], $0xffff  }
0x108: {  	v1 =	vld.idx.msk [tilespmem:v6+s3+$0x0], $0xffff  }
0x109: {  	s6 =	simm.s32 $0x1E340;
	s9 =	simm.s32 $0x1F140;
	v6 =	vld.idx.msk [tilespmem:v9+s3+$0x0], $0xffff  }
0x10a: {  	s12 =	simm.s32 $0x90;
	s1 =	simm.s32 $0x1F140;
	s0 =	simm.s32 $0x1E340;
	v2 =	vld.idx.msk [tilespmem:v10+s3+$0x0], $0xffff  }
.LBB2_14:
0x10b: {  	v8 =	vld.idx.msk [tilespmem:v8+s3+$0x0], $0xffff;
	s30 =	sadd.s32 $0x90, s30;
	s6 =	sadd.s32 $0x90, s6;
	s9 =	sadd.s32 $0x90, s9  }
0x10c: {  	p1 =	sne.s32 s12, $0x630;
	s8 =	smov.u32 s12;
	s12 =	sadd.s32 $0x90, s12;
	v7 =	vld.idx.msk [tilespmem:v7+s3+$0x0], $0xffff  }
0x10d: {  	v9 =	vshll.u32 v5, $0x10;
	v4 =	vld.idx.msk [tilespmem:v4+s3+$0x0], $0xffff  }
0x10e: {  	v5 =	vand.u32 $0xFFFF0000, v5;
	[tilespmem:s0+$0xFFFFFFC0] =	vst v9  }
0x10f: {  	[tilespmem:s1+$0xFFFFFFC0] =	vst v5;
	v5 =	vshll.u32 v6, $0x10  }
0x110: {  	[tilespmem:s0+$0xFFFFFFD0] =	vst v5;
	v5 =	vand.u32 $0xFFFF0000, v6  }
0x111: {  	[tilespmem:s1+$0xFFFFFFD0] =	vst v5;
	v5 =	vshll.u32 v3, $0x10  }
0x112: {  	v3 =	vand.u32 $0xFFFF0000, v3;
	[tilespmem:s0+$0xFFFFFFE0] =	vst v5  }
0x113: {  	[tilespmem:s1+$0xFFFFFFE0] =	vst v3;
	v3 =	vshll.u32 v7, $0x10  }
0x114: {  	s8 =	sand.u32 $0xFF0, s8;
	[tilespmem:s0+$0xFFFFFFF0] =	vst v3;
	v3 =	vand.u32 $0xFFFF0000, v7  }
0x115: {  	[tilespmem:s1+$0xFFFFFFF0] =	vst v3;
	v3 =	vshll.u32 v8, $0x10  }
0x116: {  	[tilespmem:s0+$0x0] =	vst v3;
	v3 =	vand.u32 $0xFFFF0000, v8  }
0x117: {  	[tilespmem:s1+$0x0] =	vst v3;
	v3 =	vshll.u32 v2, $0x10  }
0x118: {  	v2 =	vand.u32 $0xFFFF0000, v2;
	[tilespmem:s0+$0x10] =	vst v3  }
0x119: {  	[tilespmem:s1+$0x10] =	vst v2;
	v2 =	vshll.u32 v4, $0x10  }
0x11a: {  	[tilespmem:s0+$0x20] =	vst v2;
	v2 =	vand.u32 $0xFFFF0000, v4  }
0x11b: {  	[tilespmem:s1+$0x20] =	vst v2;
	v2 =	vshll.u32 v1, $0x10  }
0x11c: {  	v1 =	vand.u32 $0xFFFF0000, v1;
	[tilespmem:s0+$0x30] =	vst v2;
	s0 =	smov.u32 s6  }
0x11d: {  	[tilespmem:s1+$0x30] =	vst v1;
	v1 =	vshll.u32 v0, $0x10;
	v0 =	vand.u32 $0xFFFF0000, v0;
	s1 =	smov.u32 s9  }
0x11e: {  	[tilespmem:s31+$0x1E380] =	vst v1  }
0x11f: {  	v1 =	vld [tilespmem:s8+$0x1D580];
	[tilespmem:s31+$0x1F180] =	vst v0;
	s31 =	smov.u32 s8  }
0x120: {  	v0 =	vld [tilespmem:s30+$0xFFFFFFC0]  }
0x121: {  	v2 =	vld [tilespmem:s30+$0xFFFFFFE0]  }
0x122: {  	v6 =	vld [tilespmem:s30+$0x30]  }
0x123: {  	v4 =	vld [tilespmem:s30+$0x20]  }
0x124: {  	v9 =	vld [tilespmem:s30+$0xFFFFFFD0]  }
0x125: {  	v10 =	vld [tilespmem:s30+$0x10]  }
0x126: {  	v8 =	vld [tilespmem:s30+$0x0]  }
0x127: {  	v7 =	vld [tilespmem:s30+$0xFFFFFFF0]  }
0x128: {  	v5 =	vld.idx.msk [tilespmem:v0+s3+$0x0], $0xffff  }
.Ltmp9:
0x129: {  	v3 =	vld.idx.msk [tilespmem:v2+s3+$0x0], $0xffff;
	(pc) =	sbr.rel @p1 .LBB2_14-.Ltmp9, $4  }
0x12a: {  	v0 =	vld.idx.msk [tilespmem:v1+s3+$0x0], $0xffff  }
0x12b: {  	v1 =	vld.idx.msk [tilespmem:v6+s3+$0x0], $0xffff  }
0x12c: {  	v6 =	vld.idx.msk [tilespmem:v9+s3+$0x0], $0xffff  }
0x12d: {  	v2 =	vld.idx.msk [tilespmem:v10+s3+$0x0], $0xffff  }
0x12e: {  	_ =	sdelay $0x3  }
0x12f: {  	v8 =	vld.idx.msk [tilespmem:v8+s3+$0x0], $0xffff  }
0x130: {  	v7 =	vld.idx.msk [tilespmem:v7+s3+$0x0], $0xffff;
	v9 =	vshll.u32 v5, $0x10  }
0x131: {  	v4 =	vld.idx.msk [tilespmem:v4+s3+$0x0], $0xffff;
	v47 =	vand.u32 $0xFFFF0000, v5;
	[tilespmem:s0+$0xFFFFFFC0] =	vst v9  }
0x132: {  	[tilespmem:s1+$0xFFFFFFC0] =	vst v47;
	v48 =	vshll.u32 v6, $0x10  }
0x133: {  	v49 =	vand.u32 $0xFFFF0000, v6;
	[tilespmem:s0+$0xFFFFFFD0] =	vst v48  }
0x134: {  	v50 =	vshll.u32 v3, $0x10;
	[tilespmem:s1+$0xFFFFFFD0] =	vst v49  }
0x135: {  	v51 =	vand.u32 $0xFFFF0000, v3;
	[tilespmem:s0+$0xFFFFFFE0] =	vst v50  }
0x136: {  	v52 =	vshll.u32 v7, $0x10;
	[tilespmem:s1+$0xFFFFFFE0] =	vst v51  }
0x137: {  	v53 =	vand.u32 $0xFFFF0000, v7;
	[tilespmem:s0+$0xFFFFFFF0] =	vst v52  }
0x138: {  	v54 =	vshll.u32 v8, $0x10;
	[tilespmem:s1+$0xFFFFFFF0] =	vst v53  }
0x139: {  	v55 =	vand.u32 $0xFFFF0000, v8;
	[tilespmem:s0+$0x0] =	vst v54  }
0x13a: {  	v56 =	vshll.u32 v2, $0x10;
	[tilespmem:s1+$0x0] =	vst v55  }
0x13b: {  	v57 =	vand.u32 $0xFFFF0000, v2;
	[tilespmem:s0+$0x10] =	vst v56  }
0x13c: {  	v58 =	vshll.u32 v4, $0x10;
	[tilespmem:s1+$0x10] =	vst v57  }
0x13d: {  	v59 =	vand.u32 $0xFFFF0000, v4;
	[tilespmem:s0+$0x20] =	vst v58  }
0x13e: {  	s30 =	smul.u32 $0xD80, s29;
	v60 =	vshll.u32 v1, $0x10;
	[tilespmem:s1+$0x20] =	vst v59  }
0x13f: {  	v61 =	vand.u32 $0xFFFF0000, v1;
	[tilespmem:s0+$0x30] =	vst v60  }
0x140: {  	v62 =	vshll.u32 v0, $0x10;
	s13 =	sadd.s32 s10, s30;
	[tilespmem:s1+$0x30] =	vst v61  }
0x141: {  	p1 =	sne.s32 s29, $0x3D;
	v63 =	vand.u32 $0xFFFF0000, v0;
	s0 =	sshrl.u32 s13, $0x3;
	[tilespmem:s31+$0x1E380] =	vst v62  }
.Ltmp10:
0x142: {  	s0 =	sadd.s32 s2, s0;
	[tilespmem:s31+$0x1F180] =	vst v63;
	s31 =	sadd.s32 s11, s30;
	(pc) =	sbr.rel @p1 .LBB2_17-.Ltmp10, $4  }
0x143: {  	[hbm4b:s0+s3] =	stream.linear.scatter [tilespmem:s17], [sflag:$0x3], $0x6C0, $0x38;
	[tilespmem:$0x1FF00] =	vst v63  }
0x144: {  	s0 =	sshrl.u32 s31, $0x3  }
0x145: {  	s0 =	sadd.s32 s2, s0  }
0x146: {  	[hbm4b:s0+s3] =	stream.linear.scatter [tilespmem:s18], [sflag:$0x5], $0x6C0, $0x38;
	[tilespmem:$0x1FF00] =	vst v63  }
.Ltmp11:
0x147: {  	(pc) =	sbr.rel .LBB2_18-.Ltmp11, $4  }
0x148: {  	_ = 	snop  }
0x149: {  	_ =	swait.ge [sflag:s19], $0x6C0  }
0x14a: {  	[sflag:s19] =	ssyncset.done $0x0  }
0x14b: {  	[sflag:s19] =	ssyncadd.s32 $0xFFFFF940  }
.LBB2_17:
0x14c: {  	s0 =	sshrl.u32 s30, $0x3  }
0x14d: {  	s0 =	sadd.s32 s5, s0  }
.Ltmp12:
0x14e: {  	s0 =	sadd.s32 $0x1B0, s0;
	(pc) =	sbr.rel @p0 .LBB2_19-.Ltmp12, $4  }
0x14f: {  	[tilespmem:s14], [sflag:$0x1] =	stream.linear.gather [hbm4b:s0+s3], $0x6C0, $0x38;
	[tilespmem:$0x1FF00] =	vst v63  }
0x150: {  	_ =	swait.ge [sflag:s19], $0x6C0  }
0x151: {  	[sflag:s19] =	ssyncset.done $0x0  }
0x152: {  	[sflag:s19] =	ssyncadd.s32 $0xFFFFF940  }
.LBB2_18:
0x153: {  	_ =	swait.ge [sflag:s20], $0x6C0  }
0x154: {  	[sflag:s20] =	ssyncset.done $0x0  }
0x155: {  	[sflag:s20] =	ssyncadd.s32 $0xFFFFF940  }
0x156: {  	_ =	swait.ge [sflag:s21], $0x6C0  }
0x157: {  	[sflag:s21] =	ssyncset.done $0x0  }
0x158: {  	[sflag:s21] =	ssyncadd.s32 $0xFFFFF940  }
.LBB2_19:
0x159: {  	s6 =	simm.s32 $0x1DC40  }
0x15a: {  	v1 =	vld [tilespmem:s6+$0xFFFFFFC0]  }
0x15b: {  	v2 =	vld [tilespmem:s6+$0xFFFFFFE0]  }
0x15c: {  	v6 =	vld [tilespmem:s6+$0x30]  }
0x15d: {  	v4 =	vld [tilespmem:s6+$0x20]  }
0x15e: {  	s0 =	simm.s32 $0x0;
	v9 =	vld [tilespmem:s6+$0xFFFFFFD0]  }
0x15f: {  	s31 =	sand.u32 $0xFF0, s0;
	v10 =	vld [tilespmem:s6+$0x10]  }
0x160: {  	v0 =	vld [tilespmem:s31+$0x1DC80]  }
0x161: {  	v8 =	vld [tilespmem:s6+$0x0]  }
0x162: {  	v7 =	vld [tilespmem:s6+$0xFFFFFFF0]  }
0x163: {  	v5 =	vld.idx.msk [tilespmem:v1+s3+$0x0], $0xffff  }
0x164: {  	v3 =	vld.idx.msk [tilespmem:v2+s3+$0x0], $0xffff  }
0x165: {  	v1 =	vld.idx.msk [tilespmem:v6+s3+$0x0], $0xffff  }
0x166: {  	v6 =	vld.idx.msk [tilespmem:v9+s3+$0x0], $0xffff  }
0x167: {  	s9 =	simm.s32 $0x1EA40;
	s12 =	simm.s32 $0x1F840;
	v2 =	vld.idx.msk [tilespmem:v10+s3+$0x0], $0xffff  }
0x168: {  	s8 =	simm.s32 $0x90;
	s1 =	simm.s32 $0x1EA40;
	s0 =	simm.s32 $0x1F840;
	v0 =	vld.idx.msk [tilespmem:v0+s3+$0x0], $0xffff  }
.LBB2_20:
0x169: {  	v8 =	vld.idx.msk [tilespmem:v8+s3+$0x0], $0xffff;
	s6 =	sadd.s32 $0x90, s6;
	s9 =	sadd.s32 $0x90, s9;
	s12 =	sadd.s32 $0x90, s12  }
0x16a: {  	p0 =	sne.s32 s8, $0x630;
	s13 =	smov.u32 s8;
	s8 =	sadd.s32 $0x90, s8;
	v7 =	vld.idx.msk [tilespmem:v7+s3+$0x0], $0xffff  }
0x16b: {  	v9 =	vshll.u32 v5, $0x10;
	v4 =	vld.idx.msk [tilespmem:v4+s3+$0x0], $0xffff  }
0x16c: {  	v5 =	vand.u32 $0xFFFF0000, v5;
	[tilespmem:s1+$0xFFFFFFC0] =	vst v9  }
0x16d: {  	[tilespmem:s0+$0xFFFFFFC0] =	vst v5;
	v5 =	vshll.u32 v6, $0x10  }
0x16e: {  	[tilespmem:s1+$0xFFFFFFD0] =	vst v5;
	v5 =	vand.u32 $0xFFFF0000, v6  }
0x16f: {  	[tilespmem:s0+$0xFFFFFFD0] =	vst v5;
	v5 =	vshll.u32 v3, $0x10  }
0x170: {  	v3 =	vand.u32 $0xFFFF0000, v3;
	[tilespmem:s1+$0xFFFFFFE0] =	vst v5  }
0x171: {  	[tilespmem:s0+$0xFFFFFFE0] =	vst v3;
	v3 =	vshll.u32 v7, $0x10  }
0x172: {  	s13 =	sand.u32 $0xFF0, s13;
	[tilespmem:s1+$0xFFFFFFF0] =	vst v3;
	v3 =	vand.u32 $0xFFFF0000, v7  }
0x173: {  	[tilespmem:s0+$0xFFFFFFF0] =	vst v3;
	v3 =	vshll.u32 v8, $0x10  }
0x174: {  	[tilespmem:s1+$0x0] =	vst v3;
	v3 =	vand.u32 $0xFFFF0000, v8  }
0x175: {  	[tilespmem:s0+$0x0] =	vst v3;
	v3 =	vshll.u32 v2, $0x10  }
0x176: {  	v2 =	vand.u32 $0xFFFF0000, v2;
	[tilespmem:s1+$0x10] =	vst v3  }
0x177: {  	[tilespmem:s0+$0x10] =	vst v2;
	v2 =	vshll.u32 v4, $0x10  }
0x178: {  	[tilespmem:s1+$0x20] =	vst v2;
	v2 =	vand.u32 $0xFFFF0000, v4  }
0x179: {  	[tilespmem:s0+$0x20] =	vst v2;
	v2 =	vshll.u32 v1, $0x10  }
0x17a: {  	v1 =	vand.u32 $0xFFFF0000, v1;
	[tilespmem:s1+$0x30] =	vst v2;
	s1 =	smov.u32 s9  }
0x17b: {  	[tilespmem:s0+$0x30] =	vst v1;
	v1 =	vshll.u32 v0, $0x10;
	v0 =	vand.u32 $0xFFFF0000, v0;
	s0 =	smov.u32 s12  }
0x17c: {  	[tilespmem:s31+$0x1EA80] =	vst v1  }
0x17d: {  	v1 =	vld [tilespmem:s13+$0x1DC80];
	[tilespmem:s31+$0x1F880] =	vst v0;
	s31 =	smov.u32 s13  }
0x17e: {  	v0 =	vld [tilespmem:s6+$0xFFFFFFC0]  }
0x17f: {  	v2 =	vld [tilespmem:s6+$0xFFFFFFE0]  }
0x180: {  	v6 =	vld [tilespmem:s6+$0x30]  }
0x181: {  	v4 =	vld [tilespmem:s6+$0x20]  }
0x182: {  	v9 =	vld [tilespmem:s6+$0xFFFFFFD0]  }
0x183: {  	v10 =	vld [tilespmem:s6+$0x10]  }
0x184: {  	v8 =	vld [tilespmem:s6+$0x0]  }
0x185: {  	v7 =	vld [tilespmem:s6+$0xFFFFFFF0]  }
0x186: {  	v5 =	vld.idx.msk [tilespmem:v0+s3+$0x0], $0xffff  }
.Ltmp13:
0x187: {  	v3 =	vld.idx.msk [tilespmem:v2+s3+$0x0], $0xffff;
	(pc) =	sbr.rel @p0 .LBB2_20-.Ltmp13, $4  }
0x188: {  	v0 =	vld.idx.msk [tilespmem:v1+s3+$0x0], $0xffff  }
0x189: {  	v1 =	vld.idx.msk [tilespmem:v6+s3+$0x0], $0xffff  }
0x18a: {  	v6 =	vld.idx.msk [tilespmem:v9+s3+$0x0], $0xffff  }
0x18b: {  	v2 =	vld.idx.msk [tilespmem:v10+s3+$0x0], $0xffff  }
0x18c: {  	_ =	sdelay $0x3  }
0x18d: {  	v8 =	vld.idx.msk [tilespmem:v8+s3+$0x0], $0xffff  }
0x18e: {  	v7 =	vld.idx.msk [tilespmem:v7+s3+$0x0], $0xffff;
	v9 =	vshll.u32 v5, $0x10  }
0x18f: {  	v4 =	vld.idx.msk [tilespmem:v4+s3+$0x0], $0xffff;
	v47 =	vand.u32 $0xFFFF0000, v5;
	[tilespmem:s1+$0xFFFFFFC0] =	vst v9  }
0x190: {  	[tilespmem:s0+$0xFFFFFFC0] =	vst v47;
	v48 =	vshll.u32 v6, $0x10  }
0x191: {  	v49 =	vand.u32 $0xFFFF0000, v6;
	[tilespmem:s1+$0xFFFFFFD0] =	vst v48  }
0x192: {  	v50 =	vshll.u32 v3, $0x10;
	[tilespmem:s0+$0xFFFFFFD0] =	vst v49  }
0x193: {  	v51 =	vand.u32 $0xFFFF0000, v3;
	[tilespmem:s1+$0xFFFFFFE0] =	vst v50  }
0x194: {  	v52 =	vshll.u32 v7, $0x10;
	[tilespmem:s0+$0xFFFFFFE0] =	vst v51  }
0x195: {  	v53 =	vand.u32 $0xFFFF0000, v7;
	[tilespmem:s1+$0xFFFFFFF0] =	vst v52  }
0x196: {  	v54 =	vshll.u32 v8, $0x10;
	[tilespmem:s0+$0xFFFFFFF0] =	vst v53  }
0x197: {  	v55 =	vand.u32 $0xFFFF0000, v8;
	[tilespmem:s1+$0x0] =	vst v54  }
0x198: {  	v56 =	vshll.u32 v2, $0x10;
	[tilespmem:s0+$0x0] =	vst v55  }
0x199: {  	v57 =	vand.u32 $0xFFFF0000, v2;
	[tilespmem:s1+$0x10] =	vst v56  }
0x19a: {  	v58 =	vshll.u32 v4, $0x10;
	[tilespmem:s0+$0x10] =	vst v57  }
0x19b: {  	v59 =	vand.u32 $0xFFFF0000, v4;
	[tilespmem:s1+$0x20] =	vst v58  }
0x19c: {  	v60 =	vshll.u32 v1, $0x10;
	[tilespmem:s0+$0x20] =	vst v59  }
0x19d: {  	s12 =	sadd.s32 $0x6C0, s30;
	v61 =	vand.u32 $0xFFFF0000, v1;
	[tilespmem:s1+$0x30] =	vst v60  }
0x19e: {  	v62 =	vshll.u32 v0, $0x10;
	s13 =	sadd.s32 s10, s12;
	[tilespmem:s0+$0x30] =	vst v61  }
0x19f: {  	p0 =	seq.s32 s29, $0x3D;
	v63 =	vand.u32 $0xFFFF0000, v0;
	s0 =	sshrl.u32 s13, $0x3;
	[tilespmem:s31+$0x1EA80] =	vst v62  }
.Ltmp14:
0x1a0: {  	[tilespmem:s31+$0x1F880] =	vst v63;
	s0 =	sadd.s32 s2, s0;
	s31 =	sadd.s32 s11, s12;
	(pc) =	sbr.rel @p0 .LBB2_23-.Ltmp14, $4  }
0x1a1: {  	[hbm4b:s0+s3] =	stream.linear.scatter [tilespmem:s22], [sflag:$0x4], $0x6C0, $0x38;
	[tilespmem:$0x1FF00] =	vst v63  }
0x1a2: {  	s0 =	sshrl.u32 s31, $0x3  }
0x1a3: {  	s0 =	sadd.s32 s2, s0  }
0x1a4: {  	[hbm4b:s0+s3] =	stream.linear.scatter [tilespmem:s23], [sflag:$0x6], $0x6C0, $0x38;
	[tilespmem:$0x1FF00] =	vst v63  }
.Ltmp15:
0x1a5: {  	(pc) =	sbr.rel .LBB2_13-.Ltmp15, $4  }
0x1a6: {  	s0 =	sshrl.u32 s30, $0x3  }
0x1a7: {  	s0 =	sadd.s32 s5, s0  }
0x1a8: {  	s29 =	sadd.s32 $0x1, s29;
	s0 =	sadd.s32 $0x288, s0  }
0x1a9: {  	[tilespmem:s15], [sflag:$0x2] =	stream.linear.gather [hbm4b:s0+s3], $0x6C0, $0x38;
	[tilespmem:$0x1FF00] =	vst v63  }
.LBB2_24:
0x1aa: {  	_ =	sfence.sel $0x180000  }
0x1ab: {  	[bflag:$0x0] =	sbarrier.arrive $0xFFFF  }
0x1ac: {  	_ =	strace $0x9000004D  }
0x1ad: {  	s0 =	stileid.u32;
	[bflag:$0x2] =	sbarrier.arrive $0xFFFF  }
0x1ae: {  	p0 =	sne.s32 s0, $0x0;
	s0 =	rddreg [dreg:$0x2]  }
0x1af: {  	s0 =	sadd.s32 @!p0 $0x100000, s0  }
0x1b0: {  	[sflag:s0] =	ssyncadd.tile.s32 @!p0 $0x1;
	_ =	shalt  }
.Lfunc_end2:
_tile_overlayer_lowered:
.L_overlay_start_2:
0x1b1: {  	(tag) =	ssettag $0x2  }
0x1b2: {  	s0 =	rddreg [dreg:$0x0];
	s2 =	stileid.u32  }
0x1b3: {  	s1 =	rddreg [dreg:$0x1];
	p0 =	sne.s32 s2, $0x0  }
0x1b4: {  	s3 =	rddreg [dreg:$0x2];
	[bflag:$0x3] =	sbarrier.arrive $0xFFFF;
	s2 =	simm.s32 @!p0 $0x1C07  }
0x1b5: {  	[timem:s3], [sflag:s2] =	dma.local @!p0 [hbm:s0], s1  }
0x1b6: {  	s0 =	simm.s32 @!p0 $0x7  }
0x1b7: {  	_ =	swait.ge @!p0 [sflag:s0], s1  }
0x1b8: {  	s1 =	ssub.s32 @!p0 $0x0, s1;
	[sflag:s0] =	ssyncset.done @!p0 $0x0  }
0x1b9: {  	[sflag:s0] =	ssyncadd.s32 @!p0 s1  }
0x1ba: {  	[bflag:$0x3] =	sbarrier.arrive $0xFFFF  }
0x1bb: {  	_ =	shalt  }

// kernel: kernel.18.cloned.1.call-start
scs
__scs_entry_jumppad:
0x0: {  	(pc) =	sbr.rel $0x88, $3  }
0x1: {  	(tag) =	ssettag $0x0;
	lr =	simm.s32 $0x1  }
0x2: {  	[smem:$0x3F96] =	sst lr;
	_ =	strace $0xD0000000  }
0x3: {  	_ = 	snop  }
0x4: {  	_ = 	snop  }
0x5: {  	_ = 	snop  }
0x6: {  	_ = 	snop  }
0x7: {  	_ = 	snop  }
__scs_overlays_trampoline_lowered:
0x8: {  	[smem:$0x3FA5] =	sst s0  }
0x9: {  	[smem:$0x3FA6] =	sst s1  }
0xa: {  	[smem:$0x3FA7] =	sst s2  }
0xb: {  	[smem:$0x3FA8] =	sst s3  }
0xc: {  	[smem:$0x3FA9] =	sst s4  }
0xd: {  	[smem:$0x3FAA] =	sst s5  }
0xe: {  	[smem:$0x3FAB] =	sst s6  }
0xf: {  	[smem:$0x3FAC] =	sst s7  }
0x10: {  	[smem:$0x3FAD] =	sst s8  }
0x11: {  	[smem:$0x3FAE] =	sst s9;
	s0 =	simm.s32 @!p0 $0x0  }
0x12: {  	s1 =	sld [smem:$0x3F94];
	s0 =	simm.s32 @p0 $0x1  }
0x13: {  	[smem:$0x3FAF] =	sst s0;
	s0 =	simm.s32 @!p1 $0x0  }
0x14: {  	s2 =	sld [smem:$0x3F93];
	s0 =	simm.s32 @p1 $0x1  }
0x15: {  	[smem:$0x3FB0] =	sst s0;
	s0 =	simm.s32 @!p2 $0x0  }
0x16: {  	s3 =	sld [smem:$0x3FDB];
	s0 =	simm.s32 @p2 $0x1  }
0x17: {  	s4 =	simm.s32 $0x1BF5;
	[smem:$0x3FB2] =	sst s0  }
0x18: {  	s0 =	sld [smem:$0x3F95];
	_ =	swait.ge [sflag:s4], $0x0  }
0x19: {  	s7 =	sld [smem:$0x3F96]  }
0x1a: {  	s8 =	sadd.s32 $0xFFFFE003, lr  }
0x1b: {  	s9 =	sadd.s32 $0xFFFFFEF7, lr;
	s5 =	simm.s32 $0xFFFFFFFF;
	p2 =	slt.u32 s8, $0xFFFFF086  }
0x1c: {  	p1 =	slt.u32 s9, $0xF7A;
	s5 =	simm.s32 @!p2 $0x0  }
0x1d: {  	s5 =	simm.s32 @p1 $0x1;
	p0 =	seq.s32 s7, s2  }
0x1e: {  	s7 =	smul.u32 @!p0 $0xF7A, s2;
	p2 =	seq.s32 @!p0 s5, $0x0  }
0x1f: {  	s9 =	smul.u32 $0xF7A, s1;
	s8 =	simm.s32 @!p0 $0x1BF5;
	p2 =	por !p2, p0  }
0x20: {  	[sflag:s8] =	ssyncset.s32 @!p0 $0xFFFFF086;
	s6 =	sadd.s32 @!p0 s3, s7;
	s7 =	simm.s32 @!p0 $0x108  }
0x21: {  	s3 =	sadd.s32 s3, s9;
	s6 =	sadd.s32 @!p0 $0x88, s6;
	s7 =	simm.s32 @p2 $0x1082  }
0x22: {  	[simem:s7], [sflag:s8] =	dma.local @!p0 [hbm:s6], $0xF7A  }
0x23: {  	s9 =	sor.u32 $0xD0000000, s2;
	s6 =	simm.s32 $0x108;
	_ =	swait.ge @!p0 [sflag:s8], $0x0  }
0x24: {  	s3 =	sadd.s32 $0x88, s3;
	s6 =	simm.s32 @!p1 $0x1082;
	[sflag:s4] =	ssyncset.s32 $0xFFFFF086  }
0x25: {  	[simem:s6], [sflag:s4] =	dma.local [hbm:s3], $0xF7A  }
0x26: {  	[smem:$0x3F96] =	sst s1;
	(tag) =	ssettag s2;
	_ =	strace s9  }
0x27: {  	s1 =	sld [smem:$0x3FA6]  }
0x28: {  	s2 =	sld [smem:$0x3FA7]  }
0x29: {  	s4 =	sld [smem:$0x3FA9]  }
0x2a: {  	p0 =	seq.s32 s5, $0x0;
	s5 =	sld [smem:$0x3FAA]  }
0x2b: {  	s6 =	sld [smem:$0x3FAB]  }
0x2c: {  	s7 =	sld [smem:$0x3FAC]  }
0x2d: {  	s3 =	simm.s32 $0x108;
	s8 =	sld [smem:$0x3FAD]  }
0x2e: {  	s3 =	simm.s32 @!p0 $0x1082;
	s9 =	sld [smem:$0x3FAE]  }
0x2f: {  	lr =	sadd.s32 s0, s3;
	s0 =	sld [smem:$0x3FA5]  }
0x30: {  	s3 =	sld [smem:$0x3FA8]  }
0x31: {  	[smem:$0x3FB1] =	sst s10  }
0x32: {  	s10 =	sld [smem:$0x3FAF];
	_ =	sdelay $0x3  }
0x33: {  	p0 =	seq.s32 s10, $0x1;
	s10 =	sld [smem:$0x3FB1];
	_ =	sdelay $0x3  }
0x34: {  	[smem:$0x3FB1] =	sst s10  }
0x35: {  	s10 =	sld [smem:$0x3FB0];
	_ =	sdelay $0x3  }
0x36: {  	p1 =	seq.s32 s10, $0x1;
	s10 =	sld [smem:$0x3FB1];
	_ =	sdelay $0x3  }
0x37: {  	[smem:$0x3FB1] =	sst s10  }
0x38: {  	s10 =	sld [smem:$0x3FB2]  }
0x39: {  	_ = 	snop;
	(pc) =	sbr.ind lr, $3  }
0x3a: {  	_ = 	snop  }
0x3b: {  	_ = 	snop  }
0x3c: {  	p2 =	seq.s32 s10, $0x1;
	s10 =	sld [smem:$0x3FB1]  }
0x3d: {  	_ =	shalt  }
0x3e: {  	_ =	shalt  }
0x3f: {  	_ =	shalt  }
0x40: {  	_ =	shalt  }
0x41: {  	_ =	shalt  }
0x42: {  	_ =	shalt  }
0x43: {  	_ =	shalt  }
0x44: {  	_ =	shalt  }
0x45: {  	_ =	shalt  }
0x46: {  	_ =	shalt  }
0x47: {  	_ =	shalt  }
0x48: {  	_ =	shalt  }
0x49: {  	_ =	shalt  }
0x4a: {  	_ =	shalt  }
0x4b: {  	_ =	shalt  }
0x4c: {  	_ =	shalt  }
0x4d: {  	_ =	shalt  }
0x4e: {  	_ =	shalt  }
0x4f: {  	_ =	shalt  }
0x50: {  	_ =	shalt  }
0x51: {  	_ =	shalt  }
0x52: {  	_ =	shalt  }
0x53: {  	_ =	shalt  }
0x54: {  	_ =	shalt  }
0x55: {  	_ =	shalt  }
0x56: {  	_ =	shalt  }
0x57: {  	_ =	shalt  }
0x58: {  	_ =	shalt  }
0x59: {  	_ =	shalt  }
0x5a: {  	_ =	shalt  }
0x5b: {  	_ =	shalt  }
0x5c: {  	_ =	shalt  }
0x5d: {  	_ =	shalt  }
0x5e: {  	_ =	shalt  }
0x5f: {  	_ =	shalt  }
0x60: {  	_ =	shalt  }
0x61: {  	_ =	shalt  }
0x62: {  	_ =	shalt  }
0x63: {  	_ =	shalt  }
0x64: {  	_ =	shalt  }
0x65: {  	_ =	shalt  }
0x66: {  	_ =	shalt  }
0x67: {  	_ =	shalt  }
0x68: {  	_ =	shalt  }
0x69: {  	_ =	shalt  }
0x6a: {  	_ =	shalt  }
0x6b: {  	_ =	shalt  }
0x6c: {  	_ =	shalt  }
0x6d: {  	_ =	shalt  }
0x6e: {  	_ =	shalt  }
0x6f: {  	_ =	shalt  }
0x70: {  	_ =	shalt  }
0x71: {  	_ =	shalt  }
0x72: {  	_ =	shalt  }
0x73: {  	_ =	shalt  }
0x74: {  	_ =	shalt  }
0x75: {  	_ =	shalt  }
0x76: {  	_ =	shalt  }
0x77: {  	_ =	shalt  }
0x78: {  	_ =	shalt  }
0x79: {  	_ =	shalt  }
0x7a: {  	_ =	shalt  }
0x7b: {  	_ =	shalt  }
0x7c: {  	_ =	shalt  }
0x7d: {  	_ =	shalt  }
0x7e: {  	_ =	shalt  }
0x7f: {  	_ =	shalt  }
0x80: {  	_ =	shalt  }
0x81: {  	_ =	shalt  }
0x82: {  	_ =	shalt  }
0x83: {  	_ =	shalt  }
0x84: {  	_ =	shalt  }
0x85: {  	_ =	shalt  }
0x86: {  	_ =	shalt  }
0x87: {  	_ =	shalt  }
.Lfunc_end0:
.L_simem_size_0:
called_computation.3_lowered:
.L_overlay_start_0:
0x88: {  	s2 =	sld [smem:$0x3FD9]  }
0x89: {  	s3 =	sld [smem:$0x3FFE];
	_ =	sdelay $0x1  }
0x8a: {  	s1 =	srdreg.scid  }
0x8b: {  	s0 =	sand.u32 $0x1, s1  }
0x8c: {  	s17 =	sshll.u32 s0, $0xA;
	s2 =	sadd.s32 s3, s2  }
0x8d: {  	s2 =	sadd.s32 s2, s17  }
0x8e: {  	[smem:$0x3FBD] =	sst s2  }
0x8f: {  	_ = 	snop  }
0x90: {  	(tm) =	ssettm $0x1  }
0x91: {  	s18 =	sld [smem:$0x3FFB];
	_ =	sdelay $0x3  }
0x92: {  	_ =	strace s18  }
0x93: {  	s2 =	sld [smem:$0x3FFC];
	_ =	sdelay $0x3  }
0x94: {  	_ =	strace s2  }
0x95: {  	s2 =	sld [smem:$0x3FFD];
	_ =	sdelay $0x3  }
0x96: {  	_ =	strace s2  }
0x97: {  	_ =	strace $0x8FFFFFFF  }
0x98: {  	s19 =	sld [smem:$0x3FDB];
	_ =	sdelay $0x1  }
0x99: {  	s20 =	simm.s32 $_scs_section_size  }
0x9a: {  	s4 =	simm.s32 $_size__tile_overlayer_lowered;
	s5 =	simm.s32 $_tile_overlayer_lowered  }
0x9b: {  	s6 =	simm.s32 $0x1BFF;
	s21 =	sshll.u32 s5, $0x1;
	s3 =	sadd.s32 s20, s19  }
0x9c: {  	s22 =	simm.s32 $0x0;
	s4 =	sshll.u32 s4, $0x1;
	s5 =	sadd.s32 s21, s3  }
0x9d: {  	[timem:s22], [sflag:s6] =	dma.local [hbm:s5], s4  }
0x9e: {  	_ =	swait.ge [sflag:s6], s4  }
0x9f: {  	s4 =	ssub.s32 $0x0, s4;
	[sflag:s6] =	ssyncset.done $0x0  }
0xa0: {  	[sflag:s6] =	ssyncadd.s32 s4;
	_ =	sdelay $0x1  }
0xa1: {  	s23 =	simm.s32 $0x1B8B  }
0xa2: {  	_ =	swait.ge [sflag:s23], $0x1  }
0xa3: {  	[sflag:s23] =	ssyncset.done $0x0  }
0xa4: {  	[sflag:s23] =	ssyncadd.s32 $0xFFFFFFFF  }
0xa5: {  	s4 =	sld [smem:$0x0]  }
0xa6: {  	s5 =	sand.u32 $0xFFFFFFFE, s1  }
0xa7: {  	p0 =	sne.s32 s1, s5  }
0xa8: {  	s5 =	sshll.u32 @p0 s5, $0xE  }
0xa9: {  	s5 =	sadd.s32 @p0 $0x11B8D, s5;
	s6 =	sshll.u32 @p0 s4, $0x11  }
0xaa: {  	s5 =	sor.u32 @p0 s6, s5  }
0xab: {  	[sflag:s5] =	ssyncadd.remote.s32 @p0 $0x1;
	_ =	sdelay $0x1  }
0xac: {  	s5 =	simm.s32 @p0 $0x1B8D  }
0xad: {  	_ =	swait.eq @p0 [sflag:s5], $0x1  }
0xae: {  	[sflag:s5] =	ssyncadd.s32 @p0 $0xFFFFFFFF  }
0xaf: {  	s6 =	sshll.u32 @!p0 s1, $0xE  }
0xb0: {  	s6 =	sor.u32 @!p0 $0x4000, s6;
	s5 =	simm.s32 @!p0 $0x1B8D  }
0xb1: {  	s4 =	sshll.u32 @!p0 s4, $0x11;
	s6 =	sadd.s32 @!p0 $0x11B8D, s6;
	_ =	swait.eq @!p0 [sflag:s5], $0x1  }
0xb2: {  	s4 =	sor.u32 @!p0 s4, s6;
	[sflag:s5] =	ssyncadd.s32 @!p0 $0xFFFFFFFF  }
0xb3: {  	s25 =	simm.s32 $0x1B8E;
	s24 =	sld [smem:$0x3FFE];
	[sflag:s4] =	ssyncadd.remote.s32 @!p0 $0x1  }
0xb4: {  	s26 =	simm.s32 $execute0_lowered;
	[smem:$0x3FD2] =	sst s25  }
0xb5: {  	s5 =	sshll.u32 s26, $0x1;
	_ =	strace $0x80000049;
	[dreg:$0x1] =	wrdreg $0xFFFFFFFF  }
0xb6: {  	s28 =	simm.s32 $_size_execute0_lowered;
	s3 =	sadd.s32 s3, s5;
	[dreg:$0x0] =	wrdreg $0x0  }
0xb7: {  	s5 =	sshll.u32 s28, $0x1;
	[dreg:$0x2] =	wrdreg s3  }
0xb8: {  	[dreg:$0x3] =	wrdreg s5  }
0xb9: {  	[dreg:$0x4] =	wrdreg $0xC0  }
0xba: {  	_ =	task [dreg:s22], $0x5FFFF  }
0xbb: {  	[dreg:$0x1] =	wrdreg $0xFFFFFFFF  }
0xbc: {  	[dreg:$0x0] =	wrdreg $0x60  }
0xbd: {  	[dreg:$0x2] =	wrdreg s24  }
0xbe: {  	[dreg:$0x3] =	wrdreg $0xA  }
0xbf: {  	_ =	task.clear_ibuf [dreg:s22], $0x4FFFF;
	_ =	strace $0x90000049  }
0xc0: {  	s29 =	simm.s32 $0xA;
	_ =	strace $0x8000004B  }
0xc1: {  	_ =	swait.ge [sflag:s29], $0x1  }
0xc2: {  	[sflag:s29] =	ssyncadd.s32 $0xFFFFFFFF  }
0xc3: {  	_ =	strace $0x9000004B  }
0xc4: {  	_ =	sfence  }
0xc5: {  	s30 =	sld [smem:$0x0];
	_ =	sdelay $0x2  }
0xc6: {  	s31 =	sshll.u32 s1, $0xD;
	s1 =	sshrl.u32 s1, $0x2  }
0xc7: {  	s4 =	sand.u32 $0x4000, s31;
	s1 =	sadd.s32 s1, s30  }
0xc8: {  	s0 =	sor.u32 s4, s0;
	s1 =	sshll.u32 s1, $0x11  }
0xc9: {  	s0 =	sor.u32 s1, s0  }
0xca: {  	s0 =	sadd.s32 $0x8F2B, s0  }
0xcb: {  	[sflag:s0] =	ssyncadd.remote.s32 $0x1  }
0xcc: {  	_ =	sfence.sel $0xFFFF  }
0xcd: {  	[dreg:$0x0] =	wrdreg $0xFFFFFFFF;
	(pc) =	sbr.abs _section_cstart, $3  }
0xce: {  	[dreg:$0x1] =	wrdreg $0xFFFFFFFF  }
0xcf: {  	_ =	task.clear_ibuf [dreg:s22], $0x2FFFF;
	_ =	strace $0x9FFFFFFF  }
0xd0: {  	(tm) =	ssettm $0x7FFFFFFF  }
0xd1: {  	_ =	shalt  }
tec
execute0_lowered:
.L_overlay_start_1:
0x0: {  	(tag) =	ssettag $0x1  }
0x1: {  	s1 =	srdreg.scid;
	s0 =	stileid.u32  }
0x2: {  	s6 =	rddreg [dreg:$0x0];
	s2 =	simm.s32 $0x0;
	s9 =	simm.s32 $0x400  }
0x3: {  	s10 =	simm.s32 $0x1;
	s3 =	sand.u32 $0x1, s1;
	s30 =	sshll.u32 s0, $0x1  }
0x4: {  	s11 =	simm.s32 $0x800;
	s13 =	simm.s32 $0x3;
	s4 =	sor.u32 s3, s30  }
0x5: {  	s14 =	simm.s32 $0x0;
	s1 =	rddreg [dreg:$0x1];
	s12 =	smul.u32 $0x1A30, s4  }
.Ltmp0:
0x6: {  	[smem:$0x7FF] =	sst s2;
	s5 =	ssub.s32 $0x2, s3;
	(pc) =	sbr.rel .LBB2_1-.Ltmp0, $4  }
0x7: {  	_ =	strace $0x8000004A;
	s3 =	sadd.s32 $0x2C400, s6;
	s31 =	sshrl.u32 s5, $0x1  }
0x8: {  	s8 =	ssub.s32 s5, s31;
	s5 =	sadd.s32 $0x2C500, s6;
	s4 =	sshrl.u32 s12, $0x3  }
0x9: {  	s8 =	smax.u32 s8, $0x1;
	v0 =	vmov s12;
	s12 =	simm.s32 $0x2;
	s7 =	sadd.s32 s4, s6  }
0xa: {  	v1 =	vimm.s32 $0x1D4C0;
	v2 =	vlaneseq.u32;
	s4 =	sadd.s32 $0x2C480, s6;
	s6 =	sadd.s32 $0x2C580, s6;
	s7 =	sadd.s32 $0x30400, s7  }
.LBB2_10:
0xb: {  	s14 =	sadd.s32 $0x1, s14  }
0xc: {  	p0 =	sne.s32 s14, s8  }
.Ltmp1:
0xd: {  	_ = 	snop;
	(pc) =	sbr.rel @!p0 .LBB2_11-.Ltmp1, $4  }
0xe: {  	[hbm4b:s7+s2] =	stream.linear.scatter [tilespmem:s11], [sflag:$0x3], $0x1A30, $0x38;
	[tilespmem:$0x2280] =	vst v63  }
0xf: {  	_ =	swait.ge [sflag:s13], $0x1A30  }
0x10: {  	[sflag:s13] =	ssyncset.done $0x0  }
0x11: {  	[sflag:s13] =	ssyncadd.s32 $0xFFFFE5D0  }
.LBB2_1:
0x12: {  	s15 =	simm.s32 $0x840  }
0x13: {  	[tilespmem:s15+$0xFFFFFFC0] =	vst v1  }
0x14: {  	[tilespmem:s15+$0x30] =	vst v1  }
0x15: {  	[tilespmem:s15+$0x20] =	vst v1  }
0x16: {  	[tilespmem:s15+$0x10] =	vst v1  }
0x17: {  	[tilespmem:s15+$0x0] =	vst v1  }
0x18: {  	[tilespmem:s15+$0xFFFFFFF0] =	vst v1  }
0x19: {  	s16 =	simm.s32 $0x0;
	[tilespmem:s15+$0xFFFFFFE0] =	vst v1  }
.LBB2_2:
0x1a: {  	s16 =	sadd.s32 $0x8, s16;
	[tilespmem:s15+$0xFFFFFFD0] =	vst v1;
	s15 =	sadd.s32 $0x80, s15  }
0x1b: {  	[tilespmem:s15+$0xFFFFFFC0] =	vst v1;
	p0 =	slt.u32 s16, $0x198  }
0x1c: {  	[tilespmem:s15+$0x30] =	vst v1  }
.Ltmp2:
0x1d: {  	[tilespmem:s15+$0x20] =	vst v1;
	(pc) =	sbr.rel @p0 .LBB2_2-.Ltmp2, $4  }
0x1e: {  	[tilespmem:s15+$0x10] =	vst v1  }
0x1f: {  	[tilespmem:s15+$0x0] =	vst v1  }
0x20: {  	[tilespmem:s15+$0xFFFFFFF0] =	vst v1  }
0x21: {  	[tilespmem:s15+$0xFFFFFFE0] =	vst v1  }
0x22: {  	[tilespmem:s15+$0xFFFFFFD0] =	vst v1  }
0x23: {  	[tilespmem:$0x2200] =	vst v1  }
0x24: {  	[tilespmem:$0x2210] =	vst v1  }
0x25: {  	s15 =	simm.s32 $0x0;
	[tilespmem:$0x2220] =	vst v1  }
0x26: {  	[tilespmem:s15], [sflag:$0x1] =	stream.linear.gather [hbm4b:s3+s15], $0x400, $0x38;
	[tilespmem:$0x2280] =	vst v63  }
0x27: {  	s16 =	simm.s32 $0x0  }
0x28: {  	[tilespmem:s9], [sflag:$0x2] =	stream.linear.gather [hbm4b:s4+s15], $0x400, $0x38;
	[tilespmem:$0x2280] =	vst v63  }
.LBB2_4:
0x29: {  	_ =	swait.ge [sflag:s10], $0x400  }
0x2a: {  	[sflag:s10] =	ssyncset.done $0x0  }
0x2b: {  	s17 =	simm.s32 $0x40;
	[sflag:s10] =	ssyncadd.s32 $0xFFFFFC00  }
0x2c: {  	v3 =	vld [tilespmem:s17+$0xFFFFFFC0]  }
0x2d: {  	v4 =	vld [tilespmem:s17+$0xFFFFFFD0]  }
0x2e: {  	v5 =	vld [tilespmem:s17+$0xFFFFFFE0]  }
0x2f: {  	v6 =	vld [tilespmem:s17+$0xFFFFFFF0]  }
0x30: {  	v7 =	vld [tilespmem:s17+$0x0]  }
0x31: {  	v8 =	vld [tilespmem:s17+$0x10];
	(xrf1) =	vunique.msk.u32 $0xffff, v3  }
0x32: {  	(xrf1) =	vunique.msk.u32 $0xffff, v4  }
0x33: {  	(xrf1) =	vunique.msk.u32 $0xffff, v5  }
0x34: {  	(xrf1) =	vunique.msk.u32 $0xffff, v6  }
0x35: {  	v9 =	vld [tilespmem:s17+$0x20];
	(xrf1) =	vunique.msk.u32 $0xffff, v7  }
0x36: {  	(xrf1) =	vunique.msk.u32 $0xffff, v8  }
0x37: {  	v10 =	vld [tilespmem:s17+$0x30];
	_ =	sdelay $0x2  }
0x38: {  	(xrf1) =	vunique.msk.u32 $0xffff, v9;
	_ =	sdelay $0x1  }
0x39: {  	(xrf1) =	vunique.msk.u32 $0xffff, v10;
	_ =	sdelay $0x1  }
0x3a: {  	v3 =	vsub.s32 v3, v0  }
0x3b: {  	vm0 =	vlt.u32 v3, $0x1A30;
	v4 =	vsub.s32 v4, v0;
	_, v11, vm1 =	vpop (xrf1)  }
0x3c: {  	v5 =	vsub.s32 v5, v0;
	vm0 =	vmand vm1, vm0;
	vm1 =	vlt.u32 v4, $0x1A30;
	_, v11, vm2 =	vpop (xrf1)  }
0x3d: {  	v6 =	vsub.s32 v6, v0;
	vm1 =	vmand vm2, vm1;
	vm2 =	vlt.u32 v5, $0x1A30;
	_, v11, vm3 =	vpop (xrf1)  }
0x3e: {  	vm2 =	vmand vm3, vm2;
	vm3 =	vlt.u32 v6, $0x1A30;
	_, v11, vm4 =	vpop (xrf1)  }
0x3f: {  	vm3 =	vmand vm4, vm3;
	_, v11, vm5 =	vpop (xrf1)  }
0x40: {  	s18 =	sadd.s32 $0x0, s15;
	_, v11, vm6 =	vpop (xrf1)  }
0x41: {  	s19 =	sadd.s32 $0x10, s18;
	v7 =	vsub.s32 v7, v0;
	v8 =	vsub.s32 v8, v0;
	v11 =	vor.u32 s18, v2  }
0x42: {  	s20 =	sadd.s32 $0x20, s18;
	vm13 =	vlt.u32 v7, $0x1A30;
	vm14 =	vlt.u32 v8, $0x1A30;
	[tilespmem:v3+s11+$0x0] =	vst.idx.msk vm0, v11;
	v3 =	vor.u32 s19, v2  }
0x43: {  	s26 =	sadd.s32 $0x30, s18;
	v9 =	vsub.s32 v9, v0;
	vm4 =	vmand vm5, vm13;
	[tilespmem:v4+s11+$0x0] =	vst.idx.msk vm1, v3;
	v3 =	vor.u32 s20, v2  }
0x44: {  	vm15 =	vlt.u32 v9, $0x1A30;
	vm5 =	vmand vm6, vm14;
	_, v12, vm7 =	vpop (xrf1);
	[tilespmem:v5+s11+$0x0] =	vst.idx.msk vm2, v3;
	v3 =	vor.u32 s26, v2  }
0x45: {  	vm6 =	vmand vm7, vm15;
	[tilespmem:v6+s11+$0x0] =	vst.idx.msk vm3, v3;
	v3 =	vsub.s32 v10, v0  }
0x46: {  	_, v5, vm1 =	vpop (xrf1);
	vm0 =	vlt.u32 v3, $0x1A30  }
0x47: {  	s28 =	sadd.s32 $0x40, s18;
	vm0 =	vmand vm1, vm0  }
0x48: {  	s29 =	sadd.s32 $0x50, s18;
	v4 =	vor.u32 s28, v2  }
0x49: {  	s30 =	sadd.s32 $0x60, s18;
	[tilespmem:v7+s11+$0x0] =	vst.idx.msk vm4, v4;
	v4 =	vor.u32 s29, v2  }
0x4a: {  	s31 =	sadd.s32 $0x70, s18;
	[tilespmem:v8+s11+$0x0] =	vst.idx.msk vm5, v4;
	v4 =	vor.u32 s30, v2  }
0x4b: {  	s18 =	simm.s32 $0x80;
	[tilespmem:v9+s11+$0x0] =	vst.idx.msk vm6, v4;
	v4 =	vor.u32 s31, v2  }
.LBB2_5:
0x4c: {  	p0 =	sne.s32 s18, $0x380  }
0x4d: {  	[tilespmem:v3+s11+$0x0] =	vst.idx.msk vm0, v4;
	s17 =	sadd.s32 $0x80, s17;
	s19 =	smov.u32 s18;
	s18 =	sadd.s32 $0x80, s18  }
0x4e: {  	v3 =	vld [tilespmem:s17+$0xFFFFFFC0]  }
0x4f: {  	v4 =	vld [tilespmem:s17+$0xFFFFFFD0]  }
0x50: {  	v5 =	vld [tilespmem:s17+$0xFFFFFFE0]  }
0x51: {  	v6 =	vld [tilespmem:s17+$0xFFFFFFF0]  }
0x52: {  	v7 =	vld [tilespmem:s17+$0x0]  }
0x53: {  	v8 =	vld [tilespmem:s17+$0x10];
	(xrf1) =	vunique.msk.u32 $0xffff, v3  }
0x54: {  	v9 =	vld [tilespmem:s17+$0x20];
	(xrf1) =	vunique.msk.u32 $0xffff, v4  }
0x55: {  	v10 =	vld [tilespmem:s17+$0x30];
	(xrf1) =	vunique.msk.u32 $0xffff, v5  }
0x56: {  	(xrf1) =	vunique.msk.u32 $0xffff, v6  }
0x57: {  	(xrf1) =	vunique.msk.u32 $0xffff, v7  }
0x58: {  	(xrf1) =	vunique.msk.u32 $0xffff, v8  }
0x59: {  	(xrf1) =	vunique.msk.u32 $0xffff, v9  }
0x5a: {  	(xrf1) =	vunique.msk.u32 $0xffff, v10;
	_ =	sdelay $0x5  }
0x5b: {  	v11 =	vsub.s32 v3, v0  }
0x5c: {  	vm0 =	vlt.u32 v11, $0x1A30;
	v4 =	vsub.s32 v4, v0;
	v3 =	vsub.s32 v10, v0;
	_, v10, vm1 =	vpop (xrf1)  }
0x5d: {  	v5 =	vsub.s32 v5, v0;
	vm3 =	vmand vm1, vm0;
	vm0 =	vlt.u32 v4, $0x1A30;
	_, v10, vm1 =	vpop (xrf1)  }
0x5e: {  	v6 =	vsub.s32 v6, v0;
	vm0 =	vmand vm1, vm0;
	vm1 =	vlt.u32 v5, $0x1A30;
	_, v10, vm2 =	vpop (xrf1)  }
0x5f: {  	v7 =	vsub.s32 v7, v0;
	vm1 =	vmand vm2, vm1;
	vm2 =	vlt.u32 v6, $0x1A30;
	_, v10, vm4 =	vpop (xrf1)  }
0x60: {  	v8 =	vsub.s32 v8, v0;
	vm2 =	vmand vm4, vm2;
	vm4 =	vlt.u32 v7, $0x1A30;
	_, v10, vm5 =	vpop (xrf1)  }
0x61: {  	s19 =	sadd.s32 s19, s15;
	v9 =	vsub.s32 v9, v0;
	vm4 =	vmand vm5, vm4;
	vm5 =	vlt.u32 v8, $0x1A30;
	_, v10, vm6 =	vpop (xrf1)  }
0x62: {  	s20 =	sadd.s32 $0x10, s19;
	s21 =	sadd.s32 $0x20, s19;
	s22 =	sadd.s32 $0x30, s19;
	v10 =	vor.u32 s19, v2;
	vm5 =	vmand vm6, vm5;
	vm6 =	vlt.u32 v9, $0x1A30;
	_, v12, vm7 =	vpop (xrf1)  }
0x63: {  	s23 =	sadd.s32 $0x50, s19;
	s24 =	sadd.s32 $0x60, s19;
	[tilespmem:v11+s11+$0x0] =	vst.idx.msk vm3, v10;
	v10 =	vor.u32 s20, v2;
	s20 =	sadd.s32 $0x40, s19;
	vm3 =	vmand vm7, vm6;
	vm6 =	vlt.u32 v3, $0x1A30;
	_, v11, vm7 =	vpop (xrf1)  }
0x64: {  	s19 =	sadd.s32 $0x70, s19;
	[tilespmem:v4+s11+$0x0] =	vst.idx.msk vm0, v10;
	v4 =	vor.u32 s21, v2;
	vm0 =	vmand vm7, vm6  }
.Ltmp3:
0x65: {  	[tilespmem:v5+s11+$0x0] =	vst.idx.msk vm1, v4;
	v4 =	vor.u32 s22, v2;
	(pc) =	sbr.rel @p0 .LBB2_5-.Ltmp3, $4  }
0x66: {  	[tilespmem:v6+s11+$0x0] =	vst.idx.msk vm2, v4;
	v4 =	vor.u32 s20, v2  }
0x67: {  	[tilespmem:v7+s11+$0x0] =	vst.idx.msk vm4, v4;
	v4 =	vor.u32 s23, v2  }
0x68: {  	[tilespmem:v8+s11+$0x0] =	vst.idx.msk vm5, v4;
	v4 =	vor.u32 s24, v2  }
0x69: {  	[tilespmem:v9+s11+$0x0] =	vst.idx.msk vm3, v4;
	v4 =	vor.u32 s19, v2  }
0x6a: {  	_ =	sdelay $0x3  }
0x6b: {  	s17 =	sshll.u32 s16, $0x8;
	p0 =	seq.s32 s16, $0x3A  }
0x6c: {  	[tilespmem:v3+s11+$0x0] =	vst.idx.msk vm0, v4;
	s18 =	sadd.s32 @!p0 s17, s5;
	s19 =	simm.s32 @!p0 $0x0  }
0x6d: {  	[tilespmem:s19], [sflag:$0x1] =	stream.linear.gather @!p0 [hbm4b:s18+s19], $0x400, $0x38;
	[tilespmem:$0x2280] =	vst v63  }
0x6e: {  	_ =	swait.ge [sflag:s12], $0x400  }
0x6f: {  	[sflag:s12] =	ssyncset.done $0x0  }
0x70: {  	s18 =	simm.s32 $0x440;
	[sflag:s12] =	ssyncadd.s32 $0xFFFFFC00  }
0x71: {  	v3 =	vld [tilespmem:s18+$0xFFFFFFC0]  }
0x72: {  	v4 =	vld [tilespmem:s18+$0xFFFFFFD0]  }
0x73: {  	v5 =	vld [tilespmem:s18+$0xFFFFFFE0]  }
0x74: {  	v6 =	vld [tilespmem:s18+$0xFFFFFFF0]  }
0x75: {  	v7 =	vld [tilespmem:s18+$0x0]  }
0x76: {  	v8 =	vld [tilespmem:s18+$0x10];
	(xrf1) =	vunique.msk.u32 $0xffff, v3  }
0x77: {  	(xrf1) =	vunique.msk.u32 $0xffff, v4  }
0x78: {  	(xrf1) =	vunique.msk.u32 $0xffff, v5  }
0x79: {  	(xrf1) =	vunique.msk.u32 $0xffff, v6  }
0x7a: {  	v9 =	vld [tilespmem:s18+$0x20];
	(xrf1) =	vunique.msk.u32 $0xffff, v7  }
0x7b: {  	(xrf1) =	vunique.msk.u32 $0xffff, v8  }
0x7c: {  	v10 =	vld [tilespmem:s18+$0x30];
	_ =	sdelay $0x2  }
0x7d: {  	(xrf1) =	vunique.msk.u32 $0xffff, v9;
	_ =	sdelay $0x1  }
0x7e: {  	(xrf1) =	vunique.msk.u32 $0xffff, v10;
	_ =	sdelay $0x1  }
0x7f: {  	v3 =	vsub.s32 v3, v0  }
0x80: {  	vm0 =	vlt.u32 v3, $0x1A30;
	v4 =	vsub.s32 v4, v0;
	_, v11, vm1 =	vpop (xrf1)  }
0x81: {  	v5 =	vsub.s32 v5, v0;
	vm0 =	vmand vm1, vm0;
	vm1 =	vlt.u32 v4, $0x1A30;
	_, v11, vm2 =	vpop (xrf1)  }
0x82: {  	v6 =	vsub.s32 v6, v0;
	vm1 =	vmand vm2, vm1;
	vm2 =	vlt.u32 v5, $0x1A30;
	_, v11, vm3 =	vpop (xrf1)  }
0x83: {  	vm2 =	vmand vm3, vm2;
	vm3 =	vlt.u32 v6, $0x1A30;
	_, v11, vm4 =	vpop (xrf1)  }
0x84: {  	s24 =	sadd.s32 $0x0, s15;
	vm3 =	vmand vm4, vm3;
	_, v11, vm5 =	vpop (xrf1)  }
0x85: {  	s20 =	sadd.s32 $0x400, s24;
	_, v11, vm6 =	vpop (xrf1)  }
0x86: {  	s21 =	sadd.s32 $0x410, s24;
	v7 =	vsub.s32 v7, v0;
	v8 =	vsub.s32 v8, v0;
	v11 =	vor.u32 s20, v2  }
0x87: {  	s25 =	sadd.s32 $0x420, s24;
	vm13 =	vlt.u32 v7, $0x1A30;
	vm14 =	vlt.u32 v8, $0x1A30;
	[tilespmem:v3+s11+$0x0] =	vst.idx.msk vm0, v11;
	v3 =	vor.u32 s21, v2  }
0x88: {  	s26 =	sadd.s32 $0x430, s24;
	v9 =	vsub.s32 v9, v0;
	vm4 =	vmand vm5, vm13;
	[tilespmem:v4+s11+$0x0] =	vst.idx.msk vm1, v3;
	v3 =	vor.u32 s25, v2  }
0x89: {  	vm15 =	vlt.u32 v9, $0x1A30;
	vm5 =	vmand vm6, vm14;
	_, v12, vm7 =	vpop (xrf1);
	[tilespmem:v5+s11+$0x0] =	vst.idx.msk vm2, v3;
	v3 =	vor.u32 s26, v2  }
0x8a: {  	vm6 =	vmand vm7, vm15;
	[tilespmem:v6+s11+$0x0] =	vst.idx.msk vm3, v3;
	v3 =	vsub.s32 v10, v0  }
0x8b: {  	_, v5, vm1 =	vpop (xrf1);
	vm0 =	vlt.u32 v3, $0x1A30  }
0x8c: {  	s28 =	sadd.s32 $0x440, s24;
	vm0 =	vmand vm1, vm0  }
0x8d: {  	s29 =	sadd.s32 $0x450, s24;
	v4 =	vor.u32 s28, v2  }
0x8e: {  	s30 =	sadd.s32 $0x460, s24;
	[tilespmem:v7+s11+$0x0] =	vst.idx.msk vm4, v4;
	v4 =	vor.u32 s29, v2  }
0x8f: {  	s31 =	sadd.s32 $0x470, s24;
	[tilespmem:v8+s11+$0x0] =	vst.idx.msk vm5, v4;
	v4 =	vor.u32 s30, v2  }
0x90: {  	s19 =	simm.s32 $0x80;
	[tilespmem:v9+s11+$0x0] =	vst.idx.msk vm6, v4;
	v4 =	vor.u32 s31, v2  }
.LBB2_7:
0x91: {  	p1 =	sne.s32 s19, $0x380  }
0x92: {  	[tilespmem:v3+s11+$0x0] =	vst.idx.msk vm0, v4;
	s18 =	sadd.s32 $0x80, s18;
	s20 =	smov.u32 s19;
	s19 =	sadd.s32 $0x80, s19  }
0x93: {  	v3 =	vld [tilespmem:s18+$0xFFFFFFC0]  }
0x94: {  	v4 =	vld [tilespmem:s18+$0xFFFFFFD0]  }
0x95: {  	v5 =	vld [tilespmem:s18+$0xFFFFFFE0]  }
0x96: {  	v6 =	vld [tilespmem:s18+$0xFFFFFFF0]  }
0x97: {  	v7 =	vld [tilespmem:s18+$0x0]  }
0x98: {  	v8 =	vld [tilespmem:s18+$0x10];
	(xrf1) =	vunique.msk.u32 $0xffff, v3  }
0x99: {  	v9 =	vld [tilespmem:s18+$0x20];
	(xrf1) =	vunique.msk.u32 $0xffff, v4  }
0x9a: {  	v10 =	vld [tilespmem:s18+$0x30];
	(xrf1) =	vunique.msk.u32 $0xffff, v5  }
0x9b: {  	(xrf1) =	vunique.msk.u32 $0xffff, v6  }
0x9c: {  	(xrf1) =	vunique.msk.u32 $0xffff, v7  }
0x9d: {  	(xrf1) =	vunique.msk.u32 $0xffff, v8  }
0x9e: {  	(xrf1) =	vunique.msk.u32 $0xffff, v9  }
0x9f: {  	(xrf1) =	vunique.msk.u32 $0xffff, v10;
	_ =	sdelay $0x5  }
0xa0: {  	v11 =	vsub.s32 v3, v0  }
0xa1: {  	vm0 =	vlt.u32 v11, $0x1A30;
	v4 =	vsub.s32 v4, v0;
	v3 =	vsub.s32 v10, v0;
	_, v10, vm1 =	vpop (xrf1)  }
0xa2: {  	v5 =	vsub.s32 v5, v0;
	vm2 =	vmand vm1, vm0;
	vm0 =	vlt.u32 v4, $0x1A30;
	_, v10, vm1 =	vpop (xrf1)  }
0xa3: {  	v6 =	vsub.s32 v6, v0;
	vm0 =	vmand vm1, vm0;
	vm1 =	vlt.u32 v5, $0x1A30;
	_, v10, vm3 =	vpop (xrf1)  }
0xa4: {  	v7 =	vsub.s32 v7, v0;
	vm1 =	vmand vm3, vm1;
	vm3 =	vlt.u32 v6, $0x1A30;
	_, v10, vm4 =	vpop (xrf1)  }
0xa5: {  	s20 =	sadd.s32 s20, s15;
	v8 =	vsub.s32 v8, v0;
	vm3 =	vmand vm4, vm3;
	vm4 =	vlt.u32 v7, $0x1A30;
	_, v10, vm5 =	vpop (xrf1)  }
0xa6: {  	s21 =	sadd.s32 $0x400, s20;
	s22 =	sadd.s32 $0x410, s20;
	s23 =	sadd.s32 $0x420, s20;
	v9 =	vsub.s32 v9, v0;
	vm4 =	vmand vm5, vm4;
	vm5 =	vlt.u32 v8, $0x1A30;
	_, v10, vm6 =	vpop (xrf1)  }
0xa7: {  	s24 =	sadd.s32 $0x440, s20;
	s25 =	sadd.s32 $0x450, s20;
	v10 =	vor.u32 s21, v2;
	s21 =	sadd.s32 $0x430, s20;
	vm5 =	vmand vm6, vm5;
	vm6 =	vlt.u32 v9, $0x1A30;
	_, v12, vm7 =	vpop (xrf1)  }
0xa8: {  	[tilespmem:v11+s11+$0x0] =	vst.idx.msk vm2, v10;
	v10 =	vor.u32 s22, v2;
	s22 =	sadd.s32 $0x460, s20;
	vm2 =	vmand vm7, vm6;
	s20 =	sadd.s32 $0x470, s20;
	vm6 =	vlt.u32 v3, $0x1A30;
	_, v11, vm7 =	vpop (xrf1)  }
0xa9: {  	[tilespmem:v4+s11+$0x0] =	vst.idx.msk vm0, v10;
	v4 =	vor.u32 s23, v2;
	vm0 =	vmand vm7, vm6  }
.Ltmp4:
0xaa: {  	[tilespmem:v5+s11+$0x0] =	vst.idx.msk vm1, v4;
	v4 =	vor.u32 s21, v2;
	(pc) =	sbr.rel @p1 .LBB2_7-.Ltmp4, $4  }
0xab: {  	[tilespmem:v6+s11+$0x0] =	vst.idx.msk vm3, v4;
	v4 =	vor.u32 s24, v2  }
0xac: {  	[tilespmem:v7+s11+$0x0] =	vst.idx.msk vm4, v4;
	v4 =	vor.u32 s25, v2  }
0xad: {  	[tilespmem:v8+s11+$0x0] =	vst.idx.msk vm5, v4;
	v4 =	vor.u32 s22, v2  }
0xae: {  	[tilespmem:v9+s11+$0x0] =	vst.idx.msk vm2, v4;
	v4 =	vor.u32 s20, v2  }
0xaf: {  	_ = 	snop  }
.Ltmp5:
0xb0: {  	_ = 	snop;
	(pc) =	sbr.rel @p0 .LBB2_10-.Ltmp5, $2  }
0xb1: {  	_ =	sdelay $0x2  }
0xb2: {  	[tilespmem:v3+s11+$0x0] =	vst.idx.msk vm0, v4  }
.Ltmp6:
0xb3: {  	(pc) =	sbr.rel .LBB2_4-.Ltmp6, $3  }
0xb4: {  	_ =	sdelay $0x1  }
0xb5: {  	s17 =	sadd.s32 s17, s6;
	s16 =	sadd.s32 $0x1, s16;
	s15 =	sadd.s32 $0x800, s15  }
0xb6: {  	[tilespmem:s9], [sflag:$0x2] =	stream.linear.gather [hbm4b:s17+s2], $0x400, $0x38;
	[tilespmem:$0x2280] =	vst v63  }
.LBB2_11:
0xb7: {  	_ =	sfence.sel $0x180000  }
0xb8: {  	[bflag:$0x0] =	sbarrier.arrive $0xFFFF  }
0xb9: {  	p0 =	sne.s32 s0, $0x0;
	_ =	strace $0x9000004A  }
0xba: {  	s0 =	sadd.s32 @!p0 $0x100000, s1;
	[bflag:$0x2] =	sbarrier.arrive $0xFFFF  }
0xbb: {  	[sflag:s0] =	ssyncadd.tile.s32 @!p0 $0x1;
	_ =	shalt  }
.Lfunc_end2:
_tile_overlayer_lowered:
.L_overlay_start_2:
0xbc: {  	(tag) =	ssettag $0x2  }
0xbd: {  	s0 =	rddreg [dreg:$0x0];
	s2 =	stileid.u32  }
0xbe: {  	s1 =	rddreg [dreg:$0x1];
	p0 =	sne.s32 s2, $0x0  }
0xbf: {  	s3 =	rddreg [dreg:$0x2];
	[bflag:$0x3] =	sbarrier.arrive $0xFFFF;
	s2 =	simm.s32 @!p0 $0x1C03  }
0xc0: {  	[timem:s3], [sflag:s2] =	dma.local @!p0 [hbm:s0], s1  }
0xc1: {  	s0 =	simm.s32 @!p0 $0x3  }
0xc2: {  	_ =	swait.ge @!p0 [sflag:s0], s1  }
0xc3: {  	s1 =	ssub.s32 @!p0 $0x0, s1;
	[sflag:s0] =	ssyncset.done @!p0 $0x0  }
0xc4: {  	[sflag:s0] =	ssyncadd.s32 @!p0 s1  }
0xc5: {  	[bflag:$0x3] =	sbarrier.arrive $0xFFFF  }
0xc6: {  	_ =	shalt  }

// kernel: kernel.21.cloned.1.call-start
scs
__scs_entry_jumppad:
0x0: {  	(pc) =	sbr.rel $0x88, $3  }
0x1: {  	(tag) =	ssettag $0x0;
	lr =	simm.s32 $0x1  }
0x2: {  	[smem:$0x3F96] =	sst lr;
	_ =	strace $0xD0000000  }
0x3: {  	_ = 	snop  }
0x4: {  	_ = 	snop  }
0x5: {  	_ = 	snop  }
0x6: {  	_ = 	snop  }
0x7: {  	_ = 	snop  }
__scs_overlays_trampoline_lowered:
0x8: {  	[smem:$0x3FA5] =	sst s0  }
0x9: {  	[smem:$0x3FA6] =	sst s1  }
0xa: {  	[smem:$0x3FA7] =	sst s2  }
0xb: {  	[smem:$0x3FA8] =	sst s3  }
0xc: {  	[smem:$0x3FA9] =	sst s4  }
0xd: {  	[smem:$0x3FAA] =	sst s5  }
0xe: {  	[smem:$0x3FAB] =	sst s6  }
0xf: {  	[smem:$0x3FAC] =	sst s7  }
0x10: {  	[smem:$0x3FAD] =	sst s8  }
0x11: {  	[smem:$0x3FAE] =	sst s9;
	s0 =	simm.s32 @!p0 $0x0  }
0x12: {  	s1 =	sld [smem:$0x3F94];
	s0 =	simm.s32 @p0 $0x1  }
0x13: {  	[smem:$0x3FAF] =	sst s0;
	s0 =	simm.s32 @!p1 $0x0  }
0x14: {  	s2 =	sld [smem:$0x3F93];
	s0 =	simm.s32 @p1 $0x1  }
0x15: {  	[smem:$0x3FB0] =	sst s0;
	s0 =	simm.s32 @!p2 $0x0  }
0x16: {  	s3 =	sld [smem:$0x3FDB];
	s0 =	simm.s32 @p2 $0x1  }
0x17: {  	s4 =	simm.s32 $0x1BF5;
	[smem:$0x3FB2] =	sst s0  }
0x18: {  	s0 =	sld [smem:$0x3F95];
	_ =	swait.ge [sflag:s4], $0x0  }
0x19: {  	s7 =	sld [smem:$0x3F96]  }
0x1a: {  	s8 =	sadd.s32 $0xFFFFE003, lr  }
0x1b: {  	s9 =	sadd.s32 $0xFFFFFEF7, lr;
	s5 =	simm.s32 $0xFFFFFFFF;
	p2 =	slt.u32 s8, $0xFFFFF086  }
0x1c: {  	p1 =	slt.u32 s9, $0xF7A;
	s5 =	simm.s32 @!p2 $0x0  }
0x1d: {  	s5 =	simm.s32 @p1 $0x1;
	p0 =	seq.s32 s7, s2  }
0x1e: {  	s7 =	smul.u32 @!p0 $0xF7A, s2;
	p2 =	seq.s32 @!p0 s5, $0x0  }
0x1f: {  	s9 =	smul.u32 $0xF7A, s1;
	s8 =	simm.s32 @!p0 $0x1BF5;
	p2 =	por !p2, p0  }
0x20: {  	[sflag:s8] =	ssyncset.s32 @!p0 $0xFFFFF086;
	s6 =	sadd.s32 @!p0 s3, s7;
	s7 =	simm.s32 @!p0 $0x108  }
0x21: {  	s3 =	sadd.s32 s3, s9;
	s6 =	sadd.s32 @!p0 $0x88, s6;
	s7 =	simm.s32 @p2 $0x1082  }
0x22: {  	[simem:s7], [sflag:s8] =	dma.local @!p0 [hbm:s6], $0xF7A  }
0x23: {  	s9 =	sor.u32 $0xD0000000, s2;
	s6 =	simm.s32 $0x108;
	_ =	swait.ge @!p0 [sflag:s8], $0x0  }
0x24: {  	s3 =	sadd.s32 $0x88, s3;
	s6 =	simm.s32 @!p1 $0x1082;
	[sflag:s4] =	ssyncset.s32 $0xFFFFF086  }
0x25: {  	[simem:s6], [sflag:s4] =	dma.local [hbm:s3], $0xF7A  }
0x26: {  	[smem:$0x3F96] =	sst s1;
	(tag) =	ssettag s2;
	_ =	strace s9  }
0x27: {  	s1 =	sld [smem:$0x3FA6]  }
0x28: {  	s2 =	sld [smem:$0x3FA7]  }
0x29: {  	s4 =	sld [smem:$0x3FA9]  }
0x2a: {  	p0 =	seq.s32 s5, $0x0;
	s5 =	sld [smem:$0x3FAA]  }
0x2b: {  	s6 =	sld [smem:$0x3FAB]  }
0x2c: {  	s7 =	sld [smem:$0x3FAC]  }
0x2d: {  	s3 =	simm.s32 $0x108;
	s8 =	sld [smem:$0x3FAD]  }
0x2e: {  	s3 =	simm.s32 @!p0 $0x1082;
	s9 =	sld [smem:$0x3FAE]  }
0x2f: {  	lr =	sadd.s32 s0, s3;
	s0 =	sld [smem:$0x3FA5]  }
0x30: {  	s3 =	sld [smem:$0x3FA8]  }
0x31: {  	[smem:$0x3FB1] =	sst s10  }
0x32: {  	s10 =	sld [smem:$0x3FAF];
	_ =	sdelay $0x3  }
0x33: {  	p0 =	seq.s32 s10, $0x1;
	s10 =	sld [smem:$0x3FB1];
	_ =	sdelay $0x3  }
0x34: {  	[smem:$0x3FB1] =	sst s10  }
0x35: {  	s10 =	sld [smem:$0x3FB0];
	_ =	sdelay $0x3  }
0x36: {  	p1 =	seq.s32 s10, $0x1;
	s10 =	sld [smem:$0x3FB1];
	_ =	sdelay $0x3  }
0x37: {  	[smem:$0x3FB1] =	sst s10  }
0x38: {  	s10 =	sld [smem:$0x3FB2]  }
0x39: {  	_ = 	snop;
	(pc) =	sbr.ind lr, $3  }
0x3a: {  	_ = 	snop  }
0x3b: {  	_ = 	snop  }
0x3c: {  	p2 =	seq.s32 s10, $0x1;
	s10 =	sld [smem:$0x3FB1]  }
0x3d: {  	_ =	shalt  }
0x3e: {  	_ =	shalt  }
0x3f: {  	_ =	shalt  }
0x40: {  	_ =	shalt  }
0x41: {  	_ =	shalt  }
0x42: {  	_ =	shalt  }
0x43: {  	_ =	shalt  }
0x44: {  	_ =	shalt  }
0x45: {  	_ =	shalt  }
0x46: {  	_ =	shalt  }
0x47: {  	_ =	shalt  }
0x48: {  	_ =	shalt  }
0x49: {  	_ =	shalt  }
0x4a: {  	_ =	shalt  }
0x4b: {  	_ =	shalt  }
0x4c: {  	_ =	shalt  }
0x4d: {  	_ =	shalt  }
0x4e: {  	_ =	shalt  }
0x4f: {  	_ =	shalt  }
0x50: {  	_ =	shalt  }
0x51: {  	_ =	shalt  }
0x52: {  	_ =	shalt  }
0x53: {  	_ =	shalt  }
0x54: {  	_ =	shalt  }
0x55: {  	_ =	shalt  }
0x56: {  	_ =	shalt  }
0x57: {  	_ =	shalt  }
0x58: {  	_ =	shalt  }
0x59: {  	_ =	shalt  }
0x5a: {  	_ =	shalt  }
0x5b: {  	_ =	shalt  }
0x5c: {  	_ =	shalt  }
0x5d: {  	_ =	shalt  }
0x5e: {  	_ =	shalt  }
0x5f: {  	_ =	shalt  }
0x60: {  	_ =	shalt  }
0x61: {  	_ =	shalt  }
0x62: {  	_ =	shalt  }
0x63: {  	_ =	shalt  }
0x64: {  	_ =	shalt  }
0x65: {  	_ =	shalt  }
0x66: {  	_ =	shalt  }
0x67: {  	_ =	shalt  }
0x68: {  	_ =	shalt  }
0x69: {  	_ =	shalt  }
0x6a: {  	_ =	shalt  }
0x6b: {  	_ =	shalt  }
0x6c: {  	_ =	shalt  }
0x6d: {  	_ =	shalt  }
0x6e: {  	_ =	shalt  }
0x6f: {  	_ =	shalt  }
0x70: {  	_ =	shalt  }
0x71: {  	_ =	shalt  }
0x72: {  	_ =	shalt  }
0x73: {  	_ =	shalt  }
0x74: {  	_ =	shalt  }
0x75: {  	_ =	shalt  }
0x76: {  	_ =	shalt  }
0x77: {  	_ =	shalt  }
0x78: {  	_ =	shalt  }
0x79: {  	_ =	shalt  }
0x7a: {  	_ =	shalt  }
0x7b: {  	_ =	shalt  }
0x7c: {  	_ =	shalt  }
0x7d: {  	_ =	shalt  }
0x7e: {  	_ =	shalt  }
0x7f: {  	_ =	shalt  }
0x80: {  	_ =	shalt  }
0x81: {  	_ =	shalt  }
0x82: {  	_ =	shalt  }
0x83: {  	_ =	shalt  }
0x84: {  	_ =	shalt  }
0x85: {  	_ =	shalt  }
0x86: {  	_ =	shalt  }
0x87: {  	_ =	shalt  }
.Lfunc_end0:
.L_simem_size_0:
called_computation.4_lowered:
.L_overlay_start_0:
0x88: {  	s2 =	sld [smem:$0x3FD9]  }
0x89: {  	s3 =	sld [smem:$0x3FFE];
	_ =	sdelay $0x1  }
0x8a: {  	s1 =	srdreg.scid  }
0x8b: {  	s0 =	sand.u32 $0x1, s1  }
0x8c: {  	s17 =	sshll.u32 s0, $0xA;
	s2 =	sadd.s32 s3, s2  }
0x8d: {  	s2 =	sadd.s32 s2, s17  }
0x8e: {  	[smem:$0x3FBD] =	sst s2  }
0x8f: {  	_ = 	snop  }
0x90: {  	(tm) =	ssettm $0x1  }
0x91: {  	s18 =	sld [smem:$0x3FFB];
	_ =	sdelay $0x3  }
0x92: {  	_ =	strace s18  }
0x93: {  	s2 =	sld [smem:$0x3FFC];
	_ =	sdelay $0x3  }
0x94: {  	_ =	strace s2  }
0x95: {  	s2 =	sld [smem:$0x3FFD];
	_ =	sdelay $0x3  }
0x96: {  	_ =	strace s2  }
0x97: {  	_ =	strace $0x8FFFFFFF  }
0x98: {  	s19 =	sld [smem:$0x3FDB];
	_ =	sdelay $0x1  }
0x99: {  	s20 =	simm.s32 $_scs_section_size  }
0x9a: {  	s4 =	simm.s32 $_size__tile_overlayer_lowered;
	s5 =	simm.s32 $_tile_overlayer_lowered  }
0x9b: {  	s6 =	simm.s32 $0x1BFF;
	s21 =	sshll.u32 s5, $0x1;
	s3 =	sadd.s32 s20, s19  }
0x9c: {  	s22 =	simm.s32 $0x0;
	s4 =	sshll.u32 s4, $0x1;
	s5 =	sadd.s32 s21, s3  }
0x9d: {  	[timem:s22], [sflag:s6] =	dma.local [hbm:s5], s4  }
0x9e: {  	_ =	swait.ge [sflag:s6], s4  }
0x9f: {  	s4 =	ssub.s32 $0x0, s4;
	[sflag:s6] =	ssyncset.done $0x0  }
0xa0: {  	[sflag:s6] =	ssyncadd.s32 s4;
	_ =	sdelay $0x1  }
0xa1: {  	s23 =	simm.s32 $0x1B8B  }
0xa2: {  	_ =	swait.ge [sflag:s23], $0x1  }
0xa3: {  	[sflag:s23] =	ssyncset.done $0x0  }
0xa4: {  	[sflag:s23] =	ssyncadd.s32 $0xFFFFFFFF  }
0xa5: {  	s4 =	sld [smem:$0x0]  }
0xa6: {  	s5 =	sand.u32 $0xFFFFFFFE, s1  }
0xa7: {  	p0 =	sne.s32 s1, s5  }
0xa8: {  	s5 =	sshll.u32 @p0 s5, $0xE  }
0xa9: {  	s5 =	sadd.s32 @p0 $0x11B8D, s5;
	s6 =	sshll.u32 @p0 s4, $0x11  }
0xaa: {  	s5 =	sor.u32 @p0 s6, s5  }
0xab: {  	[sflag:s5] =	ssyncadd.remote.s32 @p0 $0x1;
	_ =	sdelay $0x1  }
0xac: {  	s5 =	simm.s32 @p0 $0x1B8D  }
0xad: {  	_ =	swait.eq @p0 [sflag:s5], $0x1  }
0xae: {  	[sflag:s5] =	ssyncadd.s32 @p0 $0xFFFFFFFF  }
0xaf: {  	s6 =	sshll.u32 @!p0 s1, $0xE  }
0xb0: {  	s6 =	sor.u32 @!p0 $0x4000, s6;
	s5 =	simm.s32 @!p0 $0x1B8D  }
0xb1: {  	s4 =	sshll.u32 @!p0 s4, $0x11;
	s6 =	sadd.s32 @!p0 $0x11B8D, s6;
	_ =	swait.eq @!p0 [sflag:s5], $0x1  }
0xb2: {  	s4 =	sor.u32 @!p0 s4, s6;
	[sflag:s5] =	ssyncadd.s32 @!p0 $0xFFFFFFFF  }
0xb3: {  	s25 =	simm.s32 $0x1B8E;
	s24 =	sld [smem:$0x3FFE];
	[sflag:s4] =	ssyncadd.remote.s32 @!p0 $0x1  }
0xb4: {  	s26 =	simm.s32 $execute0_lowered;
	[smem:$0x3FD2] =	sst s25  }
0xb5: {  	s5 =	sshll.u32 s26, $0x1;
	_ =	strace $0x8000004F;
	[dreg:$0x1] =	wrdreg $0xFFFFFFFF  }
0xb6: {  	s28 =	simm.s32 $_size_execute0_lowered;
	s3 =	sadd.s32 s3, s5;
	[dreg:$0x0] =	wrdreg $0x0  }
0xb7: {  	s5 =	sshll.u32 s28, $0x1;
	[dreg:$0x2] =	wrdreg s3  }
0xb8: {  	[dreg:$0x3] =	wrdreg s5  }
0xb9: {  	[dreg:$0x4] =	wrdreg $0xC0  }
0xba: {  	_ =	task [dreg:s22], $0x5FFFF  }
0xbb: {  	[dreg:$0x1] =	wrdreg $0xFFFFFFFF  }
0xbc: {  	[dreg:$0x0] =	wrdreg $0x60  }
0xbd: {  	[dreg:$0x2] =	wrdreg s24  }
0xbe: {  	[dreg:$0x3] =	wrdreg $0xA  }
0xbf: {  	_ =	task.clear_ibuf [dreg:s22], $0x4FFFF;
	_ =	strace $0x9000004F  }
0xc0: {  	s29 =	simm.s32 $0xA;
	_ =	strace $0x80000051  }
0xc1: {  	_ =	swait.ge [sflag:s29], $0x1  }
0xc2: {  	[sflag:s29] =	ssyncadd.s32 $0xFFFFFFFF  }
0xc3: {  	_ =	strace $0x90000051  }
0xc4: {  	_ =	sfence  }
0xc5: {  	s30 =	sld [smem:$0x0];
	_ =	sdelay $0x2  }
0xc6: {  	s31 =	sshll.u32 s1, $0xD;
	s1 =	sshrl.u32 s1, $0x2  }
0xc7: {  	s4 =	sand.u32 $0x4000, s31;
	s1 =	sadd.s32 s1, s30  }
0xc8: {  	s0 =	sor.u32 s4, s0;
	s1 =	sshll.u32 s1, $0x11  }
0xc9: {  	s0 =	sor.u32 s1, s0  }
0xca: {  	s0 =	sadd.s32 $0x8F2B, s0  }
0xcb: {  	[sflag:s0] =	ssyncadd.remote.s32 $0x1  }
0xcc: {  	_ =	sfence.sel $0xFFFF  }
0xcd: {  	[dreg:$0x0] =	wrdreg $0xFFFFFFFF;
	(pc) =	sbr.abs _section_cstart, $3  }
0xce: {  	[dreg:$0x1] =	wrdreg $0xFFFFFFFF  }
0xcf: {  	_ =	task.clear_ibuf [dreg:s22], $0x2FFFF;
	_ =	strace $0x9FFFFFFF  }
0xd0: {  	(tm) =	ssettm $0x7FFFFFFF  }
0xd1: {  	_ =	shalt  }
tec
execute0_lowered:
.L_overlay_start_1:
0x0: {  	(tag) =	ssettag $0x1  }
0x1: {  	s0 =	rddreg [dreg:$0x0];
	s2 =	simm.s32 $0x0  }
0x2: {  	s1 =	srdreg.scid;
	s3 =	stileid.u32;
	s14 =	simm.s32 $0x1D500  }
0x3: {  	s15 =	simm.s32 $0x1DC00;
	s16 =	simm.s32 $0x1;
	s17 =	simm.s32 $0x1E300  }
0x4: {  	s18 =	simm.s32 $0x1F100;
	s19 =	simm.s32 $0x2;
	s20 =	simm.s32 $0x4  }
0x5: {  	s21 =	simm.s32 $0x6;
	s22 =	simm.s32 $0x1EA00;
	s23 =	simm.s32 $0x1F800  }
0x6: {  	s24 =	simm.s32 $0x3;
	s25 =	simm.s32 $0x5;
	[smem:$0x7FF] =	sst s2  }
0x7: {  	s1 =	sand.u32 $0x1, s1;
	s3 =	sshll.u32 s3, $0x1;
	s6 =	sadd.s32 $0x20FE00, s0  }
0x8: {  	_ =	strace $0x80000050;
	s5 =	sor.u32 s1, s3;
	s1 =	ssub.s32 $0x2, s1  }
0x9: {  	s3 =	sadd.s32 $0x30400, s0;
	s7 =	smul.u32 $0x7600, s5;
	s8 =	sshrl.u32 s1, $0x1  }
0xa: {  	s4 =	smul.u32 $0x68A00, s5;
	s9 =	sshllo.u32 s5, $0x1;
	s5 =	sadd.s32 $0x2FBE00, s0  }
.Ltmp0:
0xb: {  	s0 =	sadd.s32 $0x304D8, s0;
	s1 =	ssub.s32 s1, s8;
	(pc) =	sbr.rel .LBB2_1-.Ltmp0, $4  }
0xc: {  	s29 =	smul.u32 $0x3B00, s9;
	[dreg:$0x3] =	wrdreg s0;
	s7 =	sadd.s32 s6, s7  }
0xd: {  	s26 =	simm.s32 $0x0;
	s31 =	smax.u32 s1, $0x1;
	[dreg:$0x2] =	wrdreg s7  }
0xe: {  	s10 =	smul.u32 $0x34500, s9;
	s30 =	sadd.s32 s6, s29;
	[dreg:$0x5] =	wrdreg s31  }
0xf: {  	s11 =	sadd.s32 $0xD48500, s4;
	s7 =	sadd.s32 $0xD14000, s4;
	[dreg:$0x4] =	wrdreg s30  }
.LBB2_23:
0x10: {  	_ =	swait.ge [sflag:s24], $0x6C0  }
0x11: {  	[sflag:s24] =	ssyncset.done $0x0  }
0x12: {  	[sflag:s24] =	ssyncadd.s32 $0xFFFFF940  }
0x13: {  	_ =	swait.ge [sflag:s20], $0x6C0  }
0x14: {  	[sflag:s20] =	ssyncset.done $0x0  }
0x15: {  	[sflag:s20] =	ssyncadd.s32 $0xFFFFF940  }
0x16: {  	_ =	swait.ge [sflag:s25], $0x6C0  }
0x17: {  	[sflag:s25] =	ssyncset.done $0x0  }
0x18: {  	[sflag:s25] =	ssyncadd.s32 $0xFFFFF940  }
0x19: {  	_ =	swait.ge [sflag:s21], $0x6C0  }
0x1a: {  	s26 =	sadd.s32 $0x1, s26;
	s0 =	rddreg [dreg:$0x5]  }
0x1b: {  	p0 =	sne.s32 s26, s0  }
.Ltmp1:
0x1c: {  	_ = 	snop;
	(pc) =	sbr.rel @!p0 .LBB2_24-.Ltmp1, $3  }
0x1d: {  	_ =	sdelay $0x1  }
0x1e: {  	[sflag:s21] =	ssyncset.done $0x0  }
0x1f: {  	[sflag:s21] =	ssyncadd.s32 $0xFFFFF940  }
.LBB2_1:
0x20: {  	s0 =	rddreg [dreg:$0x2];
	s30 =	simm.s32 $0x7  }
0x21: {  	[tilespmem:s2], [sflag:$0x7] =	stream.linear.gather [hbm4b:s0+s2], $0x1D4D0, $0x38;
	[tilespmem:$0x1FF00] =	vst v63  }
0x22: {  	_ =	swait.ge [sflag:s30], $0x1D4D0  }
0x23: {  	[sflag:s30] =	ssyncset.done $0x0  }
0x24: {  	[sflag:s30] =	ssyncadd.s32 $0xFFFE2B30  }
0x25: {  	[tilespmem:s14], [sflag:$0x1] =	stream.linear.gather [hbm4b:s3+s2], $0x6C0, $0x38;
	[tilespmem:$0x1FF00] =	vst v63  }
0x26: {  	s28 =	simm.s32 $0x0;
	s31 =	rddreg [dreg:$0x3]  }
0x27: {  	[tilespmem:s15], [sflag:$0x2] =	stream.linear.gather [hbm4b:s31+s2], $0x6C0, $0x38;
	[tilespmem:$0x1FF00] =	vst v63  }
.LBB2_2:
0x28: {  	_ =	swait.ge [sflag:s16], $0x6C0  }
0x29: {  	p0 =	seq.s32 s28, $0x0;
	[sflag:s16] =	ssyncset.done $0x0  }
0x2a: {  	s0 =	simm.s32 @!p0 $0x3;
	[sflag:s16] =	ssyncadd.s32 $0xFFFFF940  }
0x2b: {  	_ =	swait.ge @!p0 [sflag:s0], $0x6C0  }
0x2c: {  	[sflag:s0] =	ssyncset.done @!p0 $0x0  }
0x2d: {  	[sflag:s0] =	ssyncadd.s32 @!p0 $0xFFFFF940;
	s0 =	simm.s32 @!p0 $0x5  }
0x2e: {  	_ =	swait.ge @!p0 [sflag:s0], $0x6C0  }
0x2f: {  	s1 =	simm.s32 $0x0;
	[sflag:s0] =	ssyncset.done @!p0 $0x0  }
0x30: {  	s30 =	sand.u32 $0xFF0, s1;
	[sflag:s0] =	ssyncadd.s32 @!p0 $0xFFFFF940  }
0x31: {  	s1 =	simm.s32 $0x1D540;
	v0 =	vld [tilespmem:s30+$0x1D580]  }
0x32: {  	v1 =	vld [tilespmem:s1+$0xFFFFFFC0]  }
0x33: {  	v2 =	vld [tilespmem:s1+$0xFFFFFFE0]  }
0x34: {  	v6 =	vld [tilespmem:s1+$0x30]  }
0x35: {  	v4 =	vld [tilespmem:s1+$0x20]  }
0x36: {  	v9 =	vld [tilespmem:s1+$0xFFFFFFD0]  }
0x37: {  	v10 =	vld [tilespmem:s1+$0x10]  }
0x38: {  	v8 =	vld [tilespmem:s1+$0x0]  }
0x39: {  	v7 =	vld [tilespmem:s1+$0xFFFFFFF0]  }
0x3a: {  	v5 =	vld.idx.msk [tilespmem:v1+s2+$0x0], $0xffff  }
0x3b: {  	v3 =	vld.idx.msk [tilespmem:v2+s2+$0x0], $0xffff  }
0x3c: {  	v0 =	vld.idx.msk [tilespmem:v0+s2+$0x0], $0xffff  }
0x3d: {  	v1 =	vld.idx.msk [tilespmem:v6+s2+$0x0], $0xffff  }
0x3e: {  	s6 =	simm.s32 $0x1E340;
	s9 =	simm.s32 $0x1F140;
	v6 =	vld.idx.msk [tilespmem:v9+s2+$0x0], $0xffff  }
0x3f: {  	s12 =	simm.s32 $0x90;
	s31 =	simm.s32 $0x1E340;
	s0 =	simm.s32 $0x1F140;
	v2 =	vld.idx.msk [tilespmem:v10+s2+$0x0], $0xffff  }
.LBB2_3:
0x40: {  	v8 =	vld.idx.msk [tilespmem:v8+s2+$0x0], $0xffff;
	s1 =	sadd.s32 $0x90, s1;
	s6 =	sadd.s32 $0x90, s6;
	s9 =	sadd.s32 $0x90, s9  }
0x41: {  	p1 =	sne.s32 s12, $0x630;
	s8 =	smov.u32 s12;
	s12 =	sadd.s32 $0x90, s12;
	v7 =	vld.idx.msk [tilespmem:v7+s2+$0x0], $0xffff  }
0x42: {  	v9 =	vshll.u32 v5, $0x10;
	v4 =	vld.idx.msk [tilespmem:v4+s2+$0x0], $0xffff  }
0x43: {  	v5 =	vand.u32 $0xFFFF0000, v5;
	[tilespmem:s31+$0xFFFFFFC0] =	vst v9  }
0x44: {  	[tilespmem:s0+$0xFFFFFFC0] =	vst v5;
	v5 =	vshll.u32 v6, $0x10  }
0x45: {  	[tilespmem:s31+$0xFFFFFFD0] =	vst v5;
	v5 =	vand.u32 $0xFFFF0000, v6  }
0x46: {  	[tilespmem:s0+$0xFFFFFFD0] =	vst v5;
	v5 =	vshll.u32 v3, $0x10  }
0x47: {  	v3 =	vand.u32 $0xFFFF0000, v3;
	[tilespmem:s31+$0xFFFFFFE0] =	vst v5  }
0x48: {  	[tilespmem:s0+$0xFFFFFFE0] =	vst v3;
	v3 =	vshll.u32 v7, $0x10  }
0x49: {  	s8 =	sand.u32 $0xFF0, s8;
	[tilespmem:s31+$0xFFFFFFF0] =	vst v3;
	v3 =	vand.u32 $0xFFFF0000, v7  }
0x4a: {  	[tilespmem:s0+$0xFFFFFFF0] =	vst v3;
	v3 =	vshll.u32 v8, $0x10  }
0x4b: {  	[tilespmem:s31+$0x0] =	vst v3;
	v3 =	vand.u32 $0xFFFF0000, v8  }
0x4c: {  	[tilespmem:s0+$0x0] =	vst v3;
	v3 =	vshll.u32 v2, $0x10  }
0x4d: {  	v2 =	vand.u32 $0xFFFF0000, v2;
	[tilespmem:s31+$0x10] =	vst v3  }
0x4e: {  	[tilespmem:s0+$0x10] =	vst v2;
	v2 =	vshll.u32 v4, $0x10  }
0x4f: {  	[tilespmem:s31+$0x20] =	vst v2;
	v2 =	vand.u32 $0xFFFF0000, v4  }
0x50: {  	[tilespmem:s0+$0x20] =	vst v2;
	v2 =	vshll.u32 v1, $0x10  }
0x51: {  	v1 =	vand.u32 $0xFFFF0000, v1;
	[tilespmem:s31+$0x30] =	vst v2;
	s31 =	smov.u32 s6  }
0x52: {  	[tilespmem:s0+$0x30] =	vst v1;
	v1 =	vshll.u32 v0, $0x10;
	v0 =	vand.u32 $0xFFFF0000, v0;
	s0 =	smov.u32 s9  }
0x53: {  	[tilespmem:s30+$0x1E380] =	vst v1  }
0x54: {  	v1 =	vld [tilespmem:s8+$0x1D580];
	[tilespmem:s30+$0x1F180] =	vst v0;
	s30 =	smov.u32 s8  }
0x55: {  	v0 =	vld [tilespmem:s1+$0xFFFFFFC0]  }
0x56: {  	v2 =	vld [tilespmem:s1+$0xFFFFFFE0]  }
0x57: {  	v6 =	vld [tilespmem:s1+$0x30]  }
0x58: {  	v4 =	vld [tilespmem:s1+$0x20]  }
0x59: {  	v9 =	vld [tilespmem:s1+$0xFFFFFFD0]  }
0x5a: {  	v10 =	vld [tilespmem:s1+$0x10]  }
0x5b: {  	v8 =	vld [tilespmem:s1+$0x0]  }
0x5c: {  	v7 =	vld [tilespmem:s1+$0xFFFFFFF0]  }
0x5d: {  	v5 =	vld.idx.msk [tilespmem:v0+s2+$0x0], $0xffff  }
.Ltmp2:
0x5e: {  	v3 =	vld.idx.msk [tilespmem:v2+s2+$0x0], $0xffff;
	(pc) =	sbr.rel @p1 .LBB2_3-.Ltmp2, $4  }
0x5f: {  	v0 =	vld.idx.msk [tilespmem:v1+s2+$0x0], $0xffff  }
0x60: {  	v1 =	vld.idx.msk [tilespmem:v6+s2+$0x0], $0xffff  }
0x61: {  	v6 =	vld.idx.msk [tilespmem:v9+s2+$0x0], $0xffff  }
0x62: {  	v2 =	vld.idx.msk [tilespmem:v10+s2+$0x0], $0xffff  }
0x63: {  	_ =	sdelay $0x3  }
0x64: {  	v8 =	vld.idx.msk [tilespmem:v8+s2+$0x0], $0xffff  }
0x65: {  	v7 =	vld.idx.msk [tilespmem:v7+s2+$0x0], $0xffff;
	v9 =	vshll.u32 v5, $0x10  }
0x66: {  	v4 =	vld.idx.msk [tilespmem:v4+s2+$0x0], $0xffff;
	v47 =	vand.u32 $0xFFFF0000, v5;
	[tilespmem:s31+$0xFFFFFFC0] =	vst v9  }
0x67: {  	[tilespmem:s0+$0xFFFFFFC0] =	vst v47;
	v48 =	vshll.u32 v6, $0x10  }
0x68: {  	v49 =	vand.u32 $0xFFFF0000, v6;
	[tilespmem:s31+$0xFFFFFFD0] =	vst v48  }
0x69: {  	v50 =	vshll.u32 v3, $0x10;
	[tilespmem:s0+$0xFFFFFFD0] =	vst v49  }
0x6a: {  	v51 =	vand.u32 $0xFFFF0000, v3;
	[tilespmem:s31+$0xFFFFFFE0] =	vst v50  }
0x6b: {  	v52 =	vshll.u32 v7, $0x10;
	[tilespmem:s0+$0xFFFFFFE0] =	vst v51  }
0x6c: {  	v53 =	vand.u32 $0xFFFF0000, v7;
	[tilespmem:s31+$0xFFFFFFF0] =	vst v52  }
0x6d: {  	v54 =	vshll.u32 v8, $0x10;
	[tilespmem:s0+$0xFFFFFFF0] =	vst v53  }
0x6e: {  	v55 =	vand.u32 $0xFFFF0000, v8;
	[tilespmem:s31+$0x0] =	vst v54  }
0x6f: {  	v56 =	vshll.u32 v2, $0x10;
	[tilespmem:s0+$0x0] =	vst v55  }
0x70: {  	v57 =	vand.u32 $0xFFFF0000, v2;
	[tilespmem:s31+$0x10] =	vst v56  }
0x71: {  	v58 =	vshll.u32 v4, $0x10;
	[tilespmem:s0+$0x10] =	vst v57  }
0x72: {  	v59 =	vand.u32 $0xFFFF0000, v4;
	[tilespmem:s31+$0x20] =	vst v58  }
0x73: {  	s29 =	smul.u32 $0xD80, s28;
	v60 =	vshll.u32 v1, $0x10;
	[tilespmem:s0+$0x20] =	vst v59  }
0x74: {  	v61 =	vand.u32 $0xFFFF0000, v1;
	[tilespmem:s31+$0x30] =	vst v60  }
0x75: {  	v62 =	vshll.u32 v0, $0x10;
	s13 =	sadd.s32 s4, s29;
	[tilespmem:s0+$0x30] =	vst v61  }
0x76: {  	p1 =	sne.s32 s28, $0x3D;
	v63 =	vand.u32 $0xFFFF0000, v0;
	s0 =	sshrl.u32 s13, $0x3;
	[tilespmem:s30+$0x1E380] =	vst v62  }
.Ltmp3:
0x77: {  	s31 =	sadd.s32 s7, s29;
	[tilespmem:s30+$0x1F180] =	vst v63;
	s0 =	sadd.s32 s5, s0;
	(pc) =	sbr.rel @p1 .LBB2_6-.Ltmp3, $4  }
0x78: {  	[hbm4b:s0+s2] =	stream.linear.scatter [tilespmem:s17], [sflag:$0x3], $0x6C0, $0x38;
	[tilespmem:$0x1FF00] =	vst v63  }
0x79: {  	s0 =	sshrl.u32 s31, $0x3  }
0x7a: {  	s0 =	sadd.s32 s5, s0  }
0x7b: {  	[hbm4b:s0+s2] =	stream.linear.scatter [tilespmem:s18], [sflag:$0x5], $0x6C0, $0x38;
	[tilespmem:$0x1FF00] =	vst v63  }
.Ltmp4:
0x7c: {  	(pc) =	sbr.rel .LBB2_7-.Ltmp4, $4  }
0x7d: {  	_ = 	snop  }
0x7e: {  	_ =	swait.ge [sflag:s19], $0x6C0  }
0x7f: {  	[sflag:s19] =	ssyncset.done $0x0  }
0x80: {  	[sflag:s19] =	ssyncadd.s32 $0xFFFFF940  }
.LBB2_6:
0x81: {  	s0 =	sshrl.u32 s29, $0x3  }
0x82: {  	s0 =	sadd.s32 s3, s0  }
.Ltmp5:
0x83: {  	s0 =	sadd.s32 $0x1B0, s0;
	(pc) =	sbr.rel @p0 .LBB2_8-.Ltmp5, $4  }
0x84: {  	[tilespmem:s14], [sflag:$0x1] =	stream.linear.gather [hbm4b:s0+s2], $0x6C0, $0x38;
	[tilespmem:$0x1FF00] =	vst v63  }
0x85: {  	_ =	swait.ge [sflag:s19], $0x6C0  }
0x86: {  	[sflag:s19] =	ssyncset.done $0x0  }
0x87: {  	[sflag:s19] =	ssyncadd.s32 $0xFFFFF940  }
.LBB2_7:
0x88: {  	_ =	swait.ge [sflag:s20], $0x6C0  }
0x89: {  	[sflag:s20] =	ssyncset.done $0x0  }
0x8a: {  	[sflag:s20] =	ssyncadd.s32 $0xFFFFF940  }
0x8b: {  	_ =	swait.ge [sflag:s21], $0x6C0  }
0x8c: {  	[sflag:s21] =	ssyncset.done $0x0  }
0x8d: {  	[sflag:s21] =	ssyncadd.s32 $0xFFFFF940  }
.LBB2_8:
0x8e: {  	s31 =	simm.s32 $0x1DC40  }
0x8f: {  	v1 =	vld [tilespmem:s31+$0xFFFFFFC0]  }
0x90: {  	v2 =	vld [tilespmem:s31+$0xFFFFFFE0]  }
0x91: {  	v6 =	vld [tilespmem:s31+$0x30]  }
0x92: {  	v4 =	vld [tilespmem:s31+$0x20]  }
0x93: {  	s0 =	simm.s32 $0x0;
	v9 =	vld [tilespmem:s31+$0xFFFFFFD0]  }
0x94: {  	s30 =	sand.u32 $0xFF0, s0;
	v10 =	vld [tilespmem:s31+$0x10]  }
0x95: {  	v0 =	vld [tilespmem:s30+$0x1DC80]  }
0x96: {  	v8 =	vld [tilespmem:s31+$0x0]  }
0x97: {  	v7 =	vld [tilespmem:s31+$0xFFFFFFF0]  }
0x98: {  	v5 =	vld.idx.msk [tilespmem:v1+s2+$0x0], $0xffff  }
0x99: {  	v3 =	vld.idx.msk [tilespmem:v2+s2+$0x0], $0xffff  }
0x9a: {  	v1 =	vld.idx.msk [tilespmem:v6+s2+$0x0], $0xffff  }
0x9b: {  	v6 =	vld.idx.msk [tilespmem:v9+s2+$0x0], $0xffff  }
0x9c: {  	s6 =	simm.s32 $0x1EA40;
	s9 =	simm.s32 $0x1F840;
	v2 =	vld.idx.msk [tilespmem:v10+s2+$0x0], $0xffff  }
0x9d: {  	s12 =	simm.s32 $0x90;
	s1 =	simm.s32 $0x1EA40;
	s0 =	simm.s32 $0x1F840;
	v0 =	vld.idx.msk [tilespmem:v0+s2+$0x0], $0xffff  }
.LBB2_9:
0x9e: {  	v8 =	vld.idx.msk [tilespmem:v8+s2+$0x0], $0xffff;
	s31 =	sadd.s32 $0x90, s31;
	s6 =	sadd.s32 $0x90, s6;
	s9 =	sadd.s32 $0x90, s9  }
0x9f: {  	p0 =	sne.s32 s12, $0x630;
	s8 =	smov.u32 s12;
	s12 =	sadd.s32 $0x90, s12;
	v7 =	vld.idx.msk [tilespmem:v7+s2+$0x0], $0xffff  }
0xa0: {  	v9 =	vshll.u32 v5, $0x10;
	v4 =	vld.idx.msk [tilespmem:v4+s2+$0x0], $0xffff  }
0xa1: {  	v5 =	vand.u32 $0xFFFF0000, v5;
	[tilespmem:s1+$0xFFFFFFC0] =	vst v9  }
0xa2: {  	[tilespmem:s0+$0xFFFFFFC0] =	vst v5;
	v5 =	vshll.u32 v6, $0x10  }
0xa3: {  	[tilespmem:s1+$0xFFFFFFD0] =	vst v5;
	v5 =	vand.u32 $0xFFFF0000, v6  }
0xa4: {  	[tilespmem:s0+$0xFFFFFFD0] =	vst v5;
	v5 =	vshll.u32 v3, $0x10  }
0xa5: {  	v3 =	vand.u32 $0xFFFF0000, v3;
	[tilespmem:s1+$0xFFFFFFE0] =	vst v5  }
0xa6: {  	[tilespmem:s0+$0xFFFFFFE0] =	vst v3;
	v3 =	vshll.u32 v7, $0x10  }
0xa7: {  	s8 =	sand.u32 $0xFF0, s8;
	[tilespmem:s1+$0xFFFFFFF0] =	vst v3;
	v3 =	vand.u32 $0xFFFF0000, v7  }
0xa8: {  	[tilespmem:s0+$0xFFFFFFF0] =	vst v3;
	v3 =	vshll.u32 v8, $0x10  }
0xa9: {  	[tilespmem:s1+$0x0] =	vst v3;
	v3 =	vand.u32 $0xFFFF0000, v8  }
0xaa: {  	[tilespmem:s0+$0x0] =	vst v3;
	v3 =	vshll.u32 v2, $0x10  }
0xab: {  	v2 =	vand.u32 $0xFFFF0000, v2;
	[tilespmem:s1+$0x10] =	vst v3  }
0xac: {  	[tilespmem:s0+$0x10] =	vst v2;
	v2 =	vshll.u32 v4, $0x10  }
0xad: {  	[tilespmem:s1+$0x20] =	vst v2;
	v2 =	vand.u32 $0xFFFF0000, v4  }
0xae: {  	[tilespmem:s0+$0x20] =	vst v2;
	v2 =	vshll.u32 v1, $0x10  }
0xaf: {  	v1 =	vand.u32 $0xFFFF0000, v1;
	[tilespmem:s1+$0x30] =	vst v2;
	s1 =	smov.u32 s6  }
0xb0: {  	[tilespmem:s0+$0x30] =	vst v1;
	v1 =	vshll.u32 v0, $0x10;
	v0 =	vand.u32 $0xFFFF0000, v0;
	s0 =	smov.u32 s9  }
0xb1: {  	[tilespmem:s30+$0x1EA80] =	vst v1  }
0xb2: {  	v1 =	vld [tilespmem:s8+$0x1DC80];
	[tilespmem:s30+$0x1F880] =	vst v0;
	s30 =	smov.u32 s8  }
0xb3: {  	v0 =	vld [tilespmem:s31+$0xFFFFFFC0]  }
0xb4: {  	v2 =	vld [tilespmem:s31+$0xFFFFFFE0]  }
0xb5: {  	v6 =	vld [tilespmem:s31+$0x30]  }
0xb6: {  	v4 =	vld [tilespmem:s31+$0x20]  }
0xb7: {  	v9 =	vld [tilespmem:s31+$0xFFFFFFD0]  }
0xb8: {  	v10 =	vld [tilespmem:s31+$0x10]  }
0xb9: {  	v8 =	vld [tilespmem:s31+$0x0]  }
0xba: {  	v7 =	vld [tilespmem:s31+$0xFFFFFFF0]  }
0xbb: {  	v5 =	vld.idx.msk [tilespmem:v0+s2+$0x0], $0xffff  }
.Ltmp6:
0xbc: {  	v3 =	vld.idx.msk [tilespmem:v2+s2+$0x0], $0xffff;
	(pc) =	sbr.rel @p0 .LBB2_9-.Ltmp6, $4  }
0xbd: {  	v0 =	vld.idx.msk [tilespmem:v1+s2+$0x0], $0xffff  }
0xbe: {  	v1 =	vld.idx.msk [tilespmem:v6+s2+$0x0], $0xffff  }
0xbf: {  	v6 =	vld.idx.msk [tilespmem:v9+s2+$0x0], $0xffff  }
0xc0: {  	v2 =	vld.idx.msk [tilespmem:v10+s2+$0x0], $0xffff  }
0xc1: {  	_ =	sdelay $0x3  }
0xc2: {  	v8 =	vld.idx.msk [tilespmem:v8+s2+$0x0], $0xffff  }
0xc3: {  	v7 =	vld.idx.msk [tilespmem:v7+s2+$0x0], $0xffff;
	v9 =	vshll.u32 v5, $0x10  }
0xc4: {  	v4 =	vld.idx.msk [tilespmem:v4+s2+$0x0], $0xffff;
	v47 =	vand.u32 $0xFFFF0000, v5;
	[tilespmem:s1+$0xFFFFFFC0] =	vst v9  }
0xc5: {  	[tilespmem:s0+$0xFFFFFFC0] =	vst v47;
	v48 =	vshll.u32 v6, $0x10  }
0xc6: {  	v49 =	vand.u32 $0xFFFF0000, v6;
	[tilespmem:s1+$0xFFFFFFD0] =	vst v48  }
0xc7: {  	v50 =	vshll.u32 v3, $0x10;
	[tilespmem:s0+$0xFFFFFFD0] =	vst v49  }
0xc8: {  	v51 =	vand.u32 $0xFFFF0000, v3;
	[tilespmem:s1+$0xFFFFFFE0] =	vst v50  }
0xc9: {  	v52 =	vshll.u32 v7, $0x10;
	[tilespmem:s0+$0xFFFFFFE0] =	vst v51  }
0xca: {  	v53 =	vand.u32 $0xFFFF0000, v7;
	[tilespmem:s1+$0xFFFFFFF0] =	vst v52  }
0xcb: {  	v54 =	vshll.u32 v8, $0x10;
	[tilespmem:s0+$0xFFFFFFF0] =	vst v53  }
0xcc: {  	v55 =	vand.u32 $0xFFFF0000, v8;
	[tilespmem:s1+$0x0] =	vst v54  }
0xcd: {  	v56 =	vshll.u32 v2, $0x10;
	[tilespmem:s0+$0x0] =	vst v55  }
0xce: {  	v57 =	vand.u32 $0xFFFF0000, v2;
	[tilespmem:s1+$0x10] =	vst v56  }
0xcf: {  	v58 =	vshll.u32 v4, $0x10;
	[tilespmem:s0+$0x10] =	vst v57  }
0xd0: {  	v59 =	vand.u32 $0xFFFF0000, v4;
	[tilespmem:s1+$0x20] =	vst v58  }
0xd1: {  	v60 =	vshll.u32 v1, $0x10;
	[tilespmem:s0+$0x20] =	vst v59  }
0xd2: {  	s12 =	sadd.s32 $0x6C0, s29;
	v61 =	vand.u32 $0xFFFF0000, v1;
	[tilespmem:s1+$0x30] =	vst v60  }
0xd3: {  	v62 =	vshll.u32 v0, $0x10;
	s13 =	sadd.s32 s4, s12;
	[tilespmem:s0+$0x30] =	vst v61  }
0xd4: {  	p0 =	seq.s32 s28, $0x3D;
	v63 =	vand.u32 $0xFFFF0000, v0;
	s0 =	sshrl.u32 s13, $0x3;
	[tilespmem:s30+$0x1EA80] =	vst v62  }
.Ltmp7:
0xd5: {  	s31 =	sadd.s32 s7, s12;
	[tilespmem:s30+$0x1F880] =	vst v63;
	s0 =	sadd.s32 s5, s0;
	(pc) =	sbr.rel @p0 .LBB2_12-.Ltmp7, $4  }
0xd6: {  	[hbm4b:s0+s2] =	stream.linear.scatter [tilespmem:s22], [sflag:$0x4], $0x6C0, $0x38;
	[tilespmem:$0x1FF00] =	vst v63  }
0xd7: {  	s0 =	sshrl.u32 s31, $0x3  }
0xd8: {  	s0 =	sadd.s32 s5, s0  }
0xd9: {  	[hbm4b:s0+s2] =	stream.linear.scatter [tilespmem:s23], [sflag:$0x6], $0x6C0, $0x38;
	[tilespmem:$0x1FF00] =	vst v63  }
.Ltmp8:
0xda: {  	(pc) =	sbr.rel .LBB2_2-.Ltmp8, $4  }
0xdb: {  	s0 =	sshrl.u32 s29, $0x3  }
0xdc: {  	s0 =	sadd.s32 s3, s0  }
0xdd: {  	s28 =	sadd.s32 $0x1, s28;
	s0 =	sadd.s32 $0x288, s0  }
0xde: {  	[tilespmem:s15], [sflag:$0x2] =	stream.linear.gather [hbm4b:s0+s2], $0x6C0, $0x38;
	[tilespmem:$0x1FF00] =	vst v63  }
.LBB2_12:
0xdf: {  	_ =	swait.ge [sflag:s24], $0x6C0  }
0xe0: {  	[sflag:s24] =	ssyncset.done $0x0  }
0xe1: {  	[sflag:s24] =	ssyncadd.s32 $0xFFFFF940  }
0xe2: {  	_ =	swait.ge [sflag:s20], $0x6C0  }
0xe3: {  	[sflag:s20] =	ssyncset.done $0x0  }
0xe4: {  	[sflag:s20] =	ssyncadd.s32 $0xFFFFF940  }
0xe5: {  	_ =	swait.ge [sflag:s25], $0x6C0  }
0xe6: {  	[sflag:s25] =	ssyncset.done $0x0  }
0xe7: {  	[sflag:s25] =	ssyncadd.s32 $0xFFFFF940  }
0xe8: {  	_ =	swait.ge [sflag:s21], $0x6C0  }
0xe9: {  	s28 =	simm.s32 $0x0;
	[sflag:s21] =	ssyncset.done $0x0  }
0xea: {  	s30 =	simm.s32 $0x7;
	s0 =	rddreg [dreg:$0x4];
	[sflag:s21] =	ssyncadd.s32 $0xFFFFF940  }
0xeb: {  	[tilespmem:s28], [sflag:$0x7] =	stream.linear.gather [hbm4b:s0+s28], $0x1D4D0, $0x38;
	[tilespmem:$0x1FF00] =	vst v63  }
0xec: {  	_ =	swait.ge [sflag:s30], $0x1D4D0  }
0xed: {  	[sflag:s30] =	ssyncset.done $0x0  }
0xee: {  	[sflag:s30] =	ssyncadd.s32 $0xFFFE2B30  }
0xef: {  	[tilespmem:s14], [sflag:$0x1] =	stream.linear.gather [hbm4b:s3+s28], $0x6C0, $0x38;
	[tilespmem:$0x1FF00] =	vst v63  }
0xf0: {  	s29 =	simm.s32 $0x0;
	s31 =	rddreg [dreg:$0x3]  }
0xf1: {  	[tilespmem:s15], [sflag:$0x2] =	stream.linear.gather [hbm4b:s31+s28], $0x6C0, $0x38;
	[tilespmem:$0x1FF00] =	vst v63  }
.LBB2_13:
0xf2: {  	_ =	swait.ge [sflag:s16], $0x6C0  }
0xf3: {  	p0 =	seq.s32 s29, $0x0;
	[sflag:s16] =	ssyncset.done $0x0  }
0xf4: {  	s0 =	simm.s32 @!p0 $0x3;
	[sflag:s16] =	ssyncadd.s32 $0xFFFFF940  }
0xf5: {  	_ =	swait.ge @!p0 [sflag:s0], $0x6C0  }
0xf6: {  	[sflag:s0] =	ssyncset.done @!p0 $0x0  }
0xf7: {  	[sflag:s0] =	ssyncadd.s32 @!p0 $0xFFFFF940;
	s0 =	simm.s32 @!p0 $0x5  }
0xf8: {  	_ =	swait.ge @!p0 [sflag:s0], $0x6C0  }
0xf9: {  	[sflag:s0] =	ssyncset.done @!p0 $0x0  }
0xfa: {  	s31 =	sand.u32 $0xFF0, s28;
	[sflag:s0] =	ssyncadd.s32 @!p0 $0xFFFFF940  }
0xfb: {  	s30 =	simm.s32 $0x1D540;
	v0 =	vld [tilespmem:s31+$0x1D580]  }
0xfc: {  	v1 =	vld [tilespmem:s30+$0xFFFFFFC0]  }
0xfd: {  	v2 =	vld [tilespmem:s30+$0xFFFFFFE0]  }
0xfe: {  	v6 =	vld [tilespmem:s30+$0x30]  }
0xff: {  	v4 =	vld [tilespmem:s30+$0x20]  }
0x100: {  	v9 =	vld [tilespmem:s30+$0xFFFFFFD0]  }
0x101: {  	v10 =	vld [tilespmem:s30+$0x10]  }
0x102: {  	v8 =	vld [tilespmem:s30+$0x0]  }
0x103: {  	v7 =	vld [tilespmem:s30+$0xFFFFFFF0]  }
0x104: {  	v5 =	vld.idx.msk [tilespmem:v1+s2+$0x0], $0xffff  }
0x105: {  	v3 =	vld.idx.msk [tilespmem:v2+s2+$0x0], $0xffff  }
0x106: {  	v0 =	vld.idx.msk [tilespmem:v0+s2+$0x0], $0xffff  }
0x107: {  	v1 =	vld.idx.msk [tilespmem:v6+s2+$0x0], $0xffff  }
0x108: {  	s6 =	simm.s32 $0x1E340;
	s9 =	simm.s32 $0x1F140;
	v6 =	vld.idx.msk [tilespmem:v9+s2+$0x0], $0xffff  }
0x109: {  	s12 =	simm.s32 $0x90;
	s1 =	simm.s32 $0x1F140;
	s0 =	simm.s32 $0x1E340;
	v2 =	vld.idx.msk [tilespmem:v10+s2+$0x0], $0xffff  }
.LBB2_14:
0x10a: {  	v8 =	vld.idx.msk [tilespmem:v8+s2+$0x0], $0xffff;
	s30 =	sadd.s32 $0x90, s30;
	s6 =	sadd.s32 $0x90, s6;
	s9 =	sadd.s32 $0x90, s9  }
0x10b: {  	p1 =	sne.s32 s12, $0x630;
	s8 =	smov.u32 s12;
	s12 =	sadd.s32 $0x90, s12;
	v7 =	vld.idx.msk [tilespmem:v7+s2+$0x0], $0xffff  }
0x10c: {  	v9 =	vshll.u32 v5, $0x10;
	v4 =	vld.idx.msk [tilespmem:v4+s2+$0x0], $0xffff  }
0x10d: {  	v5 =	vand.u32 $0xFFFF0000, v5;
	[tilespmem:s0+$0xFFFFFFC0] =	vst v9  }
0x10e: {  	[tilespmem:s1+$0xFFFFFFC0] =	vst v5;
	v5 =	vshll.u32 v6, $0x10  }
0x10f: {  	[tilespmem:s0+$0xFFFFFFD0] =	vst v5;
	v5 =	vand.u32 $0xFFFF0000, v6  }
0x110: {  	[tilespmem:s1+$0xFFFFFFD0] =	vst v5;
	v5 =	vshll.u32 v3, $0x10  }
0x111: {  	v3 =	vand.u32 $0xFFFF0000, v3;
	[tilespmem:s0+$0xFFFFFFE0] =	vst v5  }
0x112: {  	[tilespmem:s1+$0xFFFFFFE0] =	vst v3;
	v3 =	vshll.u32 v7, $0x10  }
0x113: {  	s8 =	sand.u32 $0xFF0, s8;
	[tilespmem:s0+$0xFFFFFFF0] =	vst v3;
	v3 =	vand.u32 $0xFFFF0000, v7  }
0x114: {  	[tilespmem:s1+$0xFFFFFFF0] =	vst v3;
	v3 =	vshll.u32 v8, $0x10  }
0x115: {  	[tilespmem:s0+$0x0] =	vst v3;
	v3 =	vand.u32 $0xFFFF0000, v8  }
0x116: {  	[tilespmem:s1+$0x0] =	vst v3;
	v3 =	vshll.u32 v2, $0x10  }
0x117: {  	v2 =	vand.u32 $0xFFFF0000, v2;
	[tilespmem:s0+$0x10] =	vst v3  }
0x118: {  	[tilespmem:s1+$0x10] =	vst v2;
	v2 =	vshll.u32 v4, $0x10  }
0x119: {  	[tilespmem:s0+$0x20] =	vst v2;
	v2 =	vand.u32 $0xFFFF0000, v4  }
0x11a: {  	[tilespmem:s1+$0x20] =	vst v2;
	v2 =	vshll.u32 v1, $0x10  }
0x11b: {  	v1 =	vand.u32 $0xFFFF0000, v1;
	[tilespmem:s0+$0x30] =	vst v2;
	s0 =	smov.u32 s6  }
0x11c: {  	[tilespmem:s1+$0x30] =	vst v1;
	v1 =	vshll.u32 v0, $0x10;
	v0 =	vand.u32 $0xFFFF0000, v0;
	s1 =	smov.u32 s9  }
0x11d: {  	[tilespmem:s31+$0x1E380] =	vst v1  }
0x11e: {  	v1 =	vld [tilespmem:s8+$0x1D580];
	[tilespmem:s31+$0x1F180] =	vst v0;
	s31 =	smov.u32 s8  }
0x11f: {  	v0 =	vld [tilespmem:s30+$0xFFFFFFC0]  }
0x120: {  	v2 =	vld [tilespmem:s30+$0xFFFFFFE0]  }
0x121: {  	v6 =	vld [tilespmem:s30+$0x30]  }
0x122: {  	v4 =	vld [tilespmem:s30+$0x20]  }
0x123: {  	v9 =	vld [tilespmem:s30+$0xFFFFFFD0]  }
0x124: {  	v10 =	vld [tilespmem:s30+$0x10]  }
0x125: {  	v8 =	vld [tilespmem:s30+$0x0]  }
0x126: {  	v7 =	vld [tilespmem:s30+$0xFFFFFFF0]  }
0x127: {  	v5 =	vld.idx.msk [tilespmem:v0+s2+$0x0], $0xffff  }
.Ltmp9:
0x128: {  	v3 =	vld.idx.msk [tilespmem:v2+s2+$0x0], $0xffff;
	(pc) =	sbr.rel @p1 .LBB2_14-.Ltmp9, $4  }
0x129: {  	v0 =	vld.idx.msk [tilespmem:v1+s2+$0x0], $0xffff  }
0x12a: {  	v1 =	vld.idx.msk [tilespmem:v6+s2+$0x0], $0xffff  }
0x12b: {  	v6 =	vld.idx.msk [tilespmem:v9+s2+$0x0], $0xffff  }
0x12c: {  	v2 =	vld.idx.msk [tilespmem:v10+s2+$0x0], $0xffff  }
0x12d: {  	_ =	sdelay $0x3  }
0x12e: {  	v8 =	vld.idx.msk [tilespmem:v8+s2+$0x0], $0xffff  }
0x12f: {  	v7 =	vld.idx.msk [tilespmem:v7+s2+$0x0], $0xffff;
	v9 =	vshll.u32 v5, $0x10  }
0x130: {  	v4 =	vld.idx.msk [tilespmem:v4+s2+$0x0], $0xffff;
	v47 =	vand.u32 $0xFFFF0000, v5;
	[tilespmem:s0+$0xFFFFFFC0] =	vst v9  }
0x131: {  	[tilespmem:s1+$0xFFFFFFC0] =	vst v47;
	v48 =	vshll.u32 v6, $0x10  }
0x132: {  	v49 =	vand.u32 $0xFFFF0000, v6;
	[tilespmem:s0+$0xFFFFFFD0] =	vst v48  }
0x133: {  	v50 =	vshll.u32 v3, $0x10;
	[tilespmem:s1+$0xFFFFFFD0] =	vst v49  }
0x134: {  	v51 =	vand.u32 $0xFFFF0000, v3;
	[tilespmem:s0+$0xFFFFFFE0] =	vst v50  }
0x135: {  	v52 =	vshll.u32 v7, $0x10;
	[tilespmem:s1+$0xFFFFFFE0] =	vst v51  }
0x136: {  	v53 =	vand.u32 $0xFFFF0000, v7;
	[tilespmem:s0+$0xFFFFFFF0] =	vst v52  }
0x137: {  	v54 =	vshll.u32 v8, $0x10;
	[tilespmem:s1+$0xFFFFFFF0] =	vst v53  }
0x138: {  	v55 =	vand.u32 $0xFFFF0000, v8;
	[tilespmem:s0+$0x0] =	vst v54  }
0x139: {  	v56 =	vshll.u32 v2, $0x10;
	[tilespmem:s1+$0x0] =	vst v55  }
0x13a: {  	v57 =	vand.u32 $0xFFFF0000, v2;
	[tilespmem:s0+$0x10] =	vst v56  }
0x13b: {  	v58 =	vshll.u32 v4, $0x10;
	[tilespmem:s1+$0x10] =	vst v57  }
0x13c: {  	v59 =	vand.u32 $0xFFFF0000, v4;
	[tilespmem:s0+$0x20] =	vst v58  }
0x13d: {  	s30 =	smul.u32 $0xD80, s29;
	v60 =	vshll.u32 v1, $0x10;
	[tilespmem:s1+$0x20] =	vst v59  }
0x13e: {  	v61 =	vand.u32 $0xFFFF0000, v1;
	[tilespmem:s0+$0x30] =	vst v60  }
0x13f: {  	v62 =	vshll.u32 v0, $0x10;
	s13 =	sadd.s32 s10, s30;
	[tilespmem:s1+$0x30] =	vst v61  }
0x140: {  	p1 =	sne.s32 s29, $0x3D;
	v63 =	vand.u32 $0xFFFF0000, v0;
	s0 =	sshrl.u32 s13, $0x3;
	[tilespmem:s31+$0x1E380] =	vst v62  }
.Ltmp10:
0x141: {  	s0 =	sadd.s32 s5, s0;
	[tilespmem:s31+$0x1F180] =	vst v63;
	s31 =	sadd.s32 s11, s30;
	(pc) =	sbr.rel @p1 .LBB2_17-.Ltmp10, $4  }
0x142: {  	[hbm4b:s0+s2] =	stream.linear.scatter [tilespmem:s17], [sflag:$0x3], $0x6C0, $0x38;
	[tilespmem:$0x1FF00] =	vst v63  }
0x143: {  	s0 =	sshrl.u32 s31, $0x3  }
0x144: {  	s0 =	sadd.s32 s5, s0  }
0x145: {  	[hbm4b:s0+s2] =	stream.linear.scatter [tilespmem:s18], [sflag:$0x5], $0x6C0, $0x38;
	[tilespmem:$0x1FF00] =	vst v63  }
.Ltmp11:
0x146: {  	(pc) =	sbr.rel .LBB2_18-.Ltmp11, $4  }
0x147: {  	_ = 	snop  }
0x148: {  	_ =	swait.ge [sflag:s19], $0x6C0  }
0x149: {  	[sflag:s19] =	ssyncset.done $0x0  }
0x14a: {  	[sflag:s19] =	ssyncadd.s32 $0xFFFFF940  }
.LBB2_17:
0x14b: {  	s0 =	sshrl.u32 s30, $0x3  }
0x14c: {  	s0 =	sadd.s32 s3, s0  }
.Ltmp12:
0x14d: {  	s0 =	sadd.s32 $0x1B0, s0;
	(pc) =	sbr.rel @p0 .LBB2_19-.Ltmp12, $4  }
0x14e: {  	[tilespmem:s14], [sflag:$0x1] =	stream.linear.gather [hbm4b:s0+s2], $0x6C0, $0x38;
	[tilespmem:$0x1FF00] =	vst v63  }
0x14f: {  	_ =	swait.ge [sflag:s19], $0x6C0  }
0x150: {  	[sflag:s19] =	ssyncset.done $0x0  }
0x151: {  	[sflag:s19] =	ssyncadd.s32 $0xFFFFF940  }
.LBB2_18:
0x152: {  	_ =	swait.ge [sflag:s20], $0x6C0  }
0x153: {  	[sflag:s20] =	ssyncset.done $0x0  }
0x154: {  	[sflag:s20] =	ssyncadd.s32 $0xFFFFF940  }
0x155: {  	_ =	swait.ge [sflag:s21], $0x6C0  }
0x156: {  	[sflag:s21] =	ssyncset.done $0x0  }
0x157: {  	[sflag:s21] =	ssyncadd.s32 $0xFFFFF940  }
.LBB2_19:
0x158: {  	s6 =	simm.s32 $0x1DC40  }
0x159: {  	v1 =	vld [tilespmem:s6+$0xFFFFFFC0]  }
0x15a: {  	v2 =	vld [tilespmem:s6+$0xFFFFFFE0]  }
0x15b: {  	v6 =	vld [tilespmem:s6+$0x30]  }
0x15c: {  	v4 =	vld [tilespmem:s6+$0x20]  }
0x15d: {  	s0 =	simm.s32 $0x0;
	v9 =	vld [tilespmem:s6+$0xFFFFFFD0]  }
0x15e: {  	s31 =	sand.u32 $0xFF0, s0;
	v10 =	vld [tilespmem:s6+$0x10]  }
0x15f: {  	v0 =	vld [tilespmem:s31+$0x1DC80]  }
0x160: {  	v8 =	vld [tilespmem:s6+$0x0]  }
0x161: {  	v7 =	vld [tilespmem:s6+$0xFFFFFFF0]  }
0x162: {  	v5 =	vld.idx.msk [tilespmem:v1+s2+$0x0], $0xffff  }
0x163: {  	v3 =	vld.idx.msk [tilespmem:v2+s2+$0x0], $0xffff  }
0x164: {  	v1 =	vld.idx.msk [tilespmem:v6+s2+$0x0], $0xffff  }
0x165: {  	v6 =	vld.idx.msk [tilespmem:v9+s2+$0x0], $0xffff  }
0x166: {  	s9 =	simm.s32 $0x1EA40;
	s12 =	simm.s32 $0x1F840;
	v2 =	vld.idx.msk [tilespmem:v10+s2+$0x0], $0xffff  }
0x167: {  	s8 =	simm.s32 $0x90;
	s1 =	simm.s32 $0x1EA40;
	s0 =	simm.s32 $0x1F840;
	v0 =	vld.idx.msk [tilespmem:v0+s2+$0x0], $0xffff  }
.LBB2_20:
0x168: {  	v8 =	vld.idx.msk [tilespmem:v8+s2+$0x0], $0xffff;
	s6 =	sadd.s32 $0x90, s6;
	s9 =	sadd.s32 $0x90, s9;
	s12 =	sadd.s32 $0x90, s12  }
0x169: {  	p0 =	sne.s32 s8, $0x630;
	s13 =	smov.u32 s8;
	s8 =	sadd.s32 $0x90, s8;
	v7 =	vld.idx.msk [tilespmem:v7+s2+$0x0], $0xffff  }
0x16a: {  	v9 =	vshll.u32 v5, $0x10;
	v4 =	vld.idx.msk [tilespmem:v4+s2+$0x0], $0xffff  }
0x16b: {  	v5 =	vand.u32 $0xFFFF0000, v5;
	[tilespmem:s1+$0xFFFFFFC0] =	vst v9  }
0x16c: {  	[tilespmem:s0+$0xFFFFFFC0] =	vst v5;
	v5 =	vshll.u32 v6, $0x10  }
0x16d: {  	[tilespmem:s1+$0xFFFFFFD0] =	vst v5;
	v5 =	vand.u32 $0xFFFF0000, v6  }
0x16e: {  	[tilespmem:s0+$0xFFFFFFD0] =	vst v5;
	v5 =	vshll.u32 v3, $0x10  }
0x16f: {  	v3 =	vand.u32 $0xFFFF0000, v3;
	[tilespmem:s1+$0xFFFFFFE0] =	vst v5  }
0x170: {  	[tilespmem:s0+$0xFFFFFFE0] =	vst v3;
	v3 =	vshll.u32 v7, $0x10  }
0x171: {  	s13 =	sand.u32 $0xFF0, s13;
	[tilespmem:s1+$0xFFFFFFF0] =	vst v3;
	v3 =	vand.u32 $0xFFFF0000, v7  }
0x172: {  	[tilespmem:s0+$0xFFFFFFF0] =	vst v3;
	v3 =	vshll.u32 v8, $0x10  }
0x173: {  	[tilespmem:s1+$0x0] =	vst v3;
	v3 =	vand.u32 $0xFFFF0000, v8  }
0x174: {  	[tilespmem:s0+$0x0] =	vst v3;
	v3 =	vshll.u32 v2, $0x10  }
0x175: {  	v2 =	vand.u32 $0xFFFF0000, v2;
	[tilespmem:s1+$0x10] =	vst v3  }
0x176: {  	[tilespmem:s0+$0x10] =	vst v2;
	v2 =	vshll.u32 v4, $0x10  }
0x177: {  	[tilespmem:s1+$0x20] =	vst v2;
	v2 =	vand.u32 $0xFFFF0000, v4  }
0x178: {  	[tilespmem:s0+$0x20] =	vst v2;
	v2 =	vshll.u32 v1, $0x10  }
0x179: {  	v1 =	vand.u32 $0xFFFF0000, v1;
	[tilespmem:s1+$0x30] =	vst v2;
	s1 =	smov.u32 s9  }
0x17a: {  	[tilespmem:s0+$0x30] =	vst v1;
	v1 =	vshll.u32 v0, $0x10;
	v0 =	vand.u32 $0xFFFF0000, v0;
	s0 =	smov.u32 s12  }
0x17b: {  	[tilespmem:s31+$0x1EA80] =	vst v1  }
0x17c: {  	v1 =	vld [tilespmem:s13+$0x1DC80];
	[tilespmem:s31+$0x1F880] =	vst v0;
	s31 =	smov.u32 s13  }
0x17d: {  	v0 =	vld [tilespmem:s6+$0xFFFFFFC0]  }
0x17e: {  	v2 =	vld [tilespmem:s6+$0xFFFFFFE0]  }
0x17f: {  	v6 =	vld [tilespmem:s6+$0x30]  }
0x180: {  	v4 =	vld [tilespmem:s6+$0x20]  }
0x181: {  	v9 =	vld [tilespmem:s6+$0xFFFFFFD0]  }
0x182: {  	v10 =	vld [tilespmem:s6+$0x10]  }
0x183: {  	v8 =	vld [tilespmem:s6+$0x0]  }
0x184: {  	v7 =	vld [tilespmem:s6+$0xFFFFFFF0]  }
0x185: {  	v5 =	vld.idx.msk [tilespmem:v0+s2+$0x0], $0xffff  }
.Ltmp13:
0x186: {  	v3 =	vld.idx.msk [tilespmem:v2+s2+$0x0], $0xffff;
	(pc) =	sbr.rel @p0 .LBB2_20-.Ltmp13, $4  }
0x187: {  	v0 =	vld.idx.msk [tilespmem:v1+s2+$0x0], $0xffff  }
0x188: {  	v1 =	vld.idx.msk [tilespmem:v6+s2+$0x0], $0xffff  }
0x189: {  	v6 =	vld.idx.msk [tilespmem:v9+s2+$0x0], $0xffff  }
0x18a: {  	v2 =	vld.idx.msk [tilespmem:v10+s2+$0x0], $0xffff  }
0x18b: {  	_ =	sdelay $0x3  }
0x18c: {  	v8 =	vld.idx.msk [tilespmem:v8+s2+$0x0], $0xffff  }
0x18d: {  	v7 =	vld.idx.msk [tilespmem:v7+s2+$0x0], $0xffff;
	v9 =	vshll.u32 v5, $0x10  }
0x18e: {  	v4 =	vld.idx.msk [tilespmem:v4+s2+$0x0], $0xffff;
	v47 =	vand.u32 $0xFFFF0000, v5;
	[tilespmem:s1+$0xFFFFFFC0] =	vst v9  }
0x18f: {  	[tilespmem:s0+$0xFFFFFFC0] =	vst v47;
	v48 =	vshll.u32 v6, $0x10  }
0x190: {  	v49 =	vand.u32 $0xFFFF0000, v6;
	[tilespmem:s1+$0xFFFFFFD0] =	vst v48  }
0x191: {  	v50 =	vshll.u32 v3, $0x10;
	[tilespmem:s0+$0xFFFFFFD0] =	vst v49  }
0x192: {  	v51 =	vand.u32 $0xFFFF0000, v3;
	[tilespmem:s1+$0xFFFFFFE0] =	vst v50  }
0x193: {  	v52 =	vshll.u32 v7, $0x10;
	[tilespmem:s0+$0xFFFFFFE0] =	vst v51  }
0x194: {  	v53 =	vand.u32 $0xFFFF0000, v7;
	[tilespmem:s1+$0xFFFFFFF0] =	vst v52  }
0x195: {  	v54 =	vshll.u32 v8, $0x10;
	[tilespmem:s0+$0xFFFFFFF0] =	vst v53  }
0x196: {  	v55 =	vand.u32 $0xFFFF0000, v8;
	[tilespmem:s1+$0x0] =	vst v54  }
0x197: {  	v56 =	vshll.u32 v2, $0x10;
	[tilespmem:s0+$0x0] =	vst v55  }
0x198: {  	v57 =	vand.u32 $0xFFFF0000, v2;
	[tilespmem:s1+$0x10] =	vst v56  }
0x199: {  	v58 =	vshll.u32 v4, $0x10;
	[tilespmem:s0+$0x10] =	vst v57  }
0x19a: {  	v59 =	vand.u32 $0xFFFF0000, v4;
	[tilespmem:s1+$0x20] =	vst v58  }
0x19b: {  	v60 =	vshll.u32 v1, $0x10;
	[tilespmem:s0+$0x20] =	vst v59  }
0x19c: {  	s12 =	sadd.s32 $0x6C0, s30;
	v61 =	vand.u32 $0xFFFF0000, v1;
	[tilespmem:s1+$0x30] =	vst v60  }
0x19d: {  	v62 =	vshll.u32 v0, $0x10;
	s13 =	sadd.s32 s10, s12;
	[tilespmem:s0+$0x30] =	vst v61  }
0x19e: {  	p0 =	seq.s32 s29, $0x3D;
	v63 =	vand.u32 $0xFFFF0000, v0;
	s0 =	sshrl.u32 s13, $0x3;
	[tilespmem:s31+$0x1EA80] =	vst v62  }
.Ltmp14:
0x19f: {  	[tilespmem:s31+$0x1F880] =	vst v63;
	s0 =	sadd.s32 s5, s0;
	s31 =	sadd.s32 s11, s12;
	(pc) =	sbr.rel @p0 .LBB2_23-.Ltmp14, $4  }
0x1a0: {  	[hbm4b:s0+s2] =	stream.linear.scatter [tilespmem:s22], [sflag:$0x4], $0x6C0, $0x38;
	[tilespmem:$0x1FF00] =	vst v63  }
0x1a1: {  	s0 =	sshrl.u32 s31, $0x3  }
0x1a2: {  	s0 =	sadd.s32 s5, s0  }
0x1a3: {  	[hbm4b:s0+s2] =	stream.linear.scatter [tilespmem:s23], [sflag:$0x6], $0x6C0, $0x38;
	[tilespmem:$0x1FF00] =	vst v63  }
.Ltmp15:
0x1a4: {  	(pc) =	sbr.rel .LBB2_13-.Ltmp15, $4  }
0x1a5: {  	s0 =	sshrl.u32 s30, $0x3  }
0x1a6: {  	s0 =	sadd.s32 s3, s0  }
0x1a7: {  	s29 =	sadd.s32 $0x1, s29;
	s0 =	sadd.s32 $0x288, s0  }
0x1a8: {  	[tilespmem:s15], [sflag:$0x2] =	stream.linear.gather [hbm4b:s0+s2], $0x6C0, $0x38;
	[tilespmem:$0x1FF00] =	vst v63  }
.LBB2_24:
0x1a9: {  	_ =	sfence.sel $0x180000  }
0x1aa: {  	[bflag:$0x0] =	sbarrier.arrive $0xFFFF  }
0x1ab: {  	_ =	strace $0x90000050  }
0x1ac: {  	s0 =	stileid.u32;
	[bflag:$0x2] =	sbarrier.arrive $0xFFFF  }
0x1ad: {  	p0 =	sne.s32 s0, $0x0;
	s0 =	rddreg [dreg:$0x1]  }
0x1ae: {  	s0 =	sadd.s32 @!p0 $0x100000, s0  }
0x1af: {  	[sflag:s0] =	ssyncadd.tile.s32 @!p0 $0x1;
	_ =	shalt  }
.Lfunc_end2:
_tile_overlayer_lowered:
.L_overlay_start_2:
0x1b0: {  	(tag) =	ssettag $0x2  }
0x1b1: {  	s0 =	rddreg [dreg:$0x0];
	s2 =	stileid.u32  }
0x1b2: {  	s1 =	rddreg [dreg:$0x1];
	p0 =	sne.s32 s2, $0x0  }
0x1b3: {  	s3 =	rddreg [dreg:$0x2];
	[bflag:$0x3] =	sbarrier.arrive $0xFFFF;
	s2 =	simm.s32 @!p0 $0x1C07  }
0x1b4: {  	[timem:s3], [sflag:s2] =	dma.local @!p0 [hbm:s0], s1  }
0x1b5: {  	s0 =	simm.s32 @!p0 $0x7  }
0x1b6: {  	_ =	swait.ge @!p0 [sflag:s0], s1  }
0x1b7: {  	s1 =	ssub.s32 @!p0 $0x0, s1;
	[sflag:s0] =	ssyncset.done @!p0 $0x0  }
0x1b8: {  	[sflag:s0] =	ssyncadd.s32 @!p0 s1  }
0x1b9: {  	[bflag:$0x3] =	sbarrier.arrive $0xFFFF  }
0x1ba: {  	_ =	shalt  }

// kernel: sparse-core-data-format-call.cloned.1.call-start
scs
called_computation_lowered:
.L_overlay_start_0:
0x0: {  	s2 =	sld [smem:$0x3FD9]  }
0x1: {  	s3 =	sld [smem:$0x3FFE];
	_ =	sdelay $0x1  }
0x2: {  	s1 =	srdreg.scid  }
0x3: {  	s0 =	sand.u32 $0x1, s1  }
0x4: {  	s18 =	sshll.u32 s0, $0xA;
	s2 =	sadd.s32 s3, s2  }
0x5: {  	s2 =	sadd.s32 s2, s18  }
0x6: {  	[smem:$0x3FBD] =	sst s2  }
0x7: {  	_ = 	snop  }
0x8: {  	s2 =	sld [smem:$0x3FD0];
	(tm) =	ssettm $0x1  }
0x9: {  	s19 =	sld [smem:$0x3FFB];
	_ =	sdelay $0x3  }
0xa: {  	_ =	strace s19  }
0xb: {  	s3 =	sld [smem:$0x3FFC];
	_ =	sdelay $0x3  }
0xc: {  	_ =	strace s3  }
0xd: {  	s3 =	sld [smem:$0x3FFD];
	_ =	sdelay $0x3  }
0xe: {  	_ =	strace s3  }
0xf: {  	_ =	strace $0x8FFFFFFF  }
0x10: {  	s20 =	sld [smem:$0x3FDB];
	_ =	sdelay $0x1  }
0x11: {  	s4 =	simm.s32 $_scs_section_size  }
0x12: {  	s5 =	simm.s32 $_size__tile_overlayer_lowered;
	s6 =	simm.s32 $_tile_overlayer_lowered  }
0x13: {  	s23 =	simm.s32 $0x1BFF;
	s22 =	sshll.u32 s6, $0x1;
	s3 =	sadd.s32 s4, s20  }
0x14: {  	s7 =	simm.s32 $0x0;
	s21 =	sshll.u32 s5, $0x1;
	s5 =	sadd.s32 s22, s3  }
0x15: {  	[timem:s7], [sflag:s23] =	dma.local [hbm:s5], s21  }
0x16: {  	_ =	swait.ge [sflag:s23], s21  }
0x17: {  	s4 =	ssub.s32 $0x0, s21;
	[sflag:s23] =	ssyncset.done $0x0  }
0x18: {  	[sflag:s23] =	ssyncadd.s32 s4;
	_ =	sdelay $0x1  }
0x19: {  	s24 =	simm.s32 $0x1B8B  }
0x1a: {  	_ =	swait.ge [sflag:s24], $0x1  }
0x1b: {  	[sflag:s24] =	ssyncset.done $0x0  }
0x1c: {  	s26 =	simm.s32 $0x1B8E;
	s25 =	sld [smem:$0x3FFE];
	[sflag:s24] =	ssyncadd.s32 $0xFFFFFFFF  }
0x1d: {  	s27 =	simm.s32 $execute0_lowered;
	[smem:$0x3FD2] =	sst s26  }
0x1e: {  	s5 =	sshll.u32 s27, $0x1;
	_ =	strace $0x80000052;
	[dreg:$0x1] =	wrdreg $0xFFFFFFFF  }
0x1f: {  	s28 =	simm.s32 $_size_execute0_lowered;
	s3 =	sadd.s32 s3, s5;
	[dreg:$0x0] =	wrdreg $0x0  }
0x20: {  	s5 =	sshll.u32 s28, $0x1;
	[dreg:$0x2] =	wrdreg s3  }
0x21: {  	[dreg:$0x3] =	wrdreg s5  }
0x22: {  	[dreg:$0x4] =	wrdreg $0xC0  }
0x23: {  	_ =	task [dreg:s7], $0x5FFFF  }
0x24: {  	[dreg:$0x1] =	wrdreg $0xFFFFFFFF  }
0x25: {  	[dreg:$0x0] =	wrdreg $0x60  }
0x26: {  	[dreg:$0x2] =	wrdreg s25  }
0x27: {  	[dreg:$0x3] =	wrdreg s2  }
0x28: {  	[dreg:$0x4] =	wrdreg $0x9  }
0x29: {  	_ =	task.clear_ibuf [dreg:s7], $0x5FFFF;
	_ =	strace $0x90000052  }
0x2a: {  	s29 =	simm.s32 $0x9;
	_ =	strace $0x80000054  }
0x2b: {  	_ =	swait.ge [sflag:s29], $0x1  }
0x2c: {  	[sflag:s29] =	ssyncadd.s32 $0xFFFFFFFF  }
0x2d: {  	_ =	strace $0x90000054  }
0x2e: {  	_ =	sfence  }
0x2f: {  	s30 =	sld [smem:$0x0];
	_ =	sdelay $0x2  }
0x30: {  	s31 =	sshll.u32 s1, $0xD;
	s1 =	sshrl.u32 s1, $0x2  }
0x31: {  	s3 =	sand.u32 $0x4000, s31;
	s1 =	sadd.s32 s1, s30  }
0x32: {  	s0 =	sor.u32 s3, s0;
	s1 =	sshll.u32 s1, $0x11  }
0x33: {  	s0 =	sor.u32 s1, s0  }
0x34: {  	s0 =	sadd.s32 $0x8F2B, s0  }
0x35: {  	[sflag:s0] =	ssyncadd.remote.s32 $0x1  }
0x36: {  	_ =	sfence.sel $0xFFFF  }
0x37: {  	[dreg:$0x0] =	wrdreg $0xFFFFFFFF;
	(pc) =	sbr.abs _section_cstart, $3  }
0x38: {  	[dreg:$0x1] =	wrdreg $0xFFFFFFFF  }
0x39: {  	_ =	task.clear_ibuf [dreg:s7], $0x2FFFF;
	_ =	strace $0x9FFFFFFF  }
0x3a: {  	(tm) =	ssettm $0x7FFFFFFF  }
0x3b: {  	_ =	shalt  }
tec
execute0_lowered:
.L_overlay_start_1:
0x0: {  	(tag) =	ssettag $0x1  }
0x1: {  	s1 =	rddreg [dreg:$0x0]  }
0x2: {  	s2 =	rddreg [dreg:$0x1]  }
0x3: {  	s0 =	rddreg [dreg:$0x2];
	_ =	strace $0x80000053;
	s4 =	srdreg.scid  }
0x4: {  	s31 =	simm.s32 $0x2;
	s19 =	simm.s32 $0x0;
	p0 =	por $0x0, $0x0  }
0x5: {  	s21 =	simm.s32 $0x0;
	s20 =	simm.s32 $0x0;
	s22 =	simm.s32 $0x0  }
0x6: {  	s12 =	simm.s32 $0x0;
	s13 =	simm.s32 $0x0;
	s14 =	simm.s32 $0x0  }
0x7: {  	s16 =	simm.s32 $0x0;
	s18 =	simm.s32 $0x0;
	s4 =	sshll.u32 s4, $0x4  }
0x8: {  	s3 =	sadd.s32 $0xA20E00, s1;
	s1 =	stileid.u32;
	s5 =	sand.u32 $0x10, s4  }
0x9: {  	s4 =	sand.u32 $0x1, s1;
	s6 =	sshrl.u32 s1, $0x1;
	s8 =	sor.u32 s1, s5  }
0xa: {  	s5 =	sand.u32 $0x3, s6;
	s7 =	ssub.s32 $0x2, s4;
	s6 =	simm.s32 $0x1  }
.Ltmp0:
0xb: {  	s9 =	sshrl.u32 s7, $0x1;
	s7 =	sand.u32 $0x1, s7;
	(pc) =	sbr.rel .LBB1_1-.Ltmp0, $4  }
0xc: {  	s17 =	smov.u32 s4;
	s10 =	sshll.u32 s8, $0x4;
	s7 =	sadd.s32 s7, s9  }
0xd: {  	[sflag:s6] =	ssyncpa.u1 $0x0;
	s11 =	sshll.u32 s8, $0x7;
	s7 =	smul.u32 $0x7C, s7  }
0xe: {  	s15 =	smov.u32 s5;
	s8 =	sand.u32 $0x180, s10;
	[sflag:s31] =	ssyncpa.u1 $0x0  }
0xf: {  	s9 =	sand.u32 $0xC00, s11;
	s11 =	simm.s32 $0x0;
	s10 =	sor.u32 $0x1, s7  }
.LBB1_4:
0x10: {  	s27 =	sshra.s32 s27, $0x2;
	s28 =	sshra.s32 s14, $0x1F  }
0x11: {  	p1 =	sgt.s32 s14, $0x1;
	s29 =	sshrl.u32 s13, $0x4;
	s30 =	smov.u32 s12  }
0x12: {  	s26 =	sadd.s32 s27, s26;
	s27 =	smov.u32 s14;
	s28 =	sand.u32 s28, s14  }
0x13: {  	s31 =	ssub.s32 $0x0, s13;
	s27 =	simm.s32 @!p1 $0x1;
	s28 =	sxor.u32 $0xFFFFFFFF, s28  }
0x14: {  	[tilespmem:s25+$0x2040 ss:$0x81] =	vst.msk $0xffff, v4;
	p1 =	sgt.s32 s11, $0x130;
	s27 =	sadd.s32 s28, s27;
	s28 =	smov.u32 s11  }
0x15: {  	[tilespmem:s25+$0x2850 ss:$0x81] =	vst.msk $0xffff, v3;
	s28 =	simm.s32 @!p1 $0x130;
	p1 =	sgt.s32 s27, $0x0;
	s27 =	ssub.s32 $0x1, s27  }
0x16: {  	v5 =	vld [tilespmem:s24+$0xFFFFFFD0];
	[tilespmem:s25+$0x3060 ss:$0x81] =	vst.msk $0xffff, v2;
	s29 =	sadd.s32 s29, s11;
	s27 =	simm.s32 @p1 $0x0;
	s28 =	ssub.s32 $0x1B0, s28  }
0x17: {  	v58 =	vld [tilespmem:s24+$0xFFFFFFE0];
	[tilespmem:s25+$0x0 ss:$0x81] =	vst.msk $0xffff, v0;
	s25 =	sshra.s32 s12, $0x1F;
	s29 =	sand.u32 $0x1FFFFF8, s29;
	s27 =	smul.u32 s27, s28  }
0x18: {  	v59 =	vld [tilespmem:s24+$0xFFFFFFF0];
	s31 =	smin.u32 s13, s31;
	p1 =	sgt.s32 s12, $0x1EF;
	s28 =	smulhi.u32 $0x97B426, s29  }
0x19: {  	v60 =	vld [tilespmem:s24+$0x0];
	s30 =	simm.s32 @!p1 $0x1EF;
	p1 =	sgt.s32 s31, $0x7F;
	s31 =	ssub.s32 $0x80, s31  }
0x1a: {  	v61 =	vld [tilespmem:s24+$0x10];
	s25 =	sand.u32 s25, s12;
	[tilespmem:s26+$0x3870 ss:$0x81] =	vst.msk $0xffff, v1;
	s31 =	simm.s32 @p1 $0x0;
	s28 =	smul.u32 $0x1B0, s28  }
0x1b: {  	v62 =	vld [tilespmem:s24+$0x20];
	[tilespmem:s26+$0x810 ss:$0x81] =	vst.msk $0xffff, v5;
	s25 =	ssub.s32 s30, s25;
	s27 =	smul.u32 s31, s27  }
0x1c: {  	v63 =	vld [tilespmem:s24+$0xFFFFFFC0];
	[tilespmem:s26+$0x1020 ss:$0x81] =	vst.msk $0xffff, v58;
	s30 =	sadd.s32 $0xFFFFFE11, s25;
	s24 =	ssub.s32 s29, s28;
	s29 =	smul.u32 $0x345000, s14  }
0x1d: {  	[tilespmem:s26+$0x1830 ss:$0x81] =	vst.msk $0xffff, v59;
	s25 =	ssub.s32 $0x1F0, s25;
	p1 =	sgt.s32 s30, $0x0;
	s28 =	smul.u32 $0x1B00, s12  }
0x1e: {  	[tilespmem:s26+$0x2040 ss:$0x81] =	vst.msk $0xffff, v60;
	s31 =	sshrl.u32 s13, $0x3;
	s25 =	simm.s32 @p1 $0x0;
	s29 =	sadd.s32 s2, s29  }
0x1f: {  	[tilespmem:s26+$0x2850 ss:$0x81] =	vst.msk $0xffff, v61;
	s30 =	sand.u32 $0xF, s31;
	s25 =	smul.u32 s25, s27;
	s29 =	sadd.s32 s28, s29  }
0x20: {  	[tilespmem:s26+$0x3060 ss:$0x81] =	vst.msk $0xffff, v62;
	s24 =	sshll.u32 s24, $0x4;
	s27 =	sadd.s32 s30, s29  }
0x21: {  	[tilespmem:s26+$0x0 ss:$0x81] =	vst.msk $0xffff, v63;
	s31 =	sand.u32 $0x7, s13;
	s25 =	sand.u32 $0x3FFFFFFF, s25;
	s24 =	sadd.s32 s24, s27  }
0x22: {  	[hbm4b:s24+s31] =	stream.linear.scatter [tilespmem:s23], [sflag:$0x2], s25, $0x20;
	[tilespmem:$0x10100] =	vst v63  }
.LBB1_5:
0x23: {  	p1 =	slt.u32 s18, $0x2  }
0x24: {  	p2 =	sgt.s32 @!p1 s22, $0x1;
	s23 =	sshra.s32 @!p1 s22, $0x1F  }
0x25: {  	s24 =	smov.u32 s22;
	p2 =	por !p2, p1;
	s22 =	sand.u32 @!p1 s23, s22  }
0x26: {  	s24 =	simm.s32 @p2 $0x1;
	s22 =	sxor.u32 @!p1 $0xFFFFFFFF, s22  }
0x27: {  	s26 =	smov.u32 s17;
	s22 =	sadd.s32 @!p1 s22, s24  }
0x28: {  	p3 =	sgt.s32 @!p1 s21, $0x1EF;
	s23 =	smov.u32 s21;
	p2 =	sgt.s32 @!p1 s22, $0x0  }
0x29: {  	s24 =	sshra.s32 @!p1 s21, $0x1F;
	s22 =	ssub.s32 @!p1 $0x1, s22;
	p2 =	por !p2, p1  }
0x2a: {  	s21 =	sand.u32 @!p1 s24, s21;
	s22 =	simm.s32 @!p2 $0x0;
	p2 =	por !p3, p1  }
0x2b: {  	s24 =	ssub.s32 @!p1 $0x0, s20;
	s23 =	simm.s32 @p2 $0x1EF;
	p2 =	sgt.s32 @!p1 s19, $0x130  }
0x2c: {  	s28 =	sadd.s32 $0x1, s18;
	s20 =	smin.u32 @!p1 s20, s24;
	p2 =	por !p2, p1  }
0x2d: {  	s24 =	smov.u32 s16;
	s21 =	ssub.s32 @!p1 s23, s21;
	s19 =	simm.s32 @p2 $0x130  }
0x2e: {  	s23 =	sadd.s32 @!p1 $0xFFFFFE11, s21;
	p2 =	sgt.s32 @!p1 s20, $0x7F;
	s19 =	ssub.s32 @!p1 $0x1B0, s19  }
0x2f: {  	s20 =	ssub.s32 @!p1 $0x80, s20;
	p2 =	por !p2, p1;
	s19 =	smul.u32 @!p1 s22, s19  }
0x30: {  	s21 =	ssub.s32 @!p1 $0x1F0, s21;
	s20 =	simm.s32 @!p2 $0x0;
	p2 =	sgt.s32 @!p1 s23, $0x0  }
0x31: {  	s23 =	sadd.s32 $0x4, s15;
	p2 =	por !p2, p1;
	s19 =	smul.u32 @!p1 s20, s19  }
0x32: {  	s21 =	simm.s32 @!p2 $0x0;
	p2 =	sgt.s32 s23, $0x1EF;
	s20 =	sadd.s32 $0x80, s16  }
0x33: {  	p0 =	por !p0, !p0;
	s25 =	simm.s32 @!p1 $0x2;
	s24 =	smov.u32 @p2 s20  }
0x34: {  	s23 =	smov.u32 @p2 s5;
	s20 =	sadd.s32 $0x2, s17;
	p2 =	sgt.s32 s24, $0x7F  }
0x35: {  	s22 =	smov.u32 s14;
	s14 =	smov.u32 s17;
	s26 =	smov.u32 @p2 s20  }
0x36: {  	s19 =	smul.u32 @!p1 s21, s19;
	s24 =	simm.s32 @p2 $0x0;
	p2 =	sgt.s32 s26, $0x1  }
0x37: {  	s21 =	smov.u32 s12;
	s26 =	smov.u32 @p2 s4;
	p2 =	sne.s32 s18, s10  }
.Ltmp1:
0x38: {  	s12 =	smov.u32 s15;
	s15 =	smov.u32 s23;
	(pc) =	sbr.rel @!p2 .LBB1_6-.Ltmp1, $4  }
0x39: {  	s20 =	smov.u32 s13;
	s13 =	smov.u32 s16;
	s19 =	sand.u32 @!p1 $0x3FFFFFFF, s19  }
0x3a: {  	s16 =	smov.u32 s24;
	_ =	swait.ge @!p1 [sflag:s25], s19;
	s27 =	ssub.s32 @!p1 $0x0, s19  }
0x3b: {  	s19 =	smov.u32 s11;
	s11 =	smov.u32 s8;
	[sflag:s25] =	ssyncset.done @!p1 $0x0  }
0x3c: {  	s18 =	smov.u32 s28;
	s17 =	smov.u32 s26;
	[sflag:s25] =	ssyncadd.s32 @!p1 s27  }
.LBB1_1:
0x3d: {  	p1 =	sge.u32 s18, s7  }
0x3e: {  	s23 =	sshll.u32 @!p1 s15, $0x9  }
0x3f: {  	s24 =	sshll.u32 @!p1 s15, $0x7;
	s23 =	sand.u32 @!p1 $0xFFFFF000, s23  }
0x40: {  	s24 =	sand.u32 @!p1 $0x200, s24;
	s23 =	sor.u32 @!p1 s9, s23  }
0x41: {  	s23 =	sor.u32 @!p1 s24, s23  }
0x42: {  	s23 =	sshrl.u32 @!p1 s23, $0x9  }
0x43: {  	s24 =	smulhi.u32 @!p1 $0x842109, s23  }
0x44: {  	s25 =	smul.u32 @!p1 $0x3E0000, s17  }
0x45: {  	s24 =	smul.u32 @!p1 $0x1F0, s24  }
0x46: {  	s31 =	sadd.s32 $0xFFFFFFFF, s18;
	s26 =	sxor.u32 @!p1 $0xFFFFFFFF, s18;
	s27 =	smul.u32 @!p1 $0x7C00, s16  }
0x47: {  	s25 =	sadd.s32 @!p1 s3, s25;
	s23 =	ssub.s32 @!p1 s23, s24;
	s24 =	sshll.u32 @!p1 s15, $0x4  }
0x48: {  	s26 =	sshll.u32 @!p1 s26, $0xE;
	s25 =	sadd.s32 @!p1 s27, s25;
	s24 =	sand.u32 @!p1 $0x30, s24  }
0x49: {  	s26 =	sand.u32 @!p1 $0x4000, s26;
	s23 =	sshll.u32 @!p1 s23, $0x6;
	s24 =	sadd.s32 @!p1 s24, s25  }
0x4a: {  	s25 =	simm.s32 @!p1 $0x3E000;
	s23 =	sadd.s32 @!p1 s23, s24;
	s24 =	simm.s32 @!p1 $0x80  }
0x4b: {  	[tilespmem:s26], [sflag:$0x1] =	stream.strided.gather @!p1 [hbm4b:s23+s24], $0x4000, s25, s24, $0x38;
	[tilespmem:$0x10100] =	vst v63  }
0x4c: {  	p1 =	sge.u32 s31, s7  }
.Ltmp2:
0x4d: {  	_ = 	snop;
	(pc) =	sbr.rel @p1 .LBB1_5-.Ltmp2, $1  }
0x4e: {  	_ =	sdelay $0x3  }
0x4f: {  	s23 =	simm.s32 $0x1  }
0x50: {  	_ =	swait.ge [sflag:s6], $0x4000;
	s23 =	simm.s32 @!p0 $0x0  }
0x51: {  	[sflag:s6] =	ssyncset.done $0x0;
	s24 =	sshll.u32 s23, $0xE  }
0x52: {  	[sflag:s6] =	ssyncadd.s32 $0xFFFFC000;
	s24 =	sor.u32 $0x40, s24  }
0x53: {  	s23 =	smul.u32 $0x10200, s23;
	v0 =	vld [tilespmem:s24+$0x30]  }
0x54: {  	v1 =	vld [tilespmem:s24+$0xFFFFFFD0]  }
0x55: {  	s23 =	sshrl.u32 s23, $0x2;
	v5 =	vld [tilespmem:s24+$0xFFFFFFE0]  }
0x56: {  	v6 =	vld [tilespmem:s24+$0xFFFFFFF0];
	s26 =	sor.u32 $0x8000, s23  }
0x57: {  	s31 =	sand.u32 $0x1, s18;
	v4 =	vld [tilespmem:s24+$0x0];
	s25 =	sadd.s32 $0x0, s26  }
0x58: {  	v3 =	vld [tilespmem:s24+$0x10];
	s23 =	smul.u32 $0x10200, s31;
	[tilespmem:s25+$0x3870 ss:$0x81] =	vst.msk $0xffff, v0  }
0x59: {  	v2 =	vld [tilespmem:s24+$0x20];
	[tilespmem:s25+$0x810 ss:$0x81] =	vst.msk $0xffff, v1  }
0x5a: {  	s23 =	sshrl.u32 s23, $0x2;
	v0 =	vld [tilespmem:s24+$0xFFFFFFC0];
	[tilespmem:s25+$0x1020 ss:$0x81] =	vst.msk $0xffff, v5;
	s24 =	sadd.s32 $0x80, s24  }
0x5b: {  	s27 =	simm.s32 $0x4;
	s28 =	simm.s32 $0x8;
	s23 =	sor.u32 $0x8000, s23;
	[tilespmem:s25+$0x1830 ss:$0x81] =	vst.msk $0xffff, v6;
	v1 =	vld [tilespmem:s24+$0x30]  }
.LBB1_3:
0x5c: {  	p1 =	sne.s32 s28, $0x1FC;
	v5 =	vld [tilespmem:s24+$0xFFFFFFD0];
	[tilespmem:s25+$0x2040 ss:$0x81] =	vst.msk $0xffff, v4  }
0x5d: {  	v6 =	vld [tilespmem:s24+$0xFFFFFFE0];
	[tilespmem:s25+$0x2850 ss:$0x81] =	vst.msk $0xffff, v3  }
0x5e: {  	s29 =	sshra.s32 s27, $0x2;
	s27 =	smov.u32 s28;
	v7 =	vld [tilespmem:s24+$0xFFFFFFF0];
	[tilespmem:s25+$0x3060 ss:$0x81] =	vst.msk $0xffff, v2  }
.Ltmp3:
0x5f: {  	v4 =	vld [tilespmem:s24+$0x0];
	[tilespmem:s25+$0x0 ss:$0x81] =	vst.msk $0xffff, v0;
	s25 =	sadd.s32 s29, s26;
	(pc) =	sbr.rel @p1 .LBB1_3-.Ltmp3, $4  }
0x60: {  	v3 =	vld [tilespmem:s24+$0x10];
	[tilespmem:s25+$0x3870 ss:$0x81] =	vst.msk $0xffff, v1  }
0x61: {  	[tilespmem:s25+$0x810 ss:$0x81] =	vst.msk $0xffff, v5;
	v2 =	vld [tilespmem:s24+$0x20]  }
0x62: {  	v0 =	vld [tilespmem:s24+$0xFFFFFFC0];
	[tilespmem:s25+$0x1020 ss:$0x81] =	vst.msk $0xffff, v6;
	s24 =	sadd.s32 $0x80, s24  }
0x63: {  	s28 =	sadd.s32 $0x4, s28;
	v1 =	vld [tilespmem:s24+$0x30];
	[tilespmem:s25+$0x1830 ss:$0x81] =	vst.msk $0xffff, v7  }
.Ltmp4:
0x64: {  	_ = 	snop;
	(pc) =	sbr.rel .LBB1_4-.Ltmp4, $1  }
0x65: {  	_ =	sdelay $0x3  }
.LBB1_6:
0x66: {  	_ =	sfence.sel $0x180000  }
0x67: {  	s2 =	simm.s32 $0x1;
	[bflag:$0x0] =	sbarrier.arrive $0xFFFF  }
0x68: {  	s31 =	simm.s32 $0x2;
	[sflag:s2] =	ssyncpa.u1 $0x1  }
0x69: {  	[sflag:s31] =	ssyncpa.u1 $0x1  }
0x6a: {  	p0 =	sne.s32 s1, $0x0;
	_ =	strace $0x90000053  }
0x6b: {  	s0 =	sadd.s32 @!p0 $0x100000, s0;
	[bflag:$0x2] =	sbarrier.arrive $0xFFFF  }
0x6c: {  	[sflag:s0] =	ssyncadd.tile.s32 @!p0 $0x1;
	_ =	shalt  }
.Lfunc_end1:
_tile_overlayer_lowered:
.L_overlay_start_2:
0x6d: {  	(tag) =	ssettag $0x2  }
0x6e: {  	s0 =	rddreg [dreg:$0x0];
	s2 =	stileid.u32  }
0x6f: {  	s1 =	rddreg [dreg:$0x1];
	p0 =	sne.s32 s2, $0x0  }
0x70: {  	s3 =	rddreg [dreg:$0x2];
	[bflag:$0x3] =	sbarrier.arrive $0xFFFF;
	s2 =	simm.s32 @!p0 $0x1C01  }
0x71: {  	[timem:s3], [sflag:s2] =	dma.local @!p0 [hbm:s0], s1  }
0x72: {  	s0 =	simm.s32 @!p0 $0x1  }
0x73: {  	_ =	swait.ge @!p0 [sflag:s0], s1  }
0x74: {  	s1 =	ssub.s32 @!p0 $0x0, s1;
	[sflag:s0] =	ssyncset.done @!p0 $0x0  }
0x75: {  	[sflag:s0] =	ssyncadd.s32 @!p0 s1  }
0x76: {  	[bflag:$0x3] =	sbarrier.arrive $0xFFFF  }
0x77: {  	_ =	shalt  }

</sc_bundles>
